<compile_context>
chip_gen: v7x
topology: tpu7x:2x2x1
jax: 0.10.2.dev20260603
libtpu: 0.0.44.dev20260713+nightly
codegen_flags: <defaults>
</compile_context>

<pallas_src>
import functools

import jax
import jax.numpy as jnp
from jax import lax
from jax.experimental import pallas as pl
from jax.experimental.pallas import tpu as pltpu
from jax.experimental.pallas import tpu_sc as plsc

N = 10000
E = 320000
D = 128
L = 4
P = 5

NC = 2
NS = 16
NW = NC * NS
B = 100
C = E // (NW * B)
NB = 2
H = 2
CH = C // H
RPS = 624
TAIL0 = NS * RPS
TAIL = N - TAIL0


def _sc_segment_sum(x, src3, dst3):
  mesh = plsc.VectorSubcoreMesh(core_axis_name="c", subcore_axis_name="s")

  @functools.partial(
      pl.kernel,
      mesh=mesh,
      out_type=jax.ShapeDtypeStruct((NC, N, D), jnp.float32),
      scratch_types=[
          pltpu.VMEM((CH, B), jnp.int32),
          pltpu.VMEM((CH, B), jnp.int32),
          *[pltpu.VMEM((B, D), jnp.float32) for _ in range(NB)],
          pltpu.VMEM_SHARED((N, D), jnp.float32),
          *[pltpu.SemaphoreType.DMA for _ in range(NB + 1)],
      ],
  )
  def k(x_hbm, src_hbm, dst_hbm, out_hbm, src_v, dst_v, *rest):
    rows = rest[:NB]
    agg_sh = rest[NB]
    gsem = rest[NB + 1:NB + 1 + NB]
    isem = rest[NB + 1 + NB]
    cid = lax.axis_index("c")
    sid = lax.axis_index("s")
    wid = sid * NC + cid

    row0 = pl.multiple_of(sid * RPS, 8)
    pltpu.async_copy(x_hbm.at[pl.ds(row0, RPS)], agg_sh.at[pl.ds(row0, RPS)],
                     isem)

    @pl.when(sid == NS - 1)
    def _():
      pltpu.async_copy(x_hbm.at[pl.ds(TAIL0, TAIL)],
                       agg_sh.at[pl.ds(TAIL0, TAIL)], isem)

    rows0, rows1 = rows
    sem0, sem1 = gsem
    for h in range(H):
      pltpu.sync_copy(src_hbm.at[wid, h], src_v)
      pltpu.sync_copy(dst_hbm.at[wid, h], dst_v)

      pltpu.async_copy(x_hbm.at[src_v.at[0]], rows0, sem0)
      pltpu.async_copy(x_hbm.at[src_v.at[1]], rows1, sem1)

      if h == 0:
        pltpu.make_async_copy(x_hbm.at[pl.ds(row0, RPS)],
                              agg_sh.at[pl.ds(row0, RPS)], isem).wait()

        @pl.when(sid == NS - 1)
        def _():
          pltpu.make_async_copy(x_hbm.at[pl.ds(TAIL0, TAIL)],
                                agg_sh.at[pl.ds(TAIL0, TAIL)], isem).wait()

        plsc.subcore_barrier()

      @pl.loop(0, CH - 2, step=2)
      def _(c):
        pltpu.make_async_copy(x_hbm.at[src_v.at[c]], rows0, sem0).wait()
        pltpu.sync_copy(rows0, agg_sh.at[dst_v.at[c]], add=True)
        pltpu.async_copy(x_hbm.at[src_v.at[c + 2]], rows0, sem0)
        pltpu.make_async_copy(x_hbm.at[src_v.at[c + 1]], rows1, sem1).wait()
        pltpu.sync_copy(rows1, agg_sh.at[dst_v.at[c + 1]], add=True)
        pltpu.async_copy(x_hbm.at[src_v.at[c + 3]], rows1, sem1)

      pltpu.make_async_copy(x_hbm.at[src_v.at[CH - 2]], rows0, sem0).wait()
      pltpu.sync_copy(rows0, agg_sh.at[dst_v.at[CH - 2]], add=True)
      pltpu.make_async_copy(x_hbm.at[src_v.at[CH - 1]], rows1, sem1).wait()
      pltpu.sync_copy(rows1, agg_sh.at[dst_v.at[CH - 1]], add=True)

    plsc.subcore_barrier()
    pltpu.sync_copy(agg_sh.at[pl.ds(row0, RPS)],
                    out_hbm.at[cid, pl.ds(row0, RPS)])

    @pl.when(sid == NS - 1)
    def _():
      pltpu.sync_copy(agg_sh.at[pl.ds(TAIL0, TAIL)],
                      out_hbm.at[cid, pl.ds(TAIL0, TAIL)])

  return k(x, src3, dst3)


def _dot_t(a, w):
  return lax.dot_general(a, w, (((1,), (1,)), ((), ())),
                         preferred_element_type=jnp.float32,
                         precision=lax.Precision.DEFAULT)


def _bn_relu(z, g, b):
  mu = jnp.mean(z, axis=0, keepdims=True)
  ex2 = jnp.mean(z * z, axis=0, keepdims=True)
  var = ex2 - mu * mu
  scale = g * lax.rsqrt(var + 1e-5)
  return jnp.maximum(z * scale + (b - mu * scale), 0.0)


def _tc_layer_body(last, x_ref, agg_ref, w1_ref, w2_ref, g1_ref, b1_ref,
                   g2_ref, b2_ref, pw_ref, pb_ref, score_ref, out_ref,
                   score_out_ref):
  x = x_ref[...]
  pooled = jnp.sum(x, axis=0, keepdims=True)
  score = score_ref[...] + _dot_t(pooled, pw_ref[0])
  s = agg_ref[0] + agg_ref[1] - x
  z = _dot_t(s, w1_ref[...])
  z = _bn_relu(z, g1_ref[...], b1_ref[...])
  z = _dot_t(z, w2_ref[...])
  out = _bn_relu(z, g2_ref[...], b2_ref[...])
  out_ref[...] = out
  if last:
    pooled = jnp.sum(out, axis=0, keepdims=True)
    score = score + _dot_t(pooled, pw_ref[1])
    score = score + jnp.sum(pb_ref[...], axis=0, keepdims=True)
  score_out_ref[...] = score


def _tc_layer(last, x, agg, w1, w2, g1, b1, g2, b2, pw, pb, score):
  return pl.pallas_call(
      functools.partial(_tc_layer_body, last),
      out_shape=(jax.ShapeDtypeStruct((N, D), jnp.float32),
                 jax.ShapeDtypeStruct((1, D), jnp.float32)),
  )(x, agg, w1, w2, g1.reshape(1, D), b1.reshape(1, D),
    g2.reshape(1, D), b2.reshape(1, D), pw, pb, score)


def kernel(h, edge_index, mlp_W1, mlp_W2, mlp_bn_g, mlp_bn_b, bn_g, bn_b,
           pred_W, pred_b):
  src3 = edge_index[0].reshape(NW, H, CH, B)
  dst3 = edge_index[1].reshape(NW, H, CH, B)
  x = h
  score = jnp.zeros((1, D), dtype=jnp.float32)
  for i in range(L):
    agg = _sc_segment_sum(x, src3, dst3)
    last = i == L - 1
    pw = pred_W[i:i + 2] if last else pred_W[i:i + 1]
    x, score = _tc_layer(last, x, agg, mlp_W1[i], mlp_W2[i], mlp_bn_g[i],
                         mlp_bn_b[i], bn_g[i], bn_b[i], pw, pred_b, score)
  return score

# --- scband reference (transcript-rebuilt; emitter-appended) ---
"""Pipeline reference for scband-gin-44684839747644 (READ-ONLY COPY).

The authoritative reference and input builder live on the scoring server;
editing this copy changes nothing except your own understanding.
"""

import jax, jax.numpy as jnp
import numpy as np

N = 10000
E = 320000
D = 128
L = 4   # GIN conv layers (num_layers - 1)
P = 5   # linear prediction heads (num_layers)


def setup_inputs(seed: int = 0) -> dict:
    key = jax.random.key(seed)
    ks = jax.random.split(key, 6)
    h = jax.random.normal(ks[0], (N, D), dtype=jnp.float32)
    edge_index = jax.random.randint(ks[1], (2, E), 0, N, dtype=jnp.int32)
    # MLP params per GIN layer (bias=False linears), stackable since input_dim==hidden_dim
    mlp_W1 = jax.random.normal(ks[2], (L, D, D), dtype=jnp.float32) * 0.1
    mlp_W2 = jax.random.normal(ks[3], (L, D, D), dtype=jnp.float32) * 0.1
    mlp_bn_g = jnp.ones((L, D), dtype=jnp.float32)
    mlp_bn_b = jnp.zeros((L, D), dtype=jnp.float32)
    # outer batch norms per GIN layer
    bn_g = jnp.ones((L, D), dtype=jnp.float32)
    bn_b = jnp.zeros((L, D), dtype=jnp.float32)
    # prediction heads (with bias)
    pred_W = jax.random.normal(ks[4], (P, D, D), dtype=jnp.float32) * 0.1
    pred_b = jnp.zeros((P, D), dtype=jnp.float32)
    return {"h": h, "edge_index": edge_index, "mlp_W1": mlp_W1, "mlp_W2": mlp_W2,
            "mlp_bn_g": mlp_bn_g, "mlp_bn_b": mlp_bn_b, "bn_g": bn_g, "bn_b": bn_b,
            "pred_W": pred_W, "pred_b": pred_b}


def _bn(x, g, b):
    # BatchNorm1d in training mode: batch statistics, biased variance, eps=1e-5
    mu = jnp.mean(x, axis=0)
    var = jnp.var(x, axis=0)
    return g * (x - mu) / jnp.sqrt(var + 1e-5) + b


def reference(h, edge_index, mlp_W1, mlp_W2, mlp_bn_g, mlp_bn_b, bn_g, bn_b, pred_W, pred_b):
    src = edge_index[0]
    dst = edge_index[1]
    hidden_rep = [h]
    x = h
    for i in range(L):
        # GINConv with learn_eps=False (eps=0): (1+eps)*x + sum-aggregated neighbors
        agg = jax.ops.segment_sum(x[src], dst, num_segments=N)
        z = (x + agg) @ mlp_W1[i].T
        z = jax.nn.relu(_bn(z, mlp_bn_g[i], mlp_bn_b[i]))
        z = z @ mlp_W2[i].T
        x = jax.nn.relu(_bn(z, bn_g[i], bn_b[i]))
        hidden_rep.append(x)
    # SumPooling over the single graph + per-layer prediction heads (dropout = identity in eval)
    score = jnp.zeros((1, D), dtype=jnp.float32)
    for i in range(P):
        pooled = jnp.sum(hidden_rep[i], axis=0, keepdims=True)
        score = score + pooled @ pred_W[i].T + pred_b[i]
    return score

if __name__ == "__main__":
    import jax
    _d = setup_inputs()
    print(jax.jit(kernel)(*tuple(_d.values())))

</pallas_src>

<mosaic_0001>
#map = affine_map<(d0, d1) -> (0, 0)>
#map1 = affine_map<(d0, d1) -> (0, 0, 0, 0)>
#map2 = affine_map<(d0, d1) -> (0, 0, 0)>
module attributes {stable_mosaic.version = 14 : i64} {
  func.func @k(%arg0: i32, %arg1: i32, %arg2: memref<10000x128xf32, #tpu.memory_space<hbm>>, %arg3: memref<32x2x50x100xi32, #tpu.memory_space<hbm>>, %arg4: memref<32x2x50x100xi32, #tpu.memory_space<hbm>>, %arg5: memref<2x10000x128xf32, #tpu.memory_space<hbm>>, %arg6: memref<50x100xi32, #tpu.memory_space<vmem>>, %arg7: memref<50x100xi32, #tpu.memory_space<vmem>>, %arg8: memref<100x128xf32, #tpu.memory_space<vmem>>, %arg9: memref<100x128xf32, #tpu.memory_space<vmem>>, %arg10: memref<10000x128xf32, #tpu.memory_space<vmem_shared>>, %arg11: memref<!tpu.dma_semaphore, #tpu.memory_space<semaphore_mem>>, %arg12: memref<!tpu.dma_semaphore, #tpu.memory_space<semaphore_mem>>, %arg13: memref<!tpu.dma_semaphore, #tpu.memory_space<semaphore_mem>>) attributes {dimension_semantics = [#tpu.dimension_semantics<core_parallel>, #tpu.dimension_semantics<subcore_parallel>], iteration_bounds = array<i64: 2, 16>, scalar_prefetch = 0 : i64, scratch_operands = 8 : i64, tpu.core_type = #tpu.core_type<sc_vector_subcore>, window_params = [{transform_indices = #map}, {transform_indices = #map1}, {transform_indices = #map1}, {transform_indices = #map2}]} {
    %mul3A = arith.constant 2 : i32
    %mul3A_0 = arith.muli %arg1, %mul3A : i32
    %add3A = arith.addi %mul3A_0, %arg0 : i32
    %mul3A_1 = arith.constant 624 : i32
    %mul3A_2 = arith.muli %arg1, %mul3A_1 : i32
    %multiple_of3A = tpu.assume_multiple %mul3A_2, 8 : i32
    %dma_start3A = arith.constant 0 : i32
    %dma_start3A_3 = tpu.memref_slice %arg10[%multiple_of3A, %dma_start3A] : memref<10000x128xf32, #tpu.memory_space<vmem_shared>> -> memref<624x128xf32, #tpu.memory_space<vmem_shared>>
    %dma_start3A_4 = arith.constant 0 : i32
    %dma_start3A_5 = tpu.memref_slice %arg2[%multiple_of3A, %dma_start3A_4] : memref<10000x128xf32, #tpu.memory_space<hbm>> -> memref<624x128xf32, #tpu.memory_space<hbm>>
    tpu.enqueue_dma source(%dma_start3A_5 : memref<624x128xf32, #tpu.memory_space<hbm>>) target(%dma_start3A_3 : memref<624x128xf32, #tpu.memory_space<vmem_shared>>) target_semaphore(%arg13 : memref<!tpu.dma_semaphore, #tpu.memory_space<semaphore_mem>>)
    %eq3A = arith.constant 15 : i32
    %eq3A_6 = arith.cmpi eq, %arg1, %eq3A : i32
    %convert_element_type3A = arith.extui %eq3A_6 : i1 to i32
    %cond3A = arith.constant 0 : i32
    %cond3A_7 = arith.cmpi ne, %convert_element_type3A, %cond3A : i32
    scf.if %cond3A_7 {
      %dma_start3A_94 = arith.constant 9984 : i32
      %dma_start3A_95 = arith.constant 0 : i32
      %dma_start3A_96 = tpu.memref_slice %arg10[%dma_start3A_94, %dma_start3A_95] : memref<10000x128xf32, #tpu.memory_space<vmem_shared>> -> memref<16x128xf32, #tpu.memory_space<vmem_shared>>
      %dma_start3A_97 = arith.constant 9984 : i32
      %dma_start3A_98 = arith.constant 0 : i32
      %dma_start3A_99 = tpu.memref_slice %arg2[%dma_start3A_97, %dma_start3A_98] : memref<10000x128xf32, #tpu.memory_space<hbm>> -> memref<16x128xf32, #tpu.memory_space<hbm>>
      tpu.enqueue_dma source(%dma_start3A_99 : memref<16x128xf32, #tpu.memory_space<hbm>>) target(%dma_start3A_96 : memref<16x128xf32, #tpu.memory_space<vmem_shared>>) target_semaphore(%arg13 : memref<!tpu.dma_semaphore, #tpu.memory_space<semaphore_mem>>)
    } else {
    }
    %run_scoped3A = arith.constant 0 : i32
    "tpu.region"() ({
      %run_scoped3A_94 = tpu.sem_alloc : memref<!tpu.dma_semaphore, #tpu.memory_space<semaphore_mem>>
      %dma_start3A_95 = arith.constant 0 : i32
      %dma_start3A_96 = arith.constant 0 : i32
      %dma_start3A_97 = tpu.memref_slice %arg3[%add3A, %run_scoped3A, %dma_start3A_95, %dma_start3A_96] : memref<32x2x50x100xi32, #tpu.memory_space<hbm>> -> memref<1x1x50x100xi32, #tpu.memory_space<hbm>>
      %dma_start3A_98 = tpu.memref_squeeze %dma_start3A_97 : memref<1x1x50x100xi32, #tpu.memory_space<hbm>> -> memref<50x100xi32, #tpu.memory_space<hbm>>
      %dma_start3A_99 = arith.constant 0 : i32
      %dma_start3A_100 = arith.constant 0 : i32
      %dma_start3A_101 = tpu.memref_slice %arg3[%add3A, %run_scoped3A, %dma_start3A_99, %dma_start3A_100] : memref<32x2x50x100xi32, #tpu.memory_space<hbm>> -> memref<1x1x50x100xi32, #tpu.memory_space<hbm>>
      %dma_start3A_102 = tpu.memref_squeeze %dma_start3A_101 : memref<1x1x50x100xi32, #tpu.memory_space<hbm>> -> memref<50x100xi32, #tpu.memory_space<hbm>>
      tpu.enqueue_dma source(%dma_start3A_102 : memref<50x100xi32, #tpu.memory_space<hbm>>) target(%arg6 : memref<50x100xi32, #tpu.memory_space<vmem>>) target_semaphore(%run_scoped3A_94 : memref<!tpu.dma_semaphore, #tpu.memory_space<semaphore_mem>>)
      %dma_wait3A_103 = arith.constant 0 : i32
      %dma_wait3A_104 = arith.constant 0 : i32
      %dma_wait3A_105 = tpu.memref_slice %arg3[%add3A, %run_scoped3A, %dma_wait3A_103, %dma_wait3A_104] : memref<32x2x50x100xi32, #tpu.memory_space<hbm>> -> memref<1x1x50x100xi32, #tpu.memory_space<hbm>>
      %dma_wait3A_106 = tpu.memref_squeeze %dma_wait3A_105 : memref<1x1x50x100xi32, #tpu.memory_space<hbm>> -> memref<50x100xi32, #tpu.memory_space<hbm>>
      %dma_wait3A_107 = arith.constant 0 : i32
      %dma_wait3A_108 = arith.constant 0 : i32
      %dma_wait3A_109 = tpu.memref_slice %arg3[%add3A, %run_scoped3A, %dma_wait3A_107, %dma_wait3A_108] : memref<32x2x50x100xi32, #tpu.memory_space<hbm>> -> memref<1x1x50x100xi32, #tpu.memory_space<hbm>>
      %dma_wait3A_110 = tpu.memref_squeeze %dma_wait3A_109 : memref<1x1x50x100xi32, #tpu.memory_space<hbm>> -> memref<50x100xi32, #tpu.memory_space<hbm>>
      tpu.wait_dma2 semaphore(%run_scoped3A_94 : memref<!tpu.dma_semaphore, #tpu.memory_space<semaphore_mem>>) src(%dma_wait3A_110 : memref<50x100xi32, #tpu.memory_space<hbm>>) dst(%arg6 : memref<50x100xi32, #tpu.memory_space<vmem>>)
      tpu.yield
    }) : () -> ()
    %run_scoped3A_8 = arith.constant 0 : i32
    "tpu.region"() ({
      %run_scoped3A_94 = tpu.sem_alloc : memref<!tpu.dma_semaphore, #tpu.memory_space<semaphore_mem>>
      %dma_start3A_95 = arith.constant 0 : i32
      %dma_start3A_96 = arith.constant 0 : i32
      %dma_start3A_97 = tpu.memref_slice %arg4[%add3A, %run_scoped3A_8, %dma_start3A_95, %dma_start3A_96] : memref<32x2x50x100xi32, #tpu.memory_space<hbm>> -> memref<1x1x50x100xi32, #tpu.memory_space<hbm>>
      %dma_start3A_98 = tpu.memref_squeeze %dma_start3A_97 : memref<1x1x50x100xi32, #tpu.memory_space<hbm>> -> memref<50x100xi32, #tpu.memory_space<hbm>>
      %dma_start3A_99 = arith.constant 0 : i32
      %dma_start3A_100 = arith.constant 0 : i32
      %dma_start3A_101 = tpu.memref_slice %arg4[%add3A, %run_scoped3A_8, %dma_start3A_99, %dma_start3A_100] : memref<32x2x50x100xi32, #tpu.memory_space<hbm>> -> memref<1x1x50x100xi32, #tpu.memory_space<hbm>>
      %dma_start3A_102 = tpu.memref_squeeze %dma_start3A_101 : memref<1x1x50x100xi32, #tpu.memory_space<hbm>> -> memref<50x100xi32, #tpu.memory_space<hbm>>
      tpu.enqueue_dma source(%dma_start3A_102 : memref<50x100xi32, #tpu.memory_space<hbm>>) target(%arg7 : memref<50x100xi32, #tpu.memory_space<vmem>>) target_semaphore(%run_scoped3A_94 : memref<!tpu.dma_semaphore, #tpu.memory_space<semaphore_mem>>)
      %dma_wait3A_103 = arith.constant 0 : i32
      %dma_wait3A_104 = arith.constant 0 : i32
      %dma_wait3A_105 = tpu.memref_slice %arg4[%add3A, %run_scoped3A_8, %dma_wait3A_103, %dma_wait3A_104] : memref<32x2x50x100xi32, #tpu.memory_space<hbm>> -> memref<1x1x50x100xi32, #tpu.memory_space<hbm>>
      %dma_wait3A_106 = tpu.memref_squeeze %dma_wait3A_105 : memref<1x1x50x100xi32, #tpu.memory_space<hbm>> -> memref<50x100xi32, #tpu.memory_space<hbm>>
      %dma_wait3A_107 = arith.constant 0 : i32
      %dma_wait3A_108 = arith.constant 0 : i32
      %dma_wait3A_109 = tpu.memref_slice %arg4[%add3A, %run_scoped3A_8, %dma_wait3A_107, %dma_wait3A_108] : memref<32x2x50x100xi32, #tpu.memory_space<hbm>> -> memref<1x1x50x100xi32, #tpu.memory_space<hbm>>
      %dma_wait3A_110 = tpu.memref_squeeze %dma_wait3A_109 : memref<1x1x50x100xi32, #tpu.memory_space<hbm>> -> memref<50x100xi32, #tpu.memory_space<hbm>>
      tpu.wait_dma2 semaphore(%run_scoped3A_94 : memref<!tpu.dma_semaphore, #tpu.memory_space<semaphore_mem>>) src(%dma_wait3A_110 : memref<50x100xi32, #tpu.memory_space<hbm>>) dst(%arg7 : memref<50x100xi32, #tpu.memory_space<vmem>>)
      tpu.yield
    }) : () -> ()
    %dma_start3A_9 = arith.constant 0 : i32
    %dma_start3A_10 = arith.constant 0 : i32
    %dma_start3A_11 = tpu.memref_slice %arg6[%dma_start3A_9, %dma_start3A_10] : memref<50x100xi32, #tpu.memory_space<vmem>> -> memref<1x100xi32, #tpu.memory_space<vmem>>
    %dma_start3A_12 = tpu.memref_squeeze %dma_start3A_11 : memref<1x100xi32, #tpu.memory_space<vmem>> -> memref<100xi32, #tpu.memory_space<vmem>>
    %dma_start3A_13 = arith.constant 0 : i32
    %dma_start3A_14 = arith.constant 0 : i32
    %dma_start3A_15 = tpu.memref_slice %arg2[%dma_start3A_13, %dma_start3A_14] : memref<10000x128xf32, #tpu.memory_space<hbm>> -> memref<10000x128xf32, #tpu.memory_space<hbm>>
    tpu.enqueue_indirect_dma source(%dma_start3A_15 : memref<10000x128xf32, #tpu.memory_space<hbm>>) target(%arg8 : memref<100x128xf32, #tpu.memory_space<vmem>>) offsets(%dma_start3A_12 : memref<100xi32, #tpu.memory_space<vmem>>) semaphore(%arg11 : memref<!tpu.dma_semaphore, #tpu.memory_space<semaphore_mem>>)
    %dma_start3A_16 = arith.constant 1 : i32
    %dma_start3A_17 = arith.constant 0 : i32
    %dma_start3A_18 = tpu.memref_slice %arg6[%dma_start3A_16, %dma_start3A_17] : memref<50x100xi32, #tpu.memory_space<vmem>> -> memref<1x100xi32, #tpu.memory_space<vmem>>
    %dma_start3A_19 = tpu.memref_squeeze %dma_start3A_18 : memref<1x100xi32, #tpu.memory_space<vmem>> -> memref<100xi32, #tpu.memory_space<vmem>>
    %dma_start3A_20 = arith.constant 0 : i32
    %dma_start3A_21 = arith.constant 0 : i32
    %dma_start3A_22 = tpu.memref_slice %arg2[%dma_start3A_20, %dma_start3A_21] : memref<10000x128xf32, #tpu.memory_space<hbm>> -> memref<10000x128xf32, #tpu.memory_space<hbm>>
    tpu.enqueue_indirect_dma source(%dma_start3A_22 : memref<10000x128xf32, #tpu.memory_space<hbm>>) target(%arg9 : memref<100x128xf32, #tpu.memory_space<vmem>>) offsets(%dma_start3A_19 : memref<100xi32, #tpu.memory_space<vmem>>) semaphore(%arg12 : memref<!tpu.dma_semaphore, #tpu.memory_space<semaphore_mem>>)
    %dma_wait3A = arith.constant 0 : i32
    %dma_wait3A_23 = tpu.memref_slice %arg10[%multiple_of3A, %dma_wait3A] : memref<10000x128xf32, #tpu.memory_space<vmem_shared>> -> memref<624x128xf32, #tpu.memory_space<vmem_shared>>
    %dma_wait3A_24 = arith.constant 0 : i32
    %dma_wait3A_25 = tpu.memref_slice %arg2[%multiple_of3A, %dma_wait3A_24] : memref<10000x128xf32, #tpu.memory_space<hbm>> -> memref<624x128xf32, #tpu.memory_space<hbm>>
    tpu.wait_dma2 semaphore(%arg13 : memref<!tpu.dma_semaphore, #tpu.memory_space<semaphore_mem>>) src(%dma_wait3A_25 : memref<624x128xf32, #tpu.memory_space<hbm>>) dst(%dma_wait3A_23 : memref<624x128xf32, #tpu.memory_space<vmem_shared>>)
    %eq3A_26 = arith.constant 15 : i32
    %eq3A_27 = arith.cmpi eq, %arg1, %eq3A_26 : i32
    %convert_element_type3A_28 = arith.extui %eq3A_27 : i1 to i32
    %cond3A_29 = arith.constant 0 : i32
    %cond3A_30 = arith.cmpi ne, %convert_element_type3A_28, %cond3A_29 : i32
    scf.if %cond3A_30 {
      %dma_wait3A_94 = arith.constant 9984 : i32
      %dma_wait3A_95 = arith.constant 0 : i32
      %dma_wait3A_96 = tpu.memref_slice %arg10[%dma_wait3A_94, %dma_wait3A_95] : memref<10000x128xf32, #tpu.memory_space<vmem_shared>> -> memref<16x128xf32, #tpu.memory_space<vmem_shared>>
      %dma_wait3A_97 = arith.constant 9984 : i32
      %dma_wait3A_98 = arith.constant 0 : i32
      %dma_wait3A_99 = tpu.memref_slice %arg2[%dma_wait3A_97, %dma_wait3A_98] : memref<10000x128xf32, #tpu.memory_space<hbm>> -> memref<16x128xf32, #tpu.memory_space<hbm>>
      tpu.wait_dma2 semaphore(%arg13 : memref<!tpu.dma_semaphore, #tpu.memory_space<semaphore_mem>>) src(%dma_wait3A_99 : memref<16x128xf32, #tpu.memory_space<hbm>>) dst(%dma_wait3A_96 : memref<16x128xf32, #tpu.memory_space<vmem_shared>>)
    } else {
    }
    %barrier3A = arith.constant 0 : index
    tpu.barrier barrier_id(%barrier3A)
    %scan3A = arith.constant 0 : i32
    %scan3A_31 = arith.constant 24 : i32
    %scan3A_32 = arith.addi %scan3A, %scan3A_31 : i32
    %scan3A_33 = arith.constant 1 : i32
    scf.for %scan3A_94 = %scan3A to %scan3A_32 step %scan3A_33  : i32 {
      %mul3A_95 = arith.constant 2 : i32
      %mul3A_96 = arith.muli %scan3A_94, %mul3A_95 : i32
      %add3A_97 = arith.constant 0 : i32
      %add3A_98 = arith.addi %add3A_97, %mul3A_96 : i32
      %dma_wait3A_99 = arith.constant 0 : i32
      %dma_wait3A_100 = tpu.memref_slice %arg6[%add3A_98, %dma_wait3A_99] : memref<50x100xi32, #tpu.memory_space<vmem>> -> memref<1x100xi32, #tpu.memory_space<vmem>>
      %dma_wait3A_101 = tpu.memref_squeeze %dma_wait3A_100 : memref<1x100xi32, #tpu.memory_space<vmem>> -> memref<100xi32, #tpu.memory_space<vmem>>
      %dma_wait3A_102 = arith.constant 0 : i32
      %dma_wait3A_103 = arith.constant 0 : i32
      %dma_wait3A_104 = tpu.memref_slice %arg2[%dma_wait3A_102, %dma_wait3A_103] : memref<10000x128xf32, #tpu.memory_space<hbm>> -> memref<10000x128xf32, #tpu.memory_space<hbm>>
      tpu.wait_indirect_dma semaphore(%arg11 : memref<!tpu.dma_semaphore, #tpu.memory_space<semaphore_mem>>) src(%dma_wait3A_104 : memref<10000x128xf32, #tpu.memory_space<hbm>>) dst(%arg8 : memref<100x128xf32, #tpu.memory_space<vmem>>)
      "tpu.region"() ({
        %run_scoped3A_131 = tpu.sem_alloc : memref<!tpu.dma_semaphore, #tpu.memory_space<semaphore_mem>>
        %dma_start3A_132 = arith.constant 0 : i32
        %dma_start3A_133 = tpu.memref_slice %arg7[%add3A_98, %dma_start3A_132] : memref<50x100xi32, #tpu.memory_space<vmem>> -> memref<1x100xi32, #tpu.memory_space<vmem>>
        %dma_start3A_134 = tpu.memref_squeeze %dma_start3A_133 : memref<1x100xi32, #tpu.memory_space<vmem>> -> memref<100xi32, #tpu.memory_space<vmem>>
        %dma_start3A_135 = arith.constant 0 : i32
        %dma_start3A_136 = arith.constant 0 : i32
        %dma_start3A_137 = tpu.memref_slice %arg10[%dma_start3A_135, %dma_start3A_136] : memref<10000x128xf32, #tpu.memory_space<vmem_shared>> -> memref<10000x128xf32, #tpu.memory_space<vmem_shared>>
        tpu.enqueue_indirect_dma source(%arg8 : memref<100x128xf32, #tpu.memory_space<vmem>>) target(%dma_start3A_137 : memref<10000x128xf32, #tpu.memory_space<vmem_shared>>) offsets(%dma_start3A_134 : memref<100xi32, #tpu.memory_space<vmem>>) semaphore(%run_scoped3A_131 : memref<!tpu.dma_semaphore, #tpu.memory_space<semaphore_mem>>) {add = true}
        %dma_wait3A_138 = arith.constant 0 : i32
        %dma_wait3A_139 = tpu.memref_slice %arg7[%add3A_98, %dma_wait3A_138] : memref<50x100xi32, #tpu.memory_space<vmem>> -> memref<1x100xi32, #tpu.memory_space<vmem>>
        %dma_wait3A_140 = tpu.memref_squeeze %dma_wait3A_139 : memref<1x100xi32, #tpu.memory_space<vmem>> -> memref<100xi32, #tpu.memory_space<vmem>>
        %dma_wait3A_141 = arith.constant 0 : i32
        %dma_wait3A_142 = arith.constant 0 : i32
        %dma_wait3A_143 = tpu.memref_slice %arg10[%dma_wait3A_141, %dma_wait3A_142] : memref<10000x128xf32, #tpu.memory_space<vmem_shared>> -> memref<10000x128xf32, #tpu.memory_space<vmem_shared>>
        tpu.wait_indirect_dma semaphore(%run_scoped3A_131 : memref<!tpu.dma_semaphore, #tpu.memory_space<semaphore_mem>>) src(%arg8 : memref<100x128xf32, #tpu.memory_space<vmem>>) dst(%dma_wait3A_143 : memref<10000x128xf32, #tpu.memory_space<vmem_shared>>)
        tpu.yield
      }) : () -> ()
      %add3A_105 = arith.constant 2 : i32
      %add3A_106 = arith.addi %add3A_98, %add3A_105 : i32
      %dma_start3A_107 = arith.constant 0 : i32
      %dma_start3A_108 = tpu.memref_slice %arg6[%add3A_106, %dma_start3A_107] : memref<50x100xi32, #tpu.memory_space<vmem>> -> memref<1x100xi32, #tpu.memory_space<vmem>>
      %dma_start3A_109 = tpu.memref_squeeze %dma_start3A_108 : memref<1x100xi32, #tpu.memory_space<vmem>> -> memref<100xi32, #tpu.memory_space<vmem>>
      %dma_start3A_110 = arith.constant 0 : i32
      %dma_start3A_111 = arith.constant 0 : i32
      %dma_start3A_112 = tpu.memref_slice %arg2[%dma_start3A_110, %dma_start3A_111] : memref<10000x128xf32, #tpu.memory_space<hbm>> -> memref<10000x128xf32, #tpu.memory_space<hbm>>
      tpu.enqueue_indirect_dma source(%dma_start3A_112 : memref<10000x128xf32, #tpu.memory_space<hbm>>) target(%arg8 : memref<100x128xf32, #tpu.memory_space<vmem>>) offsets(%dma_start3A_109 : memref<100xi32, #tpu.memory_space<vmem>>) semaphore(%arg11 : memref<!tpu.dma_semaphore, #tpu.memory_space<semaphore_mem>>)
      %add3A_113 = arith.constant 1 : i32
      %add3A_114 = arith.addi %add3A_98, %add3A_113 : i32
      %dma_wait3A_115 = arith.constant 0 : i32
      %dma_wait3A_116 = tpu.memref_slice %arg6[%add3A_114, %dma_wait3A_115] : memref<50x100xi32, #tpu.memory_space<vmem>> -> memref<1x100xi32, #tpu.memory_space<vmem>>
      %dma_wait3A_117 = tpu.memref_squeeze %dma_wait3A_116 : memref<1x100xi32, #tpu.memory_space<vmem>> -> memref<100xi32, #tpu.memory_space<vmem>>
      %dma_wait3A_118 = arith.constant 0 : i32
      %dma_wait3A_119 = arith.constant 0 : i32
      %dma_wait3A_120 = tpu.memref_slice %arg2[%dma_wait3A_118, %dma_wait3A_119] : memref<10000x128xf32, #tpu.memory_space<hbm>> -> memref<10000x128xf32, #tpu.memory_space<hbm>>
      tpu.wait_indirect_dma semaphore(%arg12 : memref<!tpu.dma_semaphore, #tpu.memory_space<semaphore_mem>>) src(%dma_wait3A_120 : memref<10000x128xf32, #tpu.memory_space<hbm>>) dst(%arg9 : memref<100x128xf32, #tpu.memory_space<vmem>>)
      %add3A_121 = arith.constant 1 : i32
      %add3A_122 = arith.addi %add3A_98, %add3A_121 : i32
      "tpu.region"() ({
        %run_scoped3A_131 = tpu.sem_alloc : memref<!tpu.dma_semaphore, #tpu.memory_space<semaphore_mem>>
        %dma_start3A_132 = arith.constant 0 : i32
        %dma_start3A_133 = tpu.memref_slice %arg7[%add3A_122, %dma_start3A_132] : memref<50x100xi32, #tpu.memory_space<vmem>> -> memref<1x100xi32, #tpu.memory_space<vmem>>
        %dma_start3A_134 = tpu.memref_squeeze %dma_start3A_133 : memref<1x100xi32, #tpu.memory_space<vmem>> -> memref<100xi32, #tpu.memory_space<vmem>>
        %dma_start3A_135 = arith.constant 0 : i32
        %dma_start3A_136 = arith.constant 0 : i32
        %dma_start3A_137 = tpu.memref_slice %arg10[%dma_start3A_135, %dma_start3A_136] : memref<10000x128xf32, #tpu.memory_space<vmem_shared>> -> memref<10000x128xf32, #tpu.memory_space<vmem_shared>>
        tpu.enqueue_indirect_dma source(%arg9 : memref<100x128xf32, #tpu.memory_space<vmem>>) target(%dma_start3A_137 : memref<10000x128xf32, #tpu.memory_space<vmem_shared>>) offsets(%dma_start3A_134 : memref<100xi32, #tpu.memory_space<vmem>>) semaphore(%run_scoped3A_131 : memref<!tpu.dma_semaphore, #tpu.memory_space<semaphore_mem>>) {add = true}
        %dma_wait3A_138 = arith.constant 0 : i32
        %dma_wait3A_139 = tpu.memref_slice %arg7[%add3A_122, %dma_wait3A_138] : memref<50x100xi32, #tpu.memory_space<vmem>> -> memref<1x100xi32, #tpu.memory_space<vmem>>
        %dma_wait3A_140 = tpu.memref_squeeze %dma_wait3A_139 : memref<1x100xi32, #tpu.memory_space<vmem>> -> memref<100xi32, #tpu.memory_space<vmem>>
        %dma_wait3A_141 = arith.constant 0 : i32
        %dma_wait3A_142 = arith.constant 0 : i32
        %dma_wait3A_143 = tpu.memref_slice %arg10[%dma_wait3A_141, %dma_wait3A_142] : memref<10000x128xf32, #tpu.memory_space<vmem_shared>> -> memref<10000x128xf32, #tpu.memory_space<vmem_shared>>
        tpu.wait_indirect_dma semaphore(%run_scoped3A_131 : memref<!tpu.dma_semaphore, #tpu.memory_space<semaphore_mem>>) src(%arg9 : memref<100x128xf32, #tpu.memory_space<vmem>>) dst(%dma_wait3A_143 : memref<10000x128xf32, #tpu.memory_space<vmem_shared>>)
        tpu.yield
      }) : () -> ()
      %add3A_123 = arith.constant 3 : i32
      %add3A_124 = arith.addi %add3A_98, %add3A_123 : i32
      %dma_start3A_125 = arith.constant 0 : i32
      %dma_start3A_126 = tpu.memref_slice %arg6[%add3A_124, %dma_start3A_125] : memref<50x100xi32, #tpu.memory_space<vmem>> -> memref<1x100xi32, #tpu.memory_space<vmem>>
      %dma_start3A_127 = tpu.memref_squeeze %dma_start3A_126 : memref<1x100xi32, #tpu.memory_space<vmem>> -> memref<100xi32, #tpu.memory_space<vmem>>
      %dma_start3A_128 = arith.constant 0 : i32
      %dma_start3A_129 = arith.constant 0 : i32
      %dma_start3A_130 = tpu.memref_slice %arg2[%dma_start3A_128, %dma_start3A_129] : memref<10000x128xf32, #tpu.memory_space<hbm>> -> memref<10000x128xf32, #tpu.memory_space<hbm>>
      tpu.enqueue_indirect_dma source(%dma_start3A_130 : memref<10000x128xf32, #tpu.memory_space<hbm>>) target(%arg9 : memref<100x128xf32, #tpu.memory_space<vmem>>) offsets(%dma_start3A_127 : memref<100xi32, #tpu.memory_space<vmem>>) semaphore(%arg12 : memref<!tpu.dma_semaphore, #tpu.memory_space<semaphore_mem>>)
    }
    %scan3A_34 = arith.constant 24 : i32
    %dma_wait3A_35 = arith.constant 48 : i32
    %dma_wait3A_36 = arith.constant 0 : i32
    %dma_wait3A_37 = tpu.memref_slice %arg6[%dma_wait3A_35, %dma_wait3A_36] : memref<50x100xi32, #tpu.memory_space<vmem>> -> memref<1x100xi32, #tpu.memory_space<vmem>>
    %dma_wait3A_38 = tpu.memref_squeeze %dma_wait3A_37 : memref<1x100xi32, #tpu.memory_space<vmem>> -> memref<100xi32, #tpu.memory_space<vmem>>
    %dma_wait3A_39 = arith.constant 0 : i32
    %dma_wait3A_40 = arith.constant 0 : i32
    %dma_wait3A_41 = tpu.memref_slice %arg2[%dma_wait3A_39, %dma_wait3A_40] : memref<10000x128xf32, #tpu.memory_space<hbm>> -> memref<10000x128xf32, #tpu.memory_space<hbm>>
    tpu.wait_indirect_dma semaphore(%arg11 : memref<!tpu.dma_semaphore, #tpu.memory_space<semaphore_mem>>) src(%dma_wait3A_41 : memref<10000x128xf32, #tpu.memory_space<hbm>>) dst(%arg8 : memref<100x128xf32, #tpu.memory_space<vmem>>)
    %run_scoped3A_42 = arith.constant 48 : i32
    "tpu.region"() ({
      %run_scoped3A_94 = tpu.sem_alloc : memref<!tpu.dma_semaphore, #tpu.memory_space<semaphore_mem>>
      %dma_start3A_95 = arith.constant 0 : i32
      %dma_start3A_96 = tpu.memref_slice %arg7[%run_scoped3A_42, %dma_start3A_95] : memref<50x100xi32, #tpu.memory_space<vmem>> -> memref<1x100xi32, #tpu.memory_space<vmem>>
      %dma_start3A_97 = tpu.memref_squeeze %dma_start3A_96 : memref<1x100xi32, #tpu.memory_space<vmem>> -> memref<100xi32, #tpu.memory_space<vmem>>
      %dma_start3A_98 = arith.constant 0 : i32
      %dma_start3A_99 = arith.constant 0 : i32
      %dma_start3A_100 = tpu.memref_slice %arg10[%dma_start3A_98, %dma_start3A_99] : memref<10000x128xf32, #tpu.memory_space<vmem_shared>> -> memref<10000x128xf32, #tpu.memory_space<vmem_shared>>
      tpu.enqueue_indirect_dma source(%arg8 : memref<100x128xf32, #tpu.memory_space<vmem>>) target(%dma_start3A_100 : memref<10000x128xf32, #tpu.memory_space<vmem_shared>>) offsets(%dma_start3A_97 : memref<100xi32, #tpu.memory_space<vmem>>) semaphore(%run_scoped3A_94 : memref<!tpu.dma_semaphore, #tpu.memory_space<semaphore_mem>>) {add = true}
      %dma_wait3A_101 = arith.constant 0 : i32
      %dma_wait3A_102 = tpu.memref_slice %arg7[%run_scoped3A_42, %dma_wait3A_101] : memref<50x100xi32, #tpu.memory_space<vmem>> -> memref<1x100xi32, #tpu.memory_space<vmem>>
      %dma_wait3A_103 = tpu.memref_squeeze %dma_wait3A_102 : memref<1x100xi32, #tpu.memory_space<vmem>> -> memref<100xi32, #tpu.memory_space<vmem>>
      %dma_wait3A_104 = arith.constant 0 : i32
      %dma_wait3A_105 = arith.constant 0 : i32
      %dma_wait3A_106 = tpu.memref_slice %arg10[%dma_wait3A_104, %dma_wait3A_105] : memref<10000x128xf32, #tpu.memory_space<vmem_shared>> -> memref<10000x128xf32, #tpu.memory_space<vmem_shared>>
      tpu.wait_indirect_dma semaphore(%run_scoped3A_94 : memref<!tpu.dma_semaphore, #tpu.memory_space<semaphore_mem>>) src(%arg8 : memref<100x128xf32, #tpu.memory_space<vmem>>) dst(%dma_wait3A_106 : memref<10000x128xf32, #tpu.memory_space<vmem_shared>>)
      tpu.yield
    }) : () -> ()
    %dma_wait3A_43 = arith.constant 49 : i32
    %dma_wait3A_44 = arith.constant 0 : i32
    %dma_wait3A_45 = tpu.memref_slice %arg6[%dma_wait3A_43, %dma_wait3A_44] : memref<50x100xi32, #tpu.memory_space<vmem>> -> memref<1x100xi32, #tpu.memory_space<vmem>>
    %dma_wait3A_46 = tpu.memref_squeeze %dma_wait3A_45 : memref<1x100xi32, #tpu.memory_space<vmem>> -> memref<100xi32, #tpu.memory_space<vmem>>
    %dma_wait3A_47 = arith.constant 0 : i32
    %dma_wait3A_48 = arith.constant 0 : i32
    %dma_wait3A_49 = tpu.memref_slice %arg2[%dma_wait3A_47, %dma_wait3A_48] : memref<10000x128xf32, #tpu.memory_space<hbm>> -> memref<10000x128xf32, #tpu.memory_space<hbm>>
    tpu.wait_indirect_dma semaphore(%arg12 : memref<!tpu.dma_semaphore, #tpu.memory_space<semaphore_mem>>) src(%dma_wait3A_49 : memref<10000x128xf32, #tpu.memory_space<hbm>>) dst(%arg9 : memref<100x128xf32, #tpu.memory_space<vmem>>)
    %run_scoped3A_50 = arith.constant 49 : i32
    "tpu.region"() ({
      %run_scoped3A_94 = tpu.sem_alloc : memref<!tpu.dma_semaphore, #tpu.memory_space<semaphore_mem>>
      %dma_start3A_95 = arith.constant 0 : i32
      %dma_start3A_96 = tpu.memref_slice %arg7[%run_scoped3A_50, %dma_start3A_95] : memref<50x100xi32, #tpu.memory_space<vmem>> -> memref<1x100xi32, #tpu.memory_space<vmem>>
      %dma_start3A_97 = tpu.memref_squeeze %dma_start3A_96 : memref<1x100xi32, #tpu.memory_space<vmem>> -> memref<100xi32, #tpu.memory_space<vmem>>
      %dma_start3A_98 = arith.constant 0 : i32
      %dma_start3A_99 = arith.constant 0 : i32
      %dma_start3A_100 = tpu.memref_slice %arg10[%dma_start3A_98, %dma_start3A_99] : memref<10000x128xf32, #tpu.memory_space<vmem_shared>> -> memref<10000x128xf32, #tpu.memory_space<vmem_shared>>
      tpu.enqueue_indirect_dma source(%arg9 : memref<100x128xf32, #tpu.memory_space<vmem>>) target(%dma_start3A_100 : memref<10000x128xf32, #tpu.memory_space<vmem_shared>>) offsets(%dma_start3A_97 : memref<100xi32, #tpu.memory_space<vmem>>) semaphore(%run_scoped3A_94 : memref<!tpu.dma_semaphore, #tpu.memory_space<semaphore_mem>>) {add = true}
      %dma_wait3A_101 = arith.constant 0 : i32
      %dma_wait3A_102 = tpu.memref_slice %arg7[%run_scoped3A_50, %dma_wait3A_101] : memref<50x100xi32, #tpu.memory_space<vmem>> -> memref<1x100xi32, #tpu.memory_space<vmem>>
      %dma_wait3A_103 = tpu.memref_squeeze %dma_wait3A_102 : memref<1x100xi32, #tpu.memory_space<vmem>> -> memref<100xi32, #tpu.memory_space<vmem>>
      %dma_wait3A_104 = arith.constant 0 : i32
      %dma_wait3A_105 = arith.constant 0 : i32
      %dma_wait3A_106 = tpu.memref_slice %arg10[%dma_wait3A_104, %dma_wait3A_105] : memref<10000x128xf32, #tpu.memory_space<vmem_shared>> -> memref<10000x128xf32, #tpu.memory_space<vmem_shared>>
      tpu.wait_indirect_dma semaphore(%run_scoped3A_94 : memref<!tpu.dma_semaphore, #tpu.memory_space<semaphore_mem>>) src(%arg9 : memref<100x128xf32, #tpu.memory_space<vmem>>) dst(%dma_wait3A_106 : memref<10000x128xf32, #tpu.memory_space<vmem_shared>>)
      tpu.yield
    }) : () -> ()
    %run_scoped3A_51 = arith.constant 1 : i32
    "tpu.region"() ({
      %run_scoped3A_94 = tpu.sem_alloc : memref<!tpu.dma_semaphore, #tpu.memory_space<semaphore_mem>>
      %dma_start3A_95 = arith.constant 0 : i32
      %dma_start3A_96 = arith.constant 0 : i32
      %dma_start3A_97 = tpu.memref_slice %arg3[%add3A, %run_scoped3A_51, %dma_start3A_95, %dma_start3A_96] : memref<32x2x50x100xi32, #tpu.memory_space<hbm>> -> memref<1x1x50x100xi32, #tpu.memory_space<hbm>>
      %dma_start3A_98 = tpu.memref_squeeze %dma_start3A_97 : memref<1x1x50x100xi32, #tpu.memory_space<hbm>> -> memref<50x100xi32, #tpu.memory_space<hbm>>
      %dma_start3A_99 = arith.constant 0 : i32
      %dma_start3A_100 = arith.constant 0 : i32
      %dma_start3A_101 = tpu.memref_slice %arg3[%add3A, %run_scoped3A_51, %dma_start3A_99, %dma_start3A_100] : memref<32x2x50x100xi32, #tpu.memory_space<hbm>> -> memref<1x1x50x100xi32, #tpu.memory_space<hbm>>
      %dma_start3A_102 = tpu.memref_squeeze %dma_start3A_101 : memref<1x1x50x100xi32, #tpu.memory_space<hbm>> -> memref<50x100xi32, #tpu.memory_space<hbm>>
      tpu.enqueue_dma source(%dma_start3A_102 : memref<50x100xi32, #tpu.memory_space<hbm>>) target(%arg6 : memref<50x100xi32, #tpu.memory_space<vmem>>) target_semaphore(%run_scoped3A_94 : memref<!tpu.dma_semaphore, #tpu.memory_space<semaphore_mem>>)
      %dma_wait3A_103 = arith.constant 0 : i32
      %dma_wait3A_104 = arith.constant 0 : i32
      %dma_wait3A_105 = tpu.memref_slice %arg3[%add3A, %run_scoped3A_51, %dma_wait3A_103, %dma_wait3A_104] : memref<32x2x50x100xi32, #tpu.memory_space<hbm>> -> memref<1x1x50x100xi32, #tpu.memory_space<hbm>>
      %dma_wait3A_106 = tpu.memref_squeeze %dma_wait3A_105 : memref<1x1x50x100xi32, #tpu.memory_space<hbm>> -> memref<50x100xi32, #tpu.memory_space<hbm>>
      %dma_wait3A_107 = arith.constant 0 : i32
      %dma_wait3A_108 = arith.constant 0 : i32
      %dma_wait3A_109 = tpu.memref_slice %arg3[%add3A, %run_scoped3A_51, %dma_wait3A_107, %dma_wait3A_108] : memref<32x2x50x100xi32, #tpu.memory_space<hbm>> -> memref<1x1x50x100xi32, #tpu.memory_space<hbm>>
      %dma_wait3A_110 = tpu.memref_squeeze %dma_wait3A_109 : memref<1x1x50x100xi32, #tpu.memory_space<hbm>> -> memref<50x100xi32, #tpu.memory_space<hbm>>
      tpu.wait_dma2 semaphore(%run_scoped3A_94 : memref<!tpu.dma_semaphore, #tpu.memory_space<semaphore_mem>>) src(%dma_wait3A_110 : memref<50x100xi32, #tpu.memory_space<hbm>>) dst(%arg6 : memref<50x100xi32, #tpu.memory_space<vmem>>)
      tpu.yield
    }) : () -> ()
    %run_scoped3A_52 = arith.constant 1 : i32
    "tpu.region"() ({
      %run_scoped3A_94 = tpu.sem_alloc : memref<!tpu.dma_semaphore, #tpu.memory_space<semaphore_mem>>
      %dma_start3A_95 = arith.constant 0 : i32
      %dma_start3A_96 = arith.constant 0 : i32
      %dma_start3A_97 = tpu.memref_slice %arg4[%add3A, %run_scoped3A_52, %dma_start3A_95, %dma_start3A_96] : memref<32x2x50x100xi32, #tpu.memory_space<hbm>> -> memref<1x1x50x100xi32, #tpu.memory_space<hbm>>
      %dma_start3A_98 = tpu.memref_squeeze %dma_start3A_97 : memref<1x1x50x100xi32, #tpu.memory_space<hbm>> -> memref<50x100xi32, #tpu.memory_space<hbm>>
      %dma_start3A_99 = arith.constant 0 : i32
      %dma_start3A_100 = arith.constant 0 : i32
      %dma_start3A_101 = tpu.memref_slice %arg4[%add3A, %run_scoped3A_52, %dma_start3A_99, %dma_start3A_100] : memref<32x2x50x100xi32, #tpu.memory_space<hbm>> -> memref<1x1x50x100xi32, #tpu.memory_space<hbm>>
      %dma_start3A_102 = tpu.memref_squeeze %dma_start3A_101 : memref<1x1x50x100xi32, #tpu.memory_space<hbm>> -> memref<50x100xi32, #tpu.memory_space<hbm>>
      tpu.enqueue_dma source(%dma_start3A_102 : memref<50x100xi32, #tpu.memory_space<hbm>>) target(%arg7 : memref<50x100xi32, #tpu.memory_space<vmem>>) target_semaphore(%run_scoped3A_94 : memref<!tpu.dma_semaphore, #tpu.memory_space<semaphore_mem>>)
      %dma_wait3A_103 = arith.constant 0 : i32
      %dma_wait3A_104 = arith.constant 0 : i32
      %dma_wait3A_105 = tpu.memref_slice %arg4[%add3A, %run_scoped3A_52, %dma_wait3A_103, %dma_wait3A_104] : memref<32x2x50x100xi32, #tpu.memory_space<hbm>> -> memref<1x1x50x100xi32, #tpu.memory_space<hbm>>
      %dma_wait3A_106 = tpu.memref_squeeze %dma_wait3A_105 : memref<1x1x50x100xi32, #tpu.memory_space<hbm>> -> memref<50x100xi32, #tpu.memory_space<hbm>>
      %dma_wait3A_107 = arith.constant 0 : i32
      %dma_wait3A_108 = arith.constant 0 : i32
      %dma_wait3A_109 = tpu.memref_slice %arg4[%add3A, %run_scoped3A_52, %dma_wait3A_107, %dma_wait3A_108] : memref<32x2x50x100xi32, #tpu.memory_space<hbm>> -> memref<1x1x50x100xi32, #tpu.memory_space<hbm>>
      %dma_wait3A_110 = tpu.memref_squeeze %dma_wait3A_109 : memref<1x1x50x100xi32, #tpu.memory_space<hbm>> -> memref<50x100xi32, #tpu.memory_space<hbm>>
      tpu.wait_dma2 semaphore(%run_scoped3A_94 : memref<!tpu.dma_semaphore, #tpu.memory_space<semaphore_mem>>) src(%dma_wait3A_110 : memref<50x100xi32, #tpu.memory_space<hbm>>) dst(%arg7 : memref<50x100xi32, #tpu.memory_space<vmem>>)
      tpu.yield
    }) : () -> ()
    %dma_start3A_53 = arith.constant 0 : i32
    %dma_start3A_54 = arith.constant 0 : i32
    %dma_start3A_55 = tpu.memref_slice %arg6[%dma_start3A_53, %dma_start3A_54] : memref<50x100xi32, #tpu.memory_space<vmem>> -> memref<1x100xi32, #tpu.memory_space<vmem>>
    %dma_start3A_56 = tpu.memref_squeeze %dma_start3A_55 : memref<1x100xi32, #tpu.memory_space<vmem>> -> memref<100xi32, #tpu.memory_space<vmem>>
    %dma_start3A_57 = arith.constant 0 : i32
    %dma_start3A_58 = arith.constant 0 : i32
    %dma_start3A_59 = tpu.memref_slice %arg2[%dma_start3A_57, %dma_start3A_58] : memref<10000x128xf32, #tpu.memory_space<hbm>> -> memref<10000x128xf32, #tpu.memory_space<hbm>>
    tpu.enqueue_indirect_dma source(%dma_start3A_59 : memref<10000x128xf32, #tpu.memory_space<hbm>>) target(%arg8 : memref<100x128xf32, #tpu.memory_space<vmem>>) offsets(%dma_start3A_56 : memref<100xi32, #tpu.memory_space<vmem>>) semaphore(%arg11 : memref<!tpu.dma_semaphore, #tpu.memory_space<semaphore_mem>>)
    %dma_start3A_60 = arith.constant 1 : i32
    %dma_start3A_61 = arith.constant 0 : i32
    %dma_start3A_62 = tpu.memref_slice %arg6[%dma_start3A_60, %dma_start3A_61] : memref<50x100xi32, #tpu.memory_space<vmem>> -> memref<1x100xi32, #tpu.memory_space<vmem>>
    %dma_start3A_63 = tpu.memref_squeeze %dma_start3A_62 : memref<1x100xi32, #tpu.memory_space<vmem>> -> memref<100xi32, #tpu.memory_space<vmem>>
    %dma_start3A_64 = arith.constant 0 : i32
    %dma_start3A_65 = arith.constant 0 : i32
    %dma_start3A_66 = tpu.memref_slice %arg2[%dma_start3A_64, %dma_start3A_65] : memref<10000x128xf32, #tpu.memory_space<hbm>> -> memref<10000x128xf32, #tpu.memory_space<hbm>>
    tpu.enqueue_indirect_dma source(%dma_start3A_66 : memref<10000x128xf32, #tpu.memory_space<hbm>>) target(%arg9 : memref<100x128xf32, #tpu.memory_space<vmem>>) offsets(%dma_start3A_63 : memref<100xi32, #tpu.memory_space<vmem>>) semaphore(%arg12 : memref<!tpu.dma_semaphore, #tpu.memory_space<semaphore_mem>>)
    %scan3A_67 = arith.constant 0 : i32
    %scan3A_68 = arith.constant 24 : i32
    %scan3A_69 = arith.addi %scan3A_67, %scan3A_68 : i32
    %scan3A_70 = arith.constant 1 : i32
    scf.for %scan3A_94 = %scan3A_67 to %scan3A_69 step %scan3A_70  : i32 {
      %mul3A_95 = arith.constant 2 : i32
      %mul3A_96 = arith.muli %scan3A_94, %mul3A_95 : i32
      %add3A_97 = arith.constant 0 : i32
      %add3A_98 = arith.addi %add3A_97, %mul3A_96 : i32
      %dma_wait3A_99 = arith.constant 0 : i32
      %dma_wait3A_100 = tpu.memref_slice %arg6[%add3A_98, %dma_wait3A_99] : memref<50x100xi32, #tpu.memory_space<vmem>> -> memref<1x100xi32, #tpu.memory_space<vmem>>
      %dma_wait3A_101 = tpu.memref_squeeze %dma_wait3A_100 : memref<1x100xi32, #tpu.memory_space<vmem>> -> memref<100xi32, #tpu.memory_space<vmem>>
      %dma_wait3A_102 = arith.constant 0 : i32
      %dma_wait3A_103 = arith.constant 0 : i32
      %dma_wait3A_104 = tpu.memref_slice %arg2[%dma_wait3A_102, %dma_wait3A_103] : memref<10000x128xf32, #tpu.memory_space<hbm>> -> memref<10000x128xf32, #tpu.memory_space<hbm>>
      tpu.wait_indirect_dma semaphore(%arg11 : memref<!tpu.dma_semaphore, #tpu.memory_space<semaphore_mem>>) src(%dma_wait3A_104 : memref<10000x128xf32, #tpu.memory_space<hbm>>) dst(%arg8 : memref<100x128xf32, #tpu.memory_space<vmem>>)
      "tpu.region"() ({
        %run_scoped3A_131 = tpu.sem_alloc : memref<!tpu.dma_semaphore, #tpu.memory_space<semaphore_mem>>
        %dma_start3A_132 = arith.constant 0 : i32
        %dma_start3A_133 = tpu.memref_slice %arg7[%add3A_98, %dma_start3A_132] : memref<50x100xi32, #tpu.memory_space<vmem>> -> memref<1x100xi32, #tpu.memory_space<vmem>>
        %dma_start3A_134 = tpu.memref_squeeze %dma_start3A_133 : memref<1x100xi32, #tpu.memory_space<vmem>> -> memref<100xi32, #tpu.memory_space<vmem>>
        %dma_start3A_135 = arith.constant 0 : i32
        %dma_start3A_136 = arith.constant 0 : i32
        %dma_start3A_137 = tpu.memref_slice %arg10[%dma_start3A_135, %dma_start3A_136] : memref<10000x128xf32, #tpu.memory_space<vmem_shared>> -> memref<10000x128xf32, #tpu.memory_space<vmem_shared>>
        tpu.enqueue_indirect_dma source(%arg8 : memref<100x128xf32, #tpu.memory_space<vmem>>) target(%dma_start3A_137 : memref<10000x128xf32, #tpu.memory_space<vmem_shared>>) offsets(%dma_start3A_134 : memref<100xi32, #tpu.memory_space<vmem>>) semaphore(%run_scoped3A_131 : memref<!tpu.dma_semaphore, #tpu.memory_space<semaphore_mem>>) {add = true}
        %dma_wait3A_138 = arith.constant 0 : i32
        %dma_wait3A_139 = tpu.memref_slice %arg7[%add3A_98, %dma_wait3A_138] : memref<50x100xi32, #tpu.memory_space<vmem>> -> memref<1x100xi32, #tpu.memory_space<vmem>>
        %dma_wait3A_140 = tpu.memref_squeeze %dma_wait3A_139 : memref<1x100xi32, #tpu.memory_space<vmem>> -> memref<100xi32, #tpu.memory_space<vmem>>
        %dma_wait3A_141 = arith.constant 0 : i32
        %dma_wait3A_142 = arith.constant 0 : i32
        %dma_wait3A_143 = tpu.memref_slice %arg10[%dma_wait3A_141, %dma_wait3A_142] : memref<10000x128xf32, #tpu.memory_space<vmem_shared>> -> memref<10000x128xf32, #tpu.memory_space<vmem_shared>>
        tpu.wait_indirect_dma semaphore(%run_scoped3A_131 : memref<!tpu.dma_semaphore, #tpu.memory_space<semaphore_mem>>) src(%arg8 : memref<100x128xf32, #tpu.memory_space<vmem>>) dst(%dma_wait3A_143 : memref<10000x128xf32, #tpu.memory_space<vmem_shared>>)
        tpu.yield
      }) : () -> ()
      %add3A_105 = arith.constant 2 : i32
      %add3A_106 = arith.addi %add3A_98, %add3A_105 : i32
      %dma_start3A_107 = arith.constant 0 : i32
      %dma_start3A_108 = tpu.memref_slice %arg6[%add3A_106, %dma_start3A_107] : memref<50x100xi32, #tpu.memory_space<vmem>> -> memref<1x100xi32, #tpu.memory_space<vmem>>
      %dma_start3A_109 = tpu.memref_squeeze %dma_start3A_108 : memref<1x100xi32, #tpu.memory_space<vmem>> -> memref<100xi32, #tpu.memory_space<vmem>>
      %dma_start3A_110 = arith.constant 0 : i32
      %dma_start3A_111 = arith.constant 0 : i32
      %dma_start3A_112 = tpu.memref_slice %arg2[%dma_start3A_110, %dma_start3A_111] : memref<10000x128xf32, #tpu.memory_space<hbm>> -> memref<10000x128xf32, #tpu.memory_space<hbm>>
      tpu.enqueue_indirect_dma source(%dma_start3A_112 : memref<10000x128xf32, #tpu.memory_space<hbm>>) target(%arg8 : memref<100x128xf32, #tpu.memory_space<vmem>>) offsets(%dma_start3A_109 : memref<100xi32, #tpu.memory_space<vmem>>) semaphore(%arg11 : memref<!tpu.dma_semaphore, #tpu.memory_space<semaphore_mem>>)
      %add3A_113 = arith.constant 1 : i32
      %add3A_114 = arith.addi %add3A_98, %add3A_113 : i32
      %dma_wait3A_115 = arith.constant 0 : i32
      %dma_wait3A_116 = tpu.memref_slice %arg6[%add3A_114, %dma_wait3A_115] : memref<50x100xi32, #tpu.memory_space<vmem>> -> memref<1x100xi32, #tpu.memory_space<vmem>>
      %dma_wait3A_117 = tpu.memref_squeeze %dma_wait3A_116 : memref<1x100xi32, #tpu.memory_space<vmem>> -> memref<100xi32, #tpu.memory_space<vmem>>
      %dma_wait3A_118 = arith.constant 0 : i32
      %dma_wait3A_119 = arith.constant 0 : i32
      %dma_wait3A_120 = tpu.memref_slice %arg2[%dma_wait3A_118, %dma_wait3A_119] : memref<10000x128xf32, #tpu.memory_space<hbm>> -> memref<10000x128xf32, #tpu.memory_space<hbm>>
      tpu.wait_indirect_dma semaphore(%arg12 : memref<!tpu.dma_semaphore, #tpu.memory_space<semaphore_mem>>) src(%dma_wait3A_120 : memref<10000x128xf32, #tpu.memory_space<hbm>>) dst(%arg9 : memref<100x128xf32, #tpu.memory_space<vmem>>)
      %add3A_121 = arith.constant 1 : i32
      %add3A_122 = arith.addi %add3A_98, %add3A_121 : i32
      "tpu.region"() ({
        %run_scoped3A_131 = tpu.sem_alloc : memref<!tpu.dma_semaphore, #tpu.memory_space<semaphore_mem>>
        %dma_start3A_132 = arith.constant 0 : i32
        %dma_start3A_133 = tpu.memref_slice %arg7[%add3A_122, %dma_start3A_132] : memref<50x100xi32, #tpu.memory_space<vmem>> -> memref<1x100xi32, #tpu.memory_space<vmem>>
        %dma_start3A_134 = tpu.memref_squeeze %dma_start3A_133 : memref<1x100xi32, #tpu.memory_space<vmem>> -> memref<100xi32, #tpu.memory_space<vmem>>
        %dma_start3A_135 = arith.constant 0 : i32
        %dma_start3A_136 = arith.constant 0 : i32
        %dma_start3A_137 = tpu.memref_slice %arg10[%dma_start3A_135, %dma_start3A_136] : memref<10000x128xf32, #tpu.memory_space<vmem_shared>> -> memref<10000x128xf32, #tpu.memory_space<vmem_shared>>
        tpu.enqueue_indirect_dma source(%arg9 : memref<100x128xf32, #tpu.memory_space<vmem>>) target(%dma_start3A_137 : memref<10000x128xf32, #tpu.memory_space<vmem_shared>>) offsets(%dma_start3A_134 : memref<100xi32, #tpu.memory_space<vmem>>) semaphore(%run_scoped3A_131 : memref<!tpu.dma_semaphore, #tpu.memory_space<semaphore_mem>>) {add = true}
        %dma_wait3A_138 = arith.constant 0 : i32
        %dma_wait3A_139 = tpu.memref_slice %arg7[%add3A_122, %dma_wait3A_138] : memref<50x100xi32, #tpu.memory_space<vmem>> -> memref<1x100xi32, #tpu.memory_space<vmem>>
        %dma_wait3A_140 = tpu.memref_squeeze %dma_wait3A_139 : memref<1x100xi32, #tpu.memory_space<vmem>> -> memref<100xi32, #tpu.memory_space<vmem>>
        %dma_wait3A_141 = arith.constant 0 : i32
        %dma_wait3A_142 = arith.constant 0 : i32
        %dma_wait3A_143 = tpu.memref_slice %arg10[%dma_wait3A_141, %dma_wait3A_142] : memref<10000x128xf32, #tpu.memory_space<vmem_shared>> -> memref<10000x128xf32, #tpu.memory_space<vmem_shared>>
        tpu.wait_indirect_dma semaphore(%run_scoped3A_131 : memref<!tpu.dma_semaphore, #tpu.memory_space<semaphore_mem>>) src(%arg9 : memref<100x128xf32, #tpu.memory_space<vmem>>) dst(%dma_wait3A_143 : memref<10000x128xf32, #tpu.memory_space<vmem_shared>>)
        tpu.yield
      }) : () -> ()
      %add3A_123 = arith.constant 3 : i32
      %add3A_124 = arith.addi %add3A_98, %add3A_123 : i32
      %dma_start3A_125 = arith.constant 0 : i32
      %dma_start3A_126 = tpu.memref_slice %arg6[%add3A_124, %dma_start3A_125] : memref<50x100xi32, #tpu.memory_space<vmem>> -> memref<1x100xi32, #tpu.memory_space<vmem>>
      %dma_start3A_127 = tpu.memref_squeeze %dma_start3A_126 : memref<1x100xi32, #tpu.memory_space<vmem>> -> memref<100xi32, #tpu.memory_space<vmem>>
      %dma_start3A_128 = arith.constant 0 : i32
      %dma_start3A_129 = arith.constant 0 : i32
      %dma_start3A_130 = tpu.memref_slice %arg2[%dma_start3A_128, %dma_start3A_129] : memref<10000x128xf32, #tpu.memory_space<hbm>> -> memref<10000x128xf32, #tpu.memory_space<hbm>>
      tpu.enqueue_indirect_dma source(%dma_start3A_130 : memref<10000x128xf32, #tpu.memory_space<hbm>>) target(%arg9 : memref<100x128xf32, #tpu.memory_space<vmem>>) offsets(%dma_start3A_127 : memref<100xi32, #tpu.memory_space<vmem>>) semaphore(%arg12 : memref<!tpu.dma_semaphore, #tpu.memory_space<semaphore_mem>>)
    }
    %scan3A_71 = arith.constant 24 : i32
    %dma_wait3A_72 = arith.constant 48 : i32
    %dma_wait3A_73 = arith.constant 0 : i32
    %dma_wait3A_74 = tpu.memref_slice %arg6[%dma_wait3A_72, %dma_wait3A_73] : memref<50x100xi32, #tpu.memory_space<vmem>> -> memref<1x100xi32, #tpu.memory_space<vmem>>
    %dma_wait3A_75 = tpu.memref_squeeze %dma_wait3A_74 : memref<1x100xi32, #tpu.memory_space<vmem>> -> memref<100xi32, #tpu.memory_space<vmem>>
    %dma_wait3A_76 = arith.constant 0 : i32
    %dma_wait3A_77 = arith.constant 0 : i32
    %dma_wait3A_78 = tpu.memref_slice %arg2[%dma_wait3A_76, %dma_wait3A_77] : memref<10000x128xf32, #tpu.memory_space<hbm>> -> memref<10000x128xf32, #tpu.memory_space<hbm>>
    tpu.wait_indirect_dma semaphore(%arg11 : memref<!tpu.dma_semaphore, #tpu.memory_space<semaphore_mem>>) src(%dma_wait3A_78 : memref<10000x128xf32, #tpu.memory_space<hbm>>) dst(%arg8 : memref<100x128xf32, #tpu.memory_space<vmem>>)
    %run_scoped3A_79 = arith.constant 48 : i32
    "tpu.region"() ({
      %run_scoped3A_94 = tpu.sem_alloc : memref<!tpu.dma_semaphore, #tpu.memory_space<semaphore_mem>>
      %dma_start3A_95 = arith.constant 0 : i32
      %dma_start3A_96 = tpu.memref_slice %arg7[%run_scoped3A_79, %dma_start3A_95] : memref<50x100xi32, #tpu.memory_space<vmem>> -> memref<1x100xi32, #tpu.memory_space<vmem>>
      %dma_start3A_97 = tpu.memref_squeeze %dma_start3A_96 : memref<1x100xi32, #tpu.memory_space<vmem>> -> memref<100xi32, #tpu.memory_space<vmem>>
      %dma_start3A_98 = arith.constant 0 : i32
      %dma_start3A_99 = arith.constant 0 : i32
      %dma_start3A_100 = tpu.memref_slice %arg10[%dma_start3A_98, %dma_start3A_99] : memref<10000x128xf32, #tpu.memory_space<vmem_shared>> -> memref<10000x128xf32, #tpu.memory_space<vmem_shared>>
      tpu.enqueue_indirect_dma source(%arg8 : memref<100x128xf32, #tpu.memory_space<vmem>>) target(%dma_start3A_100 : memref<10000x128xf32, #tpu.memory_space<vmem_shared>>) offsets(%dma_start3A_97 : memref<100xi32, #tpu.memory_space<vmem>>) semaphore(%run_scoped3A_94 : memref<!tpu.dma_semaphore, #tpu.memory_space<semaphore_mem>>) {add = true}
      %dma_wait3A_101 = arith.constant 0 : i32
      %dma_wait3A_102 = tpu.memref_slice %arg7[%run_scoped3A_79, %dma_wait3A_101] : memref<50x100xi32, #tpu.memory_space<vmem>> -> memref<1x100xi32, #tpu.memory_space<vmem>>
      %dma_wait3A_103 = tpu.memref_squeeze %dma_wait3A_102 : memref<1x100xi32, #tpu.memory_space<vmem>> -> memref<100xi32, #tpu.memory_space<vmem>>
      %dma_wait3A_104 = arith.constant 0 : i32
      %dma_wait3A_105 = arith.constant 0 : i32
      %dma_wait3A_106 = tpu.memref_slice %arg10[%dma_wait3A_104, %dma_wait3A_105] : memref<10000x128xf32, #tpu.memory_space<vmem_shared>> -> memref<10000x128xf32, #tpu.memory_space<vmem_shared>>
      tpu.wait_indirect_dma semaphore(%run_scoped3A_94 : memref<!tpu.dma_semaphore, #tpu.memory_space<semaphore_mem>>) src(%arg8 : memref<100x128xf32, #tpu.memory_space<vmem>>) dst(%dma_wait3A_106 : memref<10000x128xf32, #tpu.memory_space<vmem_shared>>)
      tpu.yield
    }) : () -> ()
    %dma_wait3A_80 = arith.constant 49 : i32
    %dma_wait3A_81 = arith.constant 0 : i32
    %dma_wait3A_82 = tpu.memref_slice %arg6[%dma_wait3A_80, %dma_wait3A_81] : memref<50x100xi32, #tpu.memory_space<vmem>> -> memref<1x100xi32, #tpu.memory_space<vmem>>
    %dma_wait3A_83 = tpu.memref_squeeze %dma_wait3A_82 : memref<1x100xi32, #tpu.memory_space<vmem>> -> memref<100xi32, #tpu.memory_space<vmem>>
    %dma_wait3A_84 = arith.constant 0 : i32
    %dma_wait3A_85 = arith.constant 0 : i32
    %dma_wait3A_86 = tpu.memref_slice %arg2[%dma_wait3A_84, %dma_wait3A_85] : memref<10000x128xf32, #tpu.memory_space<hbm>> -> memref<10000x128xf32, #tpu.memory_space<hbm>>
    tpu.wait_indirect_dma semaphore(%arg12 : memref<!tpu.dma_semaphore, #tpu.memory_space<semaphore_mem>>) src(%dma_wait3A_86 : memref<10000x128xf32, #tpu.memory_space<hbm>>) dst(%arg9 : memref<100x128xf32, #tpu.memory_space<vmem>>)
    %run_scoped3A_87 = arith.constant 49 : i32
    "tpu.region"() ({
      %run_scoped3A_94 = tpu.sem_alloc : memref<!tpu.dma_semaphore, #tpu.memory_space<semaphore_mem>>
      %dma_start3A_95 = arith.constant 0 : i32
      %dma_start3A_96 = tpu.memref_slice %arg7[%run_scoped3A_87, %dma_start3A_95] : memref<50x100xi32, #tpu.memory_space<vmem>> -> memref<1x100xi32, #tpu.memory_space<vmem>>
      %dma_start3A_97 = tpu.memref_squeeze %dma_start3A_96 : memref<1x100xi32, #tpu.memory_space<vmem>> -> memref<100xi32, #tpu.memory_space<vmem>>
      %dma_start3A_98 = arith.constant 0 : i32
      %dma_start3A_99 = arith.constant 0 : i32
      %dma_start3A_100 = tpu.memref_slice %arg10[%dma_start3A_98, %dma_start3A_99] : memref<10000x128xf32, #tpu.memory_space<vmem_shared>> -> memref<10000x128xf32, #tpu.memory_space<vmem_shared>>
      tpu.enqueue_indirect_dma source(%arg9 : memref<100x128xf32, #tpu.memory_space<vmem>>) target(%dma_start3A_100 : memref<10000x128xf32, #tpu.memory_space<vmem_shared>>) offsets(%dma_start3A_97 : memref<100xi32, #tpu.memory_space<vmem>>) semaphore(%run_scoped3A_94 : memref<!tpu.dma_semaphore, #tpu.memory_space<semaphore_mem>>) {add = true}
      %dma_wait3A_101 = arith.constant 0 : i32
      %dma_wait3A_102 = tpu.memref_slice %arg7[%run_scoped3A_87, %dma_wait3A_101] : memref<50x100xi32, #tpu.memory_space<vmem>> -> memref<1x100xi32, #tpu.memory_space<vmem>>
      %dma_wait3A_103 = tpu.memref_squeeze %dma_wait3A_102 : memref<1x100xi32, #tpu.memory_space<vmem>> -> memref<100xi32, #tpu.memory_space<vmem>>
      %dma_wait3A_104 = arith.constant 0 : i32
      %dma_wait3A_105 = arith.constant 0 : i32
      %dma_wait3A_106 = tpu.memref_slice %arg10[%dma_wait3A_104, %dma_wait3A_105] : memref<10000x128xf32, #tpu.memory_space<vmem_shared>> -> memref<10000x128xf32, #tpu.memory_space<vmem_shared>>
      tpu.wait_indirect_dma semaphore(%run_scoped3A_94 : memref<!tpu.dma_semaphore, #tpu.memory_space<semaphore_mem>>) src(%arg9 : memref<100x128xf32, #tpu.memory_space<vmem>>) dst(%dma_wait3A_106 : memref<10000x128xf32, #tpu.memory_space<vmem_shared>>)
      tpu.yield
    }) : () -> ()
    %barrier3A_88 = arith.constant 0 : index
    tpu.barrier barrier_id(%barrier3A_88)
    "tpu.region"() ({
      %run_scoped3A_94 = tpu.sem_alloc : memref<!tpu.dma_semaphore, #tpu.memory_space<semaphore_mem>>
      %dma_start3A_95 = arith.constant 0 : i32
      %dma_start3A_96 = tpu.memref_slice %arg5[%arg0, %multiple_of3A, %dma_start3A_95] : memref<2x10000x128xf32, #tpu.memory_space<hbm>> -> memref<1x624x128xf32, #tpu.memory_space<hbm>>
      %dma_start3A_97 = tpu.memref_squeeze %dma_start3A_96 : memref<1x624x128xf32, #tpu.memory_space<hbm>> -> memref<624x128xf32, #tpu.memory_space<hbm>>
      %dma_start3A_98 = arith.constant 0 : i32
      %dma_start3A_99 = tpu.memref_slice %arg10[%multiple_of3A, %dma_start3A_98] : memref<10000x128xf32, #tpu.memory_space<vmem_shared>> -> memref<624x128xf32, #tpu.memory_space<vmem_shared>>
      tpu.enqueue_dma source(%dma_start3A_99 : memref<624x128xf32, #tpu.memory_space<vmem_shared>>) target(%dma_start3A_97 : memref<624x128xf32, #tpu.memory_space<hbm>>) target_semaphore(%run_scoped3A_94 : memref<!tpu.dma_semaphore, #tpu.memory_space<semaphore_mem>>)
      %dma_wait3A_100 = arith.constant 0 : i32
      %dma_wait3A_101 = tpu.memref_slice %arg5[%arg0, %multiple_of3A, %dma_wait3A_100] : memref<2x10000x128xf32, #tpu.memory_space<hbm>> -> memref<1x624x128xf32, #tpu.memory_space<hbm>>
      %dma_wait3A_102 = tpu.memref_squeeze %dma_wait3A_101 : memref<1x624x128xf32, #tpu.memory_space<hbm>> -> memref<624x128xf32, #tpu.memory_space<hbm>>
      %dma_wait3A_103 = arith.constant 0 : i32
      %dma_wait3A_104 = tpu.memref_slice %arg10[%multiple_of3A, %dma_wait3A_103] : memref<10000x128xf32, #tpu.memory_space<vmem_shared>> -> memref<624x128xf32, #tpu.memory_space<vmem_shared>>
      tpu.wait_dma2 semaphore(%run_scoped3A_94 : memref<!tpu.dma_semaphore, #tpu.memory_space<semaphore_mem>>) src(%dma_wait3A_104 : memref<624x128xf32, #tpu.memory_space<vmem_shared>>) dst(%dma_wait3A_102 : memref<624x128xf32, #tpu.memory_space<hbm>>)
      tpu.yield
    }) : () -> ()
    %eq3A_89 = arith.constant 15 : i32
    %eq3A_90 = arith.cmpi eq, %arg1, %eq3A_89 : i32
    %convert_element_type3A_91 = arith.extui %eq3A_90 : i1 to i32
    %cond3A_92 = arith.constant 0 : i32
    %cond3A_93 = arith.cmpi ne, %convert_element_type3A_91, %cond3A_92 : i32
    scf.if %cond3A_93 {
      "tpu.region"() ({
        %run_scoped3A_94 = tpu.sem_alloc : memref<!tpu.dma_semaphore, #tpu.memory_space<semaphore_mem>>
        %dma_start3A_95 = arith.constant 9984 : i32
        %dma_start3A_96 = arith.constant 0 : i32
        %dma_start3A_97 = tpu.memref_slice %arg5[%arg0, %dma_start3A_95, %dma_start3A_96] : memref<2x10000x128xf32, #tpu.memory_space<hbm>> -> memref<1x16x128xf32, #tpu.memory_space<hbm>>
        %dma_start3A_98 = tpu.memref_squeeze %dma_start3A_97 : memref<1x16x128xf32, #tpu.memory_space<hbm>> -> memref<16x128xf32, #tpu.memory_space<hbm>>
        %dma_start3A_99 = arith.constant 9984 : i32
        %dma_start3A_100 = arith.constant 0 : i32
        %dma_start3A_101 = tpu.memref_slice %arg10[%dma_start3A_99, %dma_start3A_100] : memref<10000x128xf32, #tpu.memory_space<vmem_shared>> -> memref<16x128xf32, #tpu.memory_space<vmem_shared>>
        tpu.enqueue_dma source(%dma_start3A_101 : memref<16x128xf32, #tpu.memory_space<vmem_shared>>) target(%dma_start3A_98 : memref<16x128xf32, #tpu.memory_space<hbm>>) target_semaphore(%run_scoped3A_94 : memref<!tpu.dma_semaphore, #tpu.memory_space<semaphore_mem>>)
        %dma_wait3A_102 = arith.constant 9984 : i32
        %dma_wait3A_103 = arith.constant 0 : i32
        %dma_wait3A_104 = tpu.memref_slice %arg5[%arg0, %dma_wait3A_102, %dma_wait3A_103] : memref<2x10000x128xf32, #tpu.memory_space<hbm>> -> memref<1x16x128xf32, #tpu.memory_space<hbm>>
        %dma_wait3A_105 = tpu.memref_squeeze %dma_wait3A_104 : memref<1x16x128xf32, #tpu.memory_space<hbm>> -> memref<16x128xf32, #tpu.memory_space<hbm>>
        %dma_wait3A_106 = arith.constant 9984 : i32
        %dma_wait3A_107 = arith.constant 0 : i32
        %dma_wait3A_108 = tpu.memref_slice %arg10[%dma_wait3A_106, %dma_wait3A_107] : memref<10000x128xf32, #tpu.memory_space<vmem_shared>> -> memref<16x128xf32, #tpu.memory_space<vmem_shared>>
        tpu.wait_dma2 semaphore(%run_scoped3A_94 : memref<!tpu.dma_semaphore, #tpu.memory_space<semaphore_mem>>) src(%dma_wait3A_108 : memref<16x128xf32, #tpu.memory_space<vmem_shared>>) dst(%dma_wait3A_105 : memref<16x128xf32, #tpu.memory_space<hbm>>)
        tpu.yield
      }) : () -> ()
    } else {
    }
    return
  }
}

#map = affine_map<(d0, d1) -> (0, 0)>
#map1 = affine_map<(d0, d1) -> (0, 0, 0, 0)>
#map2 = affine_map<(d0, d1) -> (0, 0, 0)>
module attributes {stable_mosaic.version = 14 : i64} {
  func.func @k(%arg0: i32, %arg1: i32, %arg2: memref<10000x128xf32, #tpu.memory_space<hbm>>, %arg3: memref<32x2x50x100xi32, #tpu.memory_space<hbm>>, %arg4: memref<32x2x50x100xi32, #tpu.memory_space<hbm>>, %arg5: memref<2x10000x128xf32, #tpu.memory_space<hbm>>, %arg6: memref<50x100xi32, #tpu.memory_space<vmem>>, %arg7: memref<50x100xi32, #tpu.memory_space<vmem>>, %arg8: memref<100x128xf32, #tpu.memory_space<vmem>>, %arg9: memref<100x128xf32, #tpu.memory_space<vmem>>, %arg10: memref<10000x128xf32, #tpu.memory_space<vmem_shared>>, %arg11: memref<!tpu.dma_semaphore, #tpu.memory_space<semaphore_mem>>, %arg12: memref<!tpu.dma_semaphore, #tpu.memory_space<semaphore_mem>>, %arg13: memref<!tpu.dma_semaphore, #tpu.memory_space<semaphore_mem>>) attributes {dimension_semantics = [#tpu.dimension_semantics<core_parallel>, #tpu.dimension_semantics<subcore_parallel>], iteration_bounds = array<i64: 2, 16>, scalar_prefetch = 0 : i64, scratch_operands = 8 : i64, tpu.core_type = #tpu.core_type<sc_vector_subcore>, window_params = [{transform_indices = #map}, {transform_indices = #map1}, {transform_indices = #map1}, {transform_indices = #map2}]} {
    %mul3A = arith.constant 2 : i32
    %mul3A_0 = arith.muli %arg1, %mul3A : i32
    %add3A = arith.addi %mul3A_0, %arg0 : i32
    %mul3A_1 = arith.constant 624 : i32
    %mul3A_2 = arith.muli %arg1, %mul3A_1 : i32
    %multiple_of3A = tpu.assume_multiple %mul3A_2, 8 : i32
    %dma_start3A = arith.constant 0 : i32
    %dma_start3A_3 = tpu.memref_slice %arg10[%multiple_of3A, %dma_start3A] : memref<10000x128xf32, #tpu.memory_space<vmem_shared>> -> memref<624x128xf32, #tpu.memory_space<vmem_shared>>
    %dma_start3A_4 = arith.constant 0 : i32
    %dma_start3A_5 = tpu.memref_slice %arg2[%multiple_of3A, %dma_start3A_4] : memref<10000x128xf32, #tpu.memory_space<hbm>> -> memref<624x128xf32, #tpu.memory_space<hbm>>
    tpu.enqueue_dma source(%dma_start3A_5 : memref<624x128xf32, #tpu.memory_space<hbm>>) target(%dma_start3A_3 : memref<624x128xf32, #tpu.memory_space<vmem_shared>>) target_semaphore(%arg13 : memref<!tpu.dma_semaphore, #tpu.memory_space<semaphore_mem>>)
    %eq3A = arith.constant 15 : i32
    %eq3A_6 = arith.cmpi eq, %arg1, %eq3A : i32
    %convert_element_type3A = arith.extui %eq3A_6 : i1 to i32
    %cond3A = arith.constant 0 : i32
    %cond3A_7 = arith.cmpi ne, %convert_element_type3A, %cond3A : i32
    scf.if %cond3A_7 {
      %dma_start3A_94 = arith.constant 9984 : i32
      %dma_start3A_95 = arith.constant 0 : i32
      %dma_start3A_96 = tpu.memref_slice %arg10[%dma_start3A_94, %dma_start3A_95] : memref<10000x128xf32, #tpu.memory_space<vmem_shared>> -> memref<16x128xf32, #tpu.memory_space<vmem_shared>>
      %dma_start3A_97 = arith.constant 9984 : i32
      %dma_start3A_98 = arith.constant 0 : i32
      %dma_start3A_99 = tpu.memref_slice %arg2[%dma_start3A_97, %dma_start3A_98] : memref<10000x128xf32, #tpu.memory_space<hbm>> -> memref<16x128xf32, #tpu.memory_space<hbm>>
      tpu.enqueue_dma source(%dma_start3A_99 : memref<16x128xf32, #tpu.memory_space<hbm>>) target(%dma_start3A_96 : memref<16x128xf32, #tpu.memory_space<vmem_shared>>) target_semaphore(%arg13 : memref<!tpu.dma_semaphore, #tpu.memory_space<semaphore_mem>>)
    } else {
    }
    %run_scoped3A = arith.constant 0 : i32
    "tpu.region"() ({
      %run_scoped3A_94 = tpu.sem_alloc : memref<!tpu.dma_semaphore, #tpu.memory_space<semaphore_mem>>
      %dma_start3A_95 = arith.constant 0 : i32
      %dma_start3A_96 = arith.constant 0 : i32
      %dma_start3A_97 = tpu.memref_slice %arg3[%add3A, %run_scoped3A, %dma_start3A_95, %dma_start3A_96] : memref<32x2x50x100xi32, #tpu.memory_space<hbm>> -> memref<1x1x50x100xi32, #tpu.memory_space<hbm>>
      %dma_start3A_98 = tpu.memref_squeeze %dma_start3A_97 : memref<1x1x50x100xi32, #tpu.memory_space<hbm>> -> memref<50x100xi32, #tpu.memory_space<hbm>>
      %dma_start3A_99 = arith.constant 0 : i32
      %dma_start3A_100 = arith.constant 0 : i32
      %dma_start3A_101 = tpu.memref_slice %arg3[%add3A, %run_scoped3A, %dma_start3A_99, %dma_start3A_100] : memref<32x2x50x100xi32, #tpu.memory_space<hbm>> -> memref<1x1x50x100xi32, #tpu.memory_space<hbm>>
      %dma_start3A_102 = tpu.memref_squeeze %dma_start3A_101 : memref<1x1x50x100xi32, #tpu.memory_space<hbm>> -> memref<50x100xi32, #tpu.memory_space<hbm>>
      tpu.enqueue_dma source(%dma_start3A_102 : memref<50x100xi32, #tpu.memory_space<hbm>>) target(%arg6 : memref<50x100xi32, #tpu.memory_space<vmem>>) target_semaphore(%run_scoped3A_94 : memref<!tpu.dma_semaphore, #tpu.memory_space<semaphore_mem>>)
      %dma_wait3A_103 = arith.constant 0 : i32
      %dma_wait3A_104 = arith.constant 0 : i32
      %dma_wait3A_105 = tpu.memref_slice %arg3[%add3A, %run_scoped3A, %dma_wait3A_103, %dma_wait3A_104] : memref<32x2x50x100xi32, #tpu.memory_space<hbm>> -> memref<1x1x50x100xi32, #tpu.memory_space<hbm>>
      %dma_wait3A_106 = tpu.memref_squeeze %dma_wait3A_105 : memref<1x1x50x100xi32, #tpu.memory_space<hbm>> -> memref<50x100xi32, #tpu.memory_space<hbm>>
      %dma_wait3A_107 = arith.constant 0 : i32
      %dma_wait3A_108 = arith.constant 0 : i32
      %dma_wait3A_109 = tpu.memref_slice %arg3[%add3A, %run_scoped3A, %dma_wait3A_107, %dma_wait3A_108] : memref<32x2x50x100xi32, #tpu.memory_space<hbm>> -> memref<1x1x50x100xi32, #tpu.memory_space<hbm>>
      %dma_wait3A_110 = tpu.memref_squeeze %dma_wait3A_109 : memref<1x1x50x100xi32, #tpu.memory_space<hbm>> -> memref<50x100xi32, #tpu.memory_space<hbm>>
      tpu.wait_dma2 semaphore(%run_scoped3A_94 : memref<!tpu.dma_semaphore, #tpu.memory_space<semaphore_mem>>) src(%dma_wait3A_110 : memref<50x100xi32, #tpu.memory_space<hbm>>) dst(%arg6 : memref<50x100xi32, #tpu.memory_space<vmem>>)
      tpu.yield
    }) : () -> ()
    %run_scoped3A_8 = arith.constant 0 : i32
    "tpu.region"() ({
      %run_scoped3A_94 = tpu.sem_alloc : memref<!tpu.dma_semaphore, #tpu.memory_space<semaphore_mem>>
      %dma_start3A_95 = arith.constant 0 : i32
      %dma_start3A_96 = arith.constant 0 : i32
      %dma_start3A_97 = tpu.memref_slice %arg4[%add3A, %run_scoped3A_8, %dma_start3A_95, %dma_start3A_96] : memref<32x2x50x100xi32, #tpu.memory_space<hbm>> -> memref<1x1x50x100xi32, #tpu.memory_space<hbm>>
      %dma_start3A_98 = tpu.memref_squeeze %dma_start3A_97 : memref<1x1x50x100xi32, #tpu.memory_space<hbm>> -> memref<50x100xi32, #tpu.memory_space<hbm>>
      %dma_start3A_99 = arith.constant 0 : i32
      %dma_start3A_100 = arith.constant 0 : i32
      %dma_start3A_101 = tpu.memref_slice %arg4[%add3A, %run_scoped3A_8, %dma_start3A_99, %dma_start3A_100] : memref<32x2x50x100xi32, #tpu.memory_space<hbm>> -> memref<1x1x50x100xi32, #tpu.memory_space<hbm>>
      %dma_start3A_102 = tpu.memref_squeeze %dma_start3A_101 : memref<1x1x50x100xi32, #tpu.memory_space<hbm>> -> memref<50x100xi32, #tpu.memory_space<hbm>>
      tpu.enqueue_dma source(%dma_start3A_102 : memref<50x100xi32, #tpu.memory_space<hbm>>) target(%arg7 : memref<50x100xi32, #tpu.memory_space<vmem>>) target_semaphore(%run_scoped3A_94 : memref<!tpu.dma_semaphore, #tpu.memory_space<semaphore_mem>>)
      %dma_wait3A_103 = arith.constant 0 : i32
      %dma_wait3A_104 = arith.constant 0 : i32
      %dma_wait3A_105 = tpu.memref_slice %arg4[%add3A, %run_scoped3A_8, %dma_wait3A_103, %dma_wait3A_104] : memref<32x2x50x100xi32, #tpu.memory_space<hbm>> -> memref<1x1x50x100xi32, #tpu.memory_space<hbm>>
      %dma_wait3A_106 = tpu.memref_squeeze %dma_wait3A_105 : memref<1x1x50x100xi32, #tpu.memory_space<hbm>> -> memref<50x100xi32, #tpu.memory_space<hbm>>
      %dma_wait3A_107 = arith.constant 0 : i32
      %dma_wait3A_108 = arith.constant 0 : i32
      %dma_wait3A_109 = tpu.memref_slice %arg4[%add3A, %run_scoped3A_8, %dma_wait3A_107, %dma_wait3A_108] : memref<32x2x50x100xi32, #tpu.memory_space<hbm>> -> memref<1x1x50x100xi32, #tpu.memory_space<hbm>>
      %dma_wait3A_110 = tpu.memref_squeeze %dma_wait3A_109 : memref<1x1x50x100xi32, #tpu.memory_space<hbm>> -> memref<50x100xi32, #tpu.memory_space<hbm>>
      tpu.wait_dma2 semaphore(%run_scoped3A_94 : memref<!tpu.dma_semaphore, #tpu.memory_space<semaphore_mem>>) src(%dma_wait3A_110 : memref<50x100xi32, #tpu.memory_space<hbm>>) dst(%arg7 : memref<50x100xi32, #tpu.memory_space<vmem>>)
      tpu.yield
    }) : () -> ()
    %dma_start3A_9 = arith.constant 0 : i32
    %dma_start3A_10 = arith.constant 0 : i32
    %dma_start3A_11 = tpu.memref_slice %arg6[%dma_start3A_9, %dma_start3A_10] : memref<50x100xi32, #tpu.memory_space<vmem>> -> memref<1x100xi32, #tpu.memory_space<vmem>>
    %dma_start3A_12 = tpu.memref_squeeze %dma_start3A_11 : memref<1x100xi32, #tpu.memory_space<vmem>> -> memref<100xi32, #tpu.memory_space<vmem>>
    %dma_start3A_13 = arith.constant 0 : i32
    %dma_start3A_14 = arith.constant 0 : i32
    %dma_start3A_15 = tpu.memref_slice %arg2[%dma_start3A_13, %dma_start3A_14] : memref<10000x128xf32, #tpu.memory_space<hbm>> -> memref<10000x128xf32, #tpu.memory_space<hbm>>
    tpu.enqueue_indirect_dma source(%dma_start3A_15 : memref<10000x128xf32, #tpu.memory_space<hbm>>) target(%arg8 : memref<100x128xf32, #tpu.memory_space<vmem>>) offsets(%dma_start3A_12 : memref<100xi32, #tpu.memory_space<vmem>>) semaphore(%arg11 : memref<!tpu.dma_semaphore, #tpu.memory_space<semaphore_mem>>)
    %dma_start3A_16 = arith.constant 1 : i32
    %dma_start3A_17 = arith.constant 0 : i32
    %dma_start3A_18 = tpu.memref_slice %arg6[%dma_start3A_16, %dma_start3A_17] : memref<50x100xi32, #tpu.memory_space<vmem>> -> memref<1x100xi32, #tpu.memory_space<vmem>>
    %dma_start3A_19 = tpu.memref_squeeze %dma_start3A_18 : memref<1x100xi32, #tpu.memory_space<vmem>> -> memref<100xi32, #tpu.memory_space<vmem>>
    %dma_start3A_20 = arith.constant 0 : i32
    %dma_start3A_21 = arith.constant 0 : i32
    %dma_start3A_22 = tpu.memref_slice %arg2[%dma_start3A_20, %dma_start3A_21] : memref<10000x128xf32, #tpu.memory_space<hbm>> -> memref<10000x128xf32, #tpu.memory_space<hbm>>
    tpu.enqueue_indirect_dma source(%dma_start3A_22 : memref<10000x128xf32, #tpu.memory_space<hbm>>) target(%arg9 : memref<100x128xf32, #tpu.memory_space<vmem>>) offsets(%dma_start3A_19 : memref<100xi32, #tpu.memory_space<vmem>>) semaphore(%arg12 : memref<!tpu.dma_semaphore, #tpu.memory_space<semaphore_mem>>)
    %dma_wait3A = arith.constant 0 : i32
    %dma_wait3A_23 = tpu.memref_slice %arg10[%multiple_of3A, %dma_wait3A] : memref<10000x128xf32, #tpu.memory_space<vmem_shared>> -> memref<624x128xf32, #tpu.memory_space<vmem_shared>>
    %dma_wait3A_24 = arith.constant 0 : i32
    %dma_wait3A_25 = tpu.memref_slice %arg2[%multiple_of3A, %dma_wait3A_24] : memref<10000x128xf32, #tpu.memory_space<hbm>> -> memref<624x128xf32, #tpu.memory_space<hbm>>
    tpu.wait_dma2 semaphore(%arg13 : memref<!tpu.dma_semaphore, #tpu.memory_space<semaphore_mem>>) src(%dma_wait3A_25 : memref<624x128xf32, #tpu.memory_space<hbm>>) dst(%dma_wait3A_23 : memref<624x128xf32, #tpu.memory_space<vmem_shared>>)
    %eq3A_26 = arith.constant 15 : i32
    %eq3A_27 = arith.cmpi eq, %arg1, %eq3A_26 : i32
    %convert_element_type3A_28 = arith.extui %eq3A_27 : i1 to i32
    %cond3A_29 = arith.constant 0 : i32
    %cond3A_30 = arith.cmpi ne, %convert_element_type3A_28, %cond3A_29 : i32
    scf.if %cond3A_30 {
      %dma_wait3A_94 = arith.constant 9984 : i32
      %dma_wait3A_95 = arith.constant 0 : i32
      %dma_wait3A_96 = tpu.memref_slice %arg10[%dma_wait3A_94, %dma_wait3A_95] : memref<10000x128xf32, #tpu.memory_space<vmem_shared>> -> memref<16x128xf32, #tpu.memory_space<vmem_shared>>
      %dma_wait3A_97 = arith.constant 9984 : i32
      %dma_wait3A_98 = arith.constant 0 : i32
      %dma_wait3A_99 = tpu.memref_slice %arg2[%dma_wait3A_97, %dma_wait3A_98] : memref<10000x128xf32, #tpu.memory_space<hbm>> -> memref<16x128xf32, #tpu.memory_space<hbm>>
      tpu.wait_dma2 semaphore(%arg13 : memref<!tpu.dma_semaphore, #tpu.memory_space<semaphore_mem>>) src(%dma_wait3A_99 : memref<16x128xf32, #tpu.memory_space<hbm>>) dst(%dma_wait3A_96 : memref<16x128xf32, #tpu.memory_space<vmem_shared>>)
    } else {
    }
    %barrier3A = arith.constant 0 : index
    tpu.barrier barrier_id(%barrier3A)
    %scan3A = arith.constant 0 : i32
    %scan3A_31 = arith.constant 24 : i32
    %scan3A_32 = arith.addi %scan3A, %scan3A_31 : i32
    %scan3A_33 = arith.constant 1 : i32
    scf.for %scan3A_94 = %scan3A to %scan3A_32 step %scan3A_33  : i32 {
      %mul3A_95 = arith.constant 2 : i32
      %mul3A_96 = arith.muli %scan3A_94, %mul3A_95 : i32
      %add3A_97 = arith.constant 0 : i32
      %add3A_98 = arith.addi %add3A_97, %mul3A_96 : i32
      %dma_wait3A_99 = arith.constant 0 : i32
      %dma_wait3A_100 = tpu.memref_slice %arg6[%add3A_98, %dma_wait3A_99] : memref<50x100xi32, #tpu.memory_space<vmem>> -> memref<1x100xi32, #tpu.memory_space<vmem>>
      %dma_wait3A_101 = tpu.memref_squeeze %dma_wait3A_100 : memref<1x100xi32, #tpu.memory_space<vmem>> -> memref<100xi32, #tpu.memory_space<vmem>>
      %dma_wait3A_102 = arith.constant 0 : i32
      %dma_wait3A_103 = arith.constant 0 : i32
      %dma_wait3A_104 = tpu.memref_slice %arg2[%dma_wait3A_102, %dma_wait3A_103] : memref<10000x128xf32, #tpu.memory_space<hbm>> -> memref<10000x128xf32, #tpu.memory_space<hbm>>
      tpu.wait_indirect_dma semaphore(%arg11 : memref<!tpu.dma_semaphore, #tpu.memory_space<semaphore_mem>>) src(%dma_wait3A_104 : memref<10000x128xf32, #tpu.memory_space<hbm>>) dst(%arg8 : memref<100x128xf32, #tpu.memory_space<vmem>>)
      "tpu.region"() ({
        %run_scoped3A_131 = tpu.sem_alloc : memref<!tpu.dma_semaphore, #tpu.memory_space<semaphore_mem>>
        %dma_start3A_132 = arith.constant 0 : i32
        %dma_start3A_133 = tpu.memref_slice %arg7[%add3A_98, %dma_start3A_132] : memref<50x100xi32, #tpu.memory_space<vmem>> -> memref<1x100xi32, #tpu.memory_space<vmem>>
        %dma_start3A_134 = tpu.memref_squeeze %dma_start3A_133 : memref<1x100xi32, #tpu.memory_space<vmem>> -> memref<100xi32, #tpu.memory_space<vmem>>
        %dma_start3A_135 = arith.constant 0 : i32
        %dma_start3A_136 = arith.constant 0 : i32
        %dma_start3A_137 = tpu.memref_slice %arg10[%dma_start3A_135, %dma_start3A_136] : memref<10000x128xf32, #tpu.memory_space<vmem_shared>> -> memref<10000x128xf32, #tpu.memory_space<vmem_shared>>
        tpu.enqueue_indirect_dma source(%arg8 : memref<100x128xf32, #tpu.memory_space<vmem>>) target(%dma_start3A_137 : memref<10000x128xf32, #tpu.memory_space<vmem_shared>>) offsets(%dma_start3A_134 : memref<100xi32, #tpu.memory_space<vmem>>) semaphore(%run_scoped3A_131 : memref<!tpu.dma_semaphore, #tpu.memory_space<semaphore_mem>>) {add = true}
        %dma_wait3A_138 = arith.constant 0 : i32
        %dma_wait3A_139 = tpu.memref_slice %arg7[%add3A_98, %dma_wait3A_138] : memref<50x100xi32, #tpu.memory_space<vmem>> -> memref<1x100xi32, #tpu.memory_space<vmem>>
        %dma_wait3A_140 = tpu.memref_squeeze %dma_wait3A_139 : memref<1x100xi32, #tpu.memory_space<vmem>> -> memref<100xi32, #tpu.memory_space<vmem>>
        %dma_wait3A_141 = arith.constant 0 : i32
        %dma_wait3A_142 = arith.constant 0 : i32
        %dma_wait3A_143 = tpu.memref_slice %arg10[%dma_wait3A_141, %dma_wait3A_142] : memref<10000x128xf32, #tpu.memory_space<vmem_shared>> -> memref<10000x128xf32, #tpu.memory_space<vmem_shared>>
        tpu.wait_indirect_dma semaphore(%run_scoped3A_131 : memref<!tpu.dma_semaphore, #tpu.memory_space<semaphore_mem>>) src(%arg8 : memref<100x128xf32, #tpu.memory_space<vmem>>) dst(%dma_wait3A_143 : memref<10000x128xf32, #tpu.memory_space<vmem_shared>>)
        tpu.yield
      }) : () -> ()
      %add3A_105 = arith.constant 2 : i32
      %add3A_106 = arith.addi %add3A_98, %add3A_105 : i32
      %dma_start3A_107 = arith.constant 0 : i32
      %dma_start3A_108 = tpu.memref_slice %arg6[%add3A_106, %dma_start3A_107] : memref<50x100xi32, #tpu.memory_space<vmem>> -> memref<1x100xi32, #tpu.memory_space<vmem>>
      %dma_start3A_109 = tpu.memref_squeeze %dma_start3A_108 : memref<1x100xi32, #tpu.memory_space<vmem>> -> memref<100xi32, #tpu.memory_space<vmem>>
      %dma_start3A_110 = arith.constant 0 : i32
      %dma_start3A_111 = arith.constant 0 : i32
      %dma_start3A_112 = tpu.memref_slice %arg2[%dma_start3A_110, %dma_start3A_111] : memref<10000x128xf32, #tpu.memory_space<hbm>> -> memref<10000x128xf32, #tpu.memory_space<hbm>>
      tpu.enqueue_indirect_dma source(%dma_start3A_112 : memref<10000x128xf32, #tpu.memory_space<hbm>>) target(%arg8 : memref<100x128xf32, #tpu.memory_space<vmem>>) offsets(%dma_start3A_109 : memref<100xi32, #tpu.memory_space<vmem>>) semaphore(%arg11 : memref<!tpu.dma_semaphore, #tpu.memory_space<semaphore_mem>>)
      %add3A_113 = arith.constant 1 : i32
      %add3A_114 = arith.addi %add3A_98, %add3A_113 : i32
      %dma_wait3A_115 = arith.constant 0 : i32
      %dma_wait3A_116 = tpu.memref_slice %arg6[%add3A_114, %dma_wait3A_115] : memref<50x100xi32, #tpu.memory_space<vmem>> -> memref<1x100xi32, #tpu.memory_space<vmem>>
      %dma_wait3A_117 = tpu.memref_squeeze %dma_wait3A_116 : memref<1x100xi32, #tpu.memory_space<vmem>> -> memref<100xi32, #tpu.memory_space<vmem>>
      %dma_wait3A_118 = arith.constant 0 : i32
      %dma_wait3A_119 = arith.constant 0 : i32
      %dma_wait3A_120 = tpu.memref_slice %arg2[%dma_wait3A_118, %dma_wait3A_119] : memref<10000x128xf32, #tpu.memory_space<hbm>> -> memref<10000x128xf32, #tpu.memory_space<hbm>>
      tpu.wait_indirect_dma semaphore(%arg12 : memref<!tpu.dma_semaphore, #tpu.memory_space<semaphore_mem>>) src(%dma_wait3A_120 : memref<10000x128xf32, #tpu.memory_space<hbm>>) dst(%arg9 : memref<100x128xf32, #tpu.memory_space<vmem>>)
      %add3A_121 = arith.constant 1 : i32
      %add3A_122 = arith.addi %add3A_98, %add3A_121 : i32
      "tpu.region"() ({
        %run_scoped3A_131 = tpu.sem_alloc : memref<!tpu.dma_semaphore, #tpu.memory_space<semaphore_mem>>
        %dma_start3A_132 = arith.constant 0 : i32
        %dma_start3A_133 = tpu.memref_slice %arg7[%add3A_122, %dma_start3A_132] : memref<50x100xi32, #tpu.memory_space<vmem>> -> memref<1x100xi32, #tpu.memory_space<vmem>>
        %dma_start3A_134 = tpu.memref_squeeze %dma_start3A_133 : memref<1x100xi32, #tpu.memory_space<vmem>> -> memref<100xi32, #tpu.memory_space<vmem>>
        %dma_start3A_135 = arith.constant 0 : i32
        %dma_start3A_136 = arith.constant 0 : i32
        %dma_start3A_137 = tpu.memref_slice %arg10[%dma_start3A_135, %dma_start3A_136] : memref<10000x128xf32, #tpu.memory_space<vmem_shared>> -> memref<10000x128xf32, #tpu.memory_space<vmem_shared>>
        tpu.enqueue_indirect_dma source(%arg9 : memref<100x128xf32, #tpu.memory_space<vmem>>) target(%dma_start3A_137 : memref<10000x128xf32, #tpu.memory_space<vmem_shared>>) offsets(%dma_start3A_134 : memref<100xi32, #tpu.memory_space<vmem>>) semaphore(%run_scoped3A_131 : memref<!tpu.dma_semaphore, #tpu.memory_space<semaphore_mem>>) {add = true}
        %dma_wait3A_138 = arith.constant 0 : i32
        %dma_wait3A_139 = tpu.memref_slice %arg7[%add3A_122, %dma_wait3A_138] : memref<50x100xi32, #tpu.memory_space<vmem>> -> memref<1x100xi32, #tpu.memory_space<vmem>>
        %dma_wait3A_140 = tpu.memref_squeeze %dma_wait3A_139 : memref<1x100xi32, #tpu.memory_space<vmem>> -> memref<100xi32, #tpu.memory_space<vmem>>
        %dma_wait3A_141 = arith.constant 0 : i32
        %dma_wait3A_142 = arith.constant 0 : i32
        %dma_wait3A_143 = tpu.memref_slice %arg10[%dma_wait3A_141, %dma_wait3A_142] : memref<10000x128xf32, #tpu.memory_space<vmem_shared>> -> memref<10000x128xf32, #tpu.memory_space<vmem_shared>>
        tpu.wait_indirect_dma semaphore(%run_scoped3A_131 : memref<!tpu.dma_semaphore, #tpu.memory_space<semaphore_mem>>) src(%arg9 : memref<100x128xf32, #tpu.memory_space<vmem>>) dst(%dma_wait3A_143 : memref<10000x128xf32, #tpu.memory_space<vmem_shared>>)
        tpu.yield
      }) : () -> ()
      %add3A_123 = arith.constant 3 : i32
      %add3A_124 = arith.addi %add3A_98, %add3A_123 : i32
      %dma_start3A_125 = arith.constant 0 : i32
      %dma_start3A_126 = tpu.memref_slice %arg6[%add3A_124, %dma_start3A_125] : memref<50x100xi32, #tpu.memory_space<vmem>> -> memref<1x100xi32, #tpu.memory_space<vmem>>
      %dma_start3A_127 = tpu.memref_squeeze %dma_start3A_126 : memref<1x100xi32, #tpu.memory_space<vmem>> -> memref<100xi32, #tpu.memory_space<vmem>>
      %dma_start3A_128 = arith.constant 0 : i32
      %dma_start3A_129 = arith.constant 0 : i32
      %dma_start3A_130 = tpu.memref_slice %arg2[%dma_start3A_128, %dma_start3A_129] : memref<10000x128xf32, #tpu.memory_space<hbm>> -> memref<10000x128xf32, #tpu.memory_space<hbm>>
      tpu.enqueue_indirect_dma source(%dma_start3A_130 : memref<10000x128xf32, #tpu.memory_space<hbm>>) target(%arg9 : memref<100x128xf32, #tpu.memory_space<vmem>>) offsets(%dma_start3A_127 : memref<100xi32, #tpu.memory_space<vmem>>) semaphore(%arg12 : memref<!tpu.dma_semaphore, #tpu.memory_space<semaphore_mem>>)
    }
    %scan3A_34 = arith.constant 24 : i32
    %dma_wait3A_35 = arith.constant 48 : i32
    %dma_wait3A_36 = arith.constant 0 : i32
    %dma_wait3A_37 = tpu.memref_slice %arg6[%dma_wait3A_35, %dma_wait3A_36] : memref<50x100xi32, #tpu.memory_space<vmem>> -> memref<1x100xi32, #tpu.memory_space<vmem>>
    %dma_wait3A_38 = tpu.memref_squeeze %dma_wait3A_37 : memref<1x100xi32, #tpu.memory_space<vmem>> -> memref<100xi32, #tpu.memory_space<vmem>>
    %dma_wait3A_39 = arith.constant 0 : i32
    %dma_wait3A_40 = arith.constant 0 : i32
    %dma_wait3A_41 = tpu.memref_slice %arg2[%dma_wait3A_39, %dma_wait3A_40] : memref<10000x128xf32, #tpu.memory_space<hbm>> -> memref<10000x128xf32, #tpu.memory_space<hbm>>
    tpu.wait_indirect_dma semaphore(%arg11 : memref<!tpu.dma_semaphore, #tpu.memory_space<semaphore_mem>>) src(%dma_wait3A_41 : memref<10000x128xf32, #tpu.memory_space<hbm>>) dst(%arg8 : memref<100x128xf32, #tpu.memory_space<vmem>>)
    %run_scoped3A_42 = arith.constant 48 : i32
    "tpu.region"() ({
      %run_scoped3A_94 = tpu.sem_alloc : memref<!tpu.dma_semaphore, #tpu.memory_space<semaphore_mem>>
      %dma_start3A_95 = arith.constant 0 : i32
      %dma_start3A_96 = tpu.memref_slice %arg7[%run_scoped3A_42, %dma_start3A_95] : memref<50x100xi32, #tpu.memory_space<vmem>> -> memref<1x100xi32, #tpu.memory_space<vmem>>
      %dma_start3A_97 = tpu.memref_squeeze %dma_start3A_96 : memref<1x100xi32, #tpu.memory_space<vmem>> -> memref<100xi32, #tpu.memory_space<vmem>>
      %dma_start3A_98 = arith.constant 0 : i32
      %dma_start3A_99 = arith.constant 0 : i32
      %dma_start3A_100 = tpu.memref_slice %arg10[%dma_start3A_98, %dma_start3A_99] : memref<10000x128xf32, #tpu.memory_space<vmem_shared>> -> memref<10000x128xf32, #tpu.memory_space<vmem_shared>>
      tpu.enqueue_indirect_dma source(%arg8 : memref<100x128xf32, #tpu.memory_space<vmem>>) target(%dma_start3A_100 : memref<10000x128xf32, #tpu.memory_space<vmem_shared>>) offsets(%dma_start3A_97 : memref<100xi32, #tpu.memory_space<vmem>>) semaphore(%run_scoped3A_94 : memref<!tpu.dma_semaphore, #tpu.memory_space<semaphore_mem>>) {add = true}
      %dma_wait3A_101 = arith.constant 0 : i32
      %dma_wait3A_102 = tpu.memref_slice %arg7[%run_scoped3A_42, %dma_wait3A_101] : memref<50x100xi32, #tpu.memory_space<vmem>> -> memref<1x100xi32, #tpu.memory_space<vmem>>
      %dma_wait3A_103 = tpu.memref_squeeze %dma_wait3A_102 : memref<1x100xi32, #tpu.memory_space<vmem>> -> memref<100xi32, #tpu.memory_space<vmem>>
      %dma_wait3A_104 = arith.constant 0 : i32
      %dma_wait3A_105 = arith.constant 0 : i32
      %dma_wait3A_106 = tpu.memref_slice %arg10[%dma_wait3A_104, %dma_wait3A_105] : memref<10000x128xf32, #tpu.memory_space<vmem_shared>> -> memref<10000x128xf32, #tpu.memory_space<vmem_shared>>
      tpu.wait_indirect_dma semaphore(%run_scoped3A_94 : memref<!tpu.dma_semaphore, #tpu.memory_space<semaphore_mem>>) src(%arg8 : memref<100x128xf32, #tpu.memory_space<vmem>>) dst(%dma_wait3A_106 : memref<10000x128xf32, #tpu.memory_space<vmem_shared>>)
      tpu.yield
    }) : () -> ()
    %dma_wait3A_43 = arith.constant 49 : i32
    %dma_wait3A_44 = arith.constant 0 : i32
    %dma_wait3A_45 = tpu.memref_slice %arg6[%dma_wait3A_43, %dma_wait3A_44] : memref<50x100xi32, #tpu.memory_space<vmem>> -> memref<1x100xi32, #tpu.memory_space<vmem>>
    %dma_wait3A_46 = tpu.memref_squeeze %dma_wait3A_45 : memref<1x100xi32, #tpu.memory_space<vmem>> -> memref<100xi32, #tpu.memory_space<vmem>>
    %dma_wait3A_47 = arith.constant 0 : i32
    %dma_wait3A_48 = arith.constant 0 : i32
    %dma_wait3A_49 = tpu.memref_slice %arg2[%dma_wait3A_47, %dma_wait3A_48] : memref<10000x128xf32, #tpu.memory_space<hbm>> -> memref<10000x128xf32, #tpu.memory_space<hbm>>
    tpu.wait_indirect_dma semaphore(%arg12 : memref<!tpu.dma_semaphore, #tpu.memory_space<semaphore_mem>>) src(%dma_wait3A_49 : memref<10000x128xf32, #tpu.memory_space<hbm>>) dst(%arg9 : memref<100x128xf32, #tpu.memory_space<vmem>>)
    %run_scoped3A_50 = arith.constant 49 : i32
    "tpu.region"() ({
      %run_scoped3A_94 = tpu.sem_alloc : memref<!tpu.dma_semaphore, #tpu.memory_space<semaphore_mem>>
      %dma_start3A_95 = arith.constant 0 : i32
      %dma_start3A_96 = tpu.memref_slice %arg7[%run_scoped3A_50, %dma_start3A_95] : memref<50x100xi32, #tpu.memory_space<vmem>> -> memref<1x100xi32, #tpu.memory_space<vmem>>
      %dma_start3A_97 = tpu.memref_squeeze %dma_start3A_96 : memref<1x100xi32, #tpu.memory_space<vmem>> -> memref<100xi32, #tpu.memory_space<vmem>>
      %dma_start3A_98 = arith.constant 0 : i32
      %dma_start3A_99 = arith.constant 0 : i32
      %dma_start3A_100 = tpu.memref_slice %arg10[%dma_start3A_98, %dma_start3A_99] : memref<10000x128xf32, #tpu.memory_space<vmem_shared>> -> memref<10000x128xf32, #tpu.memory_space<vmem_shared>>
      tpu.enqueue_indirect_dma source(%arg9 : memref<100x128xf32, #tpu.memory_space<vmem>>) target(%dma_start3A_100 : memref<10000x128xf32, #tpu.memory_space<vmem_shared>>) offsets(%dma_start3A_97 : memref<100xi32, #tpu.memory_space<vmem>>) semaphore(%run_scoped3A_94 : memref<!tpu.dma_semaphore, #tpu.memory_space<semaphore_mem>>) {add = true}
      %dma_wait3A_101 = arith.constant 0 : i32
      %dma_wait3A_102 = tpu.memref_slice %arg7[%run_scoped3A_50, %dma_wait3A_101] : memref<50x100xi32, #tpu.memory_space<vmem>> -> memref<1x100xi32, #tpu.memory_space<vmem>>
      %dma_wait3A_103 = tpu.memref_squeeze %dma_wait3A_102 : memref<1x100xi32, #tpu.memory_space<vmem>> -> memref<100xi32, #tpu.memory_space<vmem>>
      %dma_wait3A_104 = arith.constant 0 : i32
      %dma_wait3A_105 = arith.constant 0 : i32
      %dma_wait3A_106 = tpu.memref_slice %arg10[%dma_wait3A_104, %dma_wait3A_105] : memref<10000x128xf32, #tpu.memory_space<vmem_shared>> -> memref<10000x128xf32, #tpu.memory_space<vmem_shared>>
      tpu.wait_indirect_dma semaphore(%run_scoped3A_94 : memref<!tpu.dma_semaphore, #tpu.memory_space<semaphore_mem>>) src(%arg9 : memref<100x128xf32, #tpu.memory_space<vmem>>) dst(%dma_wait3A_106 : memref<10000x128xf32, #tpu.memory_space<vmem_shared>>)
      tpu.yield
    }) : () -> ()
    %run_scoped3A_51 = arith.constant 1 : i32
    "tpu.region"() ({
      %run_scoped3A_94 = tpu.sem_alloc : memref<!tpu.dma_semaphore, #tpu.memory_space<semaphore_mem>>
      %dma_start3A_95 = arith.constant 0 : i32
      %dma_start3A_96 = arith.constant 0 : i32
      %dma_start3A_97 = tpu.memref_slice %arg3[%add3A, %run_scoped3A_51, %dma_start3A_95, %dma_start3A_96] : memref<32x2x50x100xi32, #tpu.memory_space<hbm>> -> memref<1x1x50x100xi32, #tpu.memory_space<hbm>>
      %dma_start3A_98 = tpu.memref_squeeze %dma_start3A_97 : memref<1x1x50x100xi32, #tpu.memory_space<hbm>> -> memref<50x100xi32, #tpu.memory_space<hbm>>
      %dma_start3A_99 = arith.constant 0 : i32
      %dma_start3A_100 = arith.constant 0 : i32
      %dma_start3A_101 = tpu.memref_slice %arg3[%add3A, %run_scoped3A_51, %dma_start3A_99, %dma_start3A_100] : memref<32x2x50x100xi32, #tpu.memory_space<hbm>> -> memref<1x1x50x100xi32, #tpu.memory_space<hbm>>
      %dma_start3A_102 = tpu.memref_squeeze %dma_start3A_101 : memref<1x1x50x100xi32, #tpu.memory_space<hbm>> -> memref<50x100xi32, #tpu.memory_space<hbm>>
      tpu.enqueue_dma source(%dma_start3A_102 : memref<50x100xi32, #tpu.memory_space<hbm>>) target(%arg6 : memref<50x100xi32, #tpu.memory_space<vmem>>) target_semaphore(%run_scoped3A_94 : memref<!tpu.dma_semaphore, #tpu.memory_space<semaphore_mem>>)
      %dma_wait3A_103 = arith.constant 0 : i32
      %dma_wait3A_104 = arith.constant 0 : i32
      %dma_wait3A_105 = tpu.memref_slice %arg3[%add3A, %run_scoped3A_51, %dma_wait3A_103, %dma_wait3A_104] : memref<32x2x50x100xi32, #tpu.memory_space<hbm>> -> memref<1x1x50x100xi32, #tpu.memory_space<hbm>>
      %dma_wait3A_106 = tpu.memref_squeeze %dma_wait3A_105 : memref<1x1x50x100xi32, #tpu.memory_space<hbm>> -> memref<50x100xi32, #tpu.memory_space<hbm>>
      %dma_wait3A_107 = arith.constant 0 : i32
      %dma_wait3A_108 = arith.constant 0 : i32
      %dma_wait3A_109 = tpu.memref_slice %arg3[%add3A, %run_scoped3A_51, %dma_wait3A_107, %dma_wait3A_108] : memref<32x2x50x100xi32, #tpu.memory_space<hbm>> -> memref<1x1x50x100xi32, #tpu.memory_space<hbm>>
      %dma_wait3A_110 = tpu.memref_squeeze %dma_wait3A_109 : memref<1x1x50x100xi32, #tpu.memory_space<hbm>> -> memref<50x100xi32, #tpu.memory_space<hbm>>
      tpu.wait_dma2 semaphore(%run_scoped3A_94 : memref<!tpu.dma_semaphore, #tpu.memory_space<semaphore_mem>>) src(%dma_wait3A_110 : memref<50x100xi32, #tpu.memory_space<hbm>>) dst(%arg6 : memref<50x100xi32, #tpu.memory_space<vmem>>)
      tpu.yield
    }) : () -> ()
    %run_scoped3A_52 = arith.constant 1 : i32
    "tpu.region"() ({
      %run_scoped3A_94 = tpu.sem_alloc : memref<!tpu.dma_semaphore, #tpu.memory_space<semaphore_mem>>
      %dma_start3A_95 = arith.constant 0 : i32
      %dma_start3A_96 = arith.constant 0 : i32
      %dma_start3A_97 = tpu.memref_slice %arg4[%add3A, %run_scoped3A_52, %dma_start3A_95, %dma_start3A_96] : memref<32x2x50x100xi32, #tpu.memory_space<hbm>> -> memref<1x1x50x100xi32, #tpu.memory_space<hbm>>
      %dma_start3A_98 = tpu.memref_squeeze %dma_start3A_97 : memref<1x1x50x100xi32, #tpu.memory_space<hbm>> -> memref<50x100xi32, #tpu.memory_space<hbm>>
      %dma_start3A_99 = arith.constant 0 : i32
      %dma_start3A_100 = arith.constant 0 : i32
      %dma_start3A_101 = tpu.memref_slice %arg4[%add3A, %run_scoped3A_52, %dma_start3A_99, %dma_start3A_100] : memref<32x2x50x100xi32, #tpu.memory_space<hbm>> -> memref<1x1x50x100xi32, #tpu.memory_space<hbm>>
      %dma_start3A_102 = tpu.memref_squeeze %dma_start3A_101 : memref<1x1x50x100xi32, #tpu.memory_space<hbm>> -> memref<50x100xi32, #tpu.memory_space<hbm>>
      tpu.enqueue_dma source(%dma_start3A_102 : memref<50x100xi32, #tpu.memory_space<hbm>>) target(%arg7 : memref<50x100xi32, #tpu.memory_space<vmem>>) target_semaphore(%run_scoped3A_94 : memref<!tpu.dma_semaphore, #tpu.memory_space<semaphore_mem>>)
      %dma_wait3A_103 = arith.constant 0 : i32
      %dma_wait3A_104 = arith.constant 0 : i32
      %dma_wait3A_105 = tpu.memref_slice %arg4[%add3A, %run_scoped3A_52, %dma_wait3A_103, %dma_wait3A_104] : memref<32x2x50x100xi32, #tpu.memory_space<hbm>> -> memref<1x1x50x100xi32, #tpu.memory_space<hbm>>
      %dma_wait3A_106 = tpu.memref_squeeze %dma_wait3A_105 : memref<1x1x50x100xi32, #tpu.memory_space<hbm>> -> memref<50x100xi32, #tpu.memory_space<hbm>>
      %dma_wait3A_107 = arith.constant 0 : i32
      %dma_wait3A_108 = arith.constant 0 : i32
      %dma_wait3A_109 = tpu.memref_slice %arg4[%add3A, %run_scoped3A_52, %dma_wait3A_107, %dma_wait3A_108] : memref<32x2x50x100xi32, #tpu.memory_space<hbm>> -> memref<1x1x50x100xi32, #tpu.memory_space<hbm>>
      %dma_wait3A_110 = tpu.memref_squeeze %dma_wait3A_109 : memref<1x1x50x100xi32, #tpu.memory_space<hbm>> -> memref<50x100xi32, #tpu.memory_space<hbm>>
      tpu.wait_dma2 semaphore(%run_scoped3A_94 : memref<!tpu.dma_semaphore, #tpu.memory_space<semaphore_mem>>) src(%dma_wait3A_110 : memref<50x100xi32, #tpu.memory_space<hbm>>) dst(%arg7 : memref<50x100xi32, #tpu.memory_space<vmem>>)
      tpu.yield
    }) : () -> ()
    %dma_start3A_53 = arith.constant 0 : i32
    %dma_start3A_54 = arith.constant 0 : i32
    %dma_start3A_55 = tpu.memref_slice %arg6[%dma_start3A_53, %dma_start3A_54] : memref<50x100xi32, #tpu.memory_space<vmem>> -> memref<1x100xi32, #tpu.memory_space<vmem>>
    %dma_start3A_56 = tpu.memref_squeeze %dma_start3A_55 : memref<1x100xi32, #tpu.memory_space<vmem>> -> memref<100xi32, #tpu.memory_space<vmem>>
    %dma_start3A_57 = arith.constant 0 : i32
    %dma_start3A_58 = arith.constant 0 : i32
    %dma_start3A_59 = tpu.memref_slice %arg2[%dma_start3A_57, %dma_start3A_58] : memref<10000x128xf32, #tpu.memory_space<hbm>> -> memref<10000x128xf32, #tpu.memory_space<hbm>>
    tpu.enqueue_indirect_dma source(%dma_start3A_59 : memref<10000x128xf32, #tpu.memory_space<hbm>>) target(%arg8 : memref<100x128xf32, #tpu.memory_space<vmem>>) offsets(%dma_start3A_56 : memref<100xi32, #tpu.memory_space<vmem>>) semaphore(%arg11 : memref<!tpu.dma_semaphore, #tpu.memory_space<semaphore_mem>>)
    %dma_start3A_60 = arith.constant 1 : i32
    %dma_start3A_61 = arith.constant 0 : i32
    %dma_start3A_62 = tpu.memref_slice %arg6[%dma_start3A_60, %dma_start3A_61] : memref<50x100xi32, #tpu.memory_space<vmem>> -> memref<1x100xi32, #tpu.memory_space<vmem>>
    %dma_start3A_63 = tpu.memref_squeeze %dma_start3A_62 : memref<1x100xi32, #tpu.memory_space<vmem>> -> memref<100xi32, #tpu.memory_space<vmem>>
    %dma_start3A_64 = arith.constant 0 : i32
    %dma_start3A_65 = arith.constant 0 : i32
    %dma_start3A_66 = tpu.memref_slice %arg2[%dma_start3A_64, %dma_start3A_65] : memref<10000x128xf32, #tpu.memory_space<hbm>> -> memref<10000x128xf32, #tpu.memory_space<hbm>>
    tpu.enqueue_indirect_dma source(%dma_start3A_66 : memref<10000x128xf32, #tpu.memory_space<hbm>>) target(%arg9 : memref<100x128xf32, #tpu.memory_space<vmem>>) offsets(%dma_start3A_63 : memref<100xi32, #tpu.memory_space<vmem>>) semaphore(%arg12 : memref<!tpu.dma_semaphore, #tpu.memory_space<semaphore_mem>>)
    %scan3A_67 = arith.constant 0 : i32
    %scan3A_68 = arith.constant 24 : i32
    %scan3A_69 = arith.addi %scan3A_67, %scan3A_68 : i32
    %scan3A_70 = arith.constant 1 : i32
    scf.for %scan3A_94 = %scan3A_67 to %scan3A_69 step %scan3A_70  : i32 {
      %mul3A_95 = arith.constant 2 : i32
      %mul3A_96 = arith.muli %scan3A_94, %mul3A_95 : i32
      %add3A_97 = arith.constant 0 : i32
      %add3A_98 = arith.addi %add3A_97, %mul3A_96 : i32
      %dma_wait3A_99 = arith.constant 0 : i32
      %dma_wait3A_100 = tpu.memref_slice %arg6[%add3A_98, %dma_wait3A_99] : memref<50x100xi32, #tpu.memory_space<vmem>> -> memref<1x100xi32, #tpu.memory_space<vmem>>
      %dma_wait3A_101 = tpu.memref_squeeze %dma_wait3A_100 : memref<1x100xi32, #tpu.memory_space<vmem>> -> memref<100xi32, #tpu.memory_space<vmem>>
      %dma_wait3A_102 = arith.constant 0 : i32
      %dma_wait3A_103 = arith.constant 0 : i32
      %dma_wait3A_104 = tpu.memref_slice %arg2[%dma_wait3A_102, %dma_wait3A_103] : memref<10000x128xf32, #tpu.memory_space<hbm>> -> memref<10000x128xf32, #tpu.memory_space<hbm>>
      tpu.wait_indirect_dma semaphore(%arg11 : memref<!tpu.dma_semaphore, #tpu.memory_space<semaphore_mem>>) src(%dma_wait3A_104 : memref<10000x128xf32, #tpu.memory_space<hbm>>) dst(%arg8 : memref<100x128xf32, #tpu.memory_space<vmem>>)
      "tpu.region"() ({
        %run_scoped3A_131 = tpu.sem_alloc : memref<!tpu.dma_semaphore, #tpu.memory_space<semaphore_mem>>
        %dma_start3A_132 = arith.constant 0 : i32
        %dma_start3A_133 = tpu.memref_slice %arg7[%add3A_98, %dma_start3A_132] : memref<50x100xi32, #tpu.memory_space<vmem>> -> memref<1x100xi32, #tpu.memory_space<vmem>>
        %dma_start3A_134 = tpu.memref_squeeze %dma_start3A_133 : memref<1x100xi32, #tpu.memory_space<vmem>> -> memref<100xi32, #tpu.memory_space<vmem>>
        %dma_start3A_135 = arith.constant 0 : i32
        %dma_start3A_136 = arith.constant 0 : i32
        %dma_start3A_137 = tpu.memref_slice %arg10[%dma_start3A_135, %dma_start3A_136] : memref<10000x128xf32, #tpu.memory_space<vmem_shared>> -> memref<10000x128xf32, #tpu.memory_space<vmem_shared>>
        tpu.enqueue_indirect_dma source(%arg8 : memref<100x128xf32, #tpu.memory_space<vmem>>) target(%dma_start3A_137 : memref<10000x128xf32, #tpu.memory_space<vmem_shared>>) offsets(%dma_start3A_134 : memref<100xi32, #tpu.memory_space<vmem>>) semaphore(%run_scoped3A_131 : memref<!tpu.dma_semaphore, #tpu.memory_space<semaphore_mem>>) {add = true}
        %dma_wait3A_138 = arith.constant 0 : i32
        %dma_wait3A_139 = tpu.memref_slice %arg7[%add3A_98, %dma_wait3A_138] : memref<50x100xi32, #tpu.memory_space<vmem>> -> memref<1x100xi32, #tpu.memory_space<vmem>>
        %dma_wait3A_140 = tpu.memref_squeeze %dma_wait3A_139 : memref<1x100xi32, #tpu.memory_space<vmem>> -> memref<100xi32, #tpu.memory_space<vmem>>
        %dma_wait3A_141 = arith.constant 0 : i32
        %dma_wait3A_142 = arith.constant 0 : i32
        %dma_wait3A_143 = tpu.memref_slice %arg10[%dma_wait3A_141, %dma_wait3A_142] : memref<10000x128xf32, #tpu.memory_space<vmem_shared>> -> memref<10000x128xf32, #tpu.memory_space<vmem_shared>>
        tpu.wait_indirect_dma semaphore(%run_scoped3A_131 : memref<!tpu.dma_semaphore, #tpu.memory_space<semaphore_mem>>) src(%arg8 : memref<100x128xf32, #tpu.memory_space<vmem>>) dst(%dma_wait3A_143 : memref<10000x128xf32, #tpu.memory_space<vmem_shared>>)
        tpu.yield
      }) : () -> ()
      %add3A_105 = arith.constant 2 : i32
      %add3A_106 = arith.addi %add3A_98, %add3A_105 : i32
      %dma_start3A_107 = arith.constant 0 : i32
      %dma_start3A_108 = tpu.memref_slice %arg6[%add3A_106, %dma_start3A_107] : memref<50x100xi32, #tpu.memory_space<vmem>> -> memref<1x100xi32, #tpu.memory_space<vmem>>
      %dma_start3A_109 = tpu.memref_squeeze %dma_start3A_108 : memref<1x100xi32, #tpu.memory_space<vmem>> -> memref<100xi32, #tpu.memory_space<vmem>>
      %dma_start3A_110 = arith.constant 0 : i32
      %dma_start3A_111 = arith.constant 0 : i32
      %dma_start3A_112 = tpu.memref_slice %arg2[%dma_start3A_110, %dma_start3A_111] : memref<10000x128xf32, #tpu.memory_space<hbm>> -> memref<10000x128xf32, #tpu.memory_space<hbm>>
      tpu.enqueue_indirect_dma source(%dma_start3A_112 : memref<10000x128xf32, #tpu.memory_space<hbm>>) target(%arg8 : memref<100x128xf32, #tpu.memory_space<vmem>>) offsets(%dma_start3A_109 : memref<100xi32, #tpu.memory_space<vmem>>) semaphore(%arg11 : memref<!tpu.dma_semaphore, #tpu.memory_space<semaphore_mem>>)
      %add3A_113 = arith.constant 1 : i32
      %add3A_114 = arith.addi %add3A_98, %add3A_113 : i32
      %dma_wait3A_115 = arith.constant 0 : i32
      %dma_wait3A_116 = tpu.memref_slice %arg6[%add3A_114, %dma_wait3A_115] : memref<50x100xi32, #tpu.memory_space<vmem>> -> memref<1x100xi32, #tpu.memory_space<vmem>>
      %dma_wait3A_117 = tpu.memref_squeeze %dma_wait3A_116 : memref<1x100xi32, #tpu.memory_space<vmem>> -> memref<100xi32, #tpu.memory_space<vmem>>
      %dma_wait3A_118 = arith.constant 0 : i32
      %dma_wait3A_119 = arith.constant 0 : i32
      %dma_wait3A_120 = tpu.memref_slice %arg2[%dma_wait3A_118, %dma_wait3A_119] : memref<10000x128xf32, #tpu.memory_space<hbm>> -> memref<10000x128xf32, #tpu.memory_space<hbm>>
      tpu.wait_indirect_dma semaphore(%arg12 : memref<!tpu.dma_semaphore, #tpu.memory_space<semaphore_mem>>) src(%dma_wait3A_120 : memref<10000x128xf32, #tpu.memory_space<hbm>>) dst(%arg9 : memref<100x128xf32, #tpu.memory_space<vmem>>)
      %add3A_121 = arith.constant 1 : i32
      %add3A_122 = arith.addi %add3A_98, %add3A_121 : i32
      "tpu.region"() ({
        %run_scoped3A_131 = tpu.sem_alloc : memref<!tpu.dma_semaphore, #tpu.memory_space<semaphore_mem>>
        %dma_start3A_132 = arith.constant 0 : i32
        %dma_start3A_133 = tpu.memref_slice %arg7[%add3A_122, %dma_start3A_132] : memref<50x100xi32, #tpu.memory_space<vmem>> -> memref<1x100xi32, #tpu.memory_space<vmem>>
        %dma_start3A_134 = tpu.memref_squeeze %dma_start3A_133 : memref<1x100xi32, #tpu.memory_space<vmem>> -> memref<100xi32, #tpu.memory_space<vmem>>
        %dma_start3A_135 = arith.constant 0 : i32
        %dma_start3A_136 = arith.constant 0 : i32
        %dma_start3A_137 = tpu.memref_slice %arg10[%dma_start3A_135, %dma_start3A_136] : memref<10000x128xf32, #tpu.memory_space<vmem_shared>> -> memref<10000x128xf32, #tpu.memory_space<vmem_shared>>
        tpu.enqueue_indirect_dma source(%arg9 : memref<100x128xf32, #tpu.memory_space<vmem>>) target(%dma_start3A_137 : memref<10000x128xf32, #tpu.memory_space<vmem_shared>>) offsets(%dma_start3A_134 : memref<100xi32, #tpu.memory_space<vmem>>) semaphore(%run_scoped3A_131 : memref<!tpu.dma_semaphore, #tpu.memory_space<semaphore_mem>>) {add = true}
        %dma_wait3A_138 = arith.constant 0 : i32
        %dma_wait3A_139 = tpu.memref_slice %arg7[%add3A_122, %dma_wait3A_138] : memref<50x100xi32, #tpu.memory_space<vmem>> -> memref<1x100xi32, #tpu.memory_space<vmem>>
        %dma_wait3A_140 = tpu.memref_squeeze %dma_wait3A_139 : memref<1x100xi32, #tpu.memory_space<vmem>> -> memref<100xi32, #tpu.memory_space<vmem>>
        %dma_wait3A_141 = arith.constant 0 : i32
        %dma_wait3A_142 = arith.constant 0 : i32
        %dma_wait3A_143 = tpu.memref_slice %arg10[%dma_wait3A_141, %dma_wait3A_142] : memref<10000x128xf32, #tpu.memory_space<vmem_shared>> -> memref<10000x128xf32, #tpu.memory_space<vmem_shared>>
        tpu.wait_indirect_dma semaphore(%run_scoped3A_131 : memref<!tpu.dma_semaphore, #tpu.memory_space<semaphore_mem>>) src(%arg9 : memref<100x128xf32, #tpu.memory_space<vmem>>) dst(%dma_wait3A_143 : memref<10000x128xf32, #tpu.memory_space<vmem_shared>>)
        tpu.yield
      }) : () -> ()
      %add3A_123 = arith.constant 3 : i32
      %add3A_124 = arith.addi %add3A_98, %add3A_123 : i32
      %dma_start3A_125 = arith.constant 0 : i32
      %dma_start3A_126 = tpu.memref_slice %arg6[%add3A_124, %dma_start3A_125] : memref<50x100xi32, #tpu.memory_space<vmem>> -> memref<1x100xi32, #tpu.memory_space<vmem>>
      %dma_start3A_127 = tpu.memref_squeeze %dma_start3A_126 : memref<1x100xi32, #tpu.memory_space<vmem>> -> memref<100xi32, #tpu.memory_space<vmem>>
      %dma_start3A_128 = arith.constant 0 : i32
      %dma_start3A_129 = arith.constant 0 : i32
      %dma_start3A_130 = tpu.memref_slice %arg2[%dma_start3A_128, %dma_start3A_129] : memref<10000x128xf32, #tpu.memory_space<hbm>> -> memref<10000x128xf32, #tpu.memory_space<hbm>>
      tpu.enqueue_indirect_dma source(%dma_start3A_130 : memref<10000x128xf32, #tpu.memory_space<hbm>>) target(%arg9 : memref<100x128xf32, #tpu.memory_space<vmem>>) offsets(%dma_start3A_127 : memref<100xi32, #tpu.memory_space<vmem>>) semaphore(%arg12 : memref<!tpu.dma_semaphore, #tpu.memory_space<semaphore_mem>>)
    }
    %scan3A_71 = arith.constant 24 : i32
    %dma_wait3A_72 = arith.constant 48 : i32
    %dma_wait3A_73 = arith.constant 0 : i32
    %dma_wait3A_74 = tpu.memref_slice %arg6[%dma_wait3A_72, %dma_wait3A_73] : memref<50x100xi32, #tpu.memory_space<vmem>> -> memref<1x100xi32, #tpu.memory_space<vmem>>
    %dma_wait3A_75 = tpu.memref_squeeze %dma_wait3A_74 : memref<1x100xi32, #tpu.memory_space<vmem>> -> memref<100xi32, #tpu.memory_space<vmem>>
    %dma_wait3A_76 = arith.constant 0 : i32
    %dma_wait3A_77 = arith.constant 0 : i32
    %dma_wait3A_78 = tpu.memref_slice %arg2[%dma_wait3A_76, %dma_wait3A_77] : memref<10000x128xf32, #tpu.memory_space<hbm>> -> memref<10000x128xf32, #tpu.memory_space<hbm>>
    tpu.wait_indirect_dma semaphore(%arg11 : memref<!tpu.dma_semaphore, #tpu.memory_space<semaphore_mem>>) src(%dma_wait3A_78 : memref<10000x128xf32, #tpu.memory_space<hbm>>) dst(%arg8 : memref<100x128xf32, #tpu.memory_space<vmem>>)
    %run_scoped3A_79 = arith.constant 48 : i32
    "tpu.region"() ({
      %run_scoped3A_94 = tpu.sem_alloc : memref<!tpu.dma_semaphore, #tpu.memory_space<semaphore_mem>>
      %dma_start3A_95 = arith.constant 0 : i32
      %dma_start3A_96 = tpu.memref_slice %arg7[%run_scoped3A_79, %dma_start3A_95] : memref<50x100xi32, #tpu.memory_space<vmem>> -> memref<1x100xi32, #tpu.memory_space<vmem>>
      %dma_start3A_97 = tpu.memref_squeeze %dma_start3A_96 : memref<1x100xi32, #tpu.memory_space<vmem>> -> memref<100xi32, #tpu.memory_space<vmem>>
      %dma_start3A_98 = arith.constant 0 : i32
      %dma_start3A_99 = arith.constant 0 : i32
      %dma_start3A_100 = tpu.memref_slice %arg10[%dma_start3A_98, %dma_start3A_99] : memref<10000x128xf32, #tpu.memory_space<vmem_shared>> -> memref<10000x128xf32, #tpu.memory_space<vmem_shared>>
      tpu.enqueue_indirect_dma source(%arg8 : memref<100x128xf32, #tpu.memory_space<vmem>>) target(%dma_start3A_100 : memref<10000x128xf32, #tpu.memory_space<vmem_shared>>) offsets(%dma_start3A_97 : memref<100xi32, #tpu.memory_space<vmem>>) semaphore(%run_scoped3A_94 : memref<!tpu.dma_semaphore, #tpu.memory_space<semaphore_mem>>) {add = true}
      %dma_wait3A_101 = arith.constant 0 : i32
      %dma_wait3A_102 = tpu.memref_slice %arg7[%run_scoped3A_79, %dma_wait3A_101] : memref<50x100xi32, #tpu.memory_space<vmem>> -> memref<1x100xi32, #tpu.memory_space<vmem>>
      %dma_wait3A_103 = tpu.memref_squeeze %dma_wait3A_102 : memref<1x100xi32, #tpu.memory_space<vmem>> -> memref<100xi32, #tpu.memory_space<vmem>>
      %dma_wait3A_104 = arith.constant 0 : i32
      %dma_wait3A_105 = arith.constant 0 : i32
      %dma_wait3A_106 = tpu.memref_slice %arg10[%dma_wait3A_104, %dma_wait3A_105] : memref<10000x128xf32, #tpu.memory_space<vmem_shared>> -> memref<10000x128xf32, #tpu.memory_space<vmem_shared>>
      tpu.wait_indirect_dma semaphore(%run_scoped3A_94 : memref<!tpu.dma_semaphore, #tpu.memory_space<semaphore_mem>>) src(%arg8 : memref<100x128xf32, #tpu.memory_space<vmem>>) dst(%dma_wait3A_106 : memref<10000x128xf32, #tpu.memory_space<vmem_shared>>)
      tpu.yield
    }) : () -> ()
    %dma_wait3A_80 = arith.constant 49 : i32
    %dma_wait3A_81 = arith.constant 0 : i32
    %dma_wait3A_82 = tpu.memref_slice %arg6[%dma_wait3A_80, %dma_wait3A_81] : memref<50x100xi32, #tpu.memory_space<vmem>> -> memref<1x100xi32, #tpu.memory_space<vmem>>
    %dma_wait3A_83 = tpu.memref_squeeze %dma_wait3A_82 : memref<1x100xi32, #tpu.memory_space<vmem>> -> memref<100xi32, #tpu.memory_space<vmem>>
    %dma_wait3A_84 = arith.constant 0 : i32
    %dma_wait3A_85 = arith.constant 0 : i32
    %dma_wait3A_86 = tpu.memref_slice %arg2[%dma_wait3A_84, %dma_wait3A_85] : memref<10000x128xf32, #tpu.memory_space<hbm>> -> memref<10000x128xf32, #tpu.memory_space<hbm>>
    tpu.wait_indirect_dma semaphore(%arg12 : memref<!tpu.dma_semaphore, #tpu.memory_space<semaphore_mem>>) src(%dma_wait3A_86 : memref<10000x128xf32, #tpu.memory_space<hbm>>) dst(%arg9 : memref<100x128xf32, #tpu.memory_space<vmem>>)
    %run_scoped3A_87 = arith.constant 49 : i32
    "tpu.region"() ({
      %run_scoped3A_94 = tpu.sem_alloc : memref<!tpu.dma_semaphore, #tpu.memory_space<semaphore_mem>>
      %dma_start3A_95 = arith.constant 0 : i32
      %dma_start3A_96 = tpu.memref_slice %arg7[%run_scoped3A_87, %dma_start3A_95] : memref<50x100xi32, #tpu.memory_space<vmem>> -> memref<1x100xi32, #tpu.memory_space<vmem>>
      %dma_start3A_97 = tpu.memref_squeeze %dma_start3A_96 : memref<1x100xi32, #tpu.memory_space<vmem>> -> memref<100xi32, #tpu.memory_space<vmem>>
      %dma_start3A_98 = arith.constant 0 : i32
      %dma_start3A_99 = arith.constant 0 : i32
      %dma_start3A_100 = tpu.memref_slice %arg10[%dma_start3A_98, %dma_start3A_99] : memref<10000x128xf32, #tpu.memory_space<vmem_shared>> -> memref<10000x128xf32, #tpu.memory_space<vmem_shared>>
      tpu.enqueue_indirect_dma source(%arg9 : memref<100x128xf32, #tpu.memory_space<vmem>>) target(%dma_start3A_100 : memref<10000x128xf32, #tpu.memory_space<vmem_shared>>) offsets(%dma_start3A_97 : memref<100xi32, #tpu.memory_space<vmem>>) semaphore(%run_scoped3A_94 : memref<!tpu.dma_semaphore, #tpu.memory_space<semaphore_mem>>) {add = true}
      %dma_wait3A_101 = arith.constant 0 : i32
      %dma_wait3A_102 = tpu.memref_slice %arg7[%run_scoped3A_87, %dma_wait3A_101] : memref<50x100xi32, #tpu.memory_space<vmem>> -> memref<1x100xi32, #tpu.memory_space<vmem>>
      %dma_wait3A_103 = tpu.memref_squeeze %dma_wait3A_102 : memref<1x100xi32, #tpu.memory_space<vmem>> -> memref<100xi32, #tpu.memory_space<vmem>>
      %dma_wait3A_104 = arith.constant 0 : i32
      %dma_wait3A_105 = arith.constant 0 : i32
      %dma_wait3A_106 = tpu.memref_slice %arg10[%dma_wait3A_104, %dma_wait3A_105] : memref<10000x128xf32, #tpu.memory_space<vmem_shared>> -> memref<10000x128xf32, #tpu.memory_space<vmem_shared>>
      tpu.wait_indirect_dma semaphore(%run_scoped3A_94 : memref<!tpu.dma_semaphore, #tpu.memory_space<semaphore_mem>>) src(%arg9 : memref<100x128xf32, #tpu.memory_space<vmem>>) dst(%dma_wait3A_106 : memref<10000x128xf32, #tpu.memory_space<vmem_shared>>)
      tpu.yield
    }) : () -> ()
    %barrier3A_88 = arith.constant 0 : index
    tpu.barrier barrier_id(%barrier3A_88)
    "tpu.region"() ({
      %run_scoped3A_94 = tpu.sem_alloc : memref<!tpu.dma_semaphore, #tpu.memory_space<semaphore_mem>>
      %dma_start3A_95 = arith.constant 0 : i32
      %dma_start3A_96 = tpu.memref_slice %arg5[%arg0, %multiple_of3A, %dma_start3A_95] : memref<2x10000x128xf32, #tpu.memory_space<hbm>> -> memref<1x624x128xf32, #tpu.memory_space<hbm>>
      %dma_start3A_97 = tpu.memref_squeeze %dma_start3A_96 : memref<1x624x128xf32, #tpu.memory_space<hbm>> -> memref<624x128xf32, #tpu.memory_space<hbm>>
      %dma_start3A_98 = arith.constant 0 : i32
      %dma_start3A_99 = tpu.memref_slice %arg10[%multiple_of3A, %dma_start3A_98] : memref<10000x128xf32, #tpu.memory_space<vmem_shared>> -> memref<624x128xf32, #tpu.memory_space<vmem_shared>>
      tpu.enqueue_dma source(%dma_start3A_99 : memref<624x128xf32, #tpu.memory_space<vmem_shared>>) target(%dma_start3A_97 : memref<624x128xf32, #tpu.memory_space<hbm>>) target_semaphore(%run_scoped3A_94 : memref<!tpu.dma_semaphore, #tpu.memory_space<semaphore_mem>>)
      %dma_wait3A_100 = arith.constant 0 : i32
      %dma_wait3A_101 = tpu.memref_slice %arg5[%arg0, %multiple_of3A, %dma_wait3A_100] : memref<2x10000x128xf32, #tpu.memory_space<hbm>> -> memref<1x624x128xf32, #tpu.memory_space<hbm>>
      %dma_wait3A_102 = tpu.memref_squeeze %dma_wait3A_101 : memref<1x624x128xf32, #tpu.memory_space<hbm>> -> memref<624x128xf32, #tpu.memory_space<hbm>>
      %dma_wait3A_103 = arith.constant 0 : i32
      %dma_wait3A_104 = tpu.memref_slice %arg10[%multiple_of3A, %dma_wait3A_103] : memref<10000x128xf32, #tpu.memory_space<vmem_shared>> -> memref<624x128xf32, #tpu.memory_space<vmem_shared>>
      tpu.wait_dma2 semaphore(%run_scoped3A_94 : memref<!tpu.dma_semaphore, #tpu.memory_space<semaphore_mem>>) src(%dma_wait3A_104 : memref<624x128xf32, #tpu.memory_space<vmem_shared>>) dst(%dma_wait3A_102 : memref<624x128xf32, #tpu.memory_space<hbm>>)
      tpu.yield
    }) : () -> ()
    %eq3A_89 = arith.constant 15 : i32
    %eq3A_90 = arith.cmpi eq, %arg1, %eq3A_89 : i32
    %convert_element_type3A_91 = arith.extui %eq3A_90 : i1 to i32
    %cond3A_92 = arith.constant 0 : i32
    %cond3A_93 = arith.cmpi ne, %convert_element_type3A_91, %cond3A_92 : i32
    scf.if %cond3A_93 {
      "tpu.region"() ({
        %run_scoped3A_94 = tpu.sem_alloc : memref<!tpu.dma_semaphore, #tpu.memory_space<semaphore_mem>>
        %dma_start3A_95 = arith.constant 9984 : i32
        %dma_start3A_96 = arith.constant 0 : i32
        %dma_start3A_97 = tpu.memref_slice %arg5[%arg0, %dma_start3A_95, %dma_start3A_96] : memref<2x10000x128xf32, #tpu.memory_space<hbm>> -> memref<1x16x128xf32, #tpu.memory_space<hbm>>
        %dma_start3A_98 = tpu.memref_squeeze %dma_start3A_97 : memref<1x16x128xf32, #tpu.memory_space<hbm>> -> memref<16x128xf32, #tpu.memory_space<hbm>>
        %dma_start3A_99 = arith.constant 9984 : i32
        %dma_start3A_100 = arith.constant 0 : i32
        %dma_start3A_101 = tpu.memref_slice %arg10[%dma_start3A_99, %dma_start3A_100] : memref<10000x128xf32, #tpu.memory_space<vmem_shared>> -> memref<16x128xf32, #tpu.memory_space<vmem_shared>>
        tpu.enqueue_dma source(%dma_start3A_101 : memref<16x128xf32, #tpu.memory_space<vmem_shared>>) target(%dma_start3A_98 : memref<16x128xf32, #tpu.memory_space<hbm>>) target_semaphore(%run_scoped3A_94 : memref<!tpu.dma_semaphore, #tpu.memory_space<semaphore_mem>>)
        %dma_wait3A_102 = arith.constant 9984 : i32
        %dma_wait3A_103 = arith.constant 0 : i32
        %dma_wait3A_104 = tpu.memref_slice %arg5[%arg0, %dma_wait3A_102, %dma_wait3A_103] : memref<2x10000x128xf32, #tpu.memory_space<hbm>> -> memref<1x16x128xf32, #tpu.memory_space<hbm>>
        %dma_wait3A_105 = tpu.memref_squeeze %dma_wait3A_104 : memref<1x16x128xf32, #tpu.memory_space<hbm>> -> memref<16x128xf32, #tpu.memory_space<hbm>>
        %dma_wait3A_106 = arith.constant 9984 : i32
        %dma_wait3A_107 = arith.constant 0 : i32
        %dma_wait3A_108 = tpu.memref_slice %arg10[%dma_wait3A_106, %dma_wait3A_107] : memref<10000x128xf32, #tpu.memory_space<vmem_shared>> -> memref<16x128xf32, #tpu.memory_space<vmem_shared>>
        tpu.wait_dma2 semaphore(%run_scoped3A_94 : memref<!tpu.dma_semaphore, #tpu.memory_space<semaphore_mem>>) src(%dma_wait3A_108 : memref<16x128xf32, #tpu.memory_space<vmem_shared>>) dst(%dma_wait3A_105 : memref<16x128xf32, #tpu.memory_space<hbm>>)
        tpu.yield
      }) : () -> ()
    } else {
    }
    return
  }
}

#map = affine_map<(d0, d1) -> (0, 0)>
#map1 = affine_map<(d0, d1) -> (0, 0, 0, 0)>
#map2 = affine_map<(d0, d1) -> (0, 0, 0)>
module attributes {stable_mosaic.version = 14 : i64} {
  func.func @k(%arg0: i32, %arg1: i32, %arg2: memref<10000x128xf32, #tpu.memory_space<hbm>>, %arg3: memref<32x2x50x100xi32, #tpu.memory_space<hbm>>, %arg4: memref<32x2x50x100xi32, #tpu.memory_space<hbm>>, %arg5: memref<2x10000x128xf32, #tpu.memory_space<hbm>>, %arg6: memref<50x100xi32, #tpu.memory_space<vmem>>, %arg7: memref<50x100xi32, #tpu.memory_space<vmem>>, %arg8: memref<100x128xf32, #tpu.memory_space<vmem>>, %arg9: memref<100x128xf32, #tpu.memory_space<vmem>>, %arg10: memref<10000x128xf32, #tpu.memory_space<vmem_shared>>, %arg11: memref<!tpu.dma_semaphore, #tpu.memory_space<semaphore_mem>>, %arg12: memref<!tpu.dma_semaphore, #tpu.memory_space<semaphore_mem>>, %arg13: memref<!tpu.dma_semaphore, #tpu.memory_space<semaphore_mem>>) attributes {dimension_semantics = [#tpu.dimension_semantics<core_parallel>, #tpu.dimension_semantics<subcore_parallel>], iteration_bounds = array<i64: 2, 16>, scalar_prefetch = 0 : i64, scratch_operands = 8 : i64, tpu.core_type = #tpu.core_type<sc_vector_subcore>, window_params = [{transform_indices = #map}, {transform_indices = #map1}, {transform_indices = #map1}, {transform_indices = #map2}]} {
    %mul3A = arith.constant 2 : i32
    %mul3A_0 = arith.muli %arg1, %mul3A : i32
    %add3A = arith.addi %mul3A_0, %arg0 : i32
    %mul3A_1 = arith.constant 624 : i32
    %mul3A_2 = arith.muli %arg1, %mul3A_1 : i32
    %multiple_of3A = tpu.assume_multiple %mul3A_2, 8 : i32
    %dma_start3A = arith.constant 0 : i32
    %dma_start3A_3 = tpu.memref_slice %arg10[%multiple_of3A, %dma_start3A] : memref<10000x128xf32, #tpu.memory_space<vmem_shared>> -> memref<624x128xf32, #tpu.memory_space<vmem_shared>>
    %dma_start3A_4 = arith.constant 0 : i32
    %dma_start3A_5 = tpu.memref_slice %arg2[%multiple_of3A, %dma_start3A_4] : memref<10000x128xf32, #tpu.memory_space<hbm>> -> memref<624x128xf32, #tpu.memory_space<hbm>>
    tpu.enqueue_dma source(%dma_start3A_5 : memref<624x128xf32, #tpu.memory_space<hbm>>) target(%dma_start3A_3 : memref<624x128xf32, #tpu.memory_space<vmem_shared>>) target_semaphore(%arg13 : memref<!tpu.dma_semaphore, #tpu.memory_space<semaphore_mem>>)
    %eq3A = arith.constant 15 : i32
    %eq3A_6 = arith.cmpi eq, %arg1, %eq3A : i32
    %convert_element_type3A = arith.extui %eq3A_6 : i1 to i32
    %cond3A = arith.constant 0 : i32
    %cond3A_7 = arith.cmpi ne, %convert_element_type3A, %cond3A : i32
    scf.if %cond3A_7 {
      %dma_start3A_94 = arith.constant 9984 : i32
      %dma_start3A_95 = arith.constant 0 : i32
      %dma_start3A_96 = tpu.memref_slice %arg10[%dma_start3A_94, %dma_start3A_95] : memref<10000x128xf32, #tpu.memory_space<vmem_shared>> -> memref<16x128xf32, #tpu.memory_space<vmem_shared>>
      %dma_start3A_97 = arith.constant 9984 : i32
      %dma_start3A_98 = arith.constant 0 : i32
      %dma_start3A_99 = tpu.memref_slice %arg2[%dma_start3A_97, %dma_start3A_98] : memref<10000x128xf32, #tpu.memory_space<hbm>> -> memref<16x128xf32, #tpu.memory_space<hbm>>
      tpu.enqueue_dma source(%dma_start3A_99 : memref<16x128xf32, #tpu.memory_space<hbm>>) target(%dma_start3A_96 : memref<16x128xf32, #tpu.memory_space<vmem_shared>>) target_semaphore(%arg13 : memref<!tpu.dma_semaphore, #tpu.memory_space<semaphore_mem>>)
    } else {
    }
    %run_scoped3A = arith.constant 0 : i32
    "tpu.region"() ({
      %run_scoped3A_94 = tpu.sem_alloc : memref<!tpu.dma_semaphore, #tpu.memory_space<semaphore_mem>>
      %dma_start3A_95 = arith.constant 0 : i32
      %dma_start3A_96 = arith.constant 0 : i32
      %dma_start3A_97 = tpu.memref_slice %arg3[%add3A, %run_scoped3A, %dma_start3A_95, %dma_start3A_96] : memref<32x2x50x100xi32, #tpu.memory_space<hbm>> -> memref<1x1x50x100xi32, #tpu.memory_space<hbm>>
      %dma_start3A_98 = tpu.memref_squeeze %dma_start3A_97 : memref<1x1x50x100xi32, #tpu.memory_space<hbm>> -> memref<50x100xi32, #tpu.memory_space<hbm>>
      %dma_start3A_99 = arith.constant 0 : i32
      %dma_start3A_100 = arith.constant 0 : i32
      %dma_start3A_101 = tpu.memref_slice %arg3[%add3A, %run_scoped3A, %dma_start3A_99, %dma_start3A_100] : memref<32x2x50x100xi32, #tpu.memory_space<hbm>> -> memref<1x1x50x100xi32, #tpu.memory_space<hbm>>
      %dma_start3A_102 = tpu.memref_squeeze %dma_start3A_101 : memref<1x1x50x100xi32, #tpu.memory_space<hbm>> -> memref<50x100xi32, #tpu.memory_space<hbm>>
      tpu.enqueue_dma source(%dma_start3A_102 : memref<50x100xi32, #tpu.memory_space<hbm>>) target(%arg6 : memref<50x100xi32, #tpu.memory_space<vmem>>) target_semaphore(%run_scoped3A_94 : memref<!tpu.dma_semaphore, #tpu.memory_space<semaphore_mem>>)
      %dma_wait3A_103 = arith.constant 0 : i32
      %dma_wait3A_104 = arith.constant 0 : i32
      %dma_wait3A_105 = tpu.memref_slice %arg3[%add3A, %run_scoped3A, %dma_wait3A_103, %dma_wait3A_104] : memref<32x2x50x100xi32, #tpu.memory_space<hbm>> -> memref<1x1x50x100xi32, #tpu.memory_space<hbm>>
      %dma_wait3A_106 = tpu.memref_squeeze %dma_wait3A_105 : memref<1x1x50x100xi32, #tpu.memory_space<hbm>> -> memref<50x100xi32, #tpu.memory_space<hbm>>
      %dma_wait3A_107 = arith.constant 0 : i32
      %dma_wait3A_108 = arith.constant 0 : i32
      %dma_wait3A_109 = tpu.memref_slice %arg3[%add3A, %run_scoped3A, %dma_wait3A_107, %dma_wait3A_108] : memref<32x2x50x100xi32, #tpu.memory_space<hbm>> -> memref<1x1x50x100xi32, #tpu.memory_space<hbm>>
      %dma_wait3A_110 = tpu.memref_squeeze %dma_wait3A_109 : memref<1x1x50x100xi32, #tpu.memory_space<hbm>> -> memref<50x100xi32, #tpu.memory_space<hbm>>
      tpu.wait_dma2 semaphore(%run_scoped3A_94 : memref<!tpu.dma_semaphore, #tpu.memory_space<semaphore_mem>>) src(%dma_wait3A_110 : memref<50x100xi32, #tpu.memory_space<hbm>>) dst(%arg6 : memref<50x100xi32, #tpu.memory_space<vmem>>)
      tpu.yield
    }) : () -> ()
    %run_scoped3A_8 = arith.constant 0 : i32
    "tpu.region"() ({
      %run_scoped3A_94 = tpu.sem_alloc : memref<!tpu.dma_semaphore, #tpu.memory_space<semaphore_mem>>
      %dma_start3A_95 = arith.constant 0 : i32
      %dma_start3A_96 = arith.constant 0 : i32
      %dma_start3A_97 = tpu.memref_slice %arg4[%add3A, %run_scoped3A_8, %dma_start3A_95, %dma_start3A_96] : memref<32x2x50x100xi32, #tpu.memory_space<hbm>> -> memref<1x1x50x100xi32, #tpu.memory_space<hbm>>
      %dma_start3A_98 = tpu.memref_squeeze %dma_start3A_97 : memref<1x1x50x100xi32, #tpu.memory_space<hbm>> -> memref<50x100xi32, #tpu.memory_space<hbm>>
      %dma_start3A_99 = arith.constant 0 : i32
      %dma_start3A_100 = arith.constant 0 : i32
      %dma_start3A_101 = tpu.memref_slice %arg4[%add3A, %run_scoped3A_8, %dma_start3A_99, %dma_start3A_100] : memref<32x2x50x100xi32, #tpu.memory_space<hbm>> -> memref<1x1x50x100xi32, #tpu.memory_space<hbm>>
      %dma_start3A_102 = tpu.memref_squeeze %dma_start3A_101 : memref<1x1x50x100xi32, #tpu.memory_space<hbm>> -> memref<50x100xi32, #tpu.memory_space<hbm>>
      tpu.enqueue_dma source(%dma_start3A_102 : memref<50x100xi32, #tpu.memory_space<hbm>>) target(%arg7 : memref<50x100xi32, #tpu.memory_space<vmem>>) target_semaphore(%run_scoped3A_94 : memref<!tpu.dma_semaphore, #tpu.memory_space<semaphore_mem>>)
      %dma_wait3A_103 = arith.constant 0 : i32
      %dma_wait3A_104 = arith.constant 0 : i32
      %dma_wait3A_105 = tpu.memref_slice %arg4[%add3A, %run_scoped3A_8, %dma_wait3A_103, %dma_wait3A_104] : memref<32x2x50x100xi32, #tpu.memory_space<hbm>> -> memref<1x1x50x100xi32, #tpu.memory_space<hbm>>
      %dma_wait3A_106 = tpu.memref_squeeze %dma_wait3A_105 : memref<1x1x50x100xi32, #tpu.memory_space<hbm>> -> memref<50x100xi32, #tpu.memory_space<hbm>>
      %dma_wait3A_107 = arith.constant 0 : i32
      %dma_wait3A_108 = arith.constant 0 : i32
      %dma_wait3A_109 = tpu.memref_slice %arg4[%add3A, %run_scoped3A_8, %dma_wait3A_107, %dma_wait3A_108] : memref<32x2x50x100xi32, #tpu.memory_space<hbm>> -> memref<1x1x50x100xi32, #tpu.memory_space<hbm>>
      %dma_wait3A_110 = tpu.memref_squeeze %dma_wait3A_109 : memref<1x1x50x100xi32, #tpu.memory_space<hbm>> -> memref<50x100xi32, #tpu.memory_space<hbm>>
      tpu.wait_dma2 semaphore(%run_scoped3A_94 : memref<!tpu.dma_semaphore, #tpu.memory_space<semaphore_mem>>) src(%dma_wait3A_110 : memref<50x100xi32, #tpu.memory_space<hbm>>) dst(%arg7 : memref<50x100xi32, #tpu.memory_space<vmem>>)
      tpu.yield
    }) : () -> ()
    %dma_start3A_9 = arith.constant 0 : i32
    %dma_start3A_10 = arith.constant 0 : i32
    %dma_start3A_11 = tpu.memref_slice %arg6[%dma_start3A_9, %dma_start3A_10] : memref<50x100xi32, #tpu.memory_space<vmem>> -> memref<1x100xi32, #tpu.memory_space<vmem>>
    %dma_start3A_12 = tpu.memref_squeeze %dma_start3A_11 : memref<1x100xi32, #tpu.memory_space<vmem>> -> memref<100xi32, #tpu.memory_space<vmem>>
    %dma_start3A_13 = arith.constant 0 : i32
    %dma_start3A_14 = arith.constant 0 : i32
    %dma_start3A_15 = tpu.memref_slice %arg2[%dma_start3A_13, %dma_start3A_14] : memref<10000x128xf32, #tpu.memory_space<hbm>> -> memref<10000x128xf32, #tpu.memory_space<hbm>>
    tpu.enqueue_indirect_dma source(%dma_start3A_15 : memref<10000x128xf32, #tpu.memory_space<hbm>>) target(%arg8 : memref<100x128xf32, #tpu.memory_space<vmem>>) offsets(%dma_start3A_12 : memref<100xi32, #tpu.memory_space<vmem>>) semaphore(%arg11 : memref<!tpu.dma_semaphore, #tpu.memory_space<semaphore_mem>>)
    %dma_start3A_16 = arith.constant 1 : i32
    %dma_start3A_17 = arith.constant 0 : i32
    %dma_start3A_18 = tpu.memref_slice %arg6[%dma_start3A_16, %dma_start3A_17] : memref<50x100xi32, #tpu.memory_space<vmem>> -> memref<1x100xi32, #tpu.memory_space<vmem>>
    %dma_start3A_19 = tpu.memref_squeeze %dma_start3A_18 : memref<1x100xi32, #tpu.memory_space<vmem>> -> memref<100xi32, #tpu.memory_space<vmem>>
    %dma_start3A_20 = arith.constant 0 : i32
    %dma_start3A_21 = arith.constant 0 : i32
    %dma_start3A_22 = tpu.memref_slice %arg2[%dma_start3A_20, %dma_start3A_21] : memref<10000x128xf32, #tpu.memory_space<hbm>> -> memref<10000x128xf32, #tpu.memory_space<hbm>>
    tpu.enqueue_indirect_dma source(%dma_start3A_22 : memref<10000x128xf32, #tpu.memory_space<hbm>>) target(%arg9 : memref<100x128xf32, #tpu.memory_space<vmem>>) offsets(%dma_start3A_19 : memref<100xi32, #tpu.memory_space<vmem>>) semaphore(%arg12 : memref<!tpu.dma_semaphore, #tpu.memory_space<semaphore_mem>>)
    %dma_wait3A = arith.constant 0 : i32
    %dma_wait3A_23 = tpu.memref_slice %arg10[%multiple_of3A, %dma_wait3A] : memref<10000x128xf32, #tpu.memory_space<vmem_shared>> -> memref<624x128xf32, #tpu.memory_space<vmem_shared>>
    %dma_wait3A_24 = arith.constant 0 : i32
    %dma_wait3A_25 = tpu.memref_slice %arg2[%multiple_of3A, %dma_wait3A_24] : memref<10000x128xf32, #tpu.memory_space<hbm>> -> memref<624x128xf32, #tpu.memory_space<hbm>>
    tpu.wait_dma2 semaphore(%arg13 : memref<!tpu.dma_semaphore, #tpu.memory_space<semaphore_mem>>) src(%dma_wait3A_25 : memref<624x128xf32, #tpu.memory_space<hbm>>) dst(%dma_wait3A_23 : memref<624x128xf32, #tpu.memory_space<vmem_shared>>)
    %eq3A_26 = arith.constant 15 : i32
    %eq3A_27 = arith.cmpi eq, %arg1, %eq3A_26 : i32
    %convert_element_type3A_28 = arith.extui %eq3A_27 : i1 to i32
    %cond3A_29 = arith.constant 0 : i32
    %cond3A_30 = arith.cmpi ne, %convert_element_type3A_28, %cond3A_29 : i32
    scf.if %cond3A_30 {
      %dma_wait3A_94 = arith.constant 9984 : i32
      %dma_wait3A_95 = arith.constant 0 : i32
      %dma_wait3A_96 = tpu.memref_slice %arg10[%dma_wait3A_94, %dma_wait3A_95] : memref<10000x128xf32, #tpu.memory_space<vmem_shared>> -> memref<16x128xf32, #tpu.memory_space<vmem_shared>>
      %dma_wait3A_97 = arith.constant 9984 : i32
      %dma_wait3A_98 = arith.constant 0 : i32
      %dma_wait3A_99 = tpu.memref_slice %arg2[%dma_wait3A_97, %dma_wait3A_98] : memref<10000x128xf32, #tpu.memory_space<hbm>> -> memref<16x128xf32, #tpu.memory_space<hbm>>
      tpu.wait_dma2 semaphore(%arg13 : memref<!tpu.dma_semaphore, #tpu.memory_space<semaphore_mem>>) src(%dma_wait3A_99 : memref<16x128xf32, #tpu.memory_space<hbm>>) dst(%dma_wait3A_96 : memref<16x128xf32, #tpu.memory_space<vmem_shared>>)
    } else {
    }
    %barrier3A = arith.constant 0 : index
    tpu.barrier barrier_id(%barrier3A)
    %scan3A = arith.constant 0 : i32
    %scan3A_31 = arith.constant 24 : i32
    %scan3A_32 = arith.addi %scan3A, %scan3A_31 : i32
    %scan3A_33 = arith.constant 1 : i32
    scf.for %scan3A_94 = %scan3A to %scan3A_32 step %scan3A_33  : i32 {
      %mul3A_95 = arith.constant 2 : i32
      %mul3A_96 = arith.muli %scan3A_94, %mul3A_95 : i32
      %add3A_97 = arith.constant 0 : i32
      %add3A_98 = arith.addi %add3A_97, %mul3A_96 : i32
      %dma_wait3A_99 = arith.constant 0 : i32
      %dma_wait3A_100 = tpu.memref_slice %arg6[%add3A_98, %dma_wait3A_99] : memref<50x100xi32, #tpu.memory_space<vmem>> -> memref<1x100xi32, #tpu.memory_space<vmem>>
      %dma_wait3A_101 = tpu.memref_squeeze %dma_wait3A_100 : memref<1x100xi32, #tpu.memory_space<vmem>> -> memref<100xi32, #tpu.memory_space<vmem>>
      %dma_wait3A_102 = arith.constant 0 : i32
      %dma_wait3A_103 = arith.constant 0 : i32
      %dma_wait3A_104 = tpu.memref_slice %arg2[%dma_wait3A_102, %dma_wait3A_103] : memref<10000x128xf32, #tpu.memory_space<hbm>> -> memref<10000x128xf32, #tpu.memory_space<hbm>>
      tpu.wait_indirect_dma semaphore(%arg11 : memref<!tpu.dma_semaphore, #tpu.memory_space<semaphore_mem>>) src(%dma_wait3A_104 : memref<10000x128xf32, #tpu.memory_space<hbm>>) dst(%arg8 : memref<100x128xf32, #tpu.memory_space<vmem>>)
      "tpu.region"() ({
        %run_scoped3A_131 = tpu.sem_alloc : memref<!tpu.dma_semaphore, #tpu.memory_space<semaphore_mem>>
        %dma_start3A_132 = arith.constant 0 : i32
        %dma_start3A_133 = tpu.memref_slice %arg7[%add3A_98, %dma_start3A_132] : memref<50x100xi32, #tpu.memory_space<vmem>> -> memref<1x100xi32, #tpu.memory_space<vmem>>
        %dma_start3A_134 = tpu.memref_squeeze %dma_start3A_133 : memref<1x100xi32, #tpu.memory_space<vmem>> -> memref<100xi32, #tpu.memory_space<vmem>>
        %dma_start3A_135 = arith.constant 0 : i32
        %dma_start3A_136 = arith.constant 0 : i32
        %dma_start3A_137 = tpu.memref_slice %arg10[%dma_start3A_135, %dma_start3A_136] : memref<10000x128xf32, #tpu.memory_space<vmem_shared>> -> memref<10000x128xf32, #tpu.memory_space<vmem_shared>>
        tpu.enqueue_indirect_dma source(%arg8 : memref<100x128xf32, #tpu.memory_space<vmem>>) target(%dma_start3A_137 : memref<10000x128xf32, #tpu.memory_space<vmem_shared>>) offsets(%dma_start3A_134 : memref<100xi32, #tpu.memory_space<vmem>>) semaphore(%run_scoped3A_131 : memref<!tpu.dma_semaphore, #tpu.memory_space<semaphore_mem>>) {add = true}
        %dma_wait3A_138 = arith.constant 0 : i32
        %dma_wait3A_139 = tpu.memref_slice %arg7[%add3A_98, %dma_wait3A_138] : memref<50x100xi32, #tpu.memory_space<vmem>> -> memref<1x100xi32, #tpu.memory_space<vmem>>
        %dma_wait3A_140 = tpu.memref_squeeze %dma_wait3A_139 : memref<1x100xi32, #tpu.memory_space<vmem>> -> memref<100xi32, #tpu.memory_space<vmem>>
        %dma_wait3A_141 = arith.constant 0 : i32
        %dma_wait3A_142 = arith.constant 0 : i32
        %dma_wait3A_143 = tpu.memref_slice %arg10[%dma_wait3A_141, %dma_wait3A_142] : memref<10000x128xf32, #tpu.memory_space<vmem_shared>> -> memref<10000x128xf32, #tpu.memory_space<vmem_shared>>
        tpu.wait_indirect_dma semaphore(%run_scoped3A_131 : memref<!tpu.dma_semaphore, #tpu.memory_space<semaphore_mem>>) src(%arg8 : memref<100x128xf32, #tpu.memory_space<vmem>>) dst(%dma_wait3A_143 : memref<10000x128xf32, #tpu.memory_space<vmem_shared>>)
        tpu.yield
      }) : () -> ()
      %add3A_105 = arith.constant 2 : i32
      %add3A_106 = arith.addi %add3A_98, %add3A_105 : i32
      %dma_start3A_107 = arith.constant 0 : i32
      %dma_start3A_108 = tpu.memref_slice %arg6[%add3A_106, %dma_start3A_107] : memref<50x100xi32, #tpu.memory_space<vmem>> -> memref<1x100xi32, #tpu.memory_space<vmem>>
      %dma_start3A_109 = tpu.memref_squeeze %dma_start3A_108 : memref<1x100xi32, #tpu.memory_space<vmem>> -> memref<100xi32, #tpu.memory_space<vmem>>
      %dma_start3A_110 = arith.constant 0 : i32
      %dma_start3A_111 = arith.constant 0 : i32
      %dma_start3A_112 = tpu.memref_slice %arg2[%dma_start3A_110, %dma_start3A_111] : memref<10000x128xf32, #tpu.memory_space<hbm>> -> memref<10000x128xf32, #tpu.memory_space<hbm>>
      tpu.enqueue_indirect_dma source(%dma_start3A_112 : memref<10000x128xf32, #tpu.memory_space<hbm>>) target(%arg8 : memref<100x128xf32, #tpu.memory_space<vmem>>) offsets(%dma_start3A_109 : memref<100xi32, #tpu.memory_space<vmem>>) semaphore(%arg11 : memref<!tpu.dma_semaphore, #tpu.memory_space<semaphore_mem>>)
      %add3A_113 = arith.constant 1 : i32
      %add3A_114 = arith.addi %add3A_98, %add3A_113 : i32
      %dma_wait3A_115 = arith.constant 0 : i32
      %dma_wait3A_116 = tpu.memref_slice %arg6[%add3A_114, %dma_wait3A_115] : memref<50x100xi32, #tpu.memory_space<vmem>> -> memref<1x100xi32, #tpu.memory_space<vmem>>
      %dma_wait3A_117 = tpu.memref_squeeze %dma_wait3A_116 : memref<1x100xi32, #tpu.memory_space<vmem>> -> memref<100xi32, #tpu.memory_space<vmem>>
      %dma_wait3A_118 = arith.constant 0 : i32
      %dma_wait3A_119 = arith.constant 0 : i32
      %dma_wait3A_120 = tpu.memref_slice %arg2[%dma_wait3A_118, %dma_wait3A_119] : memref<10000x128xf32, #tpu.memory_space<hbm>> -> memref<10000x128xf32, #tpu.memory_space<hbm>>
      tpu.wait_indirect_dma semaphore(%arg12 : memref<!tpu.dma_semaphore, #tpu.memory_space<semaphore_mem>>) src(%dma_wait3A_120 : memref<10000x128xf32, #tpu.memory_space<hbm>>) dst(%arg9 : memref<100x128xf32, #tpu.memory_space<vmem>>)
      %add3A_121 = arith.constant 1 : i32
      %add3A_122 = arith.addi %add3A_98, %add3A_121 : i32
      "tpu.region"() ({
        %run_scoped3A_131 = tpu.sem_alloc : memref<!tpu.dma_semaphore, #tpu.memory_space<semaphore_mem>>
        %dma_start3A_132 = arith.constant 0 : i32
        %dma_start3A_133 = tpu.memref_slice %arg7[%add3A_122, %dma_start3A_132] : memref<50x100xi32, #tpu.memory_space<vmem>> -> memref<1x100xi32, #tpu.memory_space<vmem>>
        %dma_start3A_134 = tpu.memref_squeeze %dma_start3A_133 : memref<1x100xi32, #tpu.memory_space<vmem>> -> memref<100xi32, #tpu.memory_space<vmem>>
        %dma_start3A_135 = arith.constant 0 : i32
        %dma_start3A_136 = arith.constant 0 : i32
        %dma_start3A_137 = tpu.memref_slice %arg10[%dma_start3A_135, %dma_start3A_136] : memref<10000x128xf32, #tpu.memory_space<vmem_shared>> -> memref<10000x128xf32, #tpu.memory_space<vmem_shared>>
        tpu.enqueue_indirect_dma source(%arg9 : memref<100x128xf32, #tpu.memory_space<vmem>>) target(%dma_start3A_137 : memref<10000x128xf32, #tpu.memory_space<vmem_shared>>) offsets(%dma_start3A_134 : memref<100xi32, #tpu.memory_space<vmem>>) semaphore(%run_scoped3A_131 : memref<!tpu.dma_semaphore, #tpu.memory_space<semaphore_mem>>) {add = true}
        %dma_wait3A_138 = arith.constant 0 : i32
        %dma_wait3A_139 = tpu.memref_slice %arg7[%add3A_122, %dma_wait3A_138] : memref<50x100xi32, #tpu.memory_space<vmem>> -> memref<1x100xi32, #tpu.memory_space<vmem>>
        %dma_wait3A_140 = tpu.memref_squeeze %dma_wait3A_139 : memref<1x100xi32, #tpu.memory_space<vmem>> -> memref<100xi32, #tpu.memory_space<vmem>>
        %dma_wait3A_141 = arith.constant 0 : i32
        %dma_wait3A_142 = arith.constant 0 : i32
        %dma_wait3A_143 = tpu.memref_slice %arg10[%dma_wait3A_141, %dma_wait3A_142] : memref<10000x128xf32, #tpu.memory_space<vmem_shared>> -> memref<10000x128xf32, #tpu.memory_space<vmem_shared>>
        tpu.wait_indirect_dma semaphore(%run_scoped3A_131 : memref<!tpu.dma_semaphore, #tpu.memory_space<semaphore_mem>>) src(%arg9 : memref<100x128xf32, #tpu.memory_space<vmem>>) dst(%dma_wait3A_143 : memref<10000x128xf32, #tpu.memory_space<vmem_shared>>)
        tpu.yield
      }) : () -> ()
      %add3A_123 = arith.constant 3 : i32
      %add3A_124 = arith.addi %add3A_98, %add3A_123 : i32
      %dma_start3A_125 = arith.constant 0 : i32
      %dma_start3A_126 = tpu.memref_slice %arg6[%add3A_124, %dma_start3A_125] : memref<50x100xi32, #tpu.memory_space<vmem>> -> memref<1x100xi32, #tpu.memory_space<vmem>>
      %dma_start3A_127 = tpu.memref_squeeze %dma_start3A_126 : memref<1x100xi32, #tpu.memory_space<vmem>> -> memref<100xi32, #tpu.memory_space<vmem>>
      %dma_start3A_128 = arith.constant 0 : i32
      %dma_start3A_129 = arith.constant 0 : i32
      %dma_start3A_130 = tpu.memref_slice %arg2[%dma_start3A_128, %dma_start3A_129] : memref<10000x128xf32, #tpu.memory_space<hbm>> -> memref<10000x128xf32, #tpu.memory_space<hbm>>
      tpu.enqueue_indirect_dma source(%dma_start3A_130 : memref<10000x128xf32, #tpu.memory_space<hbm>>) target(%arg9 : memref<100x128xf32, #tpu.memory_space<vmem>>) offsets(%dma_start3A_127 : memref<100xi32, #tpu.memory_space<vmem>>) semaphore(%arg12 : memref<!tpu.dma_semaphore, #tpu.memory_space<semaphore_mem>>)
    }
    %scan3A_34 = arith.constant 24 : i32
    %dma_wait3A_35 = arith.constant 48 : i32
    %dma_wait3A_36 = arith.constant 0 : i32
    %dma_wait3A_37 = tpu.memref_slice %arg6[%dma_wait3A_35, %dma_wait3A_36] : memref<50x100xi32, #tpu.memory_space<vmem>> -> memref<1x100xi32, #tpu.memory_space<vmem>>
    %dma_wait3A_38 = tpu.memref_squeeze %dma_wait3A_37 : memref<1x100xi32, #tpu.memory_space<vmem>> -> memref<100xi32, #tpu.memory_space<vmem>>
    %dma_wait3A_39 = arith.constant 0 : i32
    %dma_wait3A_40 = arith.constant 0 : i32
    %dma_wait3A_41 = tpu.memref_slice %arg2[%dma_wait3A_39, %dma_wait3A_40] : memref<10000x128xf32, #tpu.memory_space<hbm>> -> memref<10000x128xf32, #tpu.memory_space<hbm>>
    tpu.wait_indirect_dma semaphore(%arg11 : memref<!tpu.dma_semaphore, #tpu.memory_space<semaphore_mem>>) src(%dma_wait3A_41 : memref<10000x128xf32, #tpu.memory_space<hbm>>) dst(%arg8 : memref<100x128xf32, #tpu.memory_space<vmem>>)
    %run_scoped3A_42 = arith.constant 48 : i32
    "tpu.region"() ({
      %run_scoped3A_94 = tpu.sem_alloc : memref<!tpu.dma_semaphore, #tpu.memory_space<semaphore_mem>>
      %dma_start3A_95 = arith.constant 0 : i32
      %dma_start3A_96 = tpu.memref_slice %arg7[%run_scoped3A_42, %dma_start3A_95] : memref<50x100xi32, #tpu.memory_space<vmem>> -> memref<1x100xi32, #tpu.memory_space<vmem>>
      %dma_start3A_97 = tpu.memref_squeeze %dma_start3A_96 : memref<1x100xi32, #tpu.memory_space<vmem>> -> memref<100xi32, #tpu.memory_space<vmem>>
      %dma_start3A_98 = arith.constant 0 : i32
      %dma_start3A_99 = arith.constant 0 : i32
      %dma_start3A_100 = tpu.memref_slice %arg10[%dma_start3A_98, %dma_start3A_99] : memref<10000x128xf32, #tpu.memory_space<vmem_shared>> -> memref<10000x128xf32, #tpu.memory_space<vmem_shared>>
      tpu.enqueue_indirect_dma source(%arg8 : memref<100x128xf32, #tpu.memory_space<vmem>>) target(%dma_start3A_100 : memref<10000x128xf32, #tpu.memory_space<vmem_shared>>) offsets(%dma_start3A_97 : memref<100xi32, #tpu.memory_space<vmem>>) semaphore(%run_scoped3A_94 : memref<!tpu.dma_semaphore, #tpu.memory_space<semaphore_mem>>) {add = true}
      %dma_wait3A_101 = arith.constant 0 : i32
      %dma_wait3A_102 = tpu.memref_slice %arg7[%run_scoped3A_42, %dma_wait3A_101] : memref<50x100xi32, #tpu.memory_space<vmem>> -> memref<1x100xi32, #tpu.memory_space<vmem>>
      %dma_wait3A_103 = tpu.memref_squeeze %dma_wait3A_102 : memref<1x100xi32, #tpu.memory_space<vmem>> -> memref<100xi32, #tpu.memory_space<vmem>>
      %dma_wait3A_104 = arith.constant 0 : i32
      %dma_wait3A_105 = arith.constant 0 : i32
      %dma_wait3A_106 = tpu.memref_slice %arg10[%dma_wait3A_104, %dma_wait3A_105] : memref<10000x128xf32, #tpu.memory_space<vmem_shared>> -> memref<10000x128xf32, #tpu.memory_space<vmem_shared>>
      tpu.wait_indirect_dma semaphore(%run_scoped3A_94 : memref<!tpu.dma_semaphore, #tpu.memory_space<semaphore_mem>>) src(%arg8 : memref<100x128xf32, #tpu.memory_space<vmem>>) dst(%dma_wait3A_106 : memref<10000x128xf32, #tpu.memory_space<vmem_shared>>)
      tpu.yield
    }) : () -> ()
    %dma_wait3A_43 = arith.constant 49 : i32
    %dma_wait3A_44 = arith.constant 0 : i32
    %dma_wait3A_45 = tpu.memref_slice %arg6[%dma_wait3A_43, %dma_wait3A_44] : memref<50x100xi32, #tpu.memory_space<vmem>> -> memref<1x100xi32, #tpu.memory_space<vmem>>
    %dma_wait3A_46 = tpu.memref_squeeze %dma_wait3A_45 : memref<1x100xi32, #tpu.memory_space<vmem>> -> memref<100xi32, #tpu.memory_space<vmem>>
    %dma_wait3A_47 = arith.constant 0 : i32
    %dma_wait3A_48 = arith.constant 0 : i32
    %dma_wait3A_49 = tpu.memref_slice %arg2[%dma_wait3A_47, %dma_wait3A_48] : memref<10000x128xf32, #tpu.memory_space<hbm>> -> memref<10000x128xf32, #tpu.memory_space<hbm>>
    tpu.wait_indirect_dma semaphore(%arg12 : memref<!tpu.dma_semaphore, #tpu.memory_space<semaphore_mem>>) src(%dma_wait3A_49 : memref<10000x128xf32, #tpu.memory_space<hbm>>) dst(%arg9 : memref<100x128xf32, #tpu.memory_space<vmem>>)
    %run_scoped3A_50 = arith.constant 49 : i32
    "tpu.region"() ({
      %run_scoped3A_94 = tpu.sem_alloc : memref<!tpu.dma_semaphore, #tpu.memory_space<semaphore_mem>>
      %dma_start3A_95 = arith.constant 0 : i32
      %dma_start3A_96 = tpu.memref_slice %arg7[%run_scoped3A_50, %dma_start3A_95] : memref<50x100xi32, #tpu.memory_space<vmem>> -> memref<1x100xi32, #tpu.memory_space<vmem>>
      %dma_start3A_97 = tpu.memref_squeeze %dma_start3A_96 : memref<1x100xi32, #tpu.memory_space<vmem>> -> memref<100xi32, #tpu.memory_space<vmem>>
      %dma_start3A_98 = arith.constant 0 : i32
      %dma_start3A_99 = arith.constant 0 : i32
      %dma_start3A_100 = tpu.memref_slice %arg10[%dma_start3A_98, %dma_start3A_99] : memref<10000x128xf32, #tpu.memory_space<vmem_shared>> -> memref<10000x128xf32, #tpu.memory_space<vmem_shared>>
      tpu.enqueue_indirect_dma source(%arg9 : memref<100x128xf32, #tpu.memory_space<vmem>>) target(%dma_start3A_100 : memref<10000x128xf32, #tpu.memory_space<vmem_shared>>) offsets(%dma_start3A_97 : memref<100xi32, #tpu.memory_space<vmem>>) semaphore(%run_scoped3A_94 : memref<!tpu.dma_semaphore, #tpu.memory_space<semaphore_mem>>) {add = true}
      %dma_wait3A_101 = arith.constant 0 : i32
      %dma_wait3A_102 = tpu.memref_slice %arg7[%run_scoped3A_50, %dma_wait3A_101] : memref<50x100xi32, #tpu.memory_space<vmem>> -> memref<1x100xi32, #tpu.memory_space<vmem>>
      %dma_wait3A_103 = tpu.memref_squeeze %dma_wait3A_102 : memref<1x100xi32, #tpu.memory_space<vmem>> -> memref<100xi32, #tpu.memory_space<vmem>>
      %dma_wait3A_104 = arith.constant 0 : i32
      %dma_wait3A_105 = arith.constant 0 : i32
      %dma_wait3A_106 = tpu.memref_slice %arg10[%dma_wait3A_104, %dma_wait3A_105] : memref<10000x128xf32, #tpu.memory_space<vmem_shared>> -> memref<10000x128xf32, #tpu.memory_space<vmem_shared>>
      tpu.wait_indirect_dma semaphore(%run_scoped3A_94 : memref<!tpu.dma_semaphore, #tpu.memory_space<semaphore_mem>>) src(%arg9 : memref<100x128xf32, #tpu.memory_space<vmem>>) dst(%dma_wait3A_106 : memref<10000x128xf32, #tpu.memory_space<vmem_shared>>)
      tpu.yield
    }) : () -> ()
    %run_scoped3A_51 = arith.constant 1 : i32
    "tpu.region"() ({
      %run_scoped3A_94 = tpu.sem_alloc : memref<!tpu.dma_semaphore, #tpu.memory_space<semaphore_mem>>
      %dma_start3A_95 = arith.constant 0 : i32
      %dma_start3A_96 = arith.constant 0 : i32
      %dma_start3A_97 = tpu.memref_slice %arg3[%add3A, %run_scoped3A_51, %dma_start3A_95, %dma_start3A_96] : memref<32x2x50x100xi32, #tpu.memory_space<hbm>> -> memref<1x1x50x100xi32, #tpu.memory_space<hbm>>
      %dma_start3A_98 = tpu.memref_squeeze %dma_start3A_97 : memref<1x1x50x100xi32, #tpu.memory_space<hbm>> -> memref<50x100xi32, #tpu.memory_space<hbm>>
      %dma_start3A_99 = arith.constant 0 : i32
      %dma_start3A_100 = arith.constant 0 : i32
      %dma_start3A_101 = tpu.memref_slice %arg3[%add3A, %run_scoped3A_51, %dma_start3A_99, %dma_start3A_100] : memref<32x2x50x100xi32, #tpu.memory_space<hbm>> -> memref<1x1x50x100xi32, #tpu.memory_space<hbm>>
      %dma_start3A_102 = tpu.memref_squeeze %dma_start3A_101 : memref<1x1x50x100xi32, #tpu.memory_space<hbm>> -> memref<50x100xi32, #tpu.memory_space<hbm>>
      tpu.enqueue_dma source(%dma_start3A_102 : memref<50x100xi32, #tpu.memory_space<hbm>>) target(%arg6 : memref<50x100xi32, #tpu.memory_space<vmem>>) target_semaphore(%run_scoped3A_94 : memref<!tpu.dma_semaphore, #tpu.memory_space<semaphore_mem>>)
      %dma_wait3A_103 = arith.constant 0 : i32
      %dma_wait3A_104 = arith.constant 0 : i32
      %dma_wait3A_105 = tpu.memref_slice %arg3[%add3A, %run_scoped3A_51, %dma_wait3A_103, %dma_wait3A_104] : memref<32x2x50x100xi32, #tpu.memory_space<hbm>> -> memref<1x1x50x100xi32, #tpu.memory_space<hbm>>
      %dma_wait3A_106 = tpu.memref_squeeze %dma_wait3A_105 : memref<1x1x50x100xi32, #tpu.memory_space<hbm>> -> memref<50x100xi32, #tpu.memory_space<hbm>>
      %dma_wait3A_107 = arith.constant 0 : i32
      %dma_wait3A_108 = arith.constant 0 : i32
      %dma_wait3A_109 = tpu.memref_slice %arg3[%add3A, %run_scoped3A_51, %dma_wait3A_107, %dma_wait3A_108] : memref<32x2x50x100xi32, #tpu.memory_space<hbm>> -> memref<1x1x50x100xi32, #tpu.memory_space<hbm>>
      %dma_wait3A_110 = tpu.memref_squeeze %dma_wait3A_109 : memref<1x1x50x100xi32, #tpu.memory_space<hbm>> -> memref<50x100xi32, #tpu.memory_space<hbm>>
      tpu.wait_dma2 semaphore(%run_scoped3A_94 : memref<!tpu.dma_semaphore, #tpu.memory_space<semaphore_mem>>) src(%dma_wait3A_110 : memref<50x100xi32, #tpu.memory_space<hbm>>) dst(%arg6 : memref<50x100xi32, #tpu.memory_space<vmem>>)
      tpu.yield
    }) : () -> ()
    %run_scoped3A_52 = arith.constant 1 : i32
    "tpu.region"() ({
      %run_scoped3A_94 = tpu.sem_alloc : memref<!tpu.dma_semaphore, #tpu.memory_space<semaphore_mem>>
      %dma_start3A_95 = arith.constant 0 : i32
      %dma_start3A_96 = arith.constant 0 : i32
      %dma_start3A_97 = tpu.memref_slice %arg4[%add3A, %run_scoped3A_52, %dma_start3A_95, %dma_start3A_96] : memref<32x2x50x100xi32, #tpu.memory_space<hbm>> -> memref<1x1x50x100xi32, #tpu.memory_space<hbm>>
      %dma_start3A_98 = tpu.memref_squeeze %dma_start3A_97 : memref<1x1x50x100xi32, #tpu.memory_space<hbm>> -> memref<50x100xi32, #tpu.memory_space<hbm>>
      %dma_start3A_99 = arith.constant 0 : i32
      %dma_start3A_100 = arith.constant 0 : i32
      %dma_start3A_101 = tpu.memref_slice %arg4[%add3A, %run_scoped3A_52, %dma_start3A_99, %dma_start3A_100] : memref<32x2x50x100xi32, #tpu.memory_space<hbm>> -> memref<1x1x50x100xi32, #tpu.memory_space<hbm>>
      %dma_start3A_102 = tpu.memref_squeeze %dma_start3A_101 : memref<1x1x50x100xi32, #tpu.memory_space<hbm>> -> memref<50x100xi32, #tpu.memory_space<hbm>>
      tpu.enqueue_dma source(%dma_start3A_102 : memref<50x100xi32, #tpu.memory_space<hbm>>) target(%arg7 : memref<50x100xi32, #tpu.memory_space<vmem>>) target_semaphore(%run_scoped3A_94 : memref<!tpu.dma_semaphore, #tpu.memory_space<semaphore_mem>>)
      %dma_wait3A_103 = arith.constant 0 : i32
      %dma_wait3A_104 = arith.constant 0 : i32
      %dma_wait3A_105 = tpu.memref_slice %arg4[%add3A, %run_scoped3A_52, %dma_wait3A_103, %dma_wait3A_104] : memref<32x2x50x100xi32, #tpu.memory_space<hbm>> -> memref<1x1x50x100xi32, #tpu.memory_space<hbm>>
      %dma_wait3A_106 = tpu.memref_squeeze %dma_wait3A_105 : memref<1x1x50x100xi32, #tpu.memory_space<hbm>> -> memref<50x100xi32, #tpu.memory_space<hbm>>
      %dma_wait3A_107 = arith.constant 0 : i32
      %dma_wait3A_108 = arith.constant 0 : i32
      %dma_wait3A_109 = tpu.memref_slice %arg4[%add3A, %run_scoped3A_52, %dma_wait3A_107, %dma_wait3A_108] : memref<32x2x50x100xi32, #tpu.memory_space<hbm>> -> memref<1x1x50x100xi32, #tpu.memory_space<hbm>>
      %dma_wait3A_110 = tpu.memref_squeeze %dma_wait3A_109 : memref<1x1x50x100xi32, #tpu.memory_space<hbm>> -> memref<50x100xi32, #tpu.memory_space<hbm>>
      tpu.wait_dma2 semaphore(%run_scoped3A_94 : memref<!tpu.dma_semaphore, #tpu.memory_space<semaphore_mem>>) src(%dma_wait3A_110 : memref<50x100xi32, #tpu.memory_space<hbm>>) dst(%arg7 : memref<50x100xi32, #tpu.memory_space<vmem>>)
      tpu.yield
    }) : () -> ()
    %dma_start3A_53 = arith.constant 0 : i32
    %dma_start3A_54 = arith.constant 0 : i32
    %dma_start3A_55 = tpu.memref_slice %arg6[%dma_start3A_53, %dma_start3A_54] : memref<50x100xi32, #tpu.memory_space<vmem>> -> memref<1x100xi32, #tpu.memory_space<vmem>>
    %dma_start3A_56 = tpu.memref_squeeze %dma_start3A_55 : memref<1x100xi32, #tpu.memory_space<vmem>> -> memref<100xi32, #tpu.memory_space<vmem>>
    %dma_start3A_57 = arith.constant 0 : i32
    %dma_start3A_58 = arith.constant 0 : i32
    %dma_start3A_59 = tpu.memref_slice %arg2[%dma_start3A_57, %dma_start3A_58] : memref<10000x128xf32, #tpu.memory_space<hbm>> -> memref<10000x128xf32, #tpu.memory_space<hbm>>
    tpu.enqueue_indirect_dma source(%dma_start3A_59 : memref<10000x128xf32, #tpu.memory_space<hbm>>) target(%arg8 : memref<100x128xf32, #tpu.memory_space<vmem>>) offsets(%dma_start3A_56 : memref<100xi32, #tpu.memory_space<vmem>>) semaphore(%arg11 : memref<!tpu.dma_semaphore, #tpu.memory_space<semaphore_mem>>)
    %dma_start3A_60 = arith.constant 1 : i32
    %dma_start3A_61 = arith.constant 0 : i32
    %dma_start3A_62 = tpu.memref_slice %arg6[%dma_start3A_60, %dma_start3A_61] : memref<50x100xi32, #tpu.memory_space<vmem>> -> memref<1x100xi32, #tpu.memory_space<vmem>>
    %dma_start3A_63 = tpu.memref_squeeze %dma_start3A_62 : memref<1x100xi32, #tpu.memory_space<vmem>> -> memref<100xi32, #tpu.memory_space<vmem>>
    %dma_start3A_64 = arith.constant 0 : i32
    %dma_start3A_65 = arith.constant 0 : i32
    %dma_start3A_66 = tpu.memref_slice %arg2[%dma_start3A_64, %dma_start3A_65] : memref<10000x128xf32, #tpu.memory_space<hbm>> -> memref<10000x128xf32, #tpu.memory_space<hbm>>
    tpu.enqueue_indirect_dma source(%dma_start3A_66 : memref<10000x128xf32, #tpu.memory_space<hbm>>) target(%arg9 : memref<100x128xf32, #tpu.memory_space<vmem>>) offsets(%dma_start3A_63 : memref<100xi32, #tpu.memory_space<vmem>>) semaphore(%arg12 : memref<!tpu.dma_semaphore, #tpu.memory_space<semaphore_mem>>)
    %scan3A_67 = arith.constant 0 : i32
    %scan3A_68 = arith.constant 24 : i32
    %scan3A_69 = arith.addi %scan3A_67, %scan3A_68 : i32
    %scan3A_70 = arith.constant 1 : i32
    scf.for %scan3A_94 = %scan3A_67 to %scan3A_69 step %scan3A_70  : i32 {
      %mul3A_95 = arith.constant 2 : i32
      %mul3A_96 = arith.muli %scan3A_94, %mul3A_95 : i32
      %add3A_97 = arith.constant 0 : i32
      %add3A_98 = arith.addi %add3A_97, %mul3A_96 : i32
      %dma_wait3A_99 = arith.constant 0 : i32
      %dma_wait3A_100 = tpu.memref_slice %arg6[%add3A_98, %dma_wait3A_99] : memref<50x100xi32, #tpu.memory_space<vmem>> -> memref<1x100xi32, #tpu.memory_space<vmem>>
      %dma_wait3A_101 = tpu.memref_squeeze %dma_wait3A_100 : memref<1x100xi32, #tpu.memory_space<vmem>> -> memref<100xi32, #tpu.memory_space<vmem>>
      %dma_wait3A_102 = arith.constant 0 : i32
      %dma_wait3A_103 = arith.constant 0 : i32
      %dma_wait3A_104 = tpu.memref_slice %arg2[%dma_wait3A_102, %dma_wait3A_103] : memref<10000x128xf32, #tpu.memory_space<hbm>> -> memref<10000x128xf32, #tpu.memory_space<hbm>>
      tpu.wait_indirect_dma semaphore(%arg11 : memref<!tpu.dma_semaphore, #tpu.memory_space<semaphore_mem>>) src(%dma_wait3A_104 : memref<10000x128xf32, #tpu.memory_space<hbm>>) dst(%arg8 : memref<100x128xf32, #tpu.memory_space<vmem>>)
      "tpu.region"() ({
        %run_scoped3A_131 = tpu.sem_alloc : memref<!tpu.dma_semaphore, #tpu.memory_space<semaphore_mem>>
        %dma_start3A_132 = arith.constant 0 : i32
        %dma_start3A_133 = tpu.memref_slice %arg7[%add3A_98, %dma_start3A_132] : memref<50x100xi32, #tpu.memory_space<vmem>> -> memref<1x100xi32, #tpu.memory_space<vmem>>
        %dma_start3A_134 = tpu.memref_squeeze %dma_start3A_133 : memref<1x100xi32, #tpu.memory_space<vmem>> -> memref<100xi32, #tpu.memory_space<vmem>>
        %dma_start3A_135 = arith.constant 0 : i32
        %dma_start3A_136 = arith.constant 0 : i32
        %dma_start3A_137 = tpu.memref_slice %arg10[%dma_start3A_135, %dma_start3A_136] : memref<10000x128xf32, #tpu.memory_space<vmem_shared>> -> memref<10000x128xf32, #tpu.memory_space<vmem_shared>>
        tpu.enqueue_indirect_dma source(%arg8 : memref<100x128xf32, #tpu.memory_space<vmem>>) target(%dma_start3A_137 : memref<10000x128xf32, #tpu.memory_space<vmem_shared>>) offsets(%dma_start3A_134 : memref<100xi32, #tpu.memory_space<vmem>>) semaphore(%run_scoped3A_131 : memref<!tpu.dma_semaphore, #tpu.memory_space<semaphore_mem>>) {add = true}
        %dma_wait3A_138 = arith.constant 0 : i32
        %dma_wait3A_139 = tpu.memref_slice %arg7[%add3A_98, %dma_wait3A_138] : memref<50x100xi32, #tpu.memory_space<vmem>> -> memref<1x100xi32, #tpu.memory_space<vmem>>
        %dma_wait3A_140 = tpu.memref_squeeze %dma_wait3A_139 : memref<1x100xi32, #tpu.memory_space<vmem>> -> memref<100xi32, #tpu.memory_space<vmem>>
        %dma_wait3A_141 = arith.constant 0 : i32
        %dma_wait3A_142 = arith.constant 0 : i32
        %dma_wait3A_143 = tpu.memref_slice %arg10[%dma_wait3A_141, %dma_wait3A_142] : memref<10000x128xf32, #tpu.memory_space<vmem_shared>> -> memref<10000x128xf32, #tpu.memory_space<vmem_shared>>
        tpu.wait_indirect_dma semaphore(%run_scoped3A_131 : memref<!tpu.dma_semaphore, #tpu.memory_space<semaphore_mem>>) src(%arg8 : memref<100x128xf32, #tpu.memory_space<vmem>>) dst(%dma_wait3A_143 : memref<10000x128xf32, #tpu.memory_space<vmem_shared>>)
        tpu.yield
      }) : () -> ()
      %add3A_105 = arith.constant 2 : i32
      %add3A_106 = arith.addi %add3A_98, %add3A_105 : i32
      %dma_start3A_107 = arith.constant 0 : i32
      %dma_start3A_108 = tpu.memref_slice %arg6[%add3A_106, %dma_start3A_107] : memref<50x100xi32, #tpu.memory_space<vmem>> -> memref<1x100xi32, #tpu.memory_space<vmem>>
      %dma_start3A_109 = tpu.memref_squeeze %dma_start3A_108 : memref<1x100xi32, #tpu.memory_space<vmem>> -> memref<100xi32, #tpu.memory_space<vmem>>
      %dma_start3A_110 = arith.constant 0 : i32
      %dma_start3A_111 = arith.constant 0 : i32
      %dma_start3A_112 = tpu.memref_slice %arg2[%dma_start3A_110, %dma_start3A_111] : memref<10000x128xf32, #tpu.memory_space<hbm>> -> memref<10000x128xf32, #tpu.memory_space<hbm>>
      tpu.enqueue_indirect_dma source(%dma_start3A_112 : memref<10000x128xf32, #tpu.memory_space<hbm>>) target(%arg8 : memref<100x128xf32, #tpu.memory_space<vmem>>) offsets(%dma_start3A_109 : memref<100xi32, #tpu.memory_space<vmem>>) semaphore(%arg11 : memref<!tpu.dma_semaphore, #tpu.memory_space<semaphore_mem>>)
      %add3A_113 = arith.constant 1 : i32
      %add3A_114 = arith.addi %add3A_98, %add3A_113 : i32
      %dma_wait3A_115 = arith.constant 0 : i32
      %dma_wait3A_116 = tpu.memref_slice %arg6[%add3A_114, %dma_wait3A_115] : memref<50x100xi32, #tpu.memory_space<vmem>> -> memref<1x100xi32, #tpu.memory_space<vmem>>
      %dma_wait3A_117 = tpu.memref_squeeze %dma_wait3A_116 : memref<1x100xi32, #tpu.memory_space<vmem>> -> memref<100xi32, #tpu.memory_space<vmem>>
      %dma_wait3A_118 = arith.constant 0 : i32
      %dma_wait3A_119 = arith.constant 0 : i32
      %dma_wait3A_120 = tpu.memref_slice %arg2[%dma_wait3A_118, %dma_wait3A_119] : memref<10000x128xf32, #tpu.memory_space<hbm>> -> memref<10000x128xf32, #tpu.memory_space<hbm>>
      tpu.wait_indirect_dma semaphore(%arg12 : memref<!tpu.dma_semaphore, #tpu.memory_space<semaphore_mem>>) src(%dma_wait3A_120 : memref<10000x128xf32, #tpu.memory_space<hbm>>) dst(%arg9 : memref<100x128xf32, #tpu.memory_space<vmem>>)
      %add3A_121 = arith.constant 1 : i32
      %add3A_122 = arith.addi %add3A_98, %add3A_121 : i32
      "tpu.region"() ({
        %run_scoped3A_131 = tpu.sem_alloc : memref<!tpu.dma_semaphore, #tpu.memory_space<semaphore_mem>>
        %dma_start3A_132 = arith.constant 0 : i32
        %dma_start3A_133 = tpu.memref_slice %arg7[%add3A_122, %dma_start3A_132] : memref<50x100xi32, #tpu.memory_space<vmem>> -> memref<1x100xi32, #tpu.memory_space<vmem>>
        %dma_start3A_134 = tpu.memref_squeeze %dma_start3A_133 : memref<1x100xi32, #tpu.memory_space<vmem>> -> memref<100xi32, #tpu.memory_space<vmem>>
        %dma_start3A_135 = arith.constant 0 : i32
        %dma_start3A_136 = arith.constant 0 : i32
        %dma_start3A_137 = tpu.memref_slice %arg10[%dma_start3A_135, %dma_start3A_136] : memref<10000x128xf32, #tpu.memory_space<vmem_shared>> -> memref<10000x128xf32, #tpu.memory_space<vmem_shared>>
        tpu.enqueue_indirect_dma source(%arg9 : memref<100x128xf32, #tpu.memory_space<vmem>>) target(%dma_start3A_137 : memref<10000x128xf32, #tpu.memory_space<vmem_shared>>) offsets(%dma_start3A_134 : memref<100xi32, #tpu.memory_space<vmem>>) semaphore(%run_scoped3A_131 : memref<!tpu.dma_semaphore, #tpu.memory_space<semaphore_mem>>) {add = true}
        %dma_wait3A_138 = arith.constant 0 : i32
        %dma_wait3A_139 = tpu.memref_slice %arg7[%add3A_122, %dma_wait3A_138] : memref<50x100xi32, #tpu.memory_space<vmem>> -> memref<1x100xi32, #tpu.memory_space<vmem>>
        %dma_wait3A_140 = tpu.memref_squeeze %dma_wait3A_139 : memref<1x100xi32, #tpu.memory_space<vmem>> -> memref<100xi32, #tpu.memory_space<vmem>>
        %dma_wait3A_141 = arith.constant 0 : i32
        %dma_wait3A_142 = arith.constant 0 : i32
        %dma_wait3A_143 = tpu.memref_slice %arg10[%dma_wait3A_141, %dma_wait3A_142] : memref<10000x128xf32, #tpu.memory_space<vmem_shared>> -> memref<10000x128xf32, #tpu.memory_space<vmem_shared>>
        tpu.wait_indirect_dma semaphore(%run_scoped3A_131 : memref<!tpu.dma_semaphore, #tpu.memory_space<semaphore_mem>>) src(%arg9 : memref<100x128xf32, #tpu.memory_space<vmem>>) dst(%dma_wait3A_143 : memref<10000x128xf32, #tpu.memory_space<vmem_shared>>)
        tpu.yield
      }) : () -> ()
      %add3A_123 = arith.constant 3 : i32
      %add3A_124 = arith.addi %add3A_98, %add3A_123 : i32
      %dma_start3A_125 = arith.constant 0 : i32
      %dma_start3A_126 = tpu.memref_slice %arg6[%add3A_124, %dma_start3A_125] : memref<50x100xi32, #tpu.memory_space<vmem>> -> memref<1x100xi32, #tpu.memory_space<vmem>>
      %dma_start3A_127 = tpu.memref_squeeze %dma_start3A_126 : memref<1x100xi32, #tpu.memory_space<vmem>> -> memref<100xi32, #tpu.memory_space<vmem>>
      %dma_start3A_128 = arith.constant 0 : i32
      %dma_start3A_129 = arith.constant 0 : i32
      %dma_start3A_130 = tpu.memref_slice %arg2[%dma_start3A_128, %dma_start3A_129] : memref<10000x128xf32, #tpu.memory_space<hbm>> -> memref<10000x128xf32, #tpu.memory_space<hbm>>
      tpu.enqueue_indirect_dma source(%dma_start3A_130 : memref<10000x128xf32, #tpu.memory_space<hbm>>) target(%arg9 : memref<100x128xf32, #tpu.memory_space<vmem>>) offsets(%dma_start3A_127 : memref<100xi32, #tpu.memory_space<vmem>>) semaphore(%arg12 : memref<!tpu.dma_semaphore, #tpu.memory_space<semaphore_mem>>)
    }
    %scan3A_71 = arith.constant 24 : i32
    %dma_wait3A_72 = arith.constant 48 : i32
    %dma_wait3A_73 = arith.constant 0 : i32
    %dma_wait3A_74 = tpu.memref_slice %arg6[%dma_wait3A_72, %dma_wait3A_73] : memref<50x100xi32, #tpu.memory_space<vmem>> -> memref<1x100xi32, #tpu.memory_space<vmem>>
    %dma_wait3A_75 = tpu.memref_squeeze %dma_wait3A_74 : memref<1x100xi32, #tpu.memory_space<vmem>> -> memref<100xi32, #tpu.memory_space<vmem>>
    %dma_wait3A_76 = arith.constant 0 : i32
    %dma_wait3A_77 = arith.constant 0 : i32
    %dma_wait3A_78 = tpu.memref_slice %arg2[%dma_wait3A_76, %dma_wait3A_77] : memref<10000x128xf32, #tpu.memory_space<hbm>> -> memref<10000x128xf32, #tpu.memory_space<hbm>>
    tpu.wait_indirect_dma semaphore(%arg11 : memref<!tpu.dma_semaphore, #tpu.memory_space<semaphore_mem>>) src(%dma_wait3A_78 : memref<10000x128xf32, #tpu.memory_space<hbm>>) dst(%arg8 : memref<100x128xf32, #tpu.memory_space<vmem>>)
    %run_scoped3A_79 = arith.constant 48 : i32
    "tpu.region"() ({
      %run_scoped3A_94 = tpu.sem_alloc : memref<!tpu.dma_semaphore, #tpu.memory_space<semaphore_mem>>
      %dma_start3A_95 = arith.constant 0 : i32
      %dma_start3A_96 = tpu.memref_slice %arg7[%run_scoped3A_79, %dma_start3A_95] : memref<50x100xi32, #tpu.memory_space<vmem>> -> memref<1x100xi32, #tpu.memory_space<vmem>>
      %dma_start3A_97 = tpu.memref_squeeze %dma_start3A_96 : memref<1x100xi32, #tpu.memory_space<vmem>> -> memref<100xi32, #tpu.memory_space<vmem>>
      %dma_start3A_98 = arith.constant 0 : i32
      %dma_start3A_99 = arith.constant 0 : i32
      %dma_start3A_100 = tpu.memref_slice %arg10[%dma_start3A_98, %dma_start3A_99] : memref<10000x128xf32, #tpu.memory_space<vmem_shared>> -> memref<10000x128xf32, #tpu.memory_space<vmem_shared>>
      tpu.enqueue_indirect_dma source(%arg8 : memref<100x128xf32, #tpu.memory_space<vmem>>) target(%dma_start3A_100 : memref<10000x128xf32, #tpu.memory_space<vmem_shared>>) offsets(%dma_start3A_97 : memref<100xi32, #tpu.memory_space<vmem>>) semaphore(%run_scoped3A_94 : memref<!tpu.dma_semaphore, #tpu.memory_space<semaphore_mem>>) {add = true}
      %dma_wait3A_101 = arith.constant 0 : i32
      %dma_wait3A_102 = tpu.memref_slice %arg7[%run_scoped3A_79, %dma_wait3A_101] : memref<50x100xi32, #tpu.memory_space<vmem>> -> memref<1x100xi32, #tpu.memory_space<vmem>>
      %dma_wait3A_103 = tpu.memref_squeeze %dma_wait3A_102 : memref<1x100xi32, #tpu.memory_space<vmem>> -> memref<100xi32, #tpu.memory_space<vmem>>
      %dma_wait3A_104 = arith.constant 0 : i32
      %dma_wait3A_105 = arith.constant 0 : i32
      %dma_wait3A_106 = tpu.memref_slice %arg10[%dma_wait3A_104, %dma_wait3A_105] : memref<10000x128xf32, #tpu.memory_space<vmem_shared>> -> memref<10000x128xf32, #tpu.memory_space<vmem_shared>>
      tpu.wait_indirect_dma semaphore(%run_scoped3A_94 : memref<!tpu.dma_semaphore, #tpu.memory_space<semaphore_mem>>) src(%arg8 : memref<100x128xf32, #tpu.memory_space<vmem>>) dst(%dma_wait3A_106 : memref<10000x128xf32, #tpu.memory_space<vmem_shared>>)
      tpu.yield
    }) : () -> ()
    %dma_wait3A_80 = arith.constant 49 : i32
    %dma_wait3A_81 = arith.constant 0 : i32
    %dma_wait3A_82 = tpu.memref_slice %arg6[%dma_wait3A_80, %dma_wait3A_81] : memref<50x100xi32, #tpu.memory_space<vmem>> -> memref<1x100xi32, #tpu.memory_space<vmem>>
    %dma_wait3A_83 = tpu.memref_squeeze %dma_wait3A_82 : memref<1x100xi32, #tpu.memory_space<vmem>> -> memref<100xi32, #tpu.memory_space<vmem>>
    %dma_wait3A_84 = arith.constant 0 : i32
    %dma_wait3A_85 = arith.constant 0 : i32
    %dma_wait3A_86 = tpu.memref_slice %arg2[%dma_wait3A_84, %dma_wait3A_85] : memref<10000x128xf32, #tpu.memory_space<hbm>> -> memref<10000x128xf32, #tpu.memory_space<hbm>>
    tpu.wait_indirect_dma semaphore(%arg12 : memref<!tpu.dma_semaphore, #tpu.memory_space<semaphore_mem>>) src(%dma_wait3A_86 : memref<10000x128xf32, #tpu.memory_space<hbm>>) dst(%arg9 : memref<100x128xf32, #tpu.memory_space<vmem>>)
    %run_scoped3A_87 = arith.constant 49 : i32
    "tpu.region"() ({
      %run_scoped3A_94 = tpu.sem_alloc : memref<!tpu.dma_semaphore, #tpu.memory_space<semaphore_mem>>
      %dma_start3A_95 = arith.constant 0 : i32
      %dma_start3A_96 = tpu.memref_slice %arg7[%run_scoped3A_87, %dma_start3A_95] : memref<50x100xi32, #tpu.memory_space<vmem>> -> memref<1x100xi32, #tpu.memory_space<vmem>>
      %dma_start3A_97 = tpu.memref_squeeze %dma_start3A_96 : memref<1x100xi32, #tpu.memory_space<vmem>> -> memref<100xi32, #tpu.memory_space<vmem>>
      %dma_start3A_98 = arith.constant 0 : i32
      %dma_start3A_99 = arith.constant 0 : i32
      %dma_start3A_100 = tpu.memref_slice %arg10[%dma_start3A_98, %dma_start3A_99] : memref<10000x128xf32, #tpu.memory_space<vmem_shared>> -> memref<10000x128xf32, #tpu.memory_space<vmem_shared>>
      tpu.enqueue_indirect_dma source(%arg9 : memref<100x128xf32, #tpu.memory_space<vmem>>) target(%dma_start3A_100 : memref<10000x128xf32, #tpu.memory_space<vmem_shared>>) offsets(%dma_start3A_97 : memref<100xi32, #tpu.memory_space<vmem>>) semaphore(%run_scoped3A_94 : memref<!tpu.dma_semaphore, #tpu.memory_space<semaphore_mem>>) {add = true}
      %dma_wait3A_101 = arith.constant 0 : i32
      %dma_wait3A_102 = tpu.memref_slice %arg7[%run_scoped3A_87, %dma_wait3A_101] : memref<50x100xi32, #tpu.memory_space<vmem>> -> memref<1x100xi32, #tpu.memory_space<vmem>>
      %dma_wait3A_103 = tpu.memref_squeeze %dma_wait3A_102 : memref<1x100xi32, #tpu.memory_space<vmem>> -> memref<100xi32, #tpu.memory_space<vmem>>
      %dma_wait3A_104 = arith.constant 0 : i32
      %dma_wait3A_105 = arith.constant 0 : i32
      %dma_wait3A_106 = tpu.memref_slice %arg10[%dma_wait3A_104, %dma_wait3A_105] : memref<10000x128xf32, #tpu.memory_space<vmem_shared>> -> memref<10000x128xf32, #tpu.memory_space<vmem_shared>>
      tpu.wait_indirect_dma semaphore(%run_scoped3A_94 : memref<!tpu.dma_semaphore, #tpu.memory_space<semaphore_mem>>) src(%arg9 : memref<100x128xf32, #tpu.memory_space<vmem>>) dst(%dma_wait3A_106 : memref<10000x128xf32, #tpu.memory_space<vmem_shared>>)
      tpu.yield
    }) : () -> ()
    %barrier3A_88 = arith.constant 0 : index
    tpu.barrier barrier_id(%barrier3A_88)
    "tpu.region"() ({
      %run_scoped3A_94 = tpu.sem_alloc : memref<!tpu.dma_semaphore, #tpu.memory_space<semaphore_mem>>
      %dma_start3A_95 = arith.constant 0 : i32
      %dma_start3A_96 = tpu.memref_slice %arg5[%arg0, %multiple_of3A, %dma_start3A_95] : memref<2x10000x128xf32, #tpu.memory_space<hbm>> -> memref<1x624x128xf32, #tpu.memory_space<hbm>>
      %dma_start3A_97 = tpu.memref_squeeze %dma_start3A_96 : memref<1x624x128xf32, #tpu.memory_space<hbm>> -> memref<624x128xf32, #tpu.memory_space<hbm>>
      %dma_start3A_98 = arith.constant 0 : i32
      %dma_start3A_99 = tpu.memref_slice %arg10[%multiple_of3A, %dma_start3A_98] : memref<10000x128xf32, #tpu.memory_space<vmem_shared>> -> memref<624x128xf32, #tpu.memory_space<vmem_shared>>
      tpu.enqueue_dma source(%dma_start3A_99 : memref<624x128xf32, #tpu.memory_space<vmem_shared>>) target(%dma_start3A_97 : memref<624x128xf32, #tpu.memory_space<hbm>>) target_semaphore(%run_scoped3A_94 : memref<!tpu.dma_semaphore, #tpu.memory_space<semaphore_mem>>)
      %dma_wait3A_100 = arith.constant 0 : i32
      %dma_wait3A_101 = tpu.memref_slice %arg5[%arg0, %multiple_of3A, %dma_wait3A_100] : memref<2x10000x128xf32, #tpu.memory_space<hbm>> -> memref<1x624x128xf32, #tpu.memory_space<hbm>>
      %dma_wait3A_102 = tpu.memref_squeeze %dma_wait3A_101 : memref<1x624x128xf32, #tpu.memory_space<hbm>> -> memref<624x128xf32, #tpu.memory_space<hbm>>
      %dma_wait3A_103 = arith.constant 0 : i32
      %dma_wait3A_104 = tpu.memref_slice %arg10[%multiple_of3A, %dma_wait3A_103] : memref<10000x128xf32, #tpu.memory_space<vmem_shared>> -> memref<624x128xf32, #tpu.memory_space<vmem_shared>>
      tpu.wait_dma2 semaphore(%run_scoped3A_94 : memref<!tpu.dma_semaphore, #tpu.memory_space<semaphore_mem>>) src(%dma_wait3A_104 : memref<624x128xf32, #tpu.memory_space<vmem_shared>>) dst(%dma_wait3A_102 : memref<624x128xf32, #tpu.memory_space<hbm>>)
      tpu.yield
    }) : () -> ()
    %eq3A_89 = arith.constant 15 : i32
    %eq3A_90 = arith.cmpi eq, %arg1, %eq3A_89 : i32
    %convert_element_type3A_91 = arith.extui %eq3A_90 : i1 to i32
    %cond3A_92 = arith.constant 0 : i32
    %cond3A_93 = arith.cmpi ne, %convert_element_type3A_91, %cond3A_92 : i32
    scf.if %cond3A_93 {
      "tpu.region"() ({
        %run_scoped3A_94 = tpu.sem_alloc : memref<!tpu.dma_semaphore, #tpu.memory_space<semaphore_mem>>
        %dma_start3A_95 = arith.constant 9984 : i32
        %dma_start3A_96 = arith.constant 0 : i32
        %dma_start3A_97 = tpu.memref_slice %arg5[%arg0, %dma_start3A_95, %dma_start3A_96] : memref<2x10000x128xf32, #tpu.memory_space<hbm>> -> memref<1x16x128xf32, #tpu.memory_space<hbm>>
        %dma_start3A_98 = tpu.memref_squeeze %dma_start3A_97 : memref<1x16x128xf32, #tpu.memory_space<hbm>> -> memref<16x128xf32, #tpu.memory_space<hbm>>
        %dma_start3A_99 = arith.constant 9984 : i32
        %dma_start3A_100 = arith.constant 0 : i32
        %dma_start3A_101 = tpu.memref_slice %arg10[%dma_start3A_99, %dma_start3A_100] : memref<10000x128xf32, #tpu.memory_space<vmem_shared>> -> memref<16x128xf32, #tpu.memory_space<vmem_shared>>
        tpu.enqueue_dma source(%dma_start3A_101 : memref<16x128xf32, #tpu.memory_space<vmem_shared>>) target(%dma_start3A_98 : memref<16x128xf32, #tpu.memory_space<hbm>>) target_semaphore(%run_scoped3A_94 : memref<!tpu.dma_semaphore, #tpu.memory_space<semaphore_mem>>)
        %dma_wait3A_102 = arith.constant 9984 : i32
        %dma_wait3A_103 = arith.constant 0 : i32
        %dma_wait3A_104 = tpu.memref_slice %arg5[%arg0, %dma_wait3A_102, %dma_wait3A_103] : memref<2x10000x128xf32, #tpu.memory_space<hbm>> -> memref<1x16x128xf32, #tpu.memory_space<hbm>>
        %dma_wait3A_105 = tpu.memref_squeeze %dma_wait3A_104 : memref<1x16x128xf32, #tpu.memory_space<hbm>> -> memref<16x128xf32, #tpu.memory_space<hbm>>
        %dma_wait3A_106 = arith.constant 9984 : i32
        %dma_wait3A_107 = arith.constant 0 : i32
        %dma_wait3A_108 = tpu.memref_slice %arg10[%dma_wait3A_106, %dma_wait3A_107] : memref<10000x128xf32, #tpu.memory_space<vmem_shared>> -> memref<16x128xf32, #tpu.memory_space<vmem_shared>>
        tpu.wait_dma2 semaphore(%run_scoped3A_94 : memref<!tpu.dma_semaphore, #tpu.memory_space<semaphore_mem>>) src(%dma_wait3A_108 : memref<16x128xf32, #tpu.memory_space<vmem_shared>>) dst(%dma_wait3A_105 : memref<16x128xf32, #tpu.memory_space<hbm>>)
        tpu.yield
      }) : () -> ()
    } else {
    }
    return
  }
}

#map = affine_map<(d0, d1) -> (0, 0)>
#map1 = affine_map<(d0, d1) -> (0, 0, 0, 0)>
#map2 = affine_map<(d0, d1) -> (0, 0, 0)>
module attributes {stable_mosaic.version = 14 : i64} {
  func.func @k(%arg0: i32, %arg1: i32, %arg2: memref<10000x128xf32, #tpu.memory_space<hbm>>, %arg3: memref<32x2x50x100xi32, #tpu.memory_space<hbm>>, %arg4: memref<32x2x50x100xi32, #tpu.memory_space<hbm>>, %arg5: memref<2x10000x128xf32, #tpu.memory_space<hbm>>, %arg6: memref<50x100xi32, #tpu.memory_space<vmem>>, %arg7: memref<50x100xi32, #tpu.memory_space<vmem>>, %arg8: memref<100x128xf32, #tpu.memory_space<vmem>>, %arg9: memref<100x128xf32, #tpu.memory_space<vmem>>, %arg10: memref<10000x128xf32, #tpu.memory_space<vmem_shared>>, %arg11: memref<!tpu.dma_semaphore, #tpu.memory_space<semaphore_mem>>, %arg12: memref<!tpu.dma_semaphore, #tpu.memory_space<semaphore_mem>>, %arg13: memref<!tpu.dma_semaphore, #tpu.memory_space<semaphore_mem>>) attributes {dimension_semantics = [#tpu.dimension_semantics<core_parallel>, #tpu.dimension_semantics<subcore_parallel>], iteration_bounds = array<i64: 2, 16>, scalar_prefetch = 0 : i64, scratch_operands = 8 : i64, tpu.core_type = #tpu.core_type<sc_vector_subcore>, window_params = [{transform_indices = #map}, {transform_indices = #map1}, {transform_indices = #map1}, {transform_indices = #map2}]} {
    %mul3A = arith.constant 2 : i32
    %mul3A_0 = arith.muli %arg1, %mul3A : i32
    %add3A = arith.addi %mul3A_0, %arg0 : i32
    %mul3A_1 = arith.constant 624 : i32
    %mul3A_2 = arith.muli %arg1, %mul3A_1 : i32
    %multiple_of3A = tpu.assume_multiple %mul3A_2, 8 : i32
    %dma_start3A = arith.constant 0 : i32
    %dma_start3A_3 = tpu.memref_slice %arg10[%multiple_of3A, %dma_start3A] : memref<10000x128xf32, #tpu.memory_space<vmem_shared>> -> memref<624x128xf32, #tpu.memory_space<vmem_shared>>
    %dma_start3A_4 = arith.constant 0 : i32
    %dma_start3A_5 = tpu.memref_slice %arg2[%multiple_of3A, %dma_start3A_4] : memref<10000x128xf32, #tpu.memory_space<hbm>> -> memref<624x128xf32, #tpu.memory_space<hbm>>
    tpu.enqueue_dma source(%dma_start3A_5 : memref<624x128xf32, #tpu.memory_space<hbm>>) target(%dma_start3A_3 : memref<624x128xf32, #tpu.memory_space<vmem_shared>>) target_semaphore(%arg13 : memref<!tpu.dma_semaphore, #tpu.memory_space<semaphore_mem>>)
    %eq3A = arith.constant 15 : i32
    %eq3A_6 = arith.cmpi eq, %arg1, %eq3A : i32
    %convert_element_type3A = arith.extui %eq3A_6 : i1 to i32
    %cond3A = arith.constant 0 : i32
    %cond3A_7 = arith.cmpi ne, %convert_element_type3A, %cond3A : i32
    scf.if %cond3A_7 {
      %dma_start3A_94 = arith.constant 9984 : i32
      %dma_start3A_95 = arith.constant 0 : i32
      %dma_start3A_96 = tpu.memref_slice %arg10[%dma_start3A_94, %dma_start3A_95] : memref<10000x128xf32, #tpu.memory_space<vmem_shared>> -> memref<16x128xf32, #tpu.memory_space<vmem_shared>>
      %dma_start3A_97 = arith.constant 9984 : i32
      %dma_start3A_98 = arith.constant 0 : i32
      %dma_start3A_99 = tpu.memref_slice %arg2[%dma_start3A_97, %dma_start3A_98] : memref<10000x128xf32, #tpu.memory_space<hbm>> -> memref<16x128xf32, #tpu.memory_space<hbm>>
      tpu.enqueue_dma source(%dma_start3A_99 : memref<16x128xf32, #tpu.memory_space<hbm>>) target(%dma_start3A_96 : memref<16x128xf32, #tpu.memory_space<vmem_shared>>) target_semaphore(%arg13 : memref<!tpu.dma_semaphore, #tpu.memory_space<semaphore_mem>>)
    } else {
    }
    %run_scoped3A = arith.constant 0 : i32
    "tpu.region"() ({
      %run_scoped3A_94 = tpu.sem_alloc : memref<!tpu.dma_semaphore, #tpu.memory_space<semaphore_mem>>
      %dma_start3A_95 = arith.constant 0 : i32
      %dma_start3A_96 = arith.constant 0 : i32
      %dma_start3A_97 = tpu.memref_slice %arg3[%add3A, %run_scoped3A, %dma_start3A_95, %dma_start3A_96] : memref<32x2x50x100xi32, #tpu.memory_space<hbm>> -> memref<1x1x50x100xi32, #tpu.memory_space<hbm>>
      %dma_start3A_98 = tpu.memref_squeeze %dma_start3A_97 : memref<1x1x50x100xi32, #tpu.memory_space<hbm>> -> memref<50x100xi32, #tpu.memory_space<hbm>>
      %dma_start3A_99 = arith.constant 0 : i32
      %dma_start3A_100 = arith.constant 0 : i32
      %dma_start3A_101 = tpu.memref_slice %arg3[%add3A, %run_scoped3A, %dma_start3A_99, %dma_start3A_100] : memref<32x2x50x100xi32, #tpu.memory_space<hbm>> -> memref<1x1x50x100xi32, #tpu.memory_space<hbm>>
      %dma_start3A_102 = tpu.memref_squeeze %dma_start3A_101 : memref<1x1x50x100xi32, #tpu.memory_space<hbm>> -> memref<50x100xi32, #tpu.memory_space<hbm>>
      tpu.enqueue_dma source(%dma_start3A_102 : memref<50x100xi32, #tpu.memory_space<hbm>>) target(%arg6 : memref<50x100xi32, #tpu.memory_space<vmem>>) target_semaphore(%run_scoped3A_94 : memref<!tpu.dma_semaphore, #tpu.memory_space<semaphore_mem>>)
      %dma_wait3A_103 = arith.constant 0 : i32
      %dma_wait3A_104 = arith.constant 0 : i32
      %dma_wait3A_105 = tpu.memref_slice %arg3[%add3A, %run_scoped3A, %dma_wait3A_103, %dma_wait3A_104] : memref<32x2x50x100xi32, #tpu.memory_space<hbm>> -> memref<1x1x50x100xi32, #tpu.memory_space<hbm>>
      %dma_wait3A_106 = tpu.memref_squeeze %dma_wait3A_105 : memref<1x1x50x100xi32, #tpu.memory_space<hbm>> -> memref<50x100xi32, #tpu.memory_space<hbm>>
      %dma_wait3A_107 = arith.constant 0 : i32
      %dma_wait3A_108 = arith.constant 0 : i32
      %dma_wait3A_109 = tpu.memref_slice %arg3[%add3A, %run_scoped3A, %dma_wait3A_107, %dma_wait3A_108] : memref<32x2x50x100xi32, #tpu.memory_space<hbm>> -> memref<1x1x50x100xi32, #tpu.memory_space<hbm>>
      %dma_wait3A_110 = tpu.memref_squeeze %dma_wait3A_109 : memref<1x1x50x100xi32, #tpu.memory_space<hbm>> -> memref<50x100xi32, #tpu.memory_space<hbm>>
      tpu.wait_dma2 semaphore(%run_scoped3A_94 : memref<!tpu.dma_semaphore, #tpu.memory_space<semaphore_mem>>) src(%dma_wait3A_110 : memref<50x100xi32, #tpu.memory_space<hbm>>) dst(%arg6 : memref<50x100xi32, #tpu.memory_space<vmem>>)
      tpu.yield
    }) : () -> ()
    %run_scoped3A_8 = arith.constant 0 : i32
    "tpu.region"() ({
      %run_scoped3A_94 = tpu.sem_alloc : memref<!tpu.dma_semaphore, #tpu.memory_space<semaphore_mem>>
      %dma_start3A_95 = arith.constant 0 : i32
      %dma_start3A_96 = arith.constant 0 : i32
      %dma_start3A_97 = tpu.memref_slice %arg4[%add3A, %run_scoped3A_8, %dma_start3A_95, %dma_start3A_96] : memref<32x2x50x100xi32, #tpu.memory_space<hbm>> -> memref<1x1x50x100xi32, #tpu.memory_space<hbm>>
      %dma_start3A_98 = tpu.memref_squeeze %dma_start3A_97 : memref<1x1x50x100xi32, #tpu.memory_space<hbm>> -> memref<50x100xi32, #tpu.memory_space<hbm>>
      %dma_start3A_99 = arith.constant 0 : i32
      %dma_start3A_100 = arith.constant 0 : i32
      %dma_start3A_101 = tpu.memref_slice %arg4[%add3A, %run_scoped3A_8, %dma_start3A_99, %dma_start3A_100] : memref<32x2x50x100xi32, #tpu.memory_space<hbm>> -> memref<1x1x50x100xi32, #tpu.memory_space<hbm>>
      %dma_start3A_102 = tpu.memref_squeeze %dma_start3A_101 : memref<1x1x50x100xi32, #tpu.memory_space<hbm>> -> memref<50x100xi32, #tpu.memory_space<hbm>>
      tpu.enqueue_dma source(%dma_start3A_102 : memref<50x100xi32, #tpu.memory_space<hbm>>) target(%arg7 : memref<50x100xi32, #tpu.memory_space<vmem>>) target_semaphore(%run_scoped3A_94 : memref<!tpu.dma_semaphore, #tpu.memory_space<semaphore_mem>>)
      %dma_wait3A_103 = arith.constant 0 : i32
      %dma_wait3A_104 = arith.constant 0 : i32
      %dma_wait3A_105 = tpu.memref_slice %arg4[%add3A, %run_scoped3A_8, %dma_wait3A_103, %dma_wait3A_104] : memref<32x2x50x100xi32, #tpu.memory_space<hbm>> -> memref<1x1x50x100xi32, #tpu.memory_space<hbm>>
      %dma_wait3A_106 = tpu.memref_squeeze %dma_wait3A_105 : memref<1x1x50x100xi32, #tpu.memory_space<hbm>> -> memref<50x100xi32, #tpu.memory_space<hbm>>
      %dma_wait3A_107 = arith.constant 0 : i32
      %dma_wait3A_108 = arith.constant 0 : i32
      %dma_wait3A_109 = tpu.memref_slice %arg4[%add3A, %run_scoped3A_8, %dma_wait3A_107, %dma_wait3A_108] : memref<32x2x50x100xi32, #tpu.memory_space<hbm>> -> memref<1x1x50x100xi32, #tpu.memory_space<hbm>>
      %dma_wait3A_110 = tpu.memref_squeeze %dma_wait3A_109 : memref<1x1x50x100xi32, #tpu.memory_space<hbm>> -> memref<50x100xi32, #tpu.memory_space<hbm>>
      tpu.wait_dma2 semaphore(%run_scoped3A_94 : memref<!tpu.dma_semaphore, #tpu.memory_space<semaphore_mem>>) src(%dma_wait3A_110 : memref<50x100xi32, #tpu.memory_space<hbm>>) dst(%arg7 : memref<50x100xi32, #tpu.memory_space<vmem>>)
      tpu.yield
    }) : () -> ()
    %dma_start3A_9 = arith.constant 0 : i32
    %dma_start3A_10 = arith.constant 0 : i32
    %dma_start3A_11 = tpu.memref_slice %arg6[%dma_start3A_9, %dma_start3A_10] : memref<50x100xi32, #tpu.memory_space<vmem>> -> memref<1x100xi32, #tpu.memory_space<vmem>>
    %dma_start3A_12 = tpu.memref_squeeze %dma_start3A_11 : memref<1x100xi32, #tpu.memory_space<vmem>> -> memref<100xi32, #tpu.memory_space<vmem>>
    %dma_start3A_13 = arith.constant 0 : i32
    %dma_start3A_14 = arith.constant 0 : i32
    %dma_start3A_15 = tpu.memref_slice %arg2[%dma_start3A_13, %dma_start3A_14] : memref<10000x128xf32, #tpu.memory_space<hbm>> -> memref<10000x128xf32, #tpu.memory_space<hbm>>
    tpu.enqueue_indirect_dma source(%dma_start3A_15 : memref<10000x128xf32, #tpu.memory_space<hbm>>) target(%arg8 : memref<100x128xf32, #tpu.memory_space<vmem>>) offsets(%dma_start3A_12 : memref<100xi32, #tpu.memory_space<vmem>>) semaphore(%arg11 : memref<!tpu.dma_semaphore, #tpu.memory_space<semaphore_mem>>)
    %dma_start3A_16 = arith.constant 1 : i32
    %dma_start3A_17 = arith.constant 0 : i32
    %dma_start3A_18 = tpu.memref_slice %arg6[%dma_start3A_16, %dma_start3A_17] : memref<50x100xi32, #tpu.memory_space<vmem>> -> memref<1x100xi32, #tpu.memory_space<vmem>>
    %dma_start3A_19 = tpu.memref_squeeze %dma_start3A_18 : memref<1x100xi32, #tpu.memory_space<vmem>> -> memref<100xi32, #tpu.memory_space<vmem>>
    %dma_start3A_20 = arith.constant 0 : i32
    %dma_start3A_21 = arith.constant 0 : i32
    %dma_start3A_22 = tpu.memref_slice %arg2[%dma_start3A_20, %dma_start3A_21] : memref<10000x128xf32, #tpu.memory_space<hbm>> -> memref<10000x128xf32, #tpu.memory_space<hbm>>
    tpu.enqueue_indirect_dma source(%dma_start3A_22 : memref<10000x128xf32, #tpu.memory_space<hbm>>) target(%arg9 : memref<100x128xf32, #tpu.memory_space<vmem>>) offsets(%dma_start3A_19 : memref<100xi32, #tpu.memory_space<vmem>>) semaphore(%arg12 : memref<!tpu.dma_semaphore, #tpu.memory_space<semaphore_mem>>)
    %dma_wait3A = arith.constant 0 : i32
    %dma_wait3A_23 = tpu.memref_slice %arg10[%multiple_of3A, %dma_wait3A] : memref<10000x128xf32, #tpu.memory_space<vmem_shared>> -> memref<624x128xf32, #tpu.memory_space<vmem_shared>>
    %dma_wait3A_24 = arith.constant 0 : i32
    %dma_wait3A_25 = tpu.memref_slice %arg2[%multiple_of3A, %dma_wait3A_24] : memref<10000x128xf32, #tpu.memory_space<hbm>> -> memref<624x128xf32, #tpu.memory_space<hbm>>
    tpu.wait_dma2 semaphore(%arg13 : memref<!tpu.dma_semaphore, #tpu.memory_space<semaphore_mem>>) src(%dma_wait3A_25 : memref<624x128xf32, #tpu.memory_space<hbm>>) dst(%dma_wait3A_23 : memref<624x128xf32, #tpu.memory_space<vmem_shared>>)
    %eq3A_26 = arith.constant 15 : i32
    %eq3A_27 = arith.cmpi eq, %arg1, %eq3A_26 : i32
    %convert_element_type3A_28 = arith.extui %eq3A_27 : i1 to i32
    %cond3A_29 = arith.constant 0 : i32
    %cond3A_30 = arith.cmpi ne, %convert_element_type3A_28, %cond3A_29 : i32
    scf.if %cond3A_30 {
      %dma_wait3A_94 = arith.constant 9984 : i32
      %dma_wait3A_95 = arith.constant 0 : i32
      %dma_wait3A_96 = tpu.memref_slice %arg10[%dma_wait3A_94, %dma_wait3A_95] : memref<10000x128xf32, #tpu.memory_space<vmem_shared>> -> memref<16x128xf32, #tpu.memory_space<vmem_shared>>
      %dma_wait3A_97 = arith.constant 9984 : i32
      %dma_wait3A_98 = arith.constant 0 : i32
      %dma_wait3A_99 = tpu.memref_slice %arg2[%dma_wait3A_97, %dma_wait3A_98] : memref<10000x128xf32, #tpu.memory_space<hbm>> -> memref<16x128xf32, #tpu.memory_space<hbm>>
      tpu.wait_dma2 semaphore(%arg13 : memref<!tpu.dma_semaphore, #tpu.memory_space<semaphore_mem>>) src(%dma_wait3A_99 : memref<16x128xf32, #tpu.memory_space<hbm>>) dst(%dma_wait3A_96 : memref<16x128xf32, #tpu.memory_space<vmem_shared>>)
    } else {
    }
    %barrier3A = arith.constant 0 : index
    tpu.barrier barrier_id(%barrier3A)
    %scan3A = arith.constant 0 : i32
    %scan3A_31 = arith.constant 24 : i32
    %scan3A_32 = arith.addi %scan3A, %scan3A_31 : i32
    %scan3A_33 = arith.constant 1 : i32
    scf.for %scan3A_94 = %scan3A to %scan3A_32 step %scan3A_33  : i32 {
      %mul3A_95 = arith.constant 2 : i32
      %mul3A_96 = arith.muli %scan3A_94, %mul3A_95 : i32
      %add3A_97 = arith.constant 0 : i32
      %add3A_98 = arith.addi %add3A_97, %mul3A_96 : i32
      %dma_wait3A_99 = arith.constant 0 : i32
      %dma_wait3A_100 = tpu.memref_slice %arg6[%add3A_98, %dma_wait3A_99] : memref<50x100xi32, #tpu.memory_space<vmem>> -> memref<1x100xi32, #tpu.memory_space<vmem>>
      %dma_wait3A_101 = tpu.memref_squeeze %dma_wait3A_100 : memref<1x100xi32, #tpu.memory_space<vmem>> -> memref<100xi32, #tpu.memory_space<vmem>>
      %dma_wait3A_102 = arith.constant 0 : i32
      %dma_wait3A_103 = arith.constant 0 : i32
      %dma_wait3A_104 = tpu.memref_slice %arg2[%dma_wait3A_102, %dma_wait3A_103] : memref<10000x128xf32, #tpu.memory_space<hbm>> -> memref<10000x128xf32, #tpu.memory_space<hbm>>
      tpu.wait_indirect_dma semaphore(%arg11 : memref<!tpu.dma_semaphore, #tpu.memory_space<semaphore_mem>>) src(%dma_wait3A_104 : memref<10000x128xf32, #tpu.memory_space<hbm>>) dst(%arg8 : memref<100x128xf32, #tpu.memory_space<vmem>>)
      "tpu.region"() ({
        %run_scoped3A_131 = tpu.sem_alloc : memref<!tpu.dma_semaphore, #tpu.memory_space<semaphore_mem>>
        %dma_start3A_132 = arith.constant 0 : i32
        %dma_start3A_133 = tpu.memref_slice %arg7[%add3A_98, %dma_start3A_132] : memref<50x100xi32, #tpu.memory_space<vmem>> -> memref<1x100xi32, #tpu.memory_space<vmem>>
        %dma_start3A_134 = tpu.memref_squeeze %dma_start3A_133 : memref<1x100xi32, #tpu.memory_space<vmem>> -> memref<100xi32, #tpu.memory_space<vmem>>
        %dma_start3A_135 = arith.constant 0 : i32
        %dma_start3A_136 = arith.constant 0 : i32
        %dma_start3A_137 = tpu.memref_slice %arg10[%dma_start3A_135, %dma_start3A_136] : memref<10000x128xf32, #tpu.memory_space<vmem_shared>> -> memref<10000x128xf32, #tpu.memory_space<vmem_shared>>
        tpu.enqueue_indirect_dma source(%arg8 : memref<100x128xf32, #tpu.memory_space<vmem>>) target(%dma_start3A_137 : memref<10000x128xf32, #tpu.memory_space<vmem_shared>>) offsets(%dma_start3A_134 : memref<100xi32, #tpu.memory_space<vmem>>) semaphore(%run_scoped3A_131 : memref<!tpu.dma_semaphore, #tpu.memory_space<semaphore_mem>>) {add = true}
        %dma_wait3A_138 = arith.constant 0 : i32
        %dma_wait3A_139 = tpu.memref_slice %arg7[%add3A_98, %dma_wait3A_138] : memref<50x100xi32, #tpu.memory_space<vmem>> -> memref<1x100xi32, #tpu.memory_space<vmem>>
        %dma_wait3A_140 = tpu.memref_squeeze %dma_wait3A_139 : memref<1x100xi32, #tpu.memory_space<vmem>> -> memref<100xi32, #tpu.memory_space<vmem>>
        %dma_wait3A_141 = arith.constant 0 : i32
        %dma_wait3A_142 = arith.constant 0 : i32
        %dma_wait3A_143 = tpu.memref_slice %arg10[%dma_wait3A_141, %dma_wait3A_142] : memref<10000x128xf32, #tpu.memory_space<vmem_shared>> -> memref<10000x128xf32, #tpu.memory_space<vmem_shared>>
        tpu.wait_indirect_dma semaphore(%run_scoped3A_131 : memref<!tpu.dma_semaphore, #tpu.memory_space<semaphore_mem>>) src(%arg8 : memref<100x128xf32, #tpu.memory_space<vmem>>) dst(%dma_wait3A_143 : memref<10000x128xf32, #tpu.memory_space<vmem_shared>>)
        tpu.yield
      }) : () -> ()
      %add3A_105 = arith.constant 2 : i32
      %add3A_106 = arith.addi %add3A_98, %add3A_105 : i32
      %dma_start3A_107 = arith.constant 0 : i32
      %dma_start3A_108 = tpu.memref_slice %arg6[%add3A_106, %dma_start3A_107] : memref<50x100xi32, #tpu.memory_space<vmem>> -> memref<1x100xi32, #tpu.memory_space<vmem>>
      %dma_start3A_109 = tpu.memref_squeeze %dma_start3A_108 : memref<1x100xi32, #tpu.memory_space<vmem>> -> memref<100xi32, #tpu.memory_space<vmem>>
      %dma_start3A_110 = arith.constant 0 : i32
      %dma_start3A_111 = arith.constant 0 : i32
      %dma_start3A_112 = tpu.memref_slice %arg2[%dma_start3A_110, %dma_start3A_111] : memref<10000x128xf32, #tpu.memory_space<hbm>> -> memref<10000x128xf32, #tpu.memory_space<hbm>>
      tpu.enqueue_indirect_dma source(%dma_start3A_112 : memref<10000x128xf32, #tpu.memory_space<hbm>>) target(%arg8 : memref<100x128xf32, #tpu.memory_space<vmem>>) offsets(%dma_start3A_109 : memref<100xi32, #tpu.memory_space<vmem>>) semaphore(%arg11 : memref<!tpu.dma_semaphore, #tpu.memory_space<semaphore_mem>>)
      %add3A_113 = arith.constant 1 : i32
      %add3A_114 = arith.addi %add3A_98, %add3A_113 : i32
      %dma_wait3A_115 = arith.constant 0 : i32
      %dma_wait3A_116 = tpu.memref_slice %arg6[%add3A_114, %dma_wait3A_115] : memref<50x100xi32, #tpu.memory_space<vmem>> -> memref<1x100xi32, #tpu.memory_space<vmem>>
      %dma_wait3A_117 = tpu.memref_squeeze %dma_wait3A_116 : memref<1x100xi32, #tpu.memory_space<vmem>> -> memref<100xi32, #tpu.memory_space<vmem>>
      %dma_wait3A_118 = arith.constant 0 : i32
      %dma_wait3A_119 = arith.constant 0 : i32
      %dma_wait3A_120 = tpu.memref_slice %arg2[%dma_wait3A_118, %dma_wait3A_119] : memref<10000x128xf32, #tpu.memory_space<hbm>> -> memref<10000x128xf32, #tpu.memory_space<hbm>>
      tpu.wait_indirect_dma semaphore(%arg12 : memref<!tpu.dma_semaphore, #tpu.memory_space<semaphore_mem>>) src(%dma_wait3A_120 : memref<10000x128xf32, #tpu.memory_space<hbm>>) dst(%arg9 : memref<100x128xf32, #tpu.memory_space<vmem>>)
      %add3A_121 = arith.constant 1 : i32
      %add3A_122 = arith.addi %add3A_98, %add3A_121 : i32
      "tpu.region"() ({
        %run_scoped3A_131 = tpu.sem_alloc : memref<!tpu.dma_semaphore, #tpu.memory_space<semaphore_mem>>
        %dma_start3A_132 = arith.constant 0 : i32
        %dma_start3A_133 = tpu.memref_slice %arg7[%add3A_122, %dma_start3A_132] : memref<50x100xi32, #tpu.memory_space<vmem>> -> memref<1x100xi32, #tpu.memory_space<vmem>>
        %dma_start3A_134 = tpu.memref_squeeze %dma_start3A_133 : memref<1x100xi32, #tpu.memory_space<vmem>> -> memref<100xi32, #tpu.memory_space<vmem>>
        %dma_start3A_135 = arith.constant 0 : i32
        %dma_start3A_136 = arith.constant 0 : i32
        %dma_start3A_137 = tpu.memref_slice %arg10[%dma_start3A_135, %dma_start3A_136] : memref<10000x128xf32, #tpu.memory_space<vmem_shared>> -> memref<10000x128xf32, #tpu.memory_space<vmem_shared>>
        tpu.enqueue_indirect_dma source(%arg9 : memref<100x128xf32, #tpu.memory_space<vmem>>) target(%dma_start3A_137 : memref<10000x128xf32, #tpu.memory_space<vmem_shared>>) offsets(%dma_start3A_134 : memref<100xi32, #tpu.memory_space<vmem>>) semaphore(%run_scoped3A_131 : memref<!tpu.dma_semaphore, #tpu.memory_space<semaphore_mem>>) {add = true}
        %dma_wait3A_138 = arith.constant 0 : i32
        %dma_wait3A_139 = tpu.memref_slice %arg7[%add3A_122, %dma_wait3A_138] : memref<50x100xi32, #tpu.memory_space<vmem>> -> memref<1x100xi32, #tpu.memory_space<vmem>>
        %dma_wait3A_140 = tpu.memref_squeeze %dma_wait3A_139 : memref<1x100xi32, #tpu.memory_space<vmem>> -> memref<100xi32, #tpu.memory_space<vmem>>
        %dma_wait3A_141 = arith.constant 0 : i32
        %dma_wait3A_142 = arith.constant 0 : i32
        %dma_wait3A_143 = tpu.memref_slice %arg10[%dma_wait3A_141, %dma_wait3A_142] : memref<10000x128xf32, #tpu.memory_space<vmem_shared>> -> memref<10000x128xf32, #tpu.memory_space<vmem_shared>>
        tpu.wait_indirect_dma semaphore(%run_scoped3A_131 : memref<!tpu.dma_semaphore, #tpu.memory_space<semaphore_mem>>) src(%arg9 : memref<100x128xf32, #tpu.memory_space<vmem>>) dst(%dma_wait3A_143 : memref<10000x128xf32, #tpu.memory_space<vmem_shared>>)
        tpu.yield
      }) : () -> ()
      %add3A_123 = arith.constant 3 : i32
      %add3A_124 = arith.addi %add3A_98, %add3A_123 : i32
      %dma_start3A_125 = arith.constant 0 : i32
      %dma_start3A_126 = tpu.memref_slice %arg6[%add3A_124, %dma_start3A_125] : memref<50x100xi32, #tpu.memory_space<vmem>> -> memref<1x100xi32, #tpu.memory_space<vmem>>
      %dma_start3A_127 = tpu.memref_squeeze %dma_start3A_126 : memref<1x100xi32, #tpu.memory_space<vmem>> -> memref<100xi32, #tpu.memory_space<vmem>>
      %dma_start3A_128 = arith.constant 0 : i32
      %dma_start3A_129 = arith.constant 0 : i32
      %dma_start3A_130 = tpu.memref_slice %arg2[%dma_start3A_128, %dma_start3A_129] : memref<10000x128xf32, #tpu.memory_space<hbm>> -> memref<10000x128xf32, #tpu.memory_space<hbm>>
      tpu.enqueue_indirect_dma source(%dma_start3A_130 : memref<10000x128xf32, #tpu.memory_space<hbm>>) target(%arg9 : memref<100x128xf32, #tpu.memory_space<vmem>>) offsets(%dma_start3A_127 : memref<100xi32, #tpu.memory_space<vmem>>) semaphore(%arg12 : memref<!tpu.dma_semaphore, #tpu.memory_space<semaphore_mem>>)
    }
    %scan3A_34 = arith.constant 24 : i32
    %dma_wait3A_35 = arith.constant 48 : i32
    %dma_wait3A_36 = arith.constant 0 : i32
    %dma_wait3A_37 = tpu.memref_slice %arg6[%dma_wait3A_35, %dma_wait3A_36] : memref<50x100xi32, #tpu.memory_space<vmem>> -> memref<1x100xi32, #tpu.memory_space<vmem>>
    %dma_wait3A_38 = tpu.memref_squeeze %dma_wait3A_37 : memref<1x100xi32, #tpu.memory_space<vmem>> -> memref<100xi32, #tpu.memory_space<vmem>>
    %dma_wait3A_39 = arith.constant 0 : i32
    %dma_wait3A_40 = arith.constant 0 : i32
    %dma_wait3A_41 = tpu.memref_slice %arg2[%dma_wait3A_39, %dma_wait3A_40] : memref<10000x128xf32, #tpu.memory_space<hbm>> -> memref<10000x128xf32, #tpu.memory_space<hbm>>
    tpu.wait_indirect_dma semaphore(%arg11 : memref<!tpu.dma_semaphore, #tpu.memory_space<semaphore_mem>>) src(%dma_wait3A_41 : memref<10000x128xf32, #tpu.memory_space<hbm>>) dst(%arg8 : memref<100x128xf32, #tpu.memory_space<vmem>>)
    %run_scoped3A_42 = arith.constant 48 : i32
    "tpu.region"() ({
      %run_scoped3A_94 = tpu.sem_alloc : memref<!tpu.dma_semaphore, #tpu.memory_space<semaphore_mem>>
      %dma_start3A_95 = arith.constant 0 : i32
      %dma_start3A_96 = tpu.memref_slice %arg7[%run_scoped3A_42, %dma_start3A_95] : memref<50x100xi32, #tpu.memory_space<vmem>> -> memref<1x100xi32, #tpu.memory_space<vmem>>
      %dma_start3A_97 = tpu.memref_squeeze %dma_start3A_96 : memref<1x100xi32, #tpu.memory_space<vmem>> -> memref<100xi32, #tpu.memory_space<vmem>>
      %dma_start3A_98 = arith.constant 0 : i32
      %dma_start3A_99 = arith.constant 0 : i32
      %dma_start3A_100 = tpu.memref_slice %arg10[%dma_start3A_98, %dma_start3A_99] : memref<10000x128xf32, #tpu.memory_space<vmem_shared>> -> memref<10000x128xf32, #tpu.memory_space<vmem_shared>>
      tpu.enqueue_indirect_dma source(%arg8 : memref<100x128xf32, #tpu.memory_space<vmem>>) target(%dma_start3A_100 : memref<10000x128xf32, #tpu.memory_space<vmem_shared>>) offsets(%dma_start3A_97 : memref<100xi32, #tpu.memory_space<vmem>>) semaphore(%run_scoped3A_94 : memref<!tpu.dma_semaphore, #tpu.memory_space<semaphore_mem>>) {add = true}
      %dma_wait3A_101 = arith.constant 0 : i32
      %dma_wait3A_102 = tpu.memref_slice %arg7[%run_scoped3A_42, %dma_wait3A_101] : memref<50x100xi32, #tpu.memory_space<vmem>> -> memref<1x100xi32, #tpu.memory_space<vmem>>
      %dma_wait3A_103 = tpu.memref_squeeze %dma_wait3A_102 : memref<1x100xi32, #tpu.memory_space<vmem>> -> memref<100xi32, #tpu.memory_space<vmem>>
      %dma_wait3A_104 = arith.constant 0 : i32
      %dma_wait3A_105 = arith.constant 0 : i32
      %dma_wait3A_106 = tpu.memref_slice %arg10[%dma_wait3A_104, %dma_wait3A_105] : memref<10000x128xf32, #tpu.memory_space<vmem_shared>> -> memref<10000x128xf32, #tpu.memory_space<vmem_shared>>
      tpu.wait_indirect_dma semaphore(%run_scoped3A_94 : memref<!tpu.dma_semaphore, #tpu.memory_space<semaphore_mem>>) src(%arg8 : memref<100x128xf32, #tpu.memory_space<vmem>>) dst(%dma_wait3A_106 : memref<10000x128xf32, #tpu.memory_space<vmem_shared>>)
      tpu.yield
    }) : () -> ()
    %dma_wait3A_43 = arith.constant 49 : i32
    %dma_wait3A_44 = arith.constant 0 : i32
    %dma_wait3A_45 = tpu.memref_slice %arg6[%dma_wait3A_43, %dma_wait3A_44] : memref<50x100xi32, #tpu.memory_space<vmem>> -> memref<1x100xi32, #tpu.memory_space<vmem>>
    %dma_wait3A_46 = tpu.memref_squeeze %dma_wait3A_45 : memref<1x100xi32, #tpu.memory_space<vmem>> -> memref<100xi32, #tpu.memory_space<vmem>>
    %dma_wait3A_47 = arith.constant 0 : i32
    %dma_wait3A_48 = arith.constant 0 : i32
    %dma_wait3A_49 = tpu.memref_slice %arg2[%dma_wait3A_47, %dma_wait3A_48] : memref<10000x128xf32, #tpu.memory_space<hbm>> -> memref<10000x128xf32, #tpu.memory_space<hbm>>
    tpu.wait_indirect_dma semaphore(%arg12 : memref<!tpu.dma_semaphore, #tpu.memory_space<semaphore_mem>>) src(%dma_wait3A_49 : memref<10000x128xf32, #tpu.memory_space<hbm>>) dst(%arg9 : memref<100x128xf32, #tpu.memory_space<vmem>>)
    %run_scoped3A_50 = arith.constant 49 : i32
    "tpu.region"() ({
      %run_scoped3A_94 = tpu.sem_alloc : memref<!tpu.dma_semaphore, #tpu.memory_space<semaphore_mem>>
      %dma_start3A_95 = arith.constant 0 : i32
      %dma_start3A_96 = tpu.memref_slice %arg7[%run_scoped3A_50, %dma_start3A_95] : memref<50x100xi32, #tpu.memory_space<vmem>> -> memref<1x100xi32, #tpu.memory_space<vmem>>
      %dma_start3A_97 = tpu.memref_squeeze %dma_start3A_96 : memref<1x100xi32, #tpu.memory_space<vmem>> -> memref<100xi32, #tpu.memory_space<vmem>>
      %dma_start3A_98 = arith.constant 0 : i32
      %dma_start3A_99 = arith.constant 0 : i32
      %dma_start3A_100 = tpu.memref_slice %arg10[%dma_start3A_98, %dma_start3A_99] : memref<10000x128xf32, #tpu.memory_space<vmem_shared>> -> memref<10000x128xf32, #tpu.memory_space<vmem_shared>>
      tpu.enqueue_indirect_dma source(%arg9 : memref<100x128xf32, #tpu.memory_space<vmem>>) target(%dma_start3A_100 : memref<10000x128xf32, #tpu.memory_space<vmem_shared>>) offsets(%dma_start3A_97 : memref<100xi32, #tpu.memory_space<vmem>>) semaphore(%run_scoped3A_94 : memref<!tpu.dma_semaphore, #tpu.memory_space<semaphore_mem>>) {add = true}
      %dma_wait3A_101 = arith.constant 0 : i32
      %dma_wait3A_102 = tpu.memref_slice %arg7[%run_scoped3A_50, %dma_wait3A_101] : memref<50x100xi32, #tpu.memory_space<vmem>> -> memref<1x100xi32, #tpu.memory_space<vmem>>
      %dma_wait3A_103 = tpu.memref_squeeze %dma_wait3A_102 : memref<1x100xi32, #tpu.memory_space<vmem>> -> memref<100xi32, #tpu.memory_space<vmem>>
      %dma_wait3A_104 = arith.constant 0 : i32
      %dma_wait3A_105 = arith.constant 0 : i32
      %dma_wait3A_106 = tpu.memref_slice %arg10[%dma_wait3A_104, %dma_wait3A_105] : memref<10000x128xf32, #tpu.memory_space<vmem_shared>> -> memref<10000x128xf32, #tpu.memory_space<vmem_shared>>
      tpu.wait_indirect_dma semaphore(%run_scoped3A_94 : memref<!tpu.dma_semaphore, #tpu.memory_space<semaphore_mem>>) src(%arg9 : memref<100x128xf32, #tpu.memory_space<vmem>>) dst(%dma_wait3A_106 : memref<10000x128xf32, #tpu.memory_space<vmem_shared>>)
      tpu.yield
    }) : () -> ()
    %run_scoped3A_51 = arith.constant 1 : i32
    "tpu.region"() ({
      %run_scoped3A_94 = tpu.sem_alloc : memref<!tpu.dma_semaphore, #tpu.memory_space<semaphore_mem>>
      %dma_start3A_95 = arith.constant 0 : i32
      %dma_start3A_96 = arith.constant 0 : i32
      %dma_start3A_97 = tpu.memref_slice %arg3[%add3A, %run_scoped3A_51, %dma_start3A_95, %dma_start3A_96] : memref<32x2x50x100xi32, #tpu.memory_space<hbm>> -> memref<1x1x50x100xi32, #tpu.memory_space<hbm>>
      %dma_start3A_98 = tpu.memref_squeeze %dma_start3A_97 : memref<1x1x50x100xi32, #tpu.memory_space<hbm>> -> memref<50x100xi32, #tpu.memory_space<hbm>>
      %dma_start3A_99 = arith.constant 0 : i32
      %dma_start3A_100 = arith.constant 0 : i32
      %dma_start3A_101 = tpu.memref_slice %arg3[%add3A, %run_scoped3A_51, %dma_start3A_99, %dma_start3A_100] : memref<32x2x50x100xi32, #tpu.memory_space<hbm>> -> memref<1x1x50x100xi32, #tpu.memory_space<hbm>>
      %dma_start3A_102 = tpu.memref_squeeze %dma_start3A_101 : memref<1x1x50x100xi32, #tpu.memory_space<hbm>> -> memref<50x100xi32, #tpu.memory_space<hbm>>
      tpu.enqueue_dma source(%dma_start3A_102 : memref<50x100xi32, #tpu.memory_space<hbm>>) target(%arg6 : memref<50x100xi32, #tpu.memory_space<vmem>>) target_semaphore(%run_scoped3A_94 : memref<!tpu.dma_semaphore, #tpu.memory_space<semaphore_mem>>)
      %dma_wait3A_103 = arith.constant 0 : i32
      %dma_wait3A_104 = arith.constant 0 : i32
      %dma_wait3A_105 = tpu.memref_slice %arg3[%add3A, %run_scoped3A_51, %dma_wait3A_103, %dma_wait3A_104] : memref<32x2x50x100xi32, #tpu.memory_space<hbm>> -> memref<1x1x50x100xi32, #tpu.memory_space<hbm>>
      %dma_wait3A_106 = tpu.memref_squeeze %dma_wait3A_105 : memref<1x1x50x100xi32, #tpu.memory_space<hbm>> -> memref<50x100xi32, #tpu.memory_space<hbm>>
      %dma_wait3A_107 = arith.constant 0 : i32
      %dma_wait3A_108 = arith.constant 0 : i32
      %dma_wait3A_109 = tpu.memref_slice %arg3[%add3A, %run_scoped3A_51, %dma_wait3A_107, %dma_wait3A_108] : memref<32x2x50x100xi32, #tpu.memory_space<hbm>> -> memref<1x1x50x100xi32, #tpu.memory_space<hbm>>
      %dma_wait3A_110 = tpu.memref_squeeze %dma_wait3A_109 : memref<1x1x50x100xi32, #tpu.memory_space<hbm>> -> memref<50x100xi32, #tpu.memory_space<hbm>>
      tpu.wait_dma2 semaphore(%run_scoped3A_94 : memref<!tpu.dma_semaphore, #tpu.memory_space<semaphore_mem>>) src(%dma_wait3A_110 : memref<50x100xi32, #tpu.memory_space<hbm>>) dst(%arg6 : memref<50x100xi32, #tpu.memory_space<vmem>>)
      tpu.yield
    }) : () -> ()
    %run_scoped3A_52 = arith.constant 1 : i32
    "tpu.region"() ({
      %run_scoped3A_94 = tpu.sem_alloc : memref<!tpu.dma_semaphore, #tpu.memory_space<semaphore_mem>>
      %dma_start3A_95 = arith.constant 0 : i32
      %dma_start3A_96 = arith.constant 0 : i32
      %dma_start3A_97 = tpu.memref_slice %arg4[%add3A, %run_scoped3A_52, %dma_start3A_95, %dma_start3A_96] : memref<32x2x50x100xi32, #tpu.memory_space<hbm>> -> memref<1x1x50x100xi32, #tpu.memory_space<hbm>>
      %dma_start3A_98 = tpu.memref_squeeze %dma_start3A_97 : memref<1x1x50x100xi32, #tpu.memory_space<hbm>> -> memref<50x100xi32, #tpu.memory_space<hbm>>
      %dma_start3A_99 = arith.constant 0 : i32
      %dma_start3A_100 = arith.constant 0 : i32
      %dma_start3A_101 = tpu.memref_slice %arg4[%add3A, %run_scoped3A_52, %dma_start3A_99, %dma_start3A_100] : memref<32x2x50x100xi32, #tpu.memory_space<hbm>> -> memref<1x1x50x100xi32, #tpu.memory_space<hbm>>
      %dma_start3A_102 = tpu.memref_squeeze %dma_start3A_101 : memref<1x1x50x100xi32, #tpu.memory_space<hbm>> -> memref<50x100xi32, #tpu.memory_space<hbm>>
      tpu.enqueue_dma source(%dma_start3A_102 : memref<50x100xi32, #tpu.memory_space<hbm>>) target(%arg7 : memref<50x100xi32, #tpu.memory_space<vmem>>) target_semaphore(%run_scoped3A_94 : memref<!tpu.dma_semaphore, #tpu.memory_space<semaphore_mem>>)
      %dma_wait3A_103 = arith.constant 0 : i32
      %dma_wait3A_104 = arith.constant 0 : i32
      %dma_wait3A_105 = tpu.memref_slice %arg4[%add3A, %run_scoped3A_52, %dma_wait3A_103, %dma_wait3A_104] : memref<32x2x50x100xi32, #tpu.memory_space<hbm>> -> memref<1x1x50x100xi32, #tpu.memory_space<hbm>>
      %dma_wait3A_106 = tpu.memref_squeeze %dma_wait3A_105 : memref<1x1x50x100xi32, #tpu.memory_space<hbm>> -> memref<50x100xi32, #tpu.memory_space<hbm>>
      %dma_wait3A_107 = arith.constant 0 : i32
      %dma_wait3A_108 = arith.constant 0 : i32
      %dma_wait3A_109 = tpu.memref_slice %arg4[%add3A, %run_scoped3A_52, %dma_wait3A_107, %dma_wait3A_108] : memref<32x2x50x100xi32, #tpu.memory_space<hbm>> -> memref<1x1x50x100xi32, #tpu.memory_space<hbm>>
      %dma_wait3A_110 = tpu.memref_squeeze %dma_wait3A_109 : memref<1x1x50x100xi32, #tpu.memory_space<hbm>> -> memref<50x100xi32, #tpu.memory_space<hbm>>
      tpu.wait_dma2 semaphore(%run_scoped3A_94 : memref<!tpu.dma_semaphore, #tpu.memory_space<semaphore_mem>>) src(%dma_wait3A_110 : memref<50x100xi32, #tpu.memory_space<hbm>>) dst(%arg7 : memref<50x100xi32, #tpu.memory_space<vmem>>)
      tpu.yield
    }) : () -> ()
    %dma_start3A_53 = arith.constant 0 : i32
    %dma_start3A_54 = arith.constant 0 : i32
    %dma_start3A_55 = tpu.memref_slice %arg6[%dma_start3A_53, %dma_start3A_54] : memref<50x100xi32, #tpu.memory_space<vmem>> -> memref<1x100xi32, #tpu.memory_space<vmem>>
    %dma_start3A_56 = tpu.memref_squeeze %dma_start3A_55 : memref<1x100xi32, #tpu.memory_space<vmem>> -> memref<100xi32, #tpu.memory_space<vmem>>
    %dma_start3A_57 = arith.constant 0 : i32
    %dma_start3A_58 = arith.constant 0 : i32
    %dma_start3A_59 = tpu.memref_slice %arg2[%dma_start3A_57, %dma_start3A_58] : memref<10000x128xf32, #tpu.memory_space<hbm>> -> memref<10000x128xf32, #tpu.memory_space<hbm>>
    tpu.enqueue_indirect_dma source(%dma_start3A_59 : memref<10000x128xf32, #tpu.memory_space<hbm>>) target(%arg8 : memref<100x128xf32, #tpu.memory_space<vmem>>) offsets(%dma_start3A_56 : memref<100xi32, #tpu.memory_space<vmem>>) semaphore(%arg11 : memref<!tpu.dma_semaphore, #tpu.memory_space<semaphore_mem>>)
    %dma_start3A_60 = arith.constant 1 : i32
    %dma_start3A_61 = arith.constant 0 : i32
    %dma_start3A_62 = tpu.memref_slice %arg6[%dma_start3A_60, %dma_start3A_61] : memref<50x100xi32, #tpu.memory_space<vmem>> -> memref<1x100xi32, #tpu.memory_space<vmem>>
    %dma_start3A_63 = tpu.memref_squeeze %dma_start3A_62 : memref<1x100xi32, #tpu.memory_space<vmem>> -> memref<100xi32, #tpu.memory_space<vmem>>
    %dma_start3A_64 = arith.constant 0 : i32
    %dma_start3A_65 = arith.constant 0 : i32
    %dma_start3A_66 = tpu.memref_slice %arg2[%dma_start3A_64, %dma_start3A_65] : memref<10000x128xf32, #tpu.memory_space<hbm>> -> memref<10000x128xf32, #tpu.memory_space<hbm>>
    tpu.enqueue_indirect_dma source(%dma_start3A_66 : memref<10000x128xf32, #tpu.memory_space<hbm>>) target(%arg9 : memref<100x128xf32, #tpu.memory_space<vmem>>) offsets(%dma_start3A_63 : memref<100xi32, #tpu.memory_space<vmem>>) semaphore(%arg12 : memref<!tpu.dma_semaphore, #tpu.memory_space<semaphore_mem>>)
    %scan3A_67 = arith.constant 0 : i32
    %scan3A_68 = arith.constant 24 : i32
    %scan3A_69 = arith.addi %scan3A_67, %scan3A_68 : i32
    %scan3A_70 = arith.constant 1 : i32
    scf.for %scan3A_94 = %scan3A_67 to %scan3A_69 step %scan3A_70  : i32 {
      %mul3A_95 = arith.constant 2 : i32
      %mul3A_96 = arith.muli %scan3A_94, %mul3A_95 : i32
      %add3A_97 = arith.constant 0 : i32
      %add3A_98 = arith.addi %add3A_97, %mul3A_96 : i32
      %dma_wait3A_99 = arith.constant 0 : i32
      %dma_wait3A_100 = tpu.memref_slice %arg6[%add3A_98, %dma_wait3A_99] : memref<50x100xi32, #tpu.memory_space<vmem>> -> memref<1x100xi32, #tpu.memory_space<vmem>>
      %dma_wait3A_101 = tpu.memref_squeeze %dma_wait3A_100 : memref<1x100xi32, #tpu.memory_space<vmem>> -> memref<100xi32, #tpu.memory_space<vmem>>
      %dma_wait3A_102 = arith.constant 0 : i32
      %dma_wait3A_103 = arith.constant 0 : i32
      %dma_wait3A_104 = tpu.memref_slice %arg2[%dma_wait3A_102, %dma_wait3A_103] : memref<10000x128xf32, #tpu.memory_space<hbm>> -> memref<10000x128xf32, #tpu.memory_space<hbm>>
      tpu.wait_indirect_dma semaphore(%arg11 : memref<!tpu.dma_semaphore, #tpu.memory_space<semaphore_mem>>) src(%dma_wait3A_104 : memref<10000x128xf32, #tpu.memory_space<hbm>>) dst(%arg8 : memref<100x128xf32, #tpu.memory_space<vmem>>)
      "tpu.region"() ({
        %run_scoped3A_131 = tpu.sem_alloc : memref<!tpu.dma_semaphore, #tpu.memory_space<semaphore_mem>>
        %dma_start3A_132 = arith.constant 0 : i32
        %dma_start3A_133 = tpu.memref_slice %arg7[%add3A_98, %dma_start3A_132] : memref<50x100xi32, #tpu.memory_space<vmem>> -> memref<1x100xi32, #tpu.memory_space<vmem>>
        %dma_start3A_134 = tpu.memref_squeeze %dma_start3A_133 : memref<1x100xi32, #tpu.memory_space<vmem>> -> memref<100xi32, #tpu.memory_space<vmem>>
        %dma_start3A_135 = arith.constant 0 : i32
        %dma_start3A_136 = arith.constant 0 : i32
        %dma_start3A_137 = tpu.memref_slice %arg10[%dma_start3A_135, %dma_start3A_136] : memref<10000x128xf32, #tpu.memory_space<vmem_shared>> -> memref<10000x128xf32, #tpu.memory_space<vmem_shared>>
        tpu.enqueue_indirect_dma source(%arg8 : memref<100x128xf32, #tpu.memory_space<vmem>>) target(%dma_start3A_137 : memref<10000x128xf32, #tpu.memory_space<vmem_shared>>) offsets(%dma_start3A_134 : memref<100xi32, #tpu.memory_space<vmem>>) semaphore(%run_scoped3A_131 : memref<!tpu.dma_semaphore, #tpu.memory_space<semaphore_mem>>) {add = true}
        %dma_wait3A_138 = arith.constant 0 : i32
        %dma_wait3A_139 = tpu.memref_slice %arg7[%add3A_98, %dma_wait3A_138] : memref<50x100xi32, #tpu.memory_space<vmem>> -> memref<1x100xi32, #tpu.memory_space<vmem>>
        %dma_wait3A_140 = tpu.memref_squeeze %dma_wait3A_139 : memref<1x100xi32, #tpu.memory_space<vmem>> -> memref<100xi32, #tpu.memory_space<vmem>>
        %dma_wait3A_141 = arith.constant 0 : i32
        %dma_wait3A_142 = arith.constant 0 : i32
        %dma_wait3A_143 = tpu.memref_slice %arg10[%dma_wait3A_141, %dma_wait3A_142] : memref<10000x128xf32, #tpu.memory_space<vmem_shared>> -> memref<10000x128xf32, #tpu.memory_space<vmem_shared>>
        tpu.wait_indirect_dma semaphore(%run_scoped3A_131 : memref<!tpu.dma_semaphore, #tpu.memory_space<semaphore_mem>>) src(%arg8 : memref<100x128xf32, #tpu.memory_space<vmem>>) dst(%dma_wait3A_143 : memref<10000x128xf32, #tpu.memory_space<vmem_shared>>)
        tpu.yield
      }) : () -> ()
      %add3A_105 = arith.constant 2 : i32
      %add3A_106 = arith.addi %add3A_98, %add3A_105 : i32
      %dma_start3A_107 = arith.constant 0 : i32
      %dma_start3A_108 = tpu.memref_slice %arg6[%add3A_106, %dma_start3A_107] : memref<50x100xi32, #tpu.memory_space<vmem>> -> memref<1x100xi32, #tpu.memory_space<vmem>>
      %dma_start3A_109 = tpu.memref_squeeze %dma_start3A_108 : memref<1x100xi32, #tpu.memory_space<vmem>> -> memref<100xi32, #tpu.memory_space<vmem>>
      %dma_start3A_110 = arith.constant 0 : i32
      %dma_start3A_111 = arith.constant 0 : i32
      %dma_start3A_112 = tpu.memref_slice %arg2[%dma_start3A_110, %dma_start3A_111] : memref<10000x128xf32, #tpu.memory_space<hbm>> -> memref<10000x128xf32, #tpu.memory_space<hbm>>
      tpu.enqueue_indirect_dma source(%dma_start3A_112 : memref<10000x128xf32, #tpu.memory_space<hbm>>) target(%arg8 : memref<100x128xf32, #tpu.memory_space<vmem>>) offsets(%dma_start3A_109 : memref<100xi32, #tpu.memory_space<vmem>>) semaphore(%arg11 : memref<!tpu.dma_semaphore, #tpu.memory_space<semaphore_mem>>)
      %add3A_113 = arith.constant 1 : i32
      %add3A_114 = arith.addi %add3A_98, %add3A_113 : i32
      %dma_wait3A_115 = arith.constant 0 : i32
      %dma_wait3A_116 = tpu.memref_slice %arg6[%add3A_114, %dma_wait3A_115] : memref<50x100xi32, #tpu.memory_space<vmem>> -> memref<1x100xi32, #tpu.memory_space<vmem>>
      %dma_wait3A_117 = tpu.memref_squeeze %dma_wait3A_116 : memref<1x100xi32, #tpu.memory_space<vmem>> -> memref<100xi32, #tpu.memory_space<vmem>>
      %dma_wait3A_118 = arith.constant 0 : i32
      %dma_wait3A_119 = arith.constant 0 : i32
      %dma_wait3A_120 = tpu.memref_slice %arg2[%dma_wait3A_118, %dma_wait3A_119] : memref<10000x128xf32, #tpu.memory_space<hbm>> -> memref<10000x128xf32, #tpu.memory_space<hbm>>
      tpu.wait_indirect_dma semaphore(%arg12 : memref<!tpu.dma_semaphore, #tpu.memory_space<semaphore_mem>>) src(%dma_wait3A_120 : memref<10000x128xf32, #tpu.memory_space<hbm>>) dst(%arg9 : memref<100x128xf32, #tpu.memory_space<vmem>>)
      %add3A_121 = arith.constant 1 : i32
      %add3A_122 = arith.addi %add3A_98, %add3A_121 : i32
      "tpu.region"() ({
        %run_scoped3A_131 = tpu.sem_alloc : memref<!tpu.dma_semaphore, #tpu.memory_space<semaphore_mem>>
        %dma_start3A_132 = arith.constant 0 : i32
        %dma_start3A_133 = tpu.memref_slice %arg7[%add3A_122, %dma_start3A_132] : memref<50x100xi32, #tpu.memory_space<vmem>> -> memref<1x100xi32, #tpu.memory_space<vmem>>
        %dma_start3A_134 = tpu.memref_squeeze %dma_start3A_133 : memref<1x100xi32, #tpu.memory_space<vmem>> -> memref<100xi32, #tpu.memory_space<vmem>>
        %dma_start3A_135 = arith.constant 0 : i32
        %dma_start3A_136 = arith.constant 0 : i32
        %dma_start3A_137 = tpu.memref_slice %arg10[%dma_start3A_135, %dma_start3A_136] : memref<10000x128xf32, #tpu.memory_space<vmem_shared>> -> memref<10000x128xf32, #tpu.memory_space<vmem_shared>>
        tpu.enqueue_indirect_dma source(%arg9 : memref<100x128xf32, #tpu.memory_space<vmem>>) target(%dma_start3A_137 : memref<10000x128xf32, #tpu.memory_space<vmem_shared>>) offsets(%dma_start3A_134 : memref<100xi32, #tpu.memory_space<vmem>>) semaphore(%run_scoped3A_131 : memref<!tpu.dma_semaphore, #tpu.memory_space<semaphore_mem>>) {add = true}
        %dma_wait3A_138 = arith.constant 0 : i32
        %dma_wait3A_139 = tpu.memref_slice %arg7[%add3A_122, %dma_wait3A_138] : memref<50x100xi32, #tpu.memory_space<vmem>> -> memref<1x100xi32, #tpu.memory_space<vmem>>
        %dma_wait3A_140 = tpu.memref_squeeze %dma_wait3A_139 : memref<1x100xi32, #tpu.memory_space<vmem>> -> memref<100xi32, #tpu.memory_space<vmem>>
        %dma_wait3A_141 = arith.constant 0 : i32
        %dma_wait3A_142 = arith.constant 0 : i32
        %dma_wait3A_143 = tpu.memref_slice %arg10[%dma_wait3A_141, %dma_wait3A_142] : memref<10000x128xf32, #tpu.memory_space<vmem_shared>> -> memref<10000x128xf32, #tpu.memory_space<vmem_shared>>
        tpu.wait_indirect_dma semaphore(%run_scoped3A_131 : memref<!tpu.dma_semaphore, #tpu.memory_space<semaphore_mem>>) src(%arg9 : memref<100x128xf32, #tpu.memory_space<vmem>>) dst(%dma_wait3A_143 : memref<10000x128xf32, #tpu.memory_space<vmem_shared>>)
        tpu.yield
      }) : () -> ()
      %add3A_123 = arith.constant 3 : i32
      %add3A_124 = arith.addi %add3A_98, %add3A_123 : i32
      %dma_start3A_125 = arith.constant 0 : i32
      %dma_start3A_126 = tpu.memref_slice %arg6[%add3A_124, %dma_start3A_125] : memref<50x100xi32, #tpu.memory_space<vmem>> -> memref<1x100xi32, #tpu.memory_space<vmem>>
      %dma_start3A_127 = tpu.memref_squeeze %dma_start3A_126 : memref<1x100xi32, #tpu.memory_space<vmem>> -> memref<100xi32, #tpu.memory_space<vmem>>
      %dma_start3A_128 = arith.constant 0 : i32
      %dma_start3A_129 = arith.constant 0 : i32
      %dma_start3A_130 = tpu.memref_slice %arg2[%dma_start3A_128, %dma_start3A_129] : memref<10000x128xf32, #tpu.memory_space<hbm>> -> memref<10000x128xf32, #tpu.memory_space<hbm>>
      tpu.enqueue_indirect_dma source(%dma_start3A_130 : memref<10000x128xf32, #tpu.memory_space<hbm>>) target(%arg9 : memref<100x128xf32, #tpu.memory_space<vmem>>) offsets(%dma_start3A_127 : memref<100xi32, #tpu.memory_space<vmem>>) semaphore(%arg12 : memref<!tpu.dma_semaphore, #tpu.memory_space<semaphore_mem>>)
    }
    %scan3A_71 = arith.constant 24 : i32
    %dma_wait3A_72 = arith.constant 48 : i32
    %dma_wait3A_73 = arith.constant 0 : i32
    %dma_wait3A_74 = tpu.memref_slice %arg6[%dma_wait3A_72, %dma_wait3A_73] : memref<50x100xi32, #tpu.memory_space<vmem>> -> memref<1x100xi32, #tpu.memory_space<vmem>>
    %dma_wait3A_75 = tpu.memref_squeeze %dma_wait3A_74 : memref<1x100xi32, #tpu.memory_space<vmem>> -> memref<100xi32, #tpu.memory_space<vmem>>
    %dma_wait3A_76 = arith.constant 0 : i32
    %dma_wait3A_77 = arith.constant 0 : i32
    %dma_wait3A_78 = tpu.memref_slice %arg2[%dma_wait3A_76, %dma_wait3A_77] : memref<10000x128xf32, #tpu.memory_space<hbm>> -> memref<10000x128xf32, #tpu.memory_space<hbm>>
    tpu.wait_indirect_dma semaphore(%arg11 : memref<!tpu.dma_semaphore, #tpu.memory_space<semaphore_mem>>) src(%dma_wait3A_78 : memref<10000x128xf32, #tpu.memory_space<hbm>>) dst(%arg8 : memref<100x128xf32, #tpu.memory_space<vmem>>)
    %run_scoped3A_79 = arith.constant 48 : i32
    "tpu.region"() ({
      %run_scoped3A_94 = tpu.sem_alloc : memref<!tpu.dma_semaphore, #tpu.memory_space<semaphore_mem>>
      %dma_start3A_95 = arith.constant 0 : i32
      %dma_start3A_96 = tpu.memref_slice %arg7[%run_scoped3A_79, %dma_start3A_95] : memref<50x100xi32, #tpu.memory_space<vmem>> -> memref<1x100xi32, #tpu.memory_space<vmem>>
      %dma_start3A_97 = tpu.memref_squeeze %dma_start3A_96 : memref<1x100xi32, #tpu.memory_space<vmem>> -> memref<100xi32, #tpu.memory_space<vmem>>
      %dma_start3A_98 = arith.constant 0 : i32
      %dma_start3A_99 = arith.constant 0 : i32
      %dma_start3A_100 = tpu.memref_slice %arg10[%dma_start3A_98, %dma_start3A_99] : memref<10000x128xf32, #tpu.memory_space<vmem_shared>> -> memref<10000x128xf32, #tpu.memory_space<vmem_shared>>
      tpu.enqueue_indirect_dma source(%arg8 : memref<100x128xf32, #tpu.memory_space<vmem>>) target(%dma_start3A_100 : memref<10000x128xf32, #tpu.memory_space<vmem_shared>>) offsets(%dma_start3A_97 : memref<100xi32, #tpu.memory_space<vmem>>) semaphore(%run_scoped3A_94 : memref<!tpu.dma_semaphore, #tpu.memory_space<semaphore_mem>>) {add = true}
      %dma_wait3A_101 = arith.constant 0 : i32
      %dma_wait3A_102 = tpu.memref_slice %arg7[%run_scoped3A_79, %dma_wait3A_101] : memref<50x100xi32, #tpu.memory_space<vmem>> -> memref<1x100xi32, #tpu.memory_space<vmem>>
      %dma_wait3A_103 = tpu.memref_squeeze %dma_wait3A_102 : memref<1x100xi32, #tpu.memory_space<vmem>> -> memref<100xi32, #tpu.memory_space<vmem>>
      %dma_wait3A_104 = arith.constant 0 : i32
      %dma_wait3A_105 = arith.constant 0 : i32
      %dma_wait3A_106 = tpu.memref_slice %arg10[%dma_wait3A_104, %dma_wait3A_105] : memref<10000x128xf32, #tpu.memory_space<vmem_shared>> -> memref<10000x128xf32, #tpu.memory_space<vmem_shared>>
      tpu.wait_indirect_dma semaphore(%run_scoped3A_94 : memref<!tpu.dma_semaphore, #tpu.memory_space<semaphore_mem>>) src(%arg8 : memref<100x128xf32, #tpu.memory_space<vmem>>) dst(%dma_wait3A_106 : memref<10000x128xf32, #tpu.memory_space<vmem_shared>>)
      tpu.yield
    }) : () -> ()
    %dma_wait3A_80 = arith.constant 49 : i32
    %dma_wait3A_81 = arith.constant 0 : i32
    %dma_wait3A_82 = tpu.memref_slice %arg6[%dma_wait3A_80, %dma_wait3A_81] : memref<50x100xi32, #tpu.memory_space<vmem>> -> memref<1x100xi32, #tpu.memory_space<vmem>>
    %dma_wait3A_83 = tpu.memref_squeeze %dma_wait3A_82 : memref<1x100xi32, #tpu.memory_space<vmem>> -> memref<100xi32, #tpu.memory_space<vmem>>
    %dma_wait3A_84 = arith.constant 0 : i32
    %dma_wait3A_85 = arith.constant 0 : i32
    %dma_wait3A_86 = tpu.memref_slice %arg2[%dma_wait3A_84, %dma_wait3A_85] : memref<10000x128xf32, #tpu.memory_space<hbm>> -> memref<10000x128xf32, #tpu.memory_space<hbm>>
    tpu.wait_indirect_dma semaphore(%arg12 : memref<!tpu.dma_semaphore, #tpu.memory_space<semaphore_mem>>) src(%dma_wait3A_86 : memref<10000x128xf32, #tpu.memory_space<hbm>>) dst(%arg9 : memref<100x128xf32, #tpu.memory_space<vmem>>)
    %run_scoped3A_87 = arith.constant 49 : i32
    "tpu.region"() ({
      %run_scoped3A_94 = tpu.sem_alloc : memref<!tpu.dma_semaphore, #tpu.memory_space<semaphore_mem>>
      %dma_start3A_95 = arith.constant 0 : i32
      %dma_start3A_96 = tpu.memref_slice %arg7[%run_scoped3A_87, %dma_start3A_95] : memref<50x100xi32, #tpu.memory_space<vmem>> -> memref<1x100xi32, #tpu.memory_space<vmem>>
      %dma_start3A_97 = tpu.memref_squeeze %dma_start3A_96 : memref<1x100xi32, #tpu.memory_space<vmem>> -> memref<100xi32, #tpu.memory_space<vmem>>
      %dma_start3A_98 = arith.constant 0 : i32
      %dma_start3A_99 = arith.constant 0 : i32
      %dma_start3A_100 = tpu.memref_slice %arg10[%dma_start3A_98, %dma_start3A_99] : memref<10000x128xf32, #tpu.memory_space<vmem_shared>> -> memref<10000x128xf32, #tpu.memory_space<vmem_shared>>
      tpu.enqueue_indirect_dma source(%arg9 : memref<100x128xf32, #tpu.memory_space<vmem>>) target(%dma_start3A_100 : memref<10000x128xf32, #tpu.memory_space<vmem_shared>>) offsets(%dma_start3A_97 : memref<100xi32, #tpu.memory_space<vmem>>) semaphore(%run_scoped3A_94 : memref<!tpu.dma_semaphore, #tpu.memory_space<semaphore_mem>>) {add = true}
      %dma_wait3A_101 = arith.constant 0 : i32
      %dma_wait3A_102 = tpu.memref_slice %arg7[%run_scoped3A_87, %dma_wait3A_101] : memref<50x100xi32, #tpu.memory_space<vmem>> -> memref<1x100xi32, #tpu.memory_space<vmem>>
      %dma_wait3A_103 = tpu.memref_squeeze %dma_wait3A_102 : memref<1x100xi32, #tpu.memory_space<vmem>> -> memref<100xi32, #tpu.memory_space<vmem>>
      %dma_wait3A_104 = arith.constant 0 : i32
      %dma_wait3A_105 = arith.constant 0 : i32
      %dma_wait3A_106 = tpu.memref_slice %arg10[%dma_wait3A_104, %dma_wait3A_105] : memref<10000x128xf32, #tpu.memory_space<vmem_shared>> -> memref<10000x128xf32, #tpu.memory_space<vmem_shared>>
      tpu.wait_indirect_dma semaphore(%run_scoped3A_94 : memref<!tpu.dma_semaphore, #tpu.memory_space<semaphore_mem>>) src(%arg9 : memref<100x128xf32, #tpu.memory_space<vmem>>) dst(%dma_wait3A_106 : memref<10000x128xf32, #tpu.memory_space<vmem_shared>>)
      tpu.yield
    }) : () -> ()
    %barrier3A_88 = arith.constant 0 : index
    tpu.barrier barrier_id(%barrier3A_88)
    "tpu.region"() ({
      %run_scoped3A_94 = tpu.sem_alloc : memref<!tpu.dma_semaphore, #tpu.memory_space<semaphore_mem>>
      %dma_start3A_95 = arith.constant 0 : i32
      %dma_start3A_96 = tpu.memref_slice %arg5[%arg0, %multiple_of3A, %dma_start3A_95] : memref<2x10000x128xf32, #tpu.memory_space<hbm>> -> memref<1x624x128xf32, #tpu.memory_space<hbm>>
      %dma_start3A_97 = tpu.memref_squeeze %dma_start3A_96 : memref<1x624x128xf32, #tpu.memory_space<hbm>> -> memref<624x128xf32, #tpu.memory_space<hbm>>
      %dma_start3A_98 = arith.constant 0 : i32
      %dma_start3A_99 = tpu.memref_slice %arg10[%multiple_of3A, %dma_start3A_98] : memref<10000x128xf32, #tpu.memory_space<vmem_shared>> -> memref<624x128xf32, #tpu.memory_space<vmem_shared>>
      tpu.enqueue_dma source(%dma_start3A_99 : memref<624x128xf32, #tpu.memory_space<vmem_shared>>) target(%dma_start3A_97 : memref<624x128xf32, #tpu.memory_space<hbm>>) target_semaphore(%run_scoped3A_94 : memref<!tpu.dma_semaphore, #tpu.memory_space<semaphore_mem>>)
      %dma_wait3A_100 = arith.constant 0 : i32
      %dma_wait3A_101 = tpu.memref_slice %arg5[%arg0, %multiple_of3A, %dma_wait3A_100] : memref<2x10000x128xf32, #tpu.memory_space<hbm>> -> memref<1x624x128xf32, #tpu.memory_space<hbm>>
      %dma_wait3A_102 = tpu.memref_squeeze %dma_wait3A_101 : memref<1x624x128xf32, #tpu.memory_space<hbm>> -> memref<624x128xf32, #tpu.memory_space<hbm>>
      %dma_wait3A_103 = arith.constant 0 : i32
      %dma_wait3A_104 = tpu.memref_slice %arg10[%multiple_of3A, %dma_wait3A_103] : memref<10000x128xf32, #tpu.memory_space<vmem_shared>> -> memref<624x128xf32, #tpu.memory_space<vmem_shared>>
      tpu.wait_dma2 semaphore(%run_scoped3A_94 : memref<!tpu.dma_semaphore, #tpu.memory_space<semaphore_mem>>) src(%dma_wait3A_104 : memref<624x128xf32, #tpu.memory_space<vmem_shared>>) dst(%dma_wait3A_102 : memref<624x128xf32, #tpu.memory_space<hbm>>)
      tpu.yield
    }) : () -> ()
    %eq3A_89 = arith.constant 15 : i32
    %eq3A_90 = arith.cmpi eq, %arg1, %eq3A_89 : i32
    %convert_element_type3A_91 = arith.extui %eq3A_90 : i1 to i32
    %cond3A_92 = arith.constant 0 : i32
    %cond3A_93 = arith.cmpi ne, %convert_element_type3A_91, %cond3A_92 : i32
    scf.if %cond3A_93 {
      "tpu.region"() ({
        %run_scoped3A_94 = tpu.sem_alloc : memref<!tpu.dma_semaphore, #tpu.memory_space<semaphore_mem>>
        %dma_start3A_95 = arith.constant 9984 : i32
        %dma_start3A_96 = arith.constant 0 : i32
        %dma_start3A_97 = tpu.memref_slice %arg5[%arg0, %dma_start3A_95, %dma_start3A_96] : memref<2x10000x128xf32, #tpu.memory_space<hbm>> -> memref<1x16x128xf32, #tpu.memory_space<hbm>>
        %dma_start3A_98 = tpu.memref_squeeze %dma_start3A_97 : memref<1x16x128xf32, #tpu.memory_space<hbm>> -> memref<16x128xf32, #tpu.memory_space<hbm>>
        %dma_start3A_99 = arith.constant 9984 : i32
        %dma_start3A_100 = arith.constant 0 : i32
        %dma_start3A_101 = tpu.memref_slice %arg10[%dma_start3A_99, %dma_start3A_100] : memref<10000x128xf32, #tpu.memory_space<vmem_shared>> -> memref<16x128xf32, #tpu.memory_space<vmem_shared>>
        tpu.enqueue_dma source(%dma_start3A_101 : memref<16x128xf32, #tpu.memory_space<vmem_shared>>) target(%dma_start3A_98 : memref<16x128xf32, #tpu.memory_space<hbm>>) target_semaphore(%run_scoped3A_94 : memref<!tpu.dma_semaphore, #tpu.memory_space<semaphore_mem>>)
        %dma_wait3A_102 = arith.constant 9984 : i32
        %dma_wait3A_103 = arith.constant 0 : i32
        %dma_wait3A_104 = tpu.memref_slice %arg5[%arg0, %dma_wait3A_102, %dma_wait3A_103] : memref<2x10000x128xf32, #tpu.memory_space<hbm>> -> memref<1x16x128xf32, #tpu.memory_space<hbm>>
        %dma_wait3A_105 = tpu.memref_squeeze %dma_wait3A_104 : memref<1x16x128xf32, #tpu.memory_space<hbm>> -> memref<16x128xf32, #tpu.memory_space<hbm>>
        %dma_wait3A_106 = arith.constant 9984 : i32
        %dma_wait3A_107 = arith.constant 0 : i32
        %dma_wait3A_108 = tpu.memref_slice %arg10[%dma_wait3A_106, %dma_wait3A_107] : memref<10000x128xf32, #tpu.memory_space<vmem_shared>> -> memref<16x128xf32, #tpu.memory_space<vmem_shared>>
        tpu.wait_dma2 semaphore(%run_scoped3A_94 : memref<!tpu.dma_semaphore, #tpu.memory_space<semaphore_mem>>) src(%dma_wait3A_108 : memref<16x128xf32, #tpu.memory_space<vmem_shared>>) dst(%dma_wait3A_105 : memref<16x128xf32, #tpu.memory_space<hbm>>)
        tpu.yield
      }) : () -> ()
    } else {
    }
    return
  }
}

module attributes {stable_mosaic.version = 14 : i64} {
  func.func @_tc_layer_body(%arg0: memref<10000x128xf32, #tpu.memory_space<vmem>>, %arg1: memref<2x10000x128xf32, #tpu.memory_space<vmem>>, %arg2: memref<128x128xf32, #tpu.memory_space<vmem>>, %arg3: memref<128x128xf32, #tpu.memory_space<vmem>>, %arg4: memref<1x128xf32, #tpu.memory_space<vmem>>, %arg5: memref<1x128xf32, #tpu.memory_space<vmem>>, %arg6: memref<1x128xf32, #tpu.memory_space<vmem>>, %arg7: memref<1x128xf32, #tpu.memory_space<vmem>>, %arg8: memref<1x128x128xf32, #tpu.memory_space<vmem>>, %arg9: memref<5x128xf32, #tpu.memory_space<vmem>>, %arg10: memref<1x128xf32, #tpu.memory_space<vmem>>, %arg11: memref<10000x128xf32, #tpu.memory_space<vmem>>, %arg12: memref<1x128xf32, #tpu.memory_space<vmem>>) attributes {dimension_semantics = [], scalar_prefetch = 0 : i64, scratch_operands = 0 : i64, tpu.core_type = #tpu.core_type<tc>} {
    %get3A = arith.constant 0 : index
    %get3A_0 = arith.constant 0 : index
    %get3A_1 = vector.load %arg0[%get3A, %get3A_0] : memref<10000x128xf32, #tpu.memory_space<vmem>>, vector<10000x128xf32>
    %reduce_sum3A = arith.constant dense<0.000000e+00> : vector<128xf32>
    %reduce_sum3A_2 = vector.multi_reduction <add>, %get3A_1, %reduce_sum3A [0] : vector<10000x128xf32> to vector<128xf32>
    %broadcast_in_dim3A = vector.shape_cast %reduce_sum3A_2 : vector<128xf32> to vector<1x128xf32>
    %get3A_3 = arith.constant 0 : index
    %get3A_4 = arith.constant 0 : index
    %get3A_5 = vector.load %arg10[%get3A_3, %get3A_4] : memref<1x128xf32, #tpu.memory_space<vmem>>, vector<1x128xf32>
    %get3A_6 = arith.constant 0 : index
    %get3A_7 = arith.constant 0 : index
    %get3A_8 = arith.constant 0 : index
    %get3A_9 = vector.load %arg8[%get3A_6, %get3A_7, %get3A_8] : memref<1x128x128xf32, #tpu.memory_space<vmem>>, vector<1x128x128xf32>
    %get3A_10 = vector.shape_cast %get3A_9 : vector<1x128x128xf32> to vector<128x128xf32>
    %dot_general3A = arith.constant dense<0.000000e+00> : vector<1x128xf32>
    %dot_general3A_11 = tpu.matmul %broadcast_in_dim3A, %get3A_10, %dot_general3A {dimension_numbers = #tpu.dot_dimension_numbers<[1], [1], [0], [0], [0, 0, 1, 0], [], []>, transpose_lhs_hint = false} : vector<1x128xf32>, vector<128x128xf32>, vector<1x128xf32> -> vector<1x128xf32>
    %add3A = arith.addf %get3A_5, %dot_general3A_11 : vector<1x128xf32>
    %get3A_12 = arith.constant 0 : index
    %get3A_13 = arith.constant 0 : index
    %get3A_14 = arith.constant 0 : index
    %get3A_15 = vector.load %arg1[%get3A_12, %get3A_13, %get3A_14] : memref<2x10000x128xf32, #tpu.memory_space<vmem>>, vector<1x10000x128xf32>
    %get3A_16 = vector.shape_cast %get3A_15 : vector<1x10000x128xf32> to vector<10000x128xf32>
    %get3A_17 = arith.constant 1 : index
    %get3A_18 = arith.constant 0 : index
    %get3A_19 = arith.constant 0 : index
    %get3A_20 = vector.load %arg1[%get3A_17, %get3A_18, %get3A_19] : memref<2x10000x128xf32, #tpu.memory_space<vmem>>, vector<1x10000x128xf32>
    %get3A_21 = vector.shape_cast %get3A_20 : vector<1x10000x128xf32> to vector<10000x128xf32>
    %add3A_22 = arith.addf %get3A_16, %get3A_21 : vector<10000x128xf32>
    %sub3A = arith.subf %add3A_22, %get3A_1 : vector<10000x128xf32>
    %get3A_23 = arith.constant 0 : index
    %get3A_24 = arith.constant 0 : index
    %get3A_25 = vector.load %arg2[%get3A_23, %get3A_24] : memref<128x128xf32, #tpu.memory_space<vmem>>, vector<128x128xf32>
    %dot_general3A_26 = arith.constant dense<0.000000e+00> : vector<10000x128xf32>
    %dot_general3A_27 = tpu.matmul %sub3A, %get3A_25, %dot_general3A_26 {dimension_numbers = #tpu.dot_dimension_numbers<[1], [1], [0], [0], [0, 0, 1, 0], [], []>, transpose_lhs_hint = false} : vector<10000x128xf32>, vector<128x128xf32>, vector<10000x128xf32> -> vector<10000x128xf32>
    %get3A_28 = arith.constant 0 : index
    %get3A_29 = arith.constant 0 : index
    %get3A_30 = vector.load %arg4[%get3A_28, %get3A_29] : memref<1x128xf32, #tpu.memory_space<vmem>>, vector<1x128xf32>
    %get3A_31 = arith.constant 0 : index
    %get3A_32 = arith.constant 0 : index
    %get3A_33 = vector.load %arg5[%get3A_31, %get3A_32] : memref<1x128xf32, #tpu.memory_space<vmem>>, vector<1x128xf32>
    %reduce_sum3A_34 = arith.constant dense<0.000000e+00> : vector<128xf32>
    %reduce_sum3A_35 = vector.multi_reduction <add>, %dot_general3A_27, %reduce_sum3A_34 [0] : vector<10000x128xf32> to vector<128xf32>
    %broadcast_in_dim3A_36 = vector.shape_cast %reduce_sum3A_35 : vector<128xf32> to vector<1x128xf32>
    %div3A = arith.constant 1.000000e+04 : f32
    %div3A_37 = vector.broadcast %div3A : f32 to vector<1x128xf32>
    %div3A_38 = arith.divf %broadcast_in_dim3A_36, %div3A_37 : vector<1x128xf32>
    %mul3A = arith.mulf %dot_general3A_27, %dot_general3A_27 : vector<10000x128xf32>
    %reduce_sum3A_39 = arith.constant dense<0.000000e+00> : vector<128xf32>
    %reduce_sum3A_40 = vector.multi_reduction <add>, %mul3A, %reduce_sum3A_39 [0] : vector<10000x128xf32> to vector<128xf32>
    %broadcast_in_dim3A_41 = vector.shape_cast %reduce_sum3A_40 : vector<128xf32> to vector<1x128xf32>
    %div3A_42 = arith.constant 1.000000e+04 : f32
    %div3A_43 = vector.broadcast %div3A_42 : f32 to vector<1x128xf32>
    %div3A_44 = arith.divf %broadcast_in_dim3A_41, %div3A_43 : vector<1x128xf32>
    %mul3A_45 = arith.mulf %div3A_38, %div3A_38 : vector<1x128xf32>
    %sub3A_46 = arith.subf %div3A_44, %mul3A_45 : vector<1x128xf32>
    %add3A_47 = arith.constant 9.99999974E-6 : f32
    %add3A_48 = vector.broadcast %add3A_47 : f32 to vector<1x128xf32>
    %add3A_49 = arith.addf %sub3A_46, %add3A_48 : vector<1x128xf32>
    %rsqrt3A = math.rsqrt %add3A_49 : vector<1x128xf32>
    %mul3A_50 = arith.mulf %get3A_30, %rsqrt3A : vector<1x128xf32>
    %mul3A_51 = vector.broadcast %mul3A_50 : vector<1x128xf32> to vector<10000x128xf32>
    %mul3A_52 = arith.mulf %dot_general3A_27, %mul3A_51 : vector<10000x128xf32>
    %mul3A_53 = arith.mulf %div3A_38, %mul3A_50 : vector<1x128xf32>
    %sub3A_54 = arith.subf %get3A_33, %mul3A_53 : vector<1x128xf32>
    %add3A_55 = vector.broadcast %sub3A_54 : vector<1x128xf32> to vector<10000x128xf32>
    %add3A_56 = arith.addf %mul3A_52, %add3A_55 : vector<10000x128xf32>
    %max3A = arith.constant 0.000000e+00 : f32
    %max3A_57 = vector.broadcast %max3A : f32 to vector<10000x128xf32>
    %max3A_58 = arith.maximumf %add3A_56, %max3A_57 : vector<10000x128xf32>
    %get3A_59 = arith.constant 0 : index
    %get3A_60 = arith.constant 0 : index
    %get3A_61 = vector.load %arg3[%get3A_59, %get3A_60] : memref<128x128xf32, #tpu.memory_space<vmem>>, vector<128x128xf32>
    %dot_general3A_62 = arith.constant dense<0.000000e+00> : vector<10000x128xf32>
    %dot_general3A_63 = tpu.matmul %max3A_58, %get3A_61, %dot_general3A_62 {dimension_numbers = #tpu.dot_dimension_numbers<[1], [1], [0], [0], [0, 0, 1, 0], [], []>, transpose_lhs_hint = false} : vector<10000x128xf32>, vector<128x128xf32>, vector<10000x128xf32> -> vector<10000x128xf32>
    %get3A_64 = arith.constant 0 : index
    %get3A_65 = arith.constant 0 : index
    %get3A_66 = vector.load %arg6[%get3A_64, %get3A_65] : memref<1x128xf32, #tpu.memory_space<vmem>>, vector<1x128xf32>
    %get3A_67 = arith.constant 0 : index
    %get3A_68 = arith.constant 0 : index
    %get3A_69 = vector.load %arg7[%get3A_67, %get3A_68] : memref<1x128xf32, #tpu.memory_space<vmem>>, vector<1x128xf32>
    %reduce_sum3A_70 = arith.constant dense<0.000000e+00> : vector<128xf32>
    %reduce_sum3A_71 = vector.multi_reduction <add>, %dot_general3A_63, %reduce_sum3A_70 [0] : vector<10000x128xf32> to vector<128xf32>
    %broadcast_in_dim3A_72 = vector.shape_cast %reduce_sum3A_71 : vector<128xf32> to vector<1x128xf32>
    %div3A_73 = arith.constant 1.000000e+04 : f32
    %div3A_74 = vector.broadcast %div3A_73 : f32 to vector<1x128xf32>
    %div3A_75 = arith.divf %broadcast_in_dim3A_72, %div3A_74 : vector<1x128xf32>
    %mul3A_76 = arith.mulf %dot_general3A_63, %dot_general3A_63 : vector<10000x128xf32>
    %reduce_sum3A_77 = arith.constant dense<0.000000e+00> : vector<128xf32>
    %reduce_sum3A_78 = vector.multi_reduction <add>, %mul3A_76, %reduce_sum3A_77 [0] : vector<10000x128xf32> to vector<128xf32>
    %broadcast_in_dim3A_79 = vector.shape_cast %reduce_sum3A_78 : vector<128xf32> to vector<1x128xf32>
    %div3A_80 = arith.constant 1.000000e+04 : f32
    %div3A_81 = vector.broadcast %div3A_80 : f32 to vector<1x128xf32>
    %div3A_82 = arith.divf %broadcast_in_dim3A_79, %div3A_81 : vector<1x128xf32>
    %mul3A_83 = arith.mulf %div3A_75, %div3A_75 : vector<1x128xf32>
    %sub3A_84 = arith.subf %div3A_82, %mul3A_83 : vector<1x128xf32>
    %add3A_85 = arith.constant 9.99999974E-6 : f32
    %add3A_86 = vector.broadcast %add3A_85 : f32 to vector<1x128xf32>
    %add3A_87 = arith.addf %sub3A_84, %add3A_86 : vector<1x128xf32>
    %rsqrt3A_88 = math.rsqrt %add3A_87 : vector<1x128xf32>
    %mul3A_89 = arith.mulf %get3A_66, %rsqrt3A_88 : vector<1x128xf32>
    %mul3A_90 = vector.broadcast %mul3A_89 : vector<1x128xf32> to vector<10000x128xf32>
    %mul3A_91 = arith.mulf %dot_general3A_63, %mul3A_90 : vector<10000x128xf32>
    %mul3A_92 = arith.mulf %div3A_75, %mul3A_89 : vector<1x128xf32>
    %sub3A_93 = arith.subf %get3A_69, %mul3A_92 : vector<1x128xf32>
    %add3A_94 = vector.broadcast %sub3A_93 : vector<1x128xf32> to vector<10000x128xf32>
    %add3A_95 = arith.addf %mul3A_91, %add3A_94 : vector<10000x128xf32>
    %max3A_96 = arith.constant 0.000000e+00 : f32
    %max3A_97 = vector.broadcast %max3A_96 : f32 to vector<10000x128xf32>
    %max3A_98 = arith.maximumf %add3A_95, %max3A_97 : vector<10000x128xf32>
    %swap3A = arith.constant 0 : index
    %swap3A_99 = arith.constant 0 : index
    %swap3A_100 = vector.load %arg11[%swap3A, %swap3A_99] : memref<10000x128xf32, #tpu.memory_space<vmem>>, vector<10000x128xf32>
    tpu.vector_store %arg11[%swap3A, %swap3A_99], %max3A_98 {strides = array<i32>} : memref<10000x128xf32, #tpu.memory_space<vmem>>, vector<10000x128xf32>,
    %swap3A_101 = arith.constant 0 : index
    %swap3A_102 = arith.constant 0 : index
    %swap3A_103 = vector.load %arg12[%swap3A_101, %swap3A_102] : memref<1x128xf32, #tpu.memory_space<vmem>>, vector<1x128xf32>
    tpu.vector_store %arg12[%swap3A_101, %swap3A_102], %add3A {strides = array<i32>} : memref<1x128xf32, #tpu.memory_space<vmem>>, vector<1x128xf32>,
    return
  }
}

module attributes {stable_mosaic.version = 14 : i64} {
  func.func @_tc_layer_body(%arg0: memref<10000x128xf32, #tpu.memory_space<vmem>>, %arg1: memref<2x10000x128xf32, #tpu.memory_space<vmem>>, %arg2: memref<128x128xf32, #tpu.memory_space<vmem>>, %arg3: memref<128x128xf32, #tpu.memory_space<vmem>>, %arg4: memref<1x128xf32, #tpu.memory_space<vmem>>, %arg5: memref<1x128xf32, #tpu.memory_space<vmem>>, %arg6: memref<1x128xf32, #tpu.memory_space<vmem>>, %arg7: memref<1x128xf32, #tpu.memory_space<vmem>>, %arg8: memref<2x128x128xf32, #tpu.memory_space<vmem>>, %arg9: memref<5x128xf32, #tpu.memory_space<vmem>>, %arg10: memref<1x128xf32, #tpu.memory_space<vmem>>, %arg11: memref<10000x128xf32, #tpu.memory_space<vmem>>, %arg12: memref<1x128xf32, #tpu.memory_space<vmem>>) attributes {dimension_semantics = [], scalar_prefetch = 0 : i64, scratch_operands = 0 : i64, tpu.core_type = #tpu.core_type<tc>} {
    %get3A = arith.constant 0 : index
    %get3A_0 = arith.constant 0 : index
    %get3A_1 = vector.load %arg0[%get3A, %get3A_0] : memref<10000x128xf32, #tpu.memory_space<vmem>>, vector<10000x128xf32>
    %reduce_sum3A = arith.constant dense<0.000000e+00> : vector<128xf32>
    %reduce_sum3A_2 = vector.multi_reduction <add>, %get3A_1, %reduce_sum3A [0] : vector<10000x128xf32> to vector<128xf32>
    %broadcast_in_dim3A = vector.shape_cast %reduce_sum3A_2 : vector<128xf32> to vector<1x128xf32>
    %get3A_3 = arith.constant 0 : index
    %get3A_4 = arith.constant 0 : index
    %get3A_5 = vector.load %arg10[%get3A_3, %get3A_4] : memref<1x128xf32, #tpu.memory_space<vmem>>, vector<1x128xf32>
    %get3A_6 = arith.constant 0 : index
    %get3A_7 = arith.constant 0 : index
    %get3A_8 = arith.constant 0 : index
    %get3A_9 = vector.load %arg8[%get3A_6, %get3A_7, %get3A_8] : memref<2x128x128xf32, #tpu.memory_space<vmem>>, vector<1x128x128xf32>
    %get3A_10 = vector.shape_cast %get3A_9 : vector<1x128x128xf32> to vector<128x128xf32>
    %dot_general3A = arith.constant dense<0.000000e+00> : vector<1x128xf32>
    %dot_general3A_11 = tpu.matmul %broadcast_in_dim3A, %get3A_10, %dot_general3A {dimension_numbers = #tpu.dot_dimension_numbers<[1], [1], [0], [0], [0, 0, 1, 0], [], []>, transpose_lhs_hint = false} : vector<1x128xf32>, vector<128x128xf32>, vector<1x128xf32> -> vector<1x128xf32>
    %add3A = arith.addf %get3A_5, %dot_general3A_11 : vector<1x128xf32>
    %get3A_12 = arith.constant 0 : index
    %get3A_13 = arith.constant 0 : index
    %get3A_14 = arith.constant 0 : index
    %get3A_15 = vector.load %arg1[%get3A_12, %get3A_13, %get3A_14] : memref<2x10000x128xf32, #tpu.memory_space<vmem>>, vector<1x10000x128xf32>
    %get3A_16 = vector.shape_cast %get3A_15 : vector<1x10000x128xf32> to vector<10000x128xf32>
    %get3A_17 = arith.constant 1 : index
    %get3A_18 = arith.constant 0 : index
    %get3A_19 = arith.constant 0 : index
    %get3A_20 = vector.load %arg1[%get3A_17, %get3A_18, %get3A_19] : memref<2x10000x128xf32, #tpu.memory_space<vmem>>, vector<1x10000x128xf32>
    %get3A_21 = vector.shape_cast %get3A_20 : vector<1x10000x128xf32> to vector<10000x128xf32>
    %add3A_22 = arith.addf %get3A_16, %get3A_21 : vector<10000x128xf32>
    %sub3A = arith.subf %add3A_22, %get3A_1 : vector<10000x128xf32>
    %get3A_23 = arith.constant 0 : index
    %get3A_24 = arith.constant 0 : index
    %get3A_25 = vector.load %arg2[%get3A_23, %get3A_24] : memref<128x128xf32, #tpu.memory_space<vmem>>, vector<128x128xf32>
    %dot_general3A_26 = arith.constant dense<0.000000e+00> : vector<10000x128xf32>
    %dot_general3A_27 = tpu.matmul %sub3A, %get3A_25, %dot_general3A_26 {dimension_numbers = #tpu.dot_dimension_numbers<[1], [1], [0], [0], [0, 0, 1, 0], [], []>, transpose_lhs_hint = false} : vector<10000x128xf32>, vector<128x128xf32>, vector<10000x128xf32> -> vector<10000x128xf32>
    %get3A_28 = arith.constant 0 : index
    %get3A_29 = arith.constant 0 : index
    %get3A_30 = vector.load %arg4[%get3A_28, %get3A_29] : memref<1x128xf32, #tpu.memory_space<vmem>>, vector<1x128xf32>
    %get3A_31 = arith.constant 0 : index
    %get3A_32 = arith.constant 0 : index
    %get3A_33 = vector.load %arg5[%get3A_31, %get3A_32] : memref<1x128xf32, #tpu.memory_space<vmem>>, vector<1x128xf32>
    %reduce_sum3A_34 = arith.constant dense<0.000000e+00> : vector<128xf32>
    %reduce_sum3A_35 = vector.multi_reduction <add>, %dot_general3A_27, %reduce_sum3A_34 [0] : vector<10000x128xf32> to vector<128xf32>
    %broadcast_in_dim3A_36 = vector.shape_cast %reduce_sum3A_35 : vector<128xf32> to vector<1x128xf32>
    %div3A = arith.constant 1.000000e+04 : f32
    %div3A_37 = vector.broadcast %div3A : f32 to vector<1x128xf32>
    %div3A_38 = arith.divf %broadcast_in_dim3A_36, %div3A_37 : vector<1x128xf32>
    %mul3A = arith.mulf %dot_general3A_27, %dot_general3A_27 : vector<10000x128xf32>
    %reduce_sum3A_39 = arith.constant dense<0.000000e+00> : vector<128xf32>
    %reduce_sum3A_40 = vector.multi_reduction <add>, %mul3A, %reduce_sum3A_39 [0] : vector<10000x128xf32> to vector<128xf32>
    %broadcast_in_dim3A_41 = vector.shape_cast %reduce_sum3A_40 : vector<128xf32> to vector<1x128xf32>
    %div3A_42 = arith.constant 1.000000e+04 : f32
    %div3A_43 = vector.broadcast %div3A_42 : f32 to vector<1x128xf32>
    %div3A_44 = arith.divf %broadcast_in_dim3A_41, %div3A_43 : vector<1x128xf32>
    %mul3A_45 = arith.mulf %div3A_38, %div3A_38 : vector<1x128xf32>
    %sub3A_46 = arith.subf %div3A_44, %mul3A_45 : vector<1x128xf32>
    %add3A_47 = arith.constant 9.99999974E-6 : f32
    %add3A_48 = vector.broadcast %add3A_47 : f32 to vector<1x128xf32>
    %add3A_49 = arith.addf %sub3A_46, %add3A_48 : vector<1x128xf32>
    %rsqrt3A = math.rsqrt %add3A_49 : vector<1x128xf32>
    %mul3A_50 = arith.mulf %get3A_30, %rsqrt3A : vector<1x128xf32>
    %mul3A_51 = vector.broadcast %mul3A_50 : vector<1x128xf32> to vector<10000x128xf32>
    %mul3A_52 = arith.mulf %dot_general3A_27, %mul3A_51 : vector<10000x128xf32>
    %mul3A_53 = arith.mulf %div3A_38, %mul3A_50 : vector<1x128xf32>
    %sub3A_54 = arith.subf %get3A_33, %mul3A_53 : vector<1x128xf32>
    %add3A_55 = vector.broadcast %sub3A_54 : vector<1x128xf32> to vector<10000x128xf32>
    %add3A_56 = arith.addf %mul3A_52, %add3A_55 : vector<10000x128xf32>
    %max3A = arith.constant 0.000000e+00 : f32
    %max3A_57 = vector.broadcast %max3A : f32 to vector<10000x128xf32>
    %max3A_58 = arith.maximumf %add3A_56, %max3A_57 : vector<10000x128xf32>
    %get3A_59 = arith.constant 0 : index
    %get3A_60 = arith.constant 0 : index
    %get3A_61 = vector.load %arg3[%get3A_59, %get3A_60] : memref<128x128xf32, #tpu.memory_space<vmem>>, vector<128x128xf32>
    %dot_general3A_62 = arith.constant dense<0.000000e+00> : vector<10000x128xf32>
    %dot_general3A_63 = tpu.matmul %max3A_58, %get3A_61, %dot_general3A_62 {dimension_numbers = #tpu.dot_dimension_numbers<[1], [1], [0], [0], [0, 0, 1, 0], [], []>, transpose_lhs_hint = false} : vector<10000x128xf32>, vector<128x128xf32>, vector<10000x128xf32> -> vector<10000x128xf32>
    %get3A_64 = arith.constant 0 : index
    %get3A_65 = arith.constant 0 : index
    %get3A_66 = vector.load %arg6[%get3A_64, %get3A_65] : memref<1x128xf32, #tpu.memory_space<vmem>>, vector<1x128xf32>
    %get3A_67 = arith.constant 0 : index
    %get3A_68 = arith.constant 0 : index
    %get3A_69 = vector.load %arg7[%get3A_67, %get3A_68] : memref<1x128xf32, #tpu.memory_space<vmem>>, vector<1x128xf32>
    %reduce_sum3A_70 = arith.constant dense<0.000000e+00> : vector<128xf32>
    %reduce_sum3A_71 = vector.multi_reduction <add>, %dot_general3A_63, %reduce_sum3A_70 [0] : vector<10000x128xf32> to vector<128xf32>
    %broadcast_in_dim3A_72 = vector.shape_cast %reduce_sum3A_71 : vector<128xf32> to vector<1x128xf32>
    %div3A_73 = arith.constant 1.000000e+04 : f32
    %div3A_74 = vector.broadcast %div3A_73 : f32 to vector<1x128xf32>
    %div3A_75 = arith.divf %broadcast_in_dim3A_72, %div3A_74 : vector<1x128xf32>
    %mul3A_76 = arith.mulf %dot_general3A_63, %dot_general3A_63 : vector<10000x128xf32>
    %reduce_sum3A_77 = arith.constant dense<0.000000e+00> : vector<128xf32>
    %reduce_sum3A_78 = vector.multi_reduction <add>, %mul3A_76, %reduce_sum3A_77 [0] : vector<10000x128xf32> to vector<128xf32>
    %broadcast_in_dim3A_79 = vector.shape_cast %reduce_sum3A_78 : vector<128xf32> to vector<1x128xf32>
    %div3A_80 = arith.constant 1.000000e+04 : f32
    %div3A_81 = vector.broadcast %div3A_80 : f32 to vector<1x128xf32>
    %div3A_82 = arith.divf %broadcast_in_dim3A_79, %div3A_81 : vector<1x128xf32>
    %mul3A_83 = arith.mulf %div3A_75, %div3A_75 : vector<1x128xf32>
    %sub3A_84 = arith.subf %div3A_82, %mul3A_83 : vector<1x128xf32>
    %add3A_85 = arith.constant 9.99999974E-6 : f32
    %add3A_86 = vector.broadcast %add3A_85 : f32 to vector<1x128xf32>
    %add3A_87 = arith.addf %sub3A_84, %add3A_86 : vector<1x128xf32>
    %rsqrt3A_88 = math.rsqrt %add3A_87 : vector<1x128xf32>
    %mul3A_89 = arith.mulf %get3A_66, %rsqrt3A_88 : vector<1x128xf32>
    %mul3A_90 = vector.broadcast %mul3A_89 : vector<1x128xf32> to vector<10000x128xf32>
    %mul3A_91 = arith.mulf %dot_general3A_63, %mul3A_90 : vector<10000x128xf32>
    %mul3A_92 = arith.mulf %div3A_75, %mul3A_89 : vector<1x128xf32>
    %sub3A_93 = arith.subf %get3A_69, %mul3A_92 : vector<1x128xf32>
    %add3A_94 = vector.broadcast %sub3A_93 : vector<1x128xf32> to vector<10000x128xf32>
    %add3A_95 = arith.addf %mul3A_91, %add3A_94 : vector<10000x128xf32>
    %max3A_96 = arith.constant 0.000000e+00 : f32
    %max3A_97 = vector.broadcast %max3A_96 : f32 to vector<10000x128xf32>
    %max3A_98 = arith.maximumf %add3A_95, %max3A_97 : vector<10000x128xf32>
    %swap3A = arith.constant 0 : index
    %swap3A_99 = arith.constant 0 : index
    %swap3A_100 = vector.load %arg11[%swap3A, %swap3A_99] : memref<10000x128xf32, #tpu.memory_space<vmem>>, vector<10000x128xf32>
    tpu.vector_store %arg11[%swap3A, %swap3A_99], %max3A_98 {strides = array<i32>} : memref<10000x128xf32, #tpu.memory_space<vmem>>, vector<10000x128xf32>,
    %reduce_sum3A_101 = arith.constant dense<0.000000e+00> : vector<128xf32>
    %reduce_sum3A_102 = vector.multi_reduction <add>, %max3A_98, %reduce_sum3A_101 [0] : vector<10000x128xf32> to vector<128xf32>
    %broadcast_in_dim3A_103 = vector.shape_cast %reduce_sum3A_102 : vector<128xf32> to vector<1x128xf32>
    %get3A_104 = arith.constant 1 : index
    %get3A_105 = arith.constant 0 : index
    %get3A_106 = arith.constant 0 : index
    %get3A_107 = vector.load %arg8[%get3A_104, %get3A_105, %get3A_106] : memref<2x128x128xf32, #tpu.memory_space<vmem>>, vector<1x128x128xf32>
    %get3A_108 = vector.shape_cast %get3A_107 : vector<1x128x128xf32> to vector<128x128xf32>
    %dot_general3A_109 = arith.constant dense<0.000000e+00> : vector<1x128xf32>
    %dot_general3A_110 = tpu.matmul %broadcast_in_dim3A_103, %get3A_108, %dot_general3A_109 {dimension_numbers = #tpu.dot_dimension_numbers<[1], [1], [0], [0], [0, 0, 1, 0], [], []>, transpose_lhs_hint = false} : vector<1x128xf32>, vector<128x128xf32>, vector<1x128xf32> -> vector<1x128xf32>
    %add3A_111 = arith.addf %add3A, %dot_general3A_110 : vector<1x128xf32>
    %get3A_112 = arith.constant 0 : index
    %get3A_113 = arith.constant 0 : index
    %get3A_114 = vector.load %arg9[%get3A_112, %get3A_113] : memref<5x128xf32, #tpu.memory_space<vmem>>, vector<5x128xf32>
    %reduce_sum3A_115 = arith.constant dense<0.000000e+00> : vector<128xf32>
    %reduce_sum3A_116 = vector.multi_reduction <add>, %get3A_114, %reduce_sum3A_115 [0] : vector<5x128xf32> to vector<128xf32>
    %broadcast_in_dim3A_117 = vector.shape_cast %reduce_sum3A_116 : vector<128xf32> to vector<1x128xf32>
    %add3A_118 = arith.addf %add3A_111, %broadcast_in_dim3A_117 : vector<1x128xf32>
    %swap3A_119 = arith.constant 0 : index
    %swap3A_120 = arith.constant 0 : index
    %swap3A_121 = vector.load %arg12[%swap3A_119, %swap3A_120] : memref<1x128xf32, #tpu.memory_space<vmem>>, vector<1x128xf32>
    tpu.vector_store %arg12[%swap3A_119, %swap3A_120], %add3A_118 {strides = array<i32>} : memref<1x128xf32, #tpu.memory_space<vmem>>, vector<1x128xf32>,
    return
  }
}

</mosaic_0001>

<sc_bundles>
// kernel: kernel.10.cloned.1.call-start
scs
__scs_entry_jumppad:
0x0: {  	(pc) =	sbr.rel $0x88, $3  }
0x1: {  	(tag) =	ssettag $0x0;
	lr =	simm.s32 $0x1  }
0x2: {  	[smem:$0x3F97] =	sst lr;
	_ =	strace $0xD0000000  }
0x3: {  	_ = 	snop  }
0x4: {  	_ = 	snop  }
0x5: {  	_ = 	snop  }
0x6: {  	_ = 	snop  }
0x7: {  	_ = 	snop  }
__scs_overlays_trampoline_lowered:
0x8: {  	[smem:$0x3FA6] =	sst s0  }
0x9: {  	[smem:$0x3FA7] =	sst s1  }
0xa: {  	[smem:$0x3FA8] =	sst s2  }
0xb: {  	[smem:$0x3FA9] =	sst s3  }
0xc: {  	[smem:$0x3FAA] =	sst s4  }
0xd: {  	[smem:$0x3FAB] =	sst s5  }
0xe: {  	[smem:$0x3FAC] =	sst s6  }
0xf: {  	[smem:$0x3FAD] =	sst s7  }
0x10: {  	[smem:$0x3FAE] =	sst s8  }
0x11: {  	[smem:$0x3FAF] =	sst s9;
	s0 =	simm.s32 @!p0 $0x0  }
0x12: {  	s1 =	sld [smem:$0x3F95];
	s0 =	simm.s32 @p0 $0x1  }
0x13: {  	[smem:$0x3FB0] =	sst s0;
	s0 =	simm.s32 @!p1 $0x0  }
0x14: {  	s2 =	sld [smem:$0x3F94];
	s0 =	simm.s32 @p1 $0x1  }
0x15: {  	[smem:$0x3FB1] =	sst s0;
	s0 =	simm.s32 @!p2 $0x0  }
0x16: {  	s3 =	sld [smem:$0x3FDB];
	s0 =	simm.s32 @p2 $0x1  }
0x17: {  	s4 =	simm.s32 $0x1BF5;
	[smem:$0x3FB3] =	sst s0  }
0x18: {  	s0 =	sld [smem:$0x3F96];
	_ =	swait.ge [sflag:s4], $0x0  }
0x19: {  	s7 =	sld [smem:$0x3F97]  }
0x1a: {  	s8 =	sadd.s32 $0xFFFFE003, lr  }
0x1b: {  	s9 =	sadd.s32 $0xFFFFFEF7, lr;
	s5 =	simm.s32 $0xFFFFFFFF;
	p2 =	slt.u32 s8, $0xFFFFF086  }
0x1c: {  	p1 =	slt.u32 s9, $0xF7A;
	s5 =	simm.s32 @!p2 $0x0  }
0x1d: {  	s5 =	simm.s32 @p1 $0x1;
	p0 =	seq.s32 s7, s2  }
0x1e: {  	s7 =	smul.u32 @!p0 $0xF7A, s2;
	p2 =	seq.s32 @!p0 s5, $0x0  }
0x1f: {  	s9 =	smul.u32 $0xF7A, s1;
	s8 =	simm.s32 @!p0 $0x1BF5;
	p2 =	por !p2, p0  }
0x20: {  	[sflag:s8] =	ssyncset.s32 @!p0 $0xFFFFF086;
	s6 =	sadd.s32 @!p0 s3, s7;
	s7 =	simm.s32 @!p0 $0x108  }
0x21: {  	s3 =	sadd.s32 s3, s9;
	s6 =	sadd.s32 @!p0 $0x88, s6;
	s7 =	simm.s32 @p2 $0x1082  }
0x22: {  	[simem:s7], [sflag:s8] =	dma.local @!p0 [hbm:s6], $0xF7A  }
0x23: {  	s9 =	sor.u32 $0xD0000000, s2;
	s6 =	simm.s32 $0x108;
	_ =	swait.ge @!p0 [sflag:s8], $0x0  }
0x24: {  	s3 =	sadd.s32 $0x88, s3;
	s6 =	simm.s32 @!p1 $0x1082;
	[sflag:s4] =	ssyncset.s32 $0xFFFFF086  }
0x25: {  	[simem:s6], [sflag:s4] =	dma.local [hbm:s3], $0xF7A  }
0x26: {  	[smem:$0x3F97] =	sst s1;
	(tag) =	ssettag s2;
	_ =	strace s9  }
0x27: {  	s1 =	sld [smem:$0x3FA7]  }
0x28: {  	s2 =	sld [smem:$0x3FA8]  }
0x29: {  	s4 =	sld [smem:$0x3FAA]  }
0x2a: {  	p0 =	seq.s32 s5, $0x0;
	s5 =	sld [smem:$0x3FAB]  }
0x2b: {  	s6 =	sld [smem:$0x3FAC]  }
0x2c: {  	s7 =	sld [smem:$0x3FAD]  }
0x2d: {  	s3 =	simm.s32 $0x108;
	s8 =	sld [smem:$0x3FAE]  }
0x2e: {  	s3 =	simm.s32 @!p0 $0x1082;
	s9 =	sld [smem:$0x3FAF]  }
0x2f: {  	lr =	sadd.s32 s0, s3;
	s0 =	sld [smem:$0x3FA6]  }
0x30: {  	s3 =	sld [smem:$0x3FA9]  }
0x31: {  	[smem:$0x3FB2] =	sst s10  }
0x32: {  	s10 =	sld [smem:$0x3FB0];
	_ =	sdelay $0x3  }
0x33: {  	p0 =	seq.s32 s10, $0x1;
	s10 =	sld [smem:$0x3FB2];
	_ =	sdelay $0x3  }
0x34: {  	[smem:$0x3FB2] =	sst s10  }
0x35: {  	s10 =	sld [smem:$0x3FB1];
	_ =	sdelay $0x3  }
0x36: {  	p1 =	seq.s32 s10, $0x1;
	s10 =	sld [smem:$0x3FB2];
	_ =	sdelay $0x3  }
0x37: {  	[smem:$0x3FB2] =	sst s10  }
0x38: {  	s10 =	sld [smem:$0x3FB3]  }
0x39: {  	_ = 	snop;
	(pc) =	sbr.ind lr, $3  }
0x3a: {  	_ = 	snop  }
0x3b: {  	_ = 	snop  }
0x3c: {  	p2 =	seq.s32 s10, $0x1;
	s10 =	sld [smem:$0x3FB2]  }
0x3d: {  	_ =	shalt  }
0x3e: {  	_ =	shalt  }
0x3f: {  	_ =	shalt  }
0x40: {  	_ =	shalt  }
0x41: {  	_ =	shalt  }
0x42: {  	_ =	shalt  }
0x43: {  	_ =	shalt  }
0x44: {  	_ =	shalt  }
0x45: {  	_ =	shalt  }
0x46: {  	_ =	shalt  }
0x47: {  	_ =	shalt  }
0x48: {  	_ =	shalt  }
0x49: {  	_ =	shalt  }
0x4a: {  	_ =	shalt  }
0x4b: {  	_ =	shalt  }
0x4c: {  	_ =	shalt  }
0x4d: {  	_ =	shalt  }
0x4e: {  	_ =	shalt  }
0x4f: {  	_ =	shalt  }
0x50: {  	_ =	shalt  }
0x51: {  	_ =	shalt  }
0x52: {  	_ =	shalt  }
0x53: {  	_ =	shalt  }
0x54: {  	_ =	shalt  }
0x55: {  	_ =	shalt  }
0x56: {  	_ =	shalt  }
0x57: {  	_ =	shalt  }
0x58: {  	_ =	shalt  }
0x59: {  	_ =	shalt  }
0x5a: {  	_ =	shalt  }
0x5b: {  	_ =	shalt  }
0x5c: {  	_ =	shalt  }
0x5d: {  	_ =	shalt  }
0x5e: {  	_ =	shalt  }
0x5f: {  	_ =	shalt  }
0x60: {  	_ =	shalt  }
0x61: {  	_ =	shalt  }
0x62: {  	_ =	shalt  }
0x63: {  	_ =	shalt  }
0x64: {  	_ =	shalt  }
0x65: {  	_ =	shalt  }
0x66: {  	_ =	shalt  }
0x67: {  	_ =	shalt  }
0x68: {  	_ =	shalt  }
0x69: {  	_ =	shalt  }
0x6a: {  	_ =	shalt  }
0x6b: {  	_ =	shalt  }
0x6c: {  	_ =	shalt  }
0x6d: {  	_ =	shalt  }
0x6e: {  	_ =	shalt  }
0x6f: {  	_ =	shalt  }
0x70: {  	_ =	shalt  }
0x71: {  	_ =	shalt  }
0x72: {  	_ =	shalt  }
0x73: {  	_ =	shalt  }
0x74: {  	_ =	shalt  }
0x75: {  	_ =	shalt  }
0x76: {  	_ =	shalt  }
0x77: {  	_ =	shalt  }
0x78: {  	_ =	shalt  }
0x79: {  	_ =	shalt  }
0x7a: {  	_ =	shalt  }
0x7b: {  	_ =	shalt  }
0x7c: {  	_ =	shalt  }
0x7d: {  	_ =	shalt  }
0x7e: {  	_ =	shalt  }
0x7f: {  	_ =	shalt  }
0x80: {  	_ =	shalt  }
0x81: {  	_ =	shalt  }
0x82: {  	_ =	shalt  }
0x83: {  	_ =	shalt  }
0x84: {  	_ =	shalt  }
0x85: {  	_ =	shalt  }
0x86: {  	_ =	shalt  }
0x87: {  	_ =	shalt  }
.Lfunc_end0:
.L_simem_size_0:
called_computation_lowered:
.L_overlay_start_0:
0x88: {  	s2 =	sld [smem:$0x3FD9]  }
0x89: {  	s3 =	sld [smem:$0x3FFE];
	_ =	sdelay $0x1  }
0x8a: {  	s1 =	srdreg.scid  }
0x8b: {  	s0 =	sand.u32 $0x1, s1  }
0x8c: {  	s17 =	sshll.u32 s0, $0xA;
	s2 =	sadd.s32 s3, s2  }
0x8d: {  	s2 =	sadd.s32 s2, s17  }
0x8e: {  	[smem:$0x3FBE] =	sst s2  }
0x8f: {  	_ = 	snop  }
0x90: {  	s2 =	sld [smem:$0x3FC9];
	(tm) =	ssettm $0x1  }
0x91: {  	s18 =	sld [smem:$0x3FFB];
	_ =	sdelay $0x3  }
0x92: {  	_ =	strace s18  }
0x93: {  	s3 =	sld [smem:$0x3FFC];
	_ =	sdelay $0x3  }
0x94: {  	_ =	strace s3  }
0x95: {  	s3 =	sld [smem:$0x3FFD];
	_ =	sdelay $0x3  }
0x96: {  	_ =	strace s3  }
0x97: {  	_ =	strace $0x8FFFFFFF  }
0x98: {  	s19 =	sld [smem:$0x3FDB];
	_ =	sdelay $0x1  }
0x99: {  	s4 =	simm.s32 $_scs_section_size  }
0x9a: {  	s5 =	simm.s32 $_size__tile_overlayer_lowered;
	s6 =	simm.s32 $_tile_overlayer_lowered  }
0x9b: {  	s22 =	simm.s32 $0x1BFF;
	s21 =	sshll.u32 s6, $0x1;
	s3 =	sadd.s32 s4, s19  }
0x9c: {  	s7 =	simm.s32 $0x0;
	s20 =	sshll.u32 s5, $0x1;
	s5 =	sadd.s32 s21, s3  }
0x9d: {  	[timem:s7], [sflag:s22] =	dma.local [hbm:s5], s20  }
0x9e: {  	_ =	swait.ge [sflag:s22], s20  }
0x9f: {  	s4 =	ssub.s32 $0x0, s20;
	[sflag:s22] =	ssyncset.done $0x0  }
0xa0: {  	[sflag:s22] =	ssyncadd.s32 s4;
	_ =	sdelay $0x1  }
0xa1: {  	s23 =	simm.s32 $0x1B8B  }
0xa2: {  	_ =	swait.ge [sflag:s23], $0x1  }
0xa3: {  	[sflag:s23] =	ssyncset.done $0x0  }
0xa4: {  	s25 =	simm.s32 $0x1B8E;
	s24 =	sld [smem:$0x3FFE];
	[sflag:s23] =	ssyncadd.s32 $0xFFFFFFFF  }
0xa5: {  	s26 =	simm.s32 $execute0_lowered;
	[smem:$0x3FD2] =	sst s25  }
0xa6: {  	s5 =	sshll.u32 s26, $0x1;
	_ =	strace $0x80000046;
	[dreg:$0x1] =	wrdreg $0xFFFFFFFF  }
0xa7: {  	s28 =	simm.s32 $_size_execute0_lowered;
	s3 =	sadd.s32 s3, s5;
	[dreg:$0x0] =	wrdreg $0x0  }
0xa8: {  	s5 =	sshll.u32 s28, $0x1;
	[dreg:$0x2] =	wrdreg s3  }
0xa9: {  	[dreg:$0x3] =	wrdreg s5  }
0xaa: {  	[dreg:$0x4] =	wrdreg $0xC0  }
0xab: {  	_ =	task [dreg:s7], $0x5FFFF  }
0xac: {  	[dreg:$0x1] =	wrdreg $0xFFFFFFFF  }
0xad: {  	[dreg:$0x0] =	wrdreg $0x60  }
0xae: {  	[dreg:$0x2] =	wrdreg s2  }
0xaf: {  	[dreg:$0x3] =	wrdreg s24  }
0xb0: {  	[dreg:$0x4] =	wrdreg $0xA0000  }
0xb1: {  	[dreg:$0x5] =	wrdreg $0x9  }
0xb2: {  	_ =	task.clear_ibuf [dreg:s7], $0x6FFFF;
	_ =	strace $0x90000046  }
0xb3: {  	s29 =	simm.s32 $0x9;
	_ =	strace $0x80000048  }
0xb4: {  	_ =	swait.ge [sflag:s29], $0x1  }
0xb5: {  	[sflag:s29] =	ssyncadd.s32 $0xFFFFFFFF  }
0xb6: {  	_ =	strace $0x90000048  }
0xb7: {  	_ =	sfence  }
0xb8: {  	s30 =	sld [smem:$0x0];
	_ =	sdelay $0x2  }
0xb9: {  	s31 =	sshll.u32 s1, $0xD;
	s1 =	sshrl.u32 s1, $0x2  }
0xba: {  	s3 =	sand.u32 $0x4000, s31;
	s1 =	sadd.s32 s1, s30  }
0xbb: {  	s0 =	sor.u32 s3, s0;
	s1 =	sshll.u32 s1, $0x11  }
0xbc: {  	s0 =	sor.u32 s1, s0  }
0xbd: {  	s0 =	sadd.s32 $0x8F2B, s0  }
0xbe: {  	[sflag:s0] =	ssyncadd.remote.s32 $0x1  }
0xbf: {  	_ =	sfence.sel $0xFFFF  }
0xc0: {  	[dreg:$0x0] =	wrdreg $0xFFFFFFFF;
	(pc) =	sbr.abs _section_cstart, $3  }
0xc1: {  	[dreg:$0x1] =	wrdreg $0xFFFFFFFF  }
0xc2: {  	_ =	task.clear_ibuf [dreg:s7], $0x2FFFF;
	_ =	strace $0x9FFFFFFF  }
0xc3: {  	(tm) =	ssettm $0x7FFFFFFF  }
tec
execute0_lowered:
.L_overlay_start_1:
0x0: {  	(tag) =	ssettag $0x1  }
0x1: {  	s1 =	rddreg [dreg:$0x0]  }
0x2: {  	s0 =	rddreg [dreg:$0x1]  }
0x3: {  	s2 =	rddreg [dreg:$0x2]  }
0x4: {  	s4 =	simm.s32 $0x0;
	s5 =	srdreg.scid;
	s3 =	stileid.u32  }
0x5: {  	s19 =	simm.s32 $0x1C00;
	s20 =	simm.s32 $0x64;
	s21 =	simm.s32 $0x3800  }
0x6: {  	s22 =	simm.s32 $0x80;
	s23 =	simm.s32 $0x6C00;
	s24 =	simm.s32 $0x3  }
0x7: {  	s28 =	simm.s32 $0x3400;
	s29 =	simm.s32 $0x3480;
	s30 =	simm.s32 $0x0  }
0x8: {  	[smem:$0x7FF] =	sst s4;
	s9 =	sand.u32 $0x1, s5;
	s11 =	sadd.s32 $0x5600, s0  }
0x9: {  	s6 =	smul.u32 $0x4E000, s3;
	s12 =	sadd.s32 $0x13600, s0;
	s0 =	sadd.s32 $0x21600, s0  }
0xa: {  	s8 =	sshll.u32 s3, $0x1;
	s13 =	smul.u32 $0x13800, s3;
	s17 =	sadd.s32 $0x138000, s2  }
0xb: {  	p0 =	sne.s32 s3, $0xF;
	_ =	strace $0x80000047;
	s5 =	ssub.s32 $0x2, s9  }
0xc: {  	s25 =	sor.u32 s9, s8;
	s8 =	sadd.s32 $0x27000, s1;
	s18 =	smul.u32 $0x138800, s9  }
0xd: {  	s17 =	sshrl.u32 @!p0 s17, $0x3;
	s7 =	sshrl.u32 s5, $0x1;
	s6 =	sshrl.u32 s6, $0x2  }
0xe: {  	s26 =	sshrl.u32 s13, $0x3;
	s10 =	smul.u32 $0x3800, s25;
	s25 =	simm.s32 $0x1  }
0xf: {  	s15 =	ssub.s32 s5, s7;
	s16 =	sadd.s32 s6, s2;
	s5 =	sshll.u32 s3, $0x6  }
0x10: {  	s6 =	sadd.s32 s1, s26;
	s13 =	sadd.s32 s13, s18;
	s18 =	sshrl.u32 s18, $0x3  }
0x11: {  	s26 =	simm.s32 $0x2;
	s7 =	sor.u32 $0x1C03, s5;
	s14 =	sshrl.u32 s10, $0x3  }
0x12: {  	s13 =	sshrl.u32 s13, $0x3;
	s31 =	sadd.s32 s0, s18;
	s15 =	smax.u32 s15, $0x1  }
0x13: {  	s16 =	sshrl.u32 s16, $0x3;
	s18 =	simm.s32 $0x4;
	s9 =	sadd.s32 s11, s14  }
0x14: {  	s10 =	sadd.s32 s12, s14;
	s14 =	sadd.s32 $0x380, s14;
	s13 =	sadd.s32 s0, s13  }
0x15: {  	s11 =	sadd.s32 s11, s14;
	s12 =	sadd.s32 s12, s14;
	s14 =	sadd.s32 $0x27000, s31  }
.LBB2_1:
0x16: {  	[spmem:s16], [sflag:s7] =	dma.local [hbm:s6], $0x2700  }
0x17: {  	[spmem:s17], [sflag:s7] =	dma.local @!p0 [hbm:s8], $0x100  }
0x18: {  	[tilespmem:s4], [sflag:$0x4] =	stream.linear.gather [hbm4b:s9+s4], $0x1900, $0x38;
	[tilespmem:$0x1D880] =	vst v63  }
0x19: {  	_ =	swait.ge [sflag:s18], $0x1900  }
0x1a: {  	[sflag:s18] =	ssyncset.done $0x0  }
0x1b: {  	[sflag:s18] =	ssyncadd.s32 $0xFFFFE700  }
0x1c: {  	[tilespmem:s19], [sflag:$0x4] =	stream.linear.gather [hbm4b:s10+s4], $0x1900, $0x38;
	[tilespmem:$0x1D880] =	vst v63  }
0x1d: {  	_ =	swait.ge [sflag:s18], $0x1900  }
0x1e: {  	[sflag:s18] =	ssyncset.done $0x0  }
0x1f: {  	[sflag:s18] =	ssyncadd.s32 $0xFFFFE700  }
0x20: {  	[tilespmem:s21], [sflag:$0x1] =	stream.indirect.gather [hbm4b:s1+s20], $0x80, s4, s20, $0xb8;
	[tilespmem:$0x1D880] =	vst v63  }
0x21: {  	_ = 	snop  }
0x22: {  	[tilespmem:s23], [sflag:$0x2] =	stream.indirect.gather [hbm4b:s1+s20], $0x80, s22, s20, $0xb8;
	[tilespmem:$0x1D880] =	vst v63  }
0x23: {  	_ =	swait.ge [sflag:s24], $0x2700  }
0x24: {  	[sflag:s24] =	ssyncset.done $0x0  }
0x25: {  	s0 =	simm.s32 @!p0 $0x3;
	[sflag:s24] =	ssyncadd.s32 $0xFFFFD900  }
0x26: {  	_ =	swait.ge @!p0 [sflag:s0], $0x100  }
0x27: {  	[sflag:s0] =	ssyncset.done @!p0 $0x0  }
0x28: {  	[sflag:s0] =	ssyncadd.s32 @!p0 $0xFFFFFF00  }
0x29: {  	[bflag:$0x0] =	sbarrier.arrive $0xFFFF  }
0x2a: {  	_ =	swait.ge [sflag:s25], $0x3200  }
0x2b: {  	[sflag:s25] =	ssyncset.done $0x0  }
0x2c: {  	s3 =	simm.s32 $0x1C00;
	[sflag:s25] =	ssyncadd.s32 $0xFFFFCE00  }
0x2d: {  	[spmem:s2] =	stream.indirect.scatter.add.f32 [tilespmem:s21], [sflag:$0x4], $0x80, s3, s20, $0xb8;
	[tilespmem:$0x1D880] =	vst v63  }
0x2e: {  	_ =	swait.ge [sflag:s18], $0x3200  }
0x2f: {  	[sflag:s18] =	ssyncset.done $0x0  }
0x30: {  	s3 =	simm.s32 $0x100;
	[sflag:s18] =	ssyncadd.s32 $0xFFFFCE00  }
0x31: {  	[tilespmem:s21], [sflag:$0x1] =	stream.indirect.gather [hbm4b:s1+s20], $0x80, s3, s20, $0xb8;
	[tilespmem:$0x1D880] =	vst v63  }
0x32: {  	_ =	swait.ge [sflag:s26], $0x3200  }
0x33: {  	[sflag:s26] =	ssyncset.done $0x0  }
0x34: {  	s3 =	simm.s32 $0x1C80;
	[sflag:s26] =	ssyncadd.s32 $0xFFFFCE00  }
0x35: {  	[spmem:s2] =	stream.indirect.scatter.add.f32 [tilespmem:s23], [sflag:$0x4], $0x80, s3, s20, $0xb8;
	[tilespmem:$0x1D880] =	vst v63  }
0x36: {  	_ =	swait.ge [sflag:s18], $0x3200  }
0x37: {  	[sflag:s18] =	ssyncset.done $0x0  }
0x38: {  	s31 =	simm.s32 $0x400;
	s0 =	simm.s32 $0x180;
	[sflag:s18] =	ssyncadd.s32 $0xFFFFCE00  }
.LBB2_2:
0x39: {  	[tilespmem:s23], [sflag:$0x2] =	stream.indirect.gather [hbm4b:s1+s20], $0x80, s0, s20, $0xb8;
	[tilespmem:$0x1D880] =	vst v63  }
0x3a: {  	s0 =	smov.u32 s31  }
0x3b: {  	p1 =	sne.s32 s31, $0x5C00;
	s31 =	sadd.s32 $0x400, s31;
	_ =	swait.ge [sflag:s25], $0x3200  }
0x3c: {  	s0 =	sshra.s32 s0, $0x2;
	[sflag:s25] =	ssyncset.done $0x0  }
0x3d: {  	s3 =	sadd.s32 $0x1C00, s0;
	[sflag:s25] =	ssyncadd.s32 $0xFFFFCE00  }
0x3e: {  	[spmem:s2] =	stream.indirect.scatter.add.f32 [tilespmem:s21], [sflag:$0x4], $0x80, s3, s20, $0xb8;
	[tilespmem:$0x1D880] =	vst v63  }
0x3f: {  	_ =	swait.ge [sflag:s18], $0x3200  }
0x40: {  	[sflag:s18] =	ssyncset.done $0x0  }
0x41: {  	s3 =	sadd.s32 $0x100, s0;
	[sflag:s18] =	ssyncadd.s32 $0xFFFFCE00  }
0x42: {  	[tilespmem:s21], [sflag:$0x1] =	stream.indirect.gather [hbm4b:s1+s20], $0x80, s3, s20, $0xb8;
	[tilespmem:$0x1D880] =	vst v63  }
0x43: {  	_ =	swait.ge [sflag:s26], $0x3200  }
0x44: {  	[sflag:s26] =	ssyncset.done $0x0  }
.Ltmp0:
0x45: {  	s3 =	sadd.s32 $0x1C80, s0;
	[sflag:s26] =	ssyncadd.s32 $0xFFFFCE00;
	(pc) =	sbr.rel @p1 .LBB2_2-.Ltmp0, $4  }
0x46: {  	[spmem:s2] =	stream.indirect.scatter.add.f32 [tilespmem:s23], [sflag:$0x4], $0x80, s3, s20, $0xb8;
	[tilespmem:$0x1D880] =	vst v63  }
0x47: {  	_ =	swait.ge [sflag:s18], $0x3200  }
0x48: {  	[sflag:s18] =	ssyncset.done $0x0  }
0x49: {  	s0 =	sadd.s32 $0x180, s0;
	[sflag:s18] =	ssyncadd.s32 $0xFFFFCE00  }
0x4a: {  	[tilespmem:s23], [sflag:$0x2] =	stream.indirect.gather [hbm4b:s1+s20], $0x80, s0, s20, $0xb8;
	[tilespmem:$0x1D880] =	vst v63  }
0x4b: {  	_ =	swait.ge [sflag:s25], $0x3200  }
0x4c: {  	[sflag:s25] =	ssyncset.done $0x0  }
0x4d: {  	[sflag:s25] =	ssyncadd.s32 $0xFFFFCE00  }
0x4e: {  	[spmem:s2] =	stream.indirect.scatter.add.f32 [tilespmem:s21], [sflag:$0x4], $0x80, s28, s20, $0xb8;
	[tilespmem:$0x1D880] =	vst v63  }
0x4f: {  	_ =	swait.ge [sflag:s18], $0x3200  }
0x50: {  	[sflag:s18] =	ssyncset.done $0x0  }
0x51: {  	[sflag:s18] =	ssyncadd.s32 $0xFFFFCE00  }
0x52: {  	_ =	swait.ge [sflag:s26], $0x3200  }
0x53: {  	[sflag:s26] =	ssyncset.done $0x0  }
0x54: {  	[sflag:s26] =	ssyncadd.s32 $0xFFFFCE00  }
0x55: {  	[spmem:s2] =	stream.indirect.scatter.add.f32 [tilespmem:s23], [sflag:$0x4], $0x80, s29, s20, $0xb8;
	[tilespmem:$0x1D880] =	vst v63  }
0x56: {  	_ =	swait.ge [sflag:s18], $0x3200  }
0x57: {  	[sflag:s18] =	ssyncset.done $0x0  }
0x58: {  	s3 =	simm.s32 $0x0;
	[sflag:s18] =	ssyncadd.s32 $0xFFFFCE00  }
0x59: {  	[tilespmem:s3], [sflag:$0x4] =	stream.linear.gather [hbm4b:s11+s3], $0x1900, $0x38;
	[tilespmem:$0x1D880] =	vst v63  }
0x5a: {  	_ =	swait.ge [sflag:s18], $0x1900  }
0x5b: {  	[sflag:s18] =	ssyncset.done $0x0  }
0x5c: {  	[sflag:s18] =	ssyncadd.s32 $0xFFFFE700  }
0x5d: {  	[tilespmem:s19], [sflag:$0x4] =	stream.linear.gather [hbm4b:s12+s3], $0x1900, $0x38;
	[tilespmem:$0x1D880] =	vst v63  }
0x5e: {  	_ =	swait.ge [sflag:s18], $0x1900  }
0x5f: {  	[sflag:s18] =	ssyncset.done $0x0  }
0x60: {  	[sflag:s18] =	ssyncadd.s32 $0xFFFFE700  }
0x61: {  	[tilespmem:s21], [sflag:$0x1] =	stream.indirect.gather [hbm4b:s1+s20], $0x80, s3, s20, $0xb8;
	[tilespmem:$0x1D880] =	vst v63  }
0x62: {  	_ = 	snop  }
0x63: {  	[tilespmem:s23], [sflag:$0x2] =	stream.indirect.gather [hbm4b:s1+s20], $0x80, s22, s20, $0xb8;
	[tilespmem:$0x1D880] =	vst v63  }
0x64: {  	_ =	swait.ge [sflag:s25], $0x3200  }
0x65: {  	[sflag:s25] =	ssyncset.done $0x0  }
0x66: {  	s3 =	simm.s32 $0x1C00;
	[sflag:s25] =	ssyncadd.s32 $0xFFFFCE00  }
0x67: {  	[spmem:s2] =	stream.indirect.scatter.add.f32 [tilespmem:s21], [sflag:$0x4], $0x80, s3, s20, $0xb8;
	[tilespmem:$0x1D880] =	vst v63  }
0x68: {  	_ =	swait.ge [sflag:s18], $0x3200  }
0x69: {  	[sflag:s18] =	ssyncset.done $0x0  }
0x6a: {  	s3 =	simm.s32 $0x100;
	[sflag:s18] =	ssyncadd.s32 $0xFFFFCE00  }
0x6b: {  	[tilespmem:s21], [sflag:$0x1] =	stream.indirect.gather [hbm4b:s1+s20], $0x80, s3, s20, $0xb8;
	[tilespmem:$0x1D880] =	vst v63  }
0x6c: {  	_ =	swait.ge [sflag:s26], $0x3200  }
0x6d: {  	[sflag:s26] =	ssyncset.done $0x0  }
0x6e: {  	s3 =	simm.s32 $0x1C80;
	[sflag:s26] =	ssyncadd.s32 $0xFFFFCE00  }
0x6f: {  	[spmem:s2] =	stream.indirect.scatter.add.f32 [tilespmem:s23], [sflag:$0x4], $0x80, s3, s20, $0xb8;
	[tilespmem:$0x1D880] =	vst v63  }
0x70: {  	_ =	swait.ge [sflag:s18], $0x3200  }
0x71: {  	[sflag:s18] =	ssyncset.done $0x0  }
0x72: {  	s31 =	simm.s32 $0x400;
	s0 =	simm.s32 $0x180;
	[sflag:s18] =	ssyncadd.s32 $0xFFFFCE00  }
.LBB2_4:
0x73: {  	[tilespmem:s23], [sflag:$0x2] =	stream.indirect.gather [hbm4b:s1+s20], $0x80, s0, s20, $0xb8;
	[tilespmem:$0x1D880] =	vst v63  }
0x74: {  	s0 =	smov.u32 s31  }
0x75: {  	p1 =	sne.s32 s31, $0x5C00;
	s31 =	sadd.s32 $0x400, s31;
	_ =	swait.ge [sflag:s25], $0x3200  }
0x76: {  	s0 =	sshra.s32 s0, $0x2;
	[sflag:s25] =	ssyncset.done $0x0  }
0x77: {  	s3 =	sadd.s32 $0x1C00, s0;
	[sflag:s25] =	ssyncadd.s32 $0xFFFFCE00  }
0x78: {  	[spmem:s2] =	stream.indirect.scatter.add.f32 [tilespmem:s21], [sflag:$0x4], $0x80, s3, s20, $0xb8;
	[tilespmem:$0x1D880] =	vst v63  }
0x79: {  	_ =	swait.ge [sflag:s18], $0x3200  }
0x7a: {  	[sflag:s18] =	ssyncset.done $0x0  }
0x7b: {  	s3 =	sadd.s32 $0x100, s0;
	[sflag:s18] =	ssyncadd.s32 $0xFFFFCE00  }
0x7c: {  	[tilespmem:s21], [sflag:$0x1] =	stream.indirect.gather [hbm4b:s1+s20], $0x80, s3, s20, $0xb8;
	[tilespmem:$0x1D880] =	vst v63  }
0x7d: {  	_ =	swait.ge [sflag:s26], $0x3200  }
0x7e: {  	[sflag:s26] =	ssyncset.done $0x0  }
.Ltmp1:
0x7f: {  	s3 =	sadd.s32 $0x1C80, s0;
	[sflag:s26] =	ssyncadd.s32 $0xFFFFCE00;
	(pc) =	sbr.rel @p1 .LBB2_4-.Ltmp1, $4  }
0x80: {  	[spmem:s2] =	stream.indirect.scatter.add.f32 [tilespmem:s23], [sflag:$0x4], $0x80, s3, s20, $0xb8;
	[tilespmem:$0x1D880] =	vst v63  }
0x81: {  	_ =	swait.ge [sflag:s18], $0x3200  }
0x82: {  	[sflag:s18] =	ssyncset.done $0x0  }
0x83: {  	s0 =	sadd.s32 $0x180, s0;
	[sflag:s18] =	ssyncadd.s32 $0xFFFFCE00  }
0x84: {  	[tilespmem:s23], [sflag:$0x2] =	stream.indirect.gather [hbm4b:s1+s20], $0x80, s0, s20, $0xb8;
	[tilespmem:$0x1D880] =	vst v63  }
0x85: {  	_ =	swait.ge [sflag:s25], $0x3200  }
0x86: {  	[sflag:s25] =	ssyncset.done $0x0  }
0x87: {  	[sflag:s25] =	ssyncadd.s32 $0xFFFFCE00  }
0x88: {  	[spmem:s2] =	stream.indirect.scatter.add.f32 [tilespmem:s21], [sflag:$0x4], $0x80, s28, s20, $0xb8;
	[tilespmem:$0x1D880] =	vst v63  }
0x89: {  	_ =	swait.ge [sflag:s18], $0x3200  }
0x8a: {  	[sflag:s18] =	ssyncset.done $0x0  }
0x8b: {  	[sflag:s18] =	ssyncadd.s32 $0xFFFFCE00  }
0x8c: {  	_ =	swait.ge [sflag:s26], $0x3200  }
0x8d: {  	[sflag:s26] =	ssyncset.done $0x0  }
0x8e: {  	[sflag:s26] =	ssyncadd.s32 $0xFFFFCE00  }
0x8f: {  	[spmem:s2] =	stream.indirect.scatter.add.f32 [tilespmem:s23], [sflag:$0x4], $0x80, s29, s20, $0xb8;
	[tilespmem:$0x1D880] =	vst v63  }
0x90: {  	_ =	swait.ge [sflag:s18], $0x3200  }
0x91: {  	[sflag:s18] =	ssyncset.done $0x0  }
0x92: {  	[sflag:s18] =	ssyncadd.s32 $0xFFFFCE00  }
0x93: {  	s0 =	sor.u32 $0x1C04, s5;
	[bflag:$0x0] =	sbarrier.arrive $0xFFFF  }
0x94: {  	[hbm:s13], [sflag:s0] =	dma.local [spmem:s16], $0x2700  }
0x95: {  	_ =	swait.ge [sflag:s18], $0x2700  }
0x96: {  	s30 =	sadd.s32 $0x1, s30;
	[sflag:s18] =	ssyncset.done $0x0  }
0x97: {  	p1 =	sne.s32 s30, s15;
	[sflag:s18] =	ssyncadd.s32 $0xFFFFD900  }
0x98: {  	[hbm:s14], [sflag:s0] =	dma.local @!p0 [spmem:s17], $0x100  }
.Ltmp2:
0x99: {  	_ = 	snop;
	(pc) =	sbr.rel @p1 .LBB2_1-.Ltmp2, $4  }
0x9a: {  	s0 =	simm.s32 @!p0 $0x4  }
0x9b: {  	_ =	swait.ge @!p0 [sflag:s0], $0x100  }
0x9c: {  	[sflag:s0] =	ssyncset.done @!p0 $0x0  }
0x9d: {  	[sflag:s0] =	ssyncadd.s32 @!p0 $0xFFFFFF00  }
0x9e: {  	_ =	sfence.sel $0x180000  }
0x9f: {  	[bflag:$0x0] =	sbarrier.arrive $0xFFFF  }
0xa0: {  	_ =	strace $0x90000047  }
0xa1: {  	s0 =	stileid.u32;
	[bflag:$0x2] =	sbarrier.arrive $0xFFFF  }
0xa2: {  	p0 =	sne.s32 s0, $0x0;
	s0 =	rddreg [dreg:$0x3]  }
0xa3: {  	s0 =	sadd.s32 @!p0 $0x100000, s0  }
0xa4: {  	[sflag:s0] =	ssyncadd.tile.s32 @!p0 $0x1;
	_ =	shalt  }
.Lfunc_end2:
_tile_overlayer_lowered:
.L_overlay_start_2:
0xa5: {  	(tag) =	ssettag $0x2  }
0xa6: {  	s0 =	rddreg [dreg:$0x0];
	s2 =	stileid.u32  }
0xa7: {  	s1 =	rddreg [dreg:$0x1];
	p0 =	sne.s32 s2, $0x0  }
0xa8: {  	s3 =	rddreg [dreg:$0x2];
	[bflag:$0x3] =	sbarrier.arrive $0xFFFF;
	s2 =	simm.s32 @!p0 $0x1C04  }
0xa9: {  	[timem:s3], [sflag:s2] =	dma.local @!p0 [hbm:s0], s1  }
0xaa: {  	s0 =	simm.s32 @!p0 $0x4  }
0xab: {  	_ =	swait.ge @!p0 [sflag:s0], s1  }
0xac: {  	s1 =	ssub.s32 @!p0 $0x0, s1;
	[sflag:s0] =	ssyncset.done @!p0 $0x0  }
0xad: {  	[sflag:s0] =	ssyncadd.s32 @!p0 s1  }
0xae: {  	[bflag:$0x3] =	sbarrier.arrive $0xFFFF  }
0xaf: {  	_ =	shalt  }

// kernel: kernel.13.cloned.1.call-start
scs
__scs_entry_jumppad:
0x0: {  	(pc) =	sbr.rel $0x88, $3  }
0x1: {  	(tag) =	ssettag $0x0;
	lr =	simm.s32 $0x1  }
0x2: {  	[smem:$0x3F97] =	sst lr;
	_ =	strace $0xD0000000  }
0x3: {  	_ = 	snop  }
0x4: {  	_ = 	snop  }
0x5: {  	_ = 	snop  }
0x6: {  	_ = 	snop  }
0x7: {  	_ = 	snop  }
__scs_overlays_trampoline_lowered:
0x8: {  	[smem:$0x3FA6] =	sst s0  }
0x9: {  	[smem:$0x3FA7] =	sst s1  }
0xa: {  	[smem:$0x3FA8] =	sst s2  }
0xb: {  	[smem:$0x3FA9] =	sst s3  }
0xc: {  	[smem:$0x3FAA] =	sst s4  }
0xd: {  	[smem:$0x3FAB] =	sst s5  }
0xe: {  	[smem:$0x3FAC] =	sst s6  }
0xf: {  	[smem:$0x3FAD] =	sst s7  }
0x10: {  	[smem:$0x3FAE] =	sst s8  }
0x11: {  	[smem:$0x3FAF] =	sst s9;
	s0 =	simm.s32 @!p0 $0x0  }
0x12: {  	s1 =	sld [smem:$0x3F95];
	s0 =	simm.s32 @p0 $0x1  }
0x13: {  	[smem:$0x3FB0] =	sst s0;
	s0 =	simm.s32 @!p1 $0x0  }
0x14: {  	s2 =	sld [smem:$0x3F94];
	s0 =	simm.s32 @p1 $0x1  }
0x15: {  	[smem:$0x3FB1] =	sst s0;
	s0 =	simm.s32 @!p2 $0x0  }
0x16: {  	s3 =	sld [smem:$0x3FDB];
	s0 =	simm.s32 @p2 $0x1  }
0x17: {  	s4 =	simm.s32 $0x1BF5;
	[smem:$0x3FB3] =	sst s0  }
0x18: {  	s0 =	sld [smem:$0x3F96];
	_ =	swait.ge [sflag:s4], $0x0  }
0x19: {  	s7 =	sld [smem:$0x3F97]  }
0x1a: {  	s8 =	sadd.s32 $0xFFFFE003, lr  }
0x1b: {  	s9 =	sadd.s32 $0xFFFFFEF7, lr;
	s5 =	simm.s32 $0xFFFFFFFF;
	p2 =	slt.u32 s8, $0xFFFFF086  }
0x1c: {  	p1 =	slt.u32 s9, $0xF7A;
	s5 =	simm.s32 @!p2 $0x0  }
0x1d: {  	s5 =	simm.s32 @p1 $0x1;
	p0 =	seq.s32 s7, s2  }
0x1e: {  	s7 =	smul.u32 @!p0 $0xF7A, s2;
	p2 =	seq.s32 @!p0 s5, $0x0  }
0x1f: {  	s9 =	smul.u32 $0xF7A, s1;
	s8 =	simm.s32 @!p0 $0x1BF5;
	p2 =	por !p2, p0  }
0x20: {  	[sflag:s8] =	ssyncset.s32 @!p0 $0xFFFFF086;
	s6 =	sadd.s32 @!p0 s3, s7;
	s7 =	simm.s32 @!p0 $0x108  }
0x21: {  	s3 =	sadd.s32 s3, s9;
	s6 =	sadd.s32 @!p0 $0x88, s6;
	s7 =	simm.s32 @p2 $0x1082  }
0x22: {  	[simem:s7], [sflag:s8] =	dma.local @!p0 [hbm:s6], $0xF7A  }
0x23: {  	s9 =	sor.u32 $0xD0000000, s2;
	s6 =	simm.s32 $0x108;
	_ =	swait.ge @!p0 [sflag:s8], $0x0  }
0x24: {  	s3 =	sadd.s32 $0x88, s3;
	s6 =	simm.s32 @!p1 $0x1082;
	[sflag:s4] =	ssyncset.s32 $0xFFFFF086  }
0x25: {  	[simem:s6], [sflag:s4] =	dma.local [hbm:s3], $0xF7A  }
0x26: {  	[smem:$0x3F97] =	sst s1;
	(tag) =	ssettag s2;
	_ =	strace s9  }
0x27: {  	s1 =	sld [smem:$0x3FA7]  }
0x28: {  	s2 =	sld [smem:$0x3FA8]  }
0x29: {  	s4 =	sld [smem:$0x3FAA]  }
0x2a: {  	p0 =	seq.s32 s5, $0x0;
	s5 =	sld [smem:$0x3FAB]  }
0x2b: {  	s6 =	sld [smem:$0x3FAC]  }
0x2c: {  	s7 =	sld [smem:$0x3FAD]  }
0x2d: {  	s3 =	simm.s32 $0x108;
	s8 =	sld [smem:$0x3FAE]  }
0x2e: {  	s3 =	simm.s32 @!p0 $0x1082;
	s9 =	sld [smem:$0x3FAF]  }
0x2f: {  	lr =	sadd.s32 s0, s3;
	s0 =	sld [smem:$0x3FA6]  }
0x30: {  	s3 =	sld [smem:$0x3FA9]  }
0x31: {  	[smem:$0x3FB2] =	sst s10  }
0x32: {  	s10 =	sld [smem:$0x3FB0];
	_ =	sdelay $0x3  }
0x33: {  	p0 =	seq.s32 s10, $0x1;
	s10 =	sld [smem:$0x3FB2];
	_ =	sdelay $0x3  }
0x34: {  	[smem:$0x3FB2] =	sst s10  }
0x35: {  	s10 =	sld [smem:$0x3FB1];
	_ =	sdelay $0x3  }
0x36: {  	p1 =	seq.s32 s10, $0x1;
	s10 =	sld [smem:$0x3FB2];
	_ =	sdelay $0x3  }
0x37: {  	[smem:$0x3FB2] =	sst s10  }
0x38: {  	s10 =	sld [smem:$0x3FB3]  }
0x39: {  	_ = 	snop;
	(pc) =	sbr.ind lr, $3  }
0x3a: {  	_ = 	snop  }
0x3b: {  	_ = 	snop  }
0x3c: {  	p2 =	seq.s32 s10, $0x1;
	s10 =	sld [smem:$0x3FB2]  }
0x3d: {  	_ =	shalt  }
0x3e: {  	_ =	shalt  }
0x3f: {  	_ =	shalt  }
0x40: {  	_ =	shalt  }
0x41: {  	_ =	shalt  }
0x42: {  	_ =	shalt  }
0x43: {  	_ =	shalt  }
0x44: {  	_ =	shalt  }
0x45: {  	_ =	shalt  }
0x46: {  	_ =	shalt  }
0x47: {  	_ =	shalt  }
0x48: {  	_ =	shalt  }
0x49: {  	_ =	shalt  }
0x4a: {  	_ =	shalt  }
0x4b: {  	_ =	shalt  }
0x4c: {  	_ =	shalt  }
0x4d: {  	_ =	shalt  }
0x4e: {  	_ =	shalt  }
0x4f: {  	_ =	shalt  }
0x50: {  	_ =	shalt  }
0x51: {  	_ =	shalt  }
0x52: {  	_ =	shalt  }
0x53: {  	_ =	shalt  }
0x54: {  	_ =	shalt  }
0x55: {  	_ =	shalt  }
0x56: {  	_ =	shalt  }
0x57: {  	_ =	shalt  }
0x58: {  	_ =	shalt  }
0x59: {  	_ =	shalt  }
0x5a: {  	_ =	shalt  }
0x5b: {  	_ =	shalt  }
0x5c: {  	_ =	shalt  }
0x5d: {  	_ =	shalt  }
0x5e: {  	_ =	shalt  }
0x5f: {  	_ =	shalt  }
0x60: {  	_ =	shalt  }
0x61: {  	_ =	shalt  }
0x62: {  	_ =	shalt  }
0x63: {  	_ =	shalt  }
0x64: {  	_ =	shalt  }
0x65: {  	_ =	shalt  }
0x66: {  	_ =	shalt  }
0x67: {  	_ =	shalt  }
0x68: {  	_ =	shalt  }
0x69: {  	_ =	shalt  }
0x6a: {  	_ =	shalt  }
0x6b: {  	_ =	shalt  }
0x6c: {  	_ =	shalt  }
0x6d: {  	_ =	shalt  }
0x6e: {  	_ =	shalt  }
0x6f: {  	_ =	shalt  }
0x70: {  	_ =	shalt  }
0x71: {  	_ =	shalt  }
0x72: {  	_ =	shalt  }
0x73: {  	_ =	shalt  }
0x74: {  	_ =	shalt  }
0x75: {  	_ =	shalt  }
0x76: {  	_ =	shalt  }
0x77: {  	_ =	shalt  }
0x78: {  	_ =	shalt  }
0x79: {  	_ =	shalt  }
0x7a: {  	_ =	shalt  }
0x7b: {  	_ =	shalt  }
0x7c: {  	_ =	shalt  }
0x7d: {  	_ =	shalt  }
0x7e: {  	_ =	shalt  }
0x7f: {  	_ =	shalt  }
0x80: {  	_ =	shalt  }
0x81: {  	_ =	shalt  }
0x82: {  	_ =	shalt  }
0x83: {  	_ =	shalt  }
0x84: {  	_ =	shalt  }
0x85: {  	_ =	shalt  }
0x86: {  	_ =	shalt  }
0x87: {  	_ =	shalt  }
.Lfunc_end0:
.L_simem_size_0:
called_computation.1_lowered:
.L_overlay_start_0:
0x88: {  	s2 =	sld [smem:$0x3FD9]  }
0x89: {  	s3 =	sld [smem:$0x3FFE];
	_ =	sdelay $0x1  }
0x8a: {  	s1 =	srdreg.scid  }
0x8b: {  	s0 =	sand.u32 $0x1, s1  }
0x8c: {  	s16 =	sshll.u32 s0, $0xA;
	s2 =	sadd.s32 s3, s2  }
0x8d: {  	s2 =	sadd.s32 s2, s16  }
0x8e: {  	[smem:$0x3FBE] =	sst s2  }
0x8f: {  	_ = 	snop  }
0x90: {  	(tm) =	ssettm $0x1  }
0x91: {  	s17 =	sld [smem:$0x3FFB];
	_ =	sdelay $0x3  }
0x92: {  	_ =	strace s17  }
0x93: {  	s2 =	sld [smem:$0x3FFC];
	_ =	sdelay $0x3  }
0x94: {  	_ =	strace s2  }
0x95: {  	s2 =	sld [smem:$0x3FFD];
	_ =	sdelay $0x3  }
0x96: {  	_ =	strace s2  }
0x97: {  	_ =	strace $0x8FFFFFFF  }
0x98: {  	s18 =	sld [smem:$0x3FDB];
	_ =	sdelay $0x1  }
0x99: {  	s19 =	simm.s32 $_scs_section_size  }
0x9a: {  	s4 =	simm.s32 $_size__tile_overlayer_lowered;
	s5 =	simm.s32 $_tile_overlayer_lowered  }
0x9b: {  	s22 =	simm.s32 $0x1BFF;
	s21 =	sshll.u32 s5, $0x1;
	s2 =	sadd.s32 s19, s18  }
0x9c: {  	s6 =	simm.s32 $0x0;
	s20 =	sshll.u32 s4, $0x1;
	s4 =	sadd.s32 s21, s2  }
0x9d: {  	[timem:s6], [sflag:s22] =	dma.local [hbm:s4], s20  }
0x9e: {  	_ =	swait.ge [sflag:s22], s20  }
0x9f: {  	s3 =	ssub.s32 $0x0, s20;
	[sflag:s22] =	ssyncset.done $0x0  }
0xa0: {  	[sflag:s22] =	ssyncadd.s32 s3;
	_ =	sdelay $0x1  }
0xa1: {  	s23 =	simm.s32 $0x1B8B  }
0xa2: {  	_ =	swait.ge [sflag:s23], $0x1  }
0xa3: {  	[sflag:s23] =	ssyncset.done $0x0  }
0xa4: {  	s25 =	simm.s32 $0x1B8E;
	s24 =	sld [smem:$0x3FFE];
	[sflag:s23] =	ssyncadd.s32 $0xFFFFFFFF  }
0xa5: {  	s26 =	simm.s32 $execute0_lowered;
	[smem:$0x3FD2] =	sst s25  }
0xa6: {  	s4 =	sshll.u32 s26, $0x1;
	_ =	strace $0x80000049;
	[dreg:$0x1] =	wrdreg $0xFFFFFFFF  }
0xa7: {  	s28 =	simm.s32 $_size_execute0_lowered;
	s2 =	sadd.s32 s2, s4;
	[dreg:$0x0] =	wrdreg $0x0  }
0xa8: {  	s4 =	sshll.u32 s28, $0x1;
	[dreg:$0x2] =	wrdreg s2  }
0xa9: {  	[dreg:$0x3] =	wrdreg s4  }
0xaa: {  	[dreg:$0x4] =	wrdreg $0xC0  }
0xab: {  	_ =	task [dreg:s6], $0x5FFFF  }
0xac: {  	[dreg:$0x1] =	wrdreg $0xFFFFFFFF  }
0xad: {  	[dreg:$0x0] =	wrdreg $0x60  }
0xae: {  	[dreg:$0x2] =	wrdreg s24  }
0xaf: {  	[dreg:$0x3] =	wrdreg $0xA0000  }
0xb0: {  	[dreg:$0x4] =	wrdreg $0x9  }
0xb1: {  	_ =	task.clear_ibuf [dreg:s6], $0x5FFFF;
	_ =	strace $0x90000049  }
0xb2: {  	s29 =	simm.s32 $0x9;
	_ =	strace $0x8000004B  }
0xb3: {  	_ =	swait.ge [sflag:s29], $0x1  }
0xb4: {  	[sflag:s29] =	ssyncadd.s32 $0xFFFFFFFF  }
0xb5: {  	_ =	strace $0x9000004B  }
0xb6: {  	_ =	sfence  }
0xb7: {  	s30 =	sld [smem:$0x0];
	_ =	sdelay $0x2  }
0xb8: {  	s31 =	sshll.u32 s1, $0xD;
	s1 =	sshrl.u32 s1, $0x2  }
0xb9: {  	s3 =	sand.u32 $0x4000, s31;
	s1 =	sadd.s32 s1, s30  }
0xba: {  	s0 =	sor.u32 s3, s0;
	s1 =	sshll.u32 s1, $0x11  }
0xbb: {  	s0 =	sor.u32 s1, s0  }
0xbc: {  	s0 =	sadd.s32 $0x8F2B, s0  }
0xbd: {  	[sflag:s0] =	ssyncadd.remote.s32 $0x1  }
0xbe: {  	_ =	sfence.sel $0xFFFF  }
0xbf: {  	[dreg:$0x0] =	wrdreg $0xFFFFFFFF;
	(pc) =	sbr.abs _section_cstart, $3  }
0xc0: {  	[dreg:$0x1] =	wrdreg $0xFFFFFFFF  }
0xc1: {  	_ =	task.clear_ibuf [dreg:s6], $0x2FFFF;
	_ =	strace $0x9FFFFFFF  }
0xc2: {  	(tm) =	ssettm $0x7FFFFFFF  }
0xc3: {  	_ =	shalt  }
tec
execute0_lowered:
.L_overlay_start_1:
0x0: {  	(tag) =	ssettag $0x1  }
0x1: {  	s0 =	rddreg [dreg:$0x0]  }
0x2: {  	s1 =	rddreg [dreg:$0x1];
	s2 =	simm.s32 $0x0  }
0x3: {  	s5 =	srdreg.scid;
	s3 =	stileid.u32;
	s19 =	simm.s32 $0x1C00  }
0x4: {  	s20 =	simm.s32 $0x64;
	s21 =	simm.s32 $0x3800;
	s22 =	simm.s32 $0x80  }
0x5: {  	s28 =	simm.s32 $0x3400;
	s29 =	simm.s32 $0x3480;
	s30 =	simm.s32 $0x0  }
0x6: {  	[smem:$0x7FF] =	sst s2;
	s4 =	sadd.s32 $0x21600, s0;
	s9 =	sand.u32 $0x1, s5  }
0x7: {  	s11 =	sadd.s32 $0x5600, s0;
	s6 =	smul.u32 $0x4E000, s3;
	s12 =	sadd.s32 $0x13600, s0  }
0x8: {  	s13 =	sadd.s32 $0x48800, s0;
	s8 =	sshll.u32 s3, $0x1;
	s14 =	smul.u32 $0x13800, s3  }
0x9: {  	s17 =	sadd.s32 $0x138000, s1;
	p0 =	sne.s32 s3, $0xF;
	_ =	strace $0x8000004A  }
0xa: {  	s5 =	ssub.s32 $0x2, s9;
	s23 =	sor.u32 s9, s8;
	s8 =	sadd.s32 $0x48600, s0  }
0xb: {  	s18 =	smul.u32 $0x138800, s9;
	s17 =	sshrl.u32 @!p0 s17, $0x3;
	s7 =	sshrl.u32 s5, $0x1  }
0xc: {  	s6 =	sshrl.u32 s6, $0x2;
	s24 =	sshrl.u32 s14, $0x3;
	s10 =	smul.u32 $0x3800, s23  }
0xd: {  	s23 =	simm.s32 $0x6C00;
	s15 =	ssub.s32 s5, s7;
	s16 =	sadd.s32 s6, s1  }
0xe: {  	s5 =	sshll.u32 s3, $0x6;
	s6 =	sadd.s32 s4, s24;
	s14 =	sadd.s32 s14, s18  }
0xf: {  	s18 =	sshrl.u32 s18, $0x3;
	s24 =	simm.s32 $0x3;
	s7 =	sor.u32 $0x1C03, s5  }
0x10: {  	s25 =	sshrl.u32 s10, $0x3;
	s26 =	sshrl.u32 s14, $0x3;
	s31 =	sadd.s32 s13, s18  }
0x11: {  	s15 =	smax.u32 s15, $0x1;
	s16 =	sshrl.u32 s16, $0x3;
	s18 =	simm.s32 $0x4  }
0x12: {  	s9 =	sadd.s32 s11, s25;
	s10 =	sadd.s32 s12, s25;
	s0 =	sadd.s32 $0x380, s25  }
0x13: {  	s13 =	sadd.s32 s13, s26;
	s14 =	sadd.s32 $0x27000, s31;
	s25 =	simm.s32 $0x1  }
0x14: {  	s26 =	simm.s32 $0x2;
	s11 =	sadd.s32 s11, s0;
	s12 =	sadd.s32 s12, s0  }
.LBB2_1:
0x15: {  	[spmem:s16], [sflag:s7] =	dma.local [hbm:s6], $0x2700  }
0x16: {  	[spmem:s17], [sflag:s7] =	dma.local @!p0 [hbm:s8], $0x100  }
0x17: {  	[tilespmem:s2], [sflag:$0x4] =	stream.linear.gather [hbm4b:s9+s2], $0x1900, $0x38;
	[tilespmem:$0x1D880] =	vst v63  }
0x18: {  	_ =	swait.ge [sflag:s18], $0x1900  }
0x19: {  	[sflag:s18] =	ssyncset.done $0x0  }
0x1a: {  	[sflag:s18] =	ssyncadd.s32 $0xFFFFE700  }
0x1b: {  	[tilespmem:s19], [sflag:$0x4] =	stream.linear.gather [hbm4b:s10+s2], $0x1900, $0x38;
	[tilespmem:$0x1D880] =	vst v63  }
0x1c: {  	_ =	swait.ge [sflag:s18], $0x1900  }
0x1d: {  	[sflag:s18] =	ssyncset.done $0x0  }
0x1e: {  	[sflag:s18] =	ssyncadd.s32 $0xFFFFE700  }
0x1f: {  	[tilespmem:s21], [sflag:$0x1] =	stream.indirect.gather [hbm4b:s4+s20], $0x80, s2, s20, $0xb8;
	[tilespmem:$0x1D880] =	vst v63  }
0x20: {  	_ = 	snop  }
0x21: {  	[tilespmem:s23], [sflag:$0x2] =	stream.indirect.gather [hbm4b:s4+s20], $0x80, s22, s20, $0xb8;
	[tilespmem:$0x1D880] =	vst v63  }
0x22: {  	_ =	swait.ge [sflag:s24], $0x2700  }
0x23: {  	[sflag:s24] =	ssyncset.done $0x0  }
0x24: {  	s0 =	simm.s32 @!p0 $0x3;
	[sflag:s24] =	ssyncadd.s32 $0xFFFFD900  }
0x25: {  	_ =	swait.ge @!p0 [sflag:s0], $0x100  }
0x26: {  	[sflag:s0] =	ssyncset.done @!p0 $0x0  }
0x27: {  	[sflag:s0] =	ssyncadd.s32 @!p0 $0xFFFFFF00  }
0x28: {  	[bflag:$0x0] =	sbarrier.arrive $0xFFFF  }
0x29: {  	_ =	swait.ge [sflag:s25], $0x3200  }
0x2a: {  	[sflag:s25] =	ssyncset.done $0x0  }
0x2b: {  	s3 =	simm.s32 $0x1C00;
	[sflag:s25] =	ssyncadd.s32 $0xFFFFCE00  }
0x2c: {  	[spmem:s1] =	stream.indirect.scatter.add.f32 [tilespmem:s21], [sflag:$0x4], $0x80, s3, s20, $0xb8;
	[tilespmem:$0x1D880] =	vst v63  }
0x2d: {  	_ =	swait.ge [sflag:s18], $0x3200  }
0x2e: {  	[sflag:s18] =	ssyncset.done $0x0  }
0x2f: {  	s3 =	simm.s32 $0x100;
	[sflag:s18] =	ssyncadd.s32 $0xFFFFCE00  }
0x30: {  	[tilespmem:s21], [sflag:$0x1] =	stream.indirect.gather [hbm4b:s4+s20], $0x80, s3, s20, $0xb8;
	[tilespmem:$0x1D880] =	vst v63  }
0x31: {  	_ =	swait.ge [sflag:s26], $0x3200  }
0x32: {  	[sflag:s26] =	ssyncset.done $0x0  }
0x33: {  	s3 =	simm.s32 $0x1C80;
	[sflag:s26] =	ssyncadd.s32 $0xFFFFCE00  }
0x34: {  	[spmem:s1] =	stream.indirect.scatter.add.f32 [tilespmem:s23], [sflag:$0x4], $0x80, s3, s20, $0xb8;
	[tilespmem:$0x1D880] =	vst v63  }
0x35: {  	_ =	swait.ge [sflag:s18], $0x3200  }
0x36: {  	[sflag:s18] =	ssyncset.done $0x0  }
0x37: {  	s31 =	simm.s32 $0x400;
	s0 =	simm.s32 $0x180;
	[sflag:s18] =	ssyncadd.s32 $0xFFFFCE00  }
.LBB2_2:
0x38: {  	[tilespmem:s23], [sflag:$0x2] =	stream.indirect.gather [hbm4b:s4+s20], $0x80, s0, s20, $0xb8;
	[tilespmem:$0x1D880] =	vst v63  }
0x39: {  	s0 =	smov.u32 s31  }
0x3a: {  	p1 =	sne.s32 s31, $0x5C00;
	s31 =	sadd.s32 $0x400, s31;
	_ =	swait.ge [sflag:s25], $0x3200  }
0x3b: {  	s0 =	sshra.s32 s0, $0x2;
	[sflag:s25] =	ssyncset.done $0x0  }
0x3c: {  	s3 =	sadd.s32 $0x1C00, s0;
	[sflag:s25] =	ssyncadd.s32 $0xFFFFCE00  }
0x3d: {  	[spmem:s1] =	stream.indirect.scatter.add.f32 [tilespmem:s21], [sflag:$0x4], $0x80, s3, s20, $0xb8;
	[tilespmem:$0x1D880] =	vst v63  }
0x3e: {  	_ =	swait.ge [sflag:s18], $0x3200  }
0x3f: {  	[sflag:s18] =	ssyncset.done $0x0  }
0x40: {  	s3 =	sadd.s32 $0x100, s0;
	[sflag:s18] =	ssyncadd.s32 $0xFFFFCE00  }
0x41: {  	[tilespmem:s21], [sflag:$0x1] =	stream.indirect.gather [hbm4b:s4+s20], $0x80, s3, s20, $0xb8;
	[tilespmem:$0x1D880] =	vst v63  }
0x42: {  	_ =	swait.ge [sflag:s26], $0x3200  }
0x43: {  	[sflag:s26] =	ssyncset.done $0x0  }
.Ltmp0:
0x44: {  	s3 =	sadd.s32 $0x1C80, s0;
	[sflag:s26] =	ssyncadd.s32 $0xFFFFCE00;
	(pc) =	sbr.rel @p1 .LBB2_2-.Ltmp0, $4  }
0x45: {  	[spmem:s1] =	stream.indirect.scatter.add.f32 [tilespmem:s23], [sflag:$0x4], $0x80, s3, s20, $0xb8;
	[tilespmem:$0x1D880] =	vst v63  }
0x46: {  	_ =	swait.ge [sflag:s18], $0x3200  }
0x47: {  	[sflag:s18] =	ssyncset.done $0x0  }
0x48: {  	s0 =	sadd.s32 $0x180, s0;
	[sflag:s18] =	ssyncadd.s32 $0xFFFFCE00  }
0x49: {  	[tilespmem:s23], [sflag:$0x2] =	stream.indirect.gather [hbm4b:s4+s20], $0x80, s0, s20, $0xb8;
	[tilespmem:$0x1D880] =	vst v63  }
0x4a: {  	_ =	swait.ge [sflag:s25], $0x3200  }
0x4b: {  	[sflag:s25] =	ssyncset.done $0x0  }
0x4c: {  	[sflag:s25] =	ssyncadd.s32 $0xFFFFCE00  }
0x4d: {  	[spmem:s1] =	stream.indirect.scatter.add.f32 [tilespmem:s21], [sflag:$0x4], $0x80, s28, s20, $0xb8;
	[tilespmem:$0x1D880] =	vst v63  }
0x4e: {  	_ =	swait.ge [sflag:s18], $0x3200  }
0x4f: {  	[sflag:s18] =	ssyncset.done $0x0  }
0x50: {  	[sflag:s18] =	ssyncadd.s32 $0xFFFFCE00  }
0x51: {  	_ =	swait.ge [sflag:s26], $0x3200  }
0x52: {  	[sflag:s26] =	ssyncset.done $0x0  }
0x53: {  	[sflag:s26] =	ssyncadd.s32 $0xFFFFCE00  }
0x54: {  	[spmem:s1] =	stream.indirect.scatter.add.f32 [tilespmem:s23], [sflag:$0x4], $0x80, s29, s20, $0xb8;
	[tilespmem:$0x1D880] =	vst v63  }
0x55: {  	_ =	swait.ge [sflag:s18], $0x3200  }
0x56: {  	[sflag:s18] =	ssyncset.done $0x0  }
0x57: {  	s3 =	simm.s32 $0x0;
	[sflag:s18] =	ssyncadd.s32 $0xFFFFCE00  }
0x58: {  	[tilespmem:s3], [sflag:$0x4] =	stream.linear.gather [hbm4b:s11+s3], $0x1900, $0x38;
	[tilespmem:$0x1D880] =	vst v63  }
0x59: {  	_ =	swait.ge [sflag:s18], $0x1900  }
0x5a: {  	[sflag:s18] =	ssyncset.done $0x0  }
0x5b: {  	[sflag:s18] =	ssyncadd.s32 $0xFFFFE700  }
0x5c: {  	[tilespmem:s19], [sflag:$0x4] =	stream.linear.gather [hbm4b:s12+s3], $0x1900, $0x38;
	[tilespmem:$0x1D880] =	vst v63  }
0x5d: {  	_ =	swait.ge [sflag:s18], $0x1900  }
0x5e: {  	[sflag:s18] =	ssyncset.done $0x0  }
0x5f: {  	[sflag:s18] =	ssyncadd.s32 $0xFFFFE700  }
0x60: {  	[tilespmem:s21], [sflag:$0x1] =	stream.indirect.gather [hbm4b:s4+s20], $0x80, s3, s20, $0xb8;
	[tilespmem:$0x1D880] =	vst v63  }
0x61: {  	_ = 	snop  }
0x62: {  	[tilespmem:s23], [sflag:$0x2] =	stream.indirect.gather [hbm4b:s4+s20], $0x80, s22, s20, $0xb8;
	[tilespmem:$0x1D880] =	vst v63  }
0x63: {  	_ =	swait.ge [sflag:s25], $0x3200  }
0x64: {  	[sflag:s25] =	ssyncset.done $0x0  }
0x65: {  	s3 =	simm.s32 $0x1C00;
	[sflag:s25] =	ssyncadd.s32 $0xFFFFCE00  }
0x66: {  	[spmem:s1] =	stream.indirect.scatter.add.f32 [tilespmem:s21], [sflag:$0x4], $0x80, s3, s20, $0xb8;
	[tilespmem:$0x1D880] =	vst v63  }
0x67: {  	_ =	swait.ge [sflag:s18], $0x3200  }
0x68: {  	[sflag:s18] =	ssyncset.done $0x0  }
0x69: {  	s3 =	simm.s32 $0x100;
	[sflag:s18] =	ssyncadd.s32 $0xFFFFCE00  }
0x6a: {  	[tilespmem:s21], [sflag:$0x1] =	stream.indirect.gather [hbm4b:s4+s20], $0x80, s3, s20, $0xb8;
	[tilespmem:$0x1D880] =	vst v63  }
0x6b: {  	_ =	swait.ge [sflag:s26], $0x3200  }
0x6c: {  	[sflag:s26] =	ssyncset.done $0x0  }
0x6d: {  	s3 =	simm.s32 $0x1C80;
	[sflag:s26] =	ssyncadd.s32 $0xFFFFCE00  }
0x6e: {  	[spmem:s1] =	stream.indirect.scatter.add.f32 [tilespmem:s23], [sflag:$0x4], $0x80, s3, s20, $0xb8;
	[tilespmem:$0x1D880] =	vst v63  }
0x6f: {  	_ =	swait.ge [sflag:s18], $0x3200  }
0x70: {  	[sflag:s18] =	ssyncset.done $0x0  }
0x71: {  	s31 =	simm.s32 $0x400;
	s0 =	simm.s32 $0x180;
	[sflag:s18] =	ssyncadd.s32 $0xFFFFCE00  }
.LBB2_4:
0x72: {  	[tilespmem:s23], [sflag:$0x2] =	stream.indirect.gather [hbm4b:s4+s20], $0x80, s0, s20, $0xb8;
	[tilespmem:$0x1D880] =	vst v63  }
0x73: {  	s0 =	smov.u32 s31  }
0x74: {  	p1 =	sne.s32 s31, $0x5C00;
	s31 =	sadd.s32 $0x400, s31;
	_ =	swait.ge [sflag:s25], $0x3200  }
0x75: {  	s0 =	sshra.s32 s0, $0x2;
	[sflag:s25] =	ssyncset.done $0x0  }
0x76: {  	s3 =	sadd.s32 $0x1C00, s0;
	[sflag:s25] =	ssyncadd.s32 $0xFFFFCE00  }
0x77: {  	[spmem:s1] =	stream.indirect.scatter.add.f32 [tilespmem:s21], [sflag:$0x4], $0x80, s3, s20, $0xb8;
	[tilespmem:$0x1D880] =	vst v63  }
0x78: {  	_ =	swait.ge [sflag:s18], $0x3200  }
0x79: {  	[sflag:s18] =	ssyncset.done $0x0  }
0x7a: {  	s3 =	sadd.s32 $0x100, s0;
	[sflag:s18] =	ssyncadd.s32 $0xFFFFCE00  }
0x7b: {  	[tilespmem:s21], [sflag:$0x1] =	stream.indirect.gather [hbm4b:s4+s20], $0x80, s3, s20, $0xb8;
	[tilespmem:$0x1D880] =	vst v63  }
0x7c: {  	_ =	swait.ge [sflag:s26], $0x3200  }
0x7d: {  	[sflag:s26] =	ssyncset.done $0x0  }
.Ltmp1:
0x7e: {  	s3 =	sadd.s32 $0x1C80, s0;
	[sflag:s26] =	ssyncadd.s32 $0xFFFFCE00;
	(pc) =	sbr.rel @p1 .LBB2_4-.Ltmp1, $4  }
0x7f: {  	[spmem:s1] =	stream.indirect.scatter.add.f32 [tilespmem:s23], [sflag:$0x4], $0x80, s3, s20, $0xb8;
	[tilespmem:$0x1D880] =	vst v63  }
0x80: {  	_ =	swait.ge [sflag:s18], $0x3200  }
0x81: {  	[sflag:s18] =	ssyncset.done $0x0  }
0x82: {  	s0 =	sadd.s32 $0x180, s0;
	[sflag:s18] =	ssyncadd.s32 $0xFFFFCE00  }
0x83: {  	[tilespmem:s23], [sflag:$0x2] =	stream.indirect.gather [hbm4b:s4+s20], $0x80, s0, s20, $0xb8;
	[tilespmem:$0x1D880] =	vst v63  }
0x84: {  	_ =	swait.ge [sflag:s25], $0x3200  }
0x85: {  	[sflag:s25] =	ssyncset.done $0x0  }
0x86: {  	[sflag:s25] =	ssyncadd.s32 $0xFFFFCE00  }
0x87: {  	[spmem:s1] =	stream.indirect.scatter.add.f32 [tilespmem:s21], [sflag:$0x4], $0x80, s28, s20, $0xb8;
	[tilespmem:$0x1D880] =	vst v63  }
0x88: {  	_ =	swait.ge [sflag:s18], $0x3200  }
0x89: {  	[sflag:s18] =	ssyncset.done $0x0  }
0x8a: {  	[sflag:s18] =	ssyncadd.s32 $0xFFFFCE00  }
0x8b: {  	_ =	swait.ge [sflag:s26], $0x3200  }
0x8c: {  	[sflag:s26] =	ssyncset.done $0x0  }
0x8d: {  	[sflag:s26] =	ssyncadd.s32 $0xFFFFCE00  }
0x8e: {  	[spmem:s1] =	stream.indirect.scatter.add.f32 [tilespmem:s23], [sflag:$0x4], $0x80, s29, s20, $0xb8;
	[tilespmem:$0x1D880] =	vst v63  }
0x8f: {  	_ =	swait.ge [sflag:s18], $0x3200  }
0x90: {  	[sflag:s18] =	ssyncset.done $0x0  }
0x91: {  	[sflag:s18] =	ssyncadd.s32 $0xFFFFCE00  }
0x92: {  	s0 =	sor.u32 $0x1C04, s5;
	[bflag:$0x0] =	sbarrier.arrive $0xFFFF  }
0x93: {  	[hbm:s13], [sflag:s0] =	dma.local [spmem:s16], $0x2700  }
0x94: {  	_ =	swait.ge [sflag:s18], $0x2700  }
0x95: {  	s30 =	sadd.s32 $0x1, s30;
	[sflag:s18] =	ssyncset.done $0x0  }
0x96: {  	p1 =	sne.s32 s30, s15;
	[sflag:s18] =	ssyncadd.s32 $0xFFFFD900  }
0x97: {  	[hbm:s14], [sflag:s0] =	dma.local @!p0 [spmem:s17], $0x100  }
.Ltmp2:
0x98: {  	_ = 	snop;
	(pc) =	sbr.rel @p1 .LBB2_1-.Ltmp2, $4  }
0x99: {  	s0 =	simm.s32 @!p0 $0x4  }
0x9a: {  	_ =	swait.ge @!p0 [sflag:s0], $0x100  }
0x9b: {  	[sflag:s0] =	ssyncset.done @!p0 $0x0  }
0x9c: {  	[sflag:s0] =	ssyncadd.s32 @!p0 $0xFFFFFF00  }
0x9d: {  	_ =	sfence.sel $0x180000  }
0x9e: {  	[bflag:$0x0] =	sbarrier.arrive $0xFFFF  }
0x9f: {  	_ =	strace $0x9000004A  }
0xa0: {  	s0 =	stileid.u32;
	[bflag:$0x2] =	sbarrier.arrive $0xFFFF  }
0xa1: {  	p0 =	sne.s32 s0, $0x0;
	s0 =	rddreg [dreg:$0x2]  }
0xa2: {  	s0 =	sadd.s32 @!p0 $0x100000, s0  }
0xa3: {  	[sflag:s0] =	ssyncadd.tile.s32 @!p0 $0x1;
	_ =	shalt  }
.Lfunc_end2:
_tile_overlayer_lowered:
.L_overlay_start_2:
0xa4: {  	(tag) =	ssettag $0x2  }
0xa5: {  	s0 =	rddreg [dreg:$0x0];
	s2 =	stileid.u32  }
0xa6: {  	s1 =	rddreg [dreg:$0x1];
	p0 =	sne.s32 s2, $0x0  }
0xa7: {  	s3 =	rddreg [dreg:$0x2];
	[bflag:$0x3] =	sbarrier.arrive $0xFFFF;
	s2 =	simm.s32 @!p0 $0x1C04  }
0xa8: {  	[timem:s3], [sflag:s2] =	dma.local @!p0 [hbm:s0], s1  }
0xa9: {  	s0 =	simm.s32 @!p0 $0x4  }
0xaa: {  	_ =	swait.ge @!p0 [sflag:s0], s1  }
0xab: {  	s1 =	ssub.s32 @!p0 $0x0, s1;
	[sflag:s0] =	ssyncset.done @!p0 $0x0  }
0xac: {  	[sflag:s0] =	ssyncadd.s32 @!p0 s1  }
0xad: {  	[bflag:$0x3] =	sbarrier.arrive $0xFFFF  }
0xae: {  	_ =	shalt  }

// kernel: kernel.16.cloned.1.call-start
scs
__scs_entry_jumppad:
0x0: {  	(pc) =	sbr.rel $0x88, $3  }
0x1: {  	(tag) =	ssettag $0x0;
	lr =	simm.s32 $0x1  }
0x2: {  	[smem:$0x3F97] =	sst lr;
	_ =	strace $0xD0000000  }
0x3: {  	_ = 	snop  }
0x4: {  	_ = 	snop  }
0x5: {  	_ = 	snop  }
0x6: {  	_ = 	snop  }
0x7: {  	_ = 	snop  }
__scs_overlays_trampoline_lowered:
0x8: {  	[smem:$0x3FA6] =	sst s0  }
0x9: {  	[smem:$0x3FA7] =	sst s1  }
0xa: {  	[smem:$0x3FA8] =	sst s2  }
0xb: {  	[smem:$0x3FA9] =	sst s3  }
0xc: {  	[smem:$0x3FAA] =	sst s4  }
0xd: {  	[smem:$0x3FAB] =	sst s5  }
0xe: {  	[smem:$0x3FAC] =	sst s6  }
0xf: {  	[smem:$0x3FAD] =	sst s7  }
0x10: {  	[smem:$0x3FAE] =	sst s8  }
0x11: {  	[smem:$0x3FAF] =	sst s9;
	s0 =	simm.s32 @!p0 $0x0  }
0x12: {  	s1 =	sld [smem:$0x3F95];
	s0 =	simm.s32 @p0 $0x1  }
0x13: {  	[smem:$0x3FB0] =	sst s0;
	s0 =	simm.s32 @!p1 $0x0  }
0x14: {  	s2 =	sld [smem:$0x3F94];
	s0 =	simm.s32 @p1 $0x1  }
0x15: {  	[smem:$0x3FB1] =	sst s0;
	s0 =	simm.s32 @!p2 $0x0  }
0x16: {  	s3 =	sld [smem:$0x3FDB];
	s0 =	simm.s32 @p2 $0x1  }
0x17: {  	s4 =	simm.s32 $0x1BF5;
	[smem:$0x3FB3] =	sst s0  }
0x18: {  	s0 =	sld [smem:$0x3F96];
	_ =	swait.ge [sflag:s4], $0x0  }
0x19: {  	s7 =	sld [smem:$0x3F97]  }
0x1a: {  	s8 =	sadd.s32 $0xFFFFE003, lr  }
0x1b: {  	s9 =	sadd.s32 $0xFFFFFEF7, lr;
	s5 =	simm.s32 $0xFFFFFFFF;
	p2 =	slt.u32 s8, $0xFFFFF086  }
0x1c: {  	p1 =	slt.u32 s9, $0xF7A;
	s5 =	simm.s32 @!p2 $0x0  }
0x1d: {  	s5 =	simm.s32 @p1 $0x1;
	p0 =	seq.s32 s7, s2  }
0x1e: {  	s7 =	smul.u32 @!p0 $0xF7A, s2;
	p2 =	seq.s32 @!p0 s5, $0x0  }
0x1f: {  	s9 =	smul.u32 $0xF7A, s1;
	s8 =	simm.s32 @!p0 $0x1BF5;
	p2 =	por !p2, p0  }
0x20: {  	[sflag:s8] =	ssyncset.s32 @!p0 $0xFFFFF086;
	s6 =	sadd.s32 @!p0 s3, s7;
	s7 =	simm.s32 @!p0 $0x108  }
0x21: {  	s3 =	sadd.s32 s3, s9;
	s6 =	sadd.s32 @!p0 $0x88, s6;
	s7 =	simm.s32 @p2 $0x1082  }
0x22: {  	[simem:s7], [sflag:s8] =	dma.local @!p0 [hbm:s6], $0xF7A  }
0x23: {  	s9 =	sor.u32 $0xD0000000, s2;
	s6 =	simm.s32 $0x108;
	_ =	swait.ge @!p0 [sflag:s8], $0x0  }
0x24: {  	s3 =	sadd.s32 $0x88, s3;
	s6 =	simm.s32 @!p1 $0x1082;
	[sflag:s4] =	ssyncset.s32 $0xFFFFF086  }
0x25: {  	[simem:s6], [sflag:s4] =	dma.local [hbm:s3], $0xF7A  }
0x26: {  	[smem:$0x3F97] =	sst s1;
	(tag) =	ssettag s2;
	_ =	strace s9  }
0x27: {  	s1 =	sld [smem:$0x3FA7]  }
0x28: {  	s2 =	sld [smem:$0x3FA8]  }
0x29: {  	s4 =	sld [smem:$0x3FAA]  }
0x2a: {  	p0 =	seq.s32 s5, $0x0;
	s5 =	sld [smem:$0x3FAB]  }
0x2b: {  	s6 =	sld [smem:$0x3FAC]  }
0x2c: {  	s7 =	sld [smem:$0x3FAD]  }
0x2d: {  	s3 =	simm.s32 $0x108;
	s8 =	sld [smem:$0x3FAE]  }
0x2e: {  	s3 =	simm.s32 @!p0 $0x1082;
	s9 =	sld [smem:$0x3FAF]  }
0x2f: {  	lr =	sadd.s32 s0, s3;
	s0 =	sld [smem:$0x3FA6]  }
0x30: {  	s3 =	sld [smem:$0x3FA9]  }
0x31: {  	[smem:$0x3FB2] =	sst s10  }
0x32: {  	s10 =	sld [smem:$0x3FB0];
	_ =	sdelay $0x3  }
0x33: {  	p0 =	seq.s32 s10, $0x1;
	s10 =	sld [smem:$0x3FB2];
	_ =	sdelay $0x3  }
0x34: {  	[smem:$0x3FB2] =	sst s10  }
0x35: {  	s10 =	sld [smem:$0x3FB1];
	_ =	sdelay $0x3  }
0x36: {  	p1 =	seq.s32 s10, $0x1;
	s10 =	sld [smem:$0x3FB2];
	_ =	sdelay $0x3  }
0x37: {  	[smem:$0x3FB2] =	sst s10  }
0x38: {  	s10 =	sld [smem:$0x3FB3]  }
0x39: {  	_ = 	snop;
	(pc) =	sbr.ind lr, $3  }
0x3a: {  	_ = 	snop  }
0x3b: {  	_ = 	snop  }
0x3c: {  	p2 =	seq.s32 s10, $0x1;
	s10 =	sld [smem:$0x3FB2]  }
0x3d: {  	_ =	shalt  }
0x3e: {  	_ =	shalt  }
0x3f: {  	_ =	shalt  }
0x40: {  	_ =	shalt  }
0x41: {  	_ =	shalt  }
0x42: {  	_ =	shalt  }
0x43: {  	_ =	shalt  }
0x44: {  	_ =	shalt  }
0x45: {  	_ =	shalt  }
0x46: {  	_ =	shalt  }
0x47: {  	_ =	shalt  }
0x48: {  	_ =	shalt  }
0x49: {  	_ =	shalt  }
0x4a: {  	_ =	shalt  }
0x4b: {  	_ =	shalt  }
0x4c: {  	_ =	shalt  }
0x4d: {  	_ =	shalt  }
0x4e: {  	_ =	shalt  }
0x4f: {  	_ =	shalt  }
0x50: {  	_ =	shalt  }
0x51: {  	_ =	shalt  }
0x52: {  	_ =	shalt  }
0x53: {  	_ =	shalt  }
0x54: {  	_ =	shalt  }
0x55: {  	_ =	shalt  }
0x56: {  	_ =	shalt  }
0x57: {  	_ =	shalt  }
0x58: {  	_ =	shalt  }
0x59: {  	_ =	shalt  }
0x5a: {  	_ =	shalt  }
0x5b: {  	_ =	shalt  }
0x5c: {  	_ =	shalt  }
0x5d: {  	_ =	shalt  }
0x5e: {  	_ =	shalt  }
0x5f: {  	_ =	shalt  }
0x60: {  	_ =	shalt  }
0x61: {  	_ =	shalt  }
0x62: {  	_ =	shalt  }
0x63: {  	_ =	shalt  }
0x64: {  	_ =	shalt  }
0x65: {  	_ =	shalt  }
0x66: {  	_ =	shalt  }
0x67: {  	_ =	shalt  }
0x68: {  	_ =	shalt  }
0x69: {  	_ =	shalt  }
0x6a: {  	_ =	shalt  }
0x6b: {  	_ =	shalt  }
0x6c: {  	_ =	shalt  }
0x6d: {  	_ =	shalt  }
0x6e: {  	_ =	shalt  }
0x6f: {  	_ =	shalt  }
0x70: {  	_ =	shalt  }
0x71: {  	_ =	shalt  }
0x72: {  	_ =	shalt  }
0x73: {  	_ =	shalt  }
0x74: {  	_ =	shalt  }
0x75: {  	_ =	shalt  }
0x76: {  	_ =	shalt  }
0x77: {  	_ =	shalt  }
0x78: {  	_ =	shalt  }
0x79: {  	_ =	shalt  }
0x7a: {  	_ =	shalt  }
0x7b: {  	_ =	shalt  }
0x7c: {  	_ =	shalt  }
0x7d: {  	_ =	shalt  }
0x7e: {  	_ =	shalt  }
0x7f: {  	_ =	shalt  }
0x80: {  	_ =	shalt  }
0x81: {  	_ =	shalt  }
0x82: {  	_ =	shalt  }
0x83: {  	_ =	shalt  }
0x84: {  	_ =	shalt  }
0x85: {  	_ =	shalt  }
0x86: {  	_ =	shalt  }
0x87: {  	_ =	shalt  }
.Lfunc_end0:
.L_simem_size_0:
called_computation.2_lowered:
.L_overlay_start_0:
0x88: {  	s2 =	sld [smem:$0x3FD9]  }
0x89: {  	s3 =	sld [smem:$0x3FFE];
	_ =	sdelay $0x1  }
0x8a: {  	s1 =	srdreg.scid  }
0x8b: {  	s0 =	sand.u32 $0x1, s1  }
0x8c: {  	s16 =	sshll.u32 s0, $0xA;
	s2 =	sadd.s32 s3, s2  }
0x8d: {  	s2 =	sadd.s32 s2, s16  }
0x8e: {  	[smem:$0x3FBE] =	sst s2  }
0x8f: {  	_ = 	snop  }
0x90: {  	(tm) =	ssettm $0x1  }
0x91: {  	s17 =	sld [smem:$0x3FFB];
	_ =	sdelay $0x3  }
0x92: {  	_ =	strace s17  }
0x93: {  	s2 =	sld [smem:$0x3FFC];
	_ =	sdelay $0x3  }
0x94: {  	_ =	strace s2  }
0x95: {  	s2 =	sld [smem:$0x3FFD];
	_ =	sdelay $0x3  }
0x96: {  	_ =	strace s2  }
0x97: {  	_ =	strace $0x8FFFFFFF  }
0x98: {  	s18 =	sld [smem:$0x3FDB];
	_ =	sdelay $0x1  }
0x99: {  	s19 =	simm.s32 $_scs_section_size  }
0x9a: {  	s4 =	simm.s32 $_size__tile_overlayer_lowered;
	s5 =	simm.s32 $_tile_overlayer_lowered  }
0x9b: {  	s22 =	simm.s32 $0x1BFF;
	s21 =	sshll.u32 s5, $0x1;
	s2 =	sadd.s32 s19, s18  }
0x9c: {  	s6 =	simm.s32 $0x0;
	s20 =	sshll.u32 s4, $0x1;
	s4 =	sadd.s32 s21, s2  }
0x9d: {  	[timem:s6], [sflag:s22] =	dma.local [hbm:s4], s20  }
0x9e: {  	_ =	swait.ge [sflag:s22], s20  }
0x9f: {  	s3 =	ssub.s32 $0x0, s20;
	[sflag:s22] =	ssyncset.done $0x0  }
0xa0: {  	[sflag:s22] =	ssyncadd.s32 s3;
	_ =	sdelay $0x1  }
0xa1: {  	s23 =	simm.s32 $0x1B8B  }
0xa2: {  	_ =	swait.ge [sflag:s23], $0x1  }
0xa3: {  	[sflag:s23] =	ssyncset.done $0x0  }
0xa4: {  	s25 =	simm.s32 $0x1B8E;
	s24 =	sld [smem:$0x3FFE];
	[sflag:s23] =	ssyncadd.s32 $0xFFFFFFFF  }
0xa5: {  	s26 =	simm.s32 $execute0_lowered;
	[smem:$0x3FD2] =	sst s25  }
0xa6: {  	s4 =	sshll.u32 s26, $0x1;
	_ =	strace $0x8000004C;
	[dreg:$0x1] =	wrdreg $0xFFFFFFFF  }
0xa7: {  	s28 =	simm.s32 $_size_execute0_lowered;
	s2 =	sadd.s32 s2, s4;
	[dreg:$0x0] =	wrdreg $0x0  }
0xa8: {  	s4 =	sshll.u32 s28, $0x1;
	[dreg:$0x2] =	wrdreg s2  }
0xa9: {  	[dreg:$0x3] =	wrdreg s4  }
0xaa: {  	[dreg:$0x4] =	wrdreg $0xC0  }
0xab: {  	_ =	task [dreg:s6], $0x5FFFF  }
0xac: {  	[dreg:$0x1] =	wrdreg $0xFFFFFFFF  }
0xad: {  	[dreg:$0x0] =	wrdreg $0x60  }
0xae: {  	[dreg:$0x2] =	wrdreg s24  }
0xaf: {  	[dreg:$0x3] =	wrdreg $0xA0000  }
0xb0: {  	[dreg:$0x4] =	wrdreg $0x9  }
0xb1: {  	_ =	task.clear_ibuf [dreg:s6], $0x5FFFF;
	_ =	strace $0x9000004C  }
0xb2: {  	s29 =	simm.s32 $0x9;
	_ =	strace $0x8000004E  }
0xb3: {  	_ =	swait.ge [sflag:s29], $0x1  }
0xb4: {  	[sflag:s29] =	ssyncadd.s32 $0xFFFFFFFF  }
0xb5: {  	_ =	strace $0x9000004E  }
0xb6: {  	_ =	sfence  }
0xb7: {  	s30 =	sld [smem:$0x0];
	_ =	sdelay $0x2  }
0xb8: {  	s31 =	sshll.u32 s1, $0xD;
	s1 =	sshrl.u32 s1, $0x2  }
0xb9: {  	s3 =	sand.u32 $0x4000, s31;
	s1 =	sadd.s32 s1, s30  }
0xba: {  	s0 =	sor.u32 s3, s0;
	s1 =	sshll.u32 s1, $0x11  }
0xbb: {  	s0 =	sor.u32 s1, s0  }
0xbc: {  	s0 =	sadd.s32 $0x8F2B, s0  }
0xbd: {  	[sflag:s0] =	ssyncadd.remote.s32 $0x1  }
0xbe: {  	_ =	sfence.sel $0xFFFF  }
0xbf: {  	[dreg:$0x0] =	wrdreg $0xFFFFFFFF;
	(pc) =	sbr.abs _section_cstart, $3  }
0xc0: {  	[dreg:$0x1] =	wrdreg $0xFFFFFFFF  }
0xc1: {  	_ =	task.clear_ibuf [dreg:s6], $0x2FFFF;
	_ =	strace $0x9FFFFFFF  }
0xc2: {  	(tm) =	ssettm $0x7FFFFFFF  }
0xc3: {  	_ =	shalt  }
tec
execute0_lowered:
.L_overlay_start_1:
0x0: {  	(tag) =	ssettag $0x1  }
0x1: {  	s0 =	rddreg [dreg:$0x0]  }
0x2: {  	s1 =	rddreg [dreg:$0x1];
	s2 =	simm.s32 $0x0  }
0x3: {  	s5 =	srdreg.scid;
	s3 =	stileid.u32;
	s19 =	simm.s32 $0x1C00  }
0x4: {  	s20 =	simm.s32 $0x64;
	s21 =	simm.s32 $0x3800;
	s22 =	simm.s32 $0x80  }
0x5: {  	s28 =	simm.s32 $0x3400;
	s29 =	simm.s32 $0x3480;
	s30 =	simm.s32 $0x0  }
0x6: {  	[smem:$0x7FF] =	sst s2;
	s4 =	sadd.s32 $0x21600, s0;
	s9 =	sand.u32 $0x1, s5  }
0x7: {  	s11 =	sadd.s32 $0x5600, s0;
	s6 =	smul.u32 $0x4E000, s3;
	s12 =	sadd.s32 $0x13600, s0  }
0x8: {  	s13 =	sadd.s32 $0x48800, s0;
	s8 =	sshll.u32 s3, $0x1;
	s14 =	smul.u32 $0x13800, s3  }
0x9: {  	s17 =	sadd.s32 $0x138000, s1;
	p0 =	sne.s32 s3, $0xF;
	_ =	strace $0x8000004D  }
0xa: {  	s5 =	ssub.s32 $0x2, s9;
	s23 =	sor.u32 s9, s8;
	s8 =	sadd.s32 $0x48600, s0  }
0xb: {  	s18 =	smul.u32 $0x138800, s9;
	s17 =	sshrl.u32 @!p0 s17, $0x3;
	s7 =	sshrl.u32 s5, $0x1  }
0xc: {  	s6 =	sshrl.u32 s6, $0x2;
	s24 =	sshrl.u32 s14, $0x3;
	s10 =	smul.u32 $0x3800, s23  }
0xd: {  	s23 =	simm.s32 $0x6C00;
	s15 =	ssub.s32 s5, s7;
	s16 =	sadd.s32 s6, s1  }
0xe: {  	s5 =	sshll.u32 s3, $0x6;
	s6 =	sadd.s32 s4, s24;
	s14 =	sadd.s32 s14, s18  }
0xf: {  	s18 =	sshrl.u32 s18, $0x3;
	s24 =	simm.s32 $0x3;
	s7 =	sor.u32 $0x1C03, s5  }
0x10: {  	s25 =	sshrl.u32 s10, $0x3;
	s26 =	sshrl.u32 s14, $0x3;
	s31 =	sadd.s32 s13, s18  }
0x11: {  	s15 =	smax.u32 s15, $0x1;
	s16 =	sshrl.u32 s16, $0x3;
	s18 =	simm.s32 $0x4  }
0x12: {  	s9 =	sadd.s32 s11, s25;
	s10 =	sadd.s32 s12, s25;
	s0 =	sadd.s32 $0x380, s25  }
0x13: {  	s13 =	sadd.s32 s13, s26;
	s14 =	sadd.s32 $0x27000, s31;
	s25 =	simm.s32 $0x1  }
0x14: {  	s26 =	simm.s32 $0x2;
	s11 =	sadd.s32 s11, s0;
	s12 =	sadd.s32 s12, s0  }
.LBB2_1:
0x15: {  	[spmem:s16], [sflag:s7] =	dma.local [hbm:s6], $0x2700  }
0x16: {  	[spmem:s17], [sflag:s7] =	dma.local @!p0 [hbm:s8], $0x100  }
0x17: {  	[tilespmem:s2], [sflag:$0x4] =	stream.linear.gather [hbm4b:s9+s2], $0x1900, $0x38;
	[tilespmem:$0x1D880] =	vst v63  }
0x18: {  	_ =	swait.ge [sflag:s18], $0x1900  }
0x19: {  	[sflag:s18] =	ssyncset.done $0x0  }
0x1a: {  	[sflag:s18] =	ssyncadd.s32 $0xFFFFE700  }
0x1b: {  	[tilespmem:s19], [sflag:$0x4] =	stream.linear.gather [hbm4b:s10+s2], $0x1900, $0x38;
	[tilespmem:$0x1D880] =	vst v63  }
0x1c: {  	_ =	swait.ge [sflag:s18], $0x1900  }
0x1d: {  	[sflag:s18] =	ssyncset.done $0x0  }
0x1e: {  	[sflag:s18] =	ssyncadd.s32 $0xFFFFE700  }
0x1f: {  	[tilespmem:s21], [sflag:$0x1] =	stream.indirect.gather [hbm4b:s4+s20], $0x80, s2, s20, $0xb8;
	[tilespmem:$0x1D880] =	vst v63  }
0x20: {  	_ = 	snop  }
0x21: {  	[tilespmem:s23], [sflag:$0x2] =	stream.indirect.gather [hbm4b:s4+s20], $0x80, s22, s20, $0xb8;
	[tilespmem:$0x1D880] =	vst v63  }
0x22: {  	_ =	swait.ge [sflag:s24], $0x2700  }
0x23: {  	[sflag:s24] =	ssyncset.done $0x0  }
0x24: {  	s0 =	simm.s32 @!p0 $0x3;
	[sflag:s24] =	ssyncadd.s32 $0xFFFFD900  }
0x25: {  	_ =	swait.ge @!p0 [sflag:s0], $0x100  }
0x26: {  	[sflag:s0] =	ssyncset.done @!p0 $0x0  }
0x27: {  	[sflag:s0] =	ssyncadd.s32 @!p0 $0xFFFFFF00  }
0x28: {  	[bflag:$0x0] =	sbarrier.arrive $0xFFFF  }
0x29: {  	_ =	swait.ge [sflag:s25], $0x3200  }
0x2a: {  	[sflag:s25] =	ssyncset.done $0x0  }
0x2b: {  	s3 =	simm.s32 $0x1C00;
	[sflag:s25] =	ssyncadd.s32 $0xFFFFCE00  }
0x2c: {  	[spmem:s1] =	stream.indirect.scatter.add.f32 [tilespmem:s21], [sflag:$0x4], $0x80, s3, s20, $0xb8;
	[tilespmem:$0x1D880] =	vst v63  }
0x2d: {  	_ =	swait.ge [sflag:s18], $0x3200  }
0x2e: {  	[sflag:s18] =	ssyncset.done $0x0  }
0x2f: {  	s3 =	simm.s32 $0x100;
	[sflag:s18] =	ssyncadd.s32 $0xFFFFCE00  }
0x30: {  	[tilespmem:s21], [sflag:$0x1] =	stream.indirect.gather [hbm4b:s4+s20], $0x80, s3, s20, $0xb8;
	[tilespmem:$0x1D880] =	vst v63  }
0x31: {  	_ =	swait.ge [sflag:s26], $0x3200  }
0x32: {  	[sflag:s26] =	ssyncset.done $0x0  }
0x33: {  	s3 =	simm.s32 $0x1C80;
	[sflag:s26] =	ssyncadd.s32 $0xFFFFCE00  }
0x34: {  	[spmem:s1] =	stream.indirect.scatter.add.f32 [tilespmem:s23], [sflag:$0x4], $0x80, s3, s20, $0xb8;
	[tilespmem:$0x1D880] =	vst v63  }
0x35: {  	_ =	swait.ge [sflag:s18], $0x3200  }
0x36: {  	[sflag:s18] =	ssyncset.done $0x0  }
0x37: {  	s31 =	simm.s32 $0x400;
	s0 =	simm.s32 $0x180;
	[sflag:s18] =	ssyncadd.s32 $0xFFFFCE00  }
.LBB2_2:
0x38: {  	[tilespmem:s23], [sflag:$0x2] =	stream.indirect.gather [hbm4b:s4+s20], $0x80, s0, s20, $0xb8;
	[tilespmem:$0x1D880] =	vst v63  }
0x39: {  	s0 =	smov.u32 s31  }
0x3a: {  	p1 =	sne.s32 s31, $0x5C00;
	s31 =	sadd.s32 $0x400, s31;
	_ =	swait.ge [sflag:s25], $0x3200  }
0x3b: {  	s0 =	sshra.s32 s0, $0x2;
	[sflag:s25] =	ssyncset.done $0x0  }
0x3c: {  	s3 =	sadd.s32 $0x1C00, s0;
	[sflag:s25] =	ssyncadd.s32 $0xFFFFCE00  }
0x3d: {  	[spmem:s1] =	stream.indirect.scatter.add.f32 [tilespmem:s21], [sflag:$0x4], $0x80, s3, s20, $0xb8;
	[tilespmem:$0x1D880] =	vst v63  }
0x3e: {  	_ =	swait.ge [sflag:s18], $0x3200  }
0x3f: {  	[sflag:s18] =	ssyncset.done $0x0  }
0x40: {  	s3 =	sadd.s32 $0x100, s0;
	[sflag:s18] =	ssyncadd.s32 $0xFFFFCE00  }
0x41: {  	[tilespmem:s21], [sflag:$0x1] =	stream.indirect.gather [hbm4b:s4+s20], $0x80, s3, s20, $0xb8;
	[tilespmem:$0x1D880] =	vst v63  }
0x42: {  	_ =	swait.ge [sflag:s26], $0x3200  }
0x43: {  	[sflag:s26] =	ssyncset.done $0x0  }
.Ltmp0:
0x44: {  	s3 =	sadd.s32 $0x1C80, s0;
	[sflag:s26] =	ssyncadd.s32 $0xFFFFCE00;
	(pc) =	sbr.rel @p1 .LBB2_2-.Ltmp0, $4  }
0x45: {  	[spmem:s1] =	stream.indirect.scatter.add.f32 [tilespmem:s23], [sflag:$0x4], $0x80, s3, s20, $0xb8;
	[tilespmem:$0x1D880] =	vst v63  }
0x46: {  	_ =	swait.ge [sflag:s18], $0x3200  }
0x47: {  	[sflag:s18] =	ssyncset.done $0x0  }
0x48: {  	s0 =	sadd.s32 $0x180, s0;
	[sflag:s18] =	ssyncadd.s32 $0xFFFFCE00  }
0x49: {  	[tilespmem:s23], [sflag:$0x2] =	stream.indirect.gather [hbm4b:s4+s20], $0x80, s0, s20, $0xb8;
	[tilespmem:$0x1D880] =	vst v63  }
0x4a: {  	_ =	swait.ge [sflag:s25], $0x3200  }
0x4b: {  	[sflag:s25] =	ssyncset.done $0x0  }
0x4c: {  	[sflag:s25] =	ssyncadd.s32 $0xFFFFCE00  }
0x4d: {  	[spmem:s1] =	stream.indirect.scatter.add.f32 [tilespmem:s21], [sflag:$0x4], $0x80, s28, s20, $0xb8;
	[tilespmem:$0x1D880] =	vst v63  }
0x4e: {  	_ =	swait.ge [sflag:s18], $0x3200  }
0x4f: {  	[sflag:s18] =	ssyncset.done $0x0  }
0x50: {  	[sflag:s18] =	ssyncadd.s32 $0xFFFFCE00  }
0x51: {  	_ =	swait.ge [sflag:s26], $0x3200  }
0x52: {  	[sflag:s26] =	ssyncset.done $0x0  }
0x53: {  	[sflag:s26] =	ssyncadd.s32 $0xFFFFCE00  }
0x54: {  	[spmem:s1] =	stream.indirect.scatter.add.f32 [tilespmem:s23], [sflag:$0x4], $0x80, s29, s20, $0xb8;
	[tilespmem:$0x1D880] =	vst v63  }
0x55: {  	_ =	swait.ge [sflag:s18], $0x3200  }
0x56: {  	[sflag:s18] =	ssyncset.done $0x0  }
0x57: {  	s3 =	simm.s32 $0x0;
	[sflag:s18] =	ssyncadd.s32 $0xFFFFCE00  }
0x58: {  	[tilespmem:s3], [sflag:$0x4] =	stream.linear.gather [hbm4b:s11+s3], $0x1900, $0x38;
	[tilespmem:$0x1D880] =	vst v63  }
0x59: {  	_ =	swait.ge [sflag:s18], $0x1900  }
0x5a: {  	[sflag:s18] =	ssyncset.done $0x0  }
0x5b: {  	[sflag:s18] =	ssyncadd.s32 $0xFFFFE700  }
0x5c: {  	[tilespmem:s19], [sflag:$0x4] =	stream.linear.gather [hbm4b:s12+s3], $0x1900, $0x38;
	[tilespmem:$0x1D880] =	vst v63  }
0x5d: {  	_ =	swait.ge [sflag:s18], $0x1900  }
0x5e: {  	[sflag:s18] =	ssyncset.done $0x0  }
0x5f: {  	[sflag:s18] =	ssyncadd.s32 $0xFFFFE700  }
0x60: {  	[tilespmem:s21], [sflag:$0x1] =	stream.indirect.gather [hbm4b:s4+s20], $0x80, s3, s20, $0xb8;
	[tilespmem:$0x1D880] =	vst v63  }
0x61: {  	_ = 	snop  }
0x62: {  	[tilespmem:s23], [sflag:$0x2] =	stream.indirect.gather [hbm4b:s4+s20], $0x80, s22, s20, $0xb8;
	[tilespmem:$0x1D880] =	vst v63  }
0x63: {  	_ =	swait.ge [sflag:s25], $0x3200  }
0x64: {  	[sflag:s25] =	ssyncset.done $0x0  }
0x65: {  	s3 =	simm.s32 $0x1C00;
	[sflag:s25] =	ssyncadd.s32 $0xFFFFCE00  }
0x66: {  	[spmem:s1] =	stream.indirect.scatter.add.f32 [tilespmem:s21], [sflag:$0x4], $0x80, s3, s20, $0xb8;
	[tilespmem:$0x1D880] =	vst v63  }
0x67: {  	_ =	swait.ge [sflag:s18], $0x3200  }
0x68: {  	[sflag:s18] =	ssyncset.done $0x0  }
0x69: {  	s3 =	simm.s32 $0x100;
	[sflag:s18] =	ssyncadd.s32 $0xFFFFCE00  }
0x6a: {  	[tilespmem:s21], [sflag:$0x1] =	stream.indirect.gather [hbm4b:s4+s20], $0x80, s3, s20, $0xb8;
	[tilespmem:$0x1D880] =	vst v63  }
0x6b: {  	_ =	swait.ge [sflag:s26], $0x3200  }
0x6c: {  	[sflag:s26] =	ssyncset.done $0x0  }
0x6d: {  	s3 =	simm.s32 $0x1C80;
	[sflag:s26] =	ssyncadd.s32 $0xFFFFCE00  }
0x6e: {  	[spmem:s1] =	stream.indirect.scatter.add.f32 [tilespmem:s23], [sflag:$0x4], $0x80, s3, s20, $0xb8;
	[tilespmem:$0x1D880] =	vst v63  }
0x6f: {  	_ =	swait.ge [sflag:s18], $0x3200  }
0x70: {  	[sflag:s18] =	ssyncset.done $0x0  }
0x71: {  	s31 =	simm.s32 $0x400;
	s0 =	simm.s32 $0x180;
	[sflag:s18] =	ssyncadd.s32 $0xFFFFCE00  }
.LBB2_4:
0x72: {  	[tilespmem:s23], [sflag:$0x2] =	stream.indirect.gather [hbm4b:s4+s20], $0x80, s0, s20, $0xb8;
	[tilespmem:$0x1D880] =	vst v63  }
0x73: {  	s0 =	smov.u32 s31  }
0x74: {  	p1 =	sne.s32 s31, $0x5C00;
	s31 =	sadd.s32 $0x400, s31;
	_ =	swait.ge [sflag:s25], $0x3200  }
0x75: {  	s0 =	sshra.s32 s0, $0x2;
	[sflag:s25] =	ssyncset.done $0x0  }
0x76: {  	s3 =	sadd.s32 $0x1C00, s0;
	[sflag:s25] =	ssyncadd.s32 $0xFFFFCE00  }
0x77: {  	[spmem:s1] =	stream.indirect.scatter.add.f32 [tilespmem:s21], [sflag:$0x4], $0x80, s3, s20, $0xb8;
	[tilespmem:$0x1D880] =	vst v63  }
0x78: {  	_ =	swait.ge [sflag:s18], $0x3200  }
0x79: {  	[sflag:s18] =	ssyncset.done $0x0  }
0x7a: {  	s3 =	sadd.s32 $0x100, s0;
	[sflag:s18] =	ssyncadd.s32 $0xFFFFCE00  }
0x7b: {  	[tilespmem:s21], [sflag:$0x1] =	stream.indirect.gather [hbm4b:s4+s20], $0x80, s3, s20, $0xb8;
	[tilespmem:$0x1D880] =	vst v63  }
0x7c: {  	_ =	swait.ge [sflag:s26], $0x3200  }
0x7d: {  	[sflag:s26] =	ssyncset.done $0x0  }
.Ltmp1:
0x7e: {  	s3 =	sadd.s32 $0x1C80, s0;
	[sflag:s26] =	ssyncadd.s32 $0xFFFFCE00;
	(pc) =	sbr.rel @p1 .LBB2_4-.Ltmp1, $4  }
0x7f: {  	[spmem:s1] =	stream.indirect.scatter.add.f32 [tilespmem:s23], [sflag:$0x4], $0x80, s3, s20, $0xb8;
	[tilespmem:$0x1D880] =	vst v63  }
0x80: {  	_ =	swait.ge [sflag:s18], $0x3200  }
0x81: {  	[sflag:s18] =	ssyncset.done $0x0  }
0x82: {  	s0 =	sadd.s32 $0x180, s0;
	[sflag:s18] =	ssyncadd.s32 $0xFFFFCE00  }
0x83: {  	[tilespmem:s23], [sflag:$0x2] =	stream.indirect.gather [hbm4b:s4+s20], $0x80, s0, s20, $0xb8;
	[tilespmem:$0x1D880] =	vst v63  }
0x84: {  	_ =	swait.ge [sflag:s25], $0x3200  }
0x85: {  	[sflag:s25] =	ssyncset.done $0x0  }
0x86: {  	[sflag:s25] =	ssyncadd.s32 $0xFFFFCE00  }
0x87: {  	[spmem:s1] =	stream.indirect.scatter.add.f32 [tilespmem:s21], [sflag:$0x4], $0x80, s28, s20, $0xb8;
	[tilespmem:$0x1D880] =	vst v63  }
0x88: {  	_ =	swait.ge [sflag:s18], $0x3200  }
0x89: {  	[sflag:s18] =	ssyncset.done $0x0  }
0x8a: {  	[sflag:s18] =	ssyncadd.s32 $0xFFFFCE00  }
0x8b: {  	_ =	swait.ge [sflag:s26], $0x3200  }
0x8c: {  	[sflag:s26] =	ssyncset.done $0x0  }
0x8d: {  	[sflag:s26] =	ssyncadd.s32 $0xFFFFCE00  }
0x8e: {  	[spmem:s1] =	stream.indirect.scatter.add.f32 [tilespmem:s23], [sflag:$0x4], $0x80, s29, s20, $0xb8;
	[tilespmem:$0x1D880] =	vst v63  }
0x8f: {  	_ =	swait.ge [sflag:s18], $0x3200  }
0x90: {  	[sflag:s18] =	ssyncset.done $0x0  }
0x91: {  	[sflag:s18] =	ssyncadd.s32 $0xFFFFCE00  }
0x92: {  	s0 =	sor.u32 $0x1C04, s5;
	[bflag:$0x0] =	sbarrier.arrive $0xFFFF  }
0x93: {  	[hbm:s13], [sflag:s0] =	dma.local [spmem:s16], $0x2700  }
0x94: {  	_ =	swait.ge [sflag:s18], $0x2700  }
0x95: {  	s30 =	sadd.s32 $0x1, s30;
	[sflag:s18] =	ssyncset.done $0x0  }
0x96: {  	p1 =	sne.s32 s30, s15;
	[sflag:s18] =	ssyncadd.s32 $0xFFFFD900  }
0x97: {  	[hbm:s14], [sflag:s0] =	dma.local @!p0 [spmem:s17], $0x100  }
.Ltmp2:
0x98: {  	_ = 	snop;
	(pc) =	sbr.rel @p1 .LBB2_1-.Ltmp2, $4  }
0x99: {  	s0 =	simm.s32 @!p0 $0x4  }
0x9a: {  	_ =	swait.ge @!p0 [sflag:s0], $0x100  }
0x9b: {  	[sflag:s0] =	ssyncset.done @!p0 $0x0  }
0x9c: {  	[sflag:s0] =	ssyncadd.s32 @!p0 $0xFFFFFF00  }
0x9d: {  	_ =	sfence.sel $0x180000  }
0x9e: {  	[bflag:$0x0] =	sbarrier.arrive $0xFFFF  }
0x9f: {  	_ =	strace $0x9000004D  }
0xa0: {  	s0 =	stileid.u32;
	[bflag:$0x2] =	sbarrier.arrive $0xFFFF  }
0xa1: {  	p0 =	sne.s32 s0, $0x0;
	s0 =	rddreg [dreg:$0x2]  }
0xa2: {  	s0 =	sadd.s32 @!p0 $0x100000, s0  }
0xa3: {  	[sflag:s0] =	ssyncadd.tile.s32 @!p0 $0x1;
	_ =	shalt  }
.Lfunc_end2:
_tile_overlayer_lowered:
.L_overlay_start_2:
0xa4: {  	(tag) =	ssettag $0x2  }
0xa5: {  	s0 =	rddreg [dreg:$0x0];
	s2 =	stileid.u32  }
0xa6: {  	s1 =	rddreg [dreg:$0x1];
	p0 =	sne.s32 s2, $0x0  }
0xa7: {  	s3 =	rddreg [dreg:$0x2];
	[bflag:$0x3] =	sbarrier.arrive $0xFFFF;
	s2 =	simm.s32 @!p0 $0x1C04  }
0xa8: {  	[timem:s3], [sflag:s2] =	dma.local @!p0 [hbm:s0], s1  }
0xa9: {  	s0 =	simm.s32 @!p0 $0x4  }
0xaa: {  	_ =	swait.ge @!p0 [sflag:s0], s1  }
0xab: {  	s1 =	ssub.s32 @!p0 $0x0, s1;
	[sflag:s0] =	ssyncset.done @!p0 $0x0  }
0xac: {  	[sflag:s0] =	ssyncadd.s32 @!p0 s1  }
0xad: {  	[bflag:$0x3] =	sbarrier.arrive $0xFFFF  }
0xae: {  	_ =	shalt  }

// kernel: kernel.19.cloned.1.call-start
scs
__scs_entry_jumppad:
0x0: {  	(pc) =	sbr.rel $0x88, $3  }
0x1: {  	(tag) =	ssettag $0x0;
	lr =	simm.s32 $0x1  }
0x2: {  	[smem:$0x3F97] =	sst lr;
	_ =	strace $0xD0000000  }
0x3: {  	_ = 	snop  }
0x4: {  	_ = 	snop  }
0x5: {  	_ = 	snop  }
0x6: {  	_ = 	snop  }
0x7: {  	_ = 	snop  }
__scs_overlays_trampoline_lowered:
0x8: {  	[smem:$0x3FA6] =	sst s0  }
0x9: {  	[smem:$0x3FA7] =	sst s1  }
0xa: {  	[smem:$0x3FA8] =	sst s2  }
0xb: {  	[smem:$0x3FA9] =	sst s3  }
0xc: {  	[smem:$0x3FAA] =	sst s4  }
0xd: {  	[smem:$0x3FAB] =	sst s5  }
0xe: {  	[smem:$0x3FAC] =	sst s6  }
0xf: {  	[smem:$0x3FAD] =	sst s7  }
0x10: {  	[smem:$0x3FAE] =	sst s8  }
0x11: {  	[smem:$0x3FAF] =	sst s9;
	s0 =	simm.s32 @!p0 $0x0  }
0x12: {  	s1 =	sld [smem:$0x3F95];
	s0 =	simm.s32 @p0 $0x1  }
0x13: {  	[smem:$0x3FB0] =	sst s0;
	s0 =	simm.s32 @!p1 $0x0  }
0x14: {  	s2 =	sld [smem:$0x3F94];
	s0 =	simm.s32 @p1 $0x1  }
0x15: {  	[smem:$0x3FB1] =	sst s0;
	s0 =	simm.s32 @!p2 $0x0  }
0x16: {  	s3 =	sld [smem:$0x3FDB];
	s0 =	simm.s32 @p2 $0x1  }
0x17: {  	s4 =	simm.s32 $0x1BF5;
	[smem:$0x3FB3] =	sst s0  }
0x18: {  	s0 =	sld [smem:$0x3F96];
	_ =	swait.ge [sflag:s4], $0x0  }
0x19: {  	s7 =	sld [smem:$0x3F97]  }
0x1a: {  	s8 =	sadd.s32 $0xFFFFE003, lr  }
0x1b: {  	s9 =	sadd.s32 $0xFFFFFEF7, lr;
	s5 =	simm.s32 $0xFFFFFFFF;
	p2 =	slt.u32 s8, $0xFFFFF086  }
0x1c: {  	p1 =	slt.u32 s9, $0xF7A;
	s5 =	simm.s32 @!p2 $0x0  }
0x1d: {  	s5 =	simm.s32 @p1 $0x1;
	p0 =	seq.s32 s7, s2  }
0x1e: {  	s7 =	smul.u32 @!p0 $0xF7A, s2;
	p2 =	seq.s32 @!p0 s5, $0x0  }
0x1f: {  	s9 =	smul.u32 $0xF7A, s1;
	s8 =	simm.s32 @!p0 $0x1BF5;
	p2 =	por !p2, p0  }
0x20: {  	[sflag:s8] =	ssyncset.s32 @!p0 $0xFFFFF086;
	s6 =	sadd.s32 @!p0 s3, s7;
	s7 =	simm.s32 @!p0 $0x108  }
0x21: {  	s3 =	sadd.s32 s3, s9;
	s6 =	sadd.s32 @!p0 $0x88, s6;
	s7 =	simm.s32 @p2 $0x1082  }
0x22: {  	[simem:s7], [sflag:s8] =	dma.local @!p0 [hbm:s6], $0xF7A  }
0x23: {  	s9 =	sor.u32 $0xD0000000, s2;
	s6 =	simm.s32 $0x108;
	_ =	swait.ge @!p0 [sflag:s8], $0x0  }
0x24: {  	s3 =	sadd.s32 $0x88, s3;
	s6 =	simm.s32 @!p1 $0x1082;
	[sflag:s4] =	ssyncset.s32 $0xFFFFF086  }
0x25: {  	[simem:s6], [sflag:s4] =	dma.local [hbm:s3], $0xF7A  }
0x26: {  	[smem:$0x3F97] =	sst s1;
	(tag) =	ssettag s2;
	_ =	strace s9  }
0x27: {  	s1 =	sld [smem:$0x3FA7]  }
0x28: {  	s2 =	sld [smem:$0x3FA8]  }
0x29: {  	s4 =	sld [smem:$0x3FAA]  }
0x2a: {  	p0 =	seq.s32 s5, $0x0;
	s5 =	sld [smem:$0x3FAB]  }
0x2b: {  	s6 =	sld [smem:$0x3FAC]  }
0x2c: {  	s7 =	sld [smem:$0x3FAD]  }
0x2d: {  	s3 =	simm.s32 $0x108;
	s8 =	sld [smem:$0x3FAE]  }
0x2e: {  	s3 =	simm.s32 @!p0 $0x1082;
	s9 =	sld [smem:$0x3FAF]  }
0x2f: {  	lr =	sadd.s32 s0, s3;
	s0 =	sld [smem:$0x3FA6]  }
0x30: {  	s3 =	sld [smem:$0x3FA9]  }
0x31: {  	[smem:$0x3FB2] =	sst s10  }
0x32: {  	s10 =	sld [smem:$0x3FB0];
	_ =	sdelay $0x3  }
0x33: {  	p0 =	seq.s32 s10, $0x1;
	s10 =	sld [smem:$0x3FB2];
	_ =	sdelay $0x3  }
0x34: {  	[smem:$0x3FB2] =	sst s10  }
0x35: {  	s10 =	sld [smem:$0x3FB1];
	_ =	sdelay $0x3  }
0x36: {  	p1 =	seq.s32 s10, $0x1;
	s10 =	sld [smem:$0x3FB2];
	_ =	sdelay $0x3  }
0x37: {  	[smem:$0x3FB2] =	sst s10  }
0x38: {  	s10 =	sld [smem:$0x3FB3]  }
0x39: {  	_ = 	snop;
	(pc) =	sbr.ind lr, $3  }
0x3a: {  	_ = 	snop  }
0x3b: {  	_ = 	snop  }
0x3c: {  	p2 =	seq.s32 s10, $0x1;
	s10 =	sld [smem:$0x3FB2]  }
0x3d: {  	_ =	shalt  }
0x3e: {  	_ =	shalt  }
0x3f: {  	_ =	shalt  }
0x40: {  	_ =	shalt  }
0x41: {  	_ =	shalt  }
0x42: {  	_ =	shalt  }
0x43: {  	_ =	shalt  }
0x44: {  	_ =	shalt  }
0x45: {  	_ =	shalt  }
0x46: {  	_ =	shalt  }
0x47: {  	_ =	shalt  }
0x48: {  	_ =	shalt  }
0x49: {  	_ =	shalt  }
0x4a: {  	_ =	shalt  }
0x4b: {  	_ =	shalt  }
0x4c: {  	_ =	shalt  }
0x4d: {  	_ =	shalt  }
0x4e: {  	_ =	shalt  }
0x4f: {  	_ =	shalt  }
0x50: {  	_ =	shalt  }
0x51: {  	_ =	shalt  }
0x52: {  	_ =	shalt  }
0x53: {  	_ =	shalt  }
0x54: {  	_ =	shalt  }
0x55: {  	_ =	shalt  }
0x56: {  	_ =	shalt  }
0x57: {  	_ =	shalt  }
0x58: {  	_ =	shalt  }
0x59: {  	_ =	shalt  }
0x5a: {  	_ =	shalt  }
0x5b: {  	_ =	shalt  }
0x5c: {  	_ =	shalt  }
0x5d: {  	_ =	shalt  }
0x5e: {  	_ =	shalt  }
0x5f: {  	_ =	shalt  }
0x60: {  	_ =	shalt  }
0x61: {  	_ =	shalt  }
0x62: {  	_ =	shalt  }
0x63: {  	_ =	shalt  }
0x64: {  	_ =	shalt  }
0x65: {  	_ =	shalt  }
0x66: {  	_ =	shalt  }
0x67: {  	_ =	shalt  }
0x68: {  	_ =	shalt  }
0x69: {  	_ =	shalt  }
0x6a: {  	_ =	shalt  }
0x6b: {  	_ =	shalt  }
0x6c: {  	_ =	shalt  }
0x6d: {  	_ =	shalt  }
0x6e: {  	_ =	shalt  }
0x6f: {  	_ =	shalt  }
0x70: {  	_ =	shalt  }
0x71: {  	_ =	shalt  }
0x72: {  	_ =	shalt  }
0x73: {  	_ =	shalt  }
0x74: {  	_ =	shalt  }
0x75: {  	_ =	shalt  }
0x76: {  	_ =	shalt  }
0x77: {  	_ =	shalt  }
0x78: {  	_ =	shalt  }
0x79: {  	_ =	shalt  }
0x7a: {  	_ =	shalt  }
0x7b: {  	_ =	shalt  }
0x7c: {  	_ =	shalt  }
0x7d: {  	_ =	shalt  }
0x7e: {  	_ =	shalt  }
0x7f: {  	_ =	shalt  }
0x80: {  	_ =	shalt  }
0x81: {  	_ =	shalt  }
0x82: {  	_ =	shalt  }
0x83: {  	_ =	shalt  }
0x84: {  	_ =	shalt  }
0x85: {  	_ =	shalt  }
0x86: {  	_ =	shalt  }
0x87: {  	_ =	shalt  }
.Lfunc_end0:
.L_simem_size_0:
called_computation.3_lowered:
.L_overlay_start_0:
0x88: {  	s2 =	sld [smem:$0x3FD9]  }
0x89: {  	s3 =	sld [smem:$0x3FFE];
	_ =	sdelay $0x1  }
0x8a: {  	s1 =	srdreg.scid  }
0x8b: {  	s0 =	sand.u32 $0x1, s1  }
0x8c: {  	s16 =	sshll.u32 s0, $0xA;
	s2 =	sadd.s32 s3, s2  }
0x8d: {  	s2 =	sadd.s32 s2, s16  }
0x8e: {  	[smem:$0x3FBE] =	sst s2  }
0x8f: {  	_ = 	snop  }
0x90: {  	(tm) =	ssettm $0x1  }
0x91: {  	s17 =	sld [smem:$0x3FFB];
	_ =	sdelay $0x3  }
0x92: {  	_ =	strace s17  }
0x93: {  	s2 =	sld [smem:$0x3FFC];
	_ =	sdelay $0x3  }
0x94: {  	_ =	strace s2  }
0x95: {  	s2 =	sld [smem:$0x3FFD];
	_ =	sdelay $0x3  }
0x96: {  	_ =	strace s2  }
0x97: {  	_ =	strace $0x8FFFFFFF  }
0x98: {  	s18 =	sld [smem:$0x3FDB];
	_ =	sdelay $0x1  }
0x99: {  	s19 =	simm.s32 $_scs_section_size  }
0x9a: {  	s4 =	simm.s32 $_size__tile_overlayer_lowered;
	s5 =	simm.s32 $_tile_overlayer_lowered  }
0x9b: {  	s22 =	simm.s32 $0x1BFF;
	s21 =	sshll.u32 s5, $0x1;
	s2 =	sadd.s32 s19, s18  }
0x9c: {  	s6 =	simm.s32 $0x0;
	s20 =	sshll.u32 s4, $0x1;
	s4 =	sadd.s32 s21, s2  }
0x9d: {  	[timem:s6], [sflag:s22] =	dma.local [hbm:s4], s20  }
0x9e: {  	_ =	swait.ge [sflag:s22], s20  }
0x9f: {  	s3 =	ssub.s32 $0x0, s20;
	[sflag:s22] =	ssyncset.done $0x0  }
0xa0: {  	[sflag:s22] =	ssyncadd.s32 s3;
	_ =	sdelay $0x1  }
0xa1: {  	s23 =	simm.s32 $0x1B8B  }
0xa2: {  	_ =	swait.ge [sflag:s23], $0x1  }
0xa3: {  	[sflag:s23] =	ssyncset.done $0x0  }
0xa4: {  	s25 =	simm.s32 $0x1B8E;
	s24 =	sld [smem:$0x3FFE];
	[sflag:s23] =	ssyncadd.s32 $0xFFFFFFFF  }
0xa5: {  	s26 =	simm.s32 $execute0_lowered;
	[smem:$0x3FD2] =	sst s25  }
0xa6: {  	s4 =	sshll.u32 s26, $0x1;
	_ =	strace $0x8000004F;
	[dreg:$0x1] =	wrdreg $0xFFFFFFFF  }
0xa7: {  	s28 =	simm.s32 $_size_execute0_lowered;
	s2 =	sadd.s32 s2, s4;
	[dreg:$0x0] =	wrdreg $0x0  }
0xa8: {  	s4 =	sshll.u32 s28, $0x1;
	[dreg:$0x2] =	wrdreg s2  }
0xa9: {  	[dreg:$0x3] =	wrdreg s4  }
0xaa: {  	[dreg:$0x4] =	wrdreg $0xC0  }
0xab: {  	_ =	task [dreg:s6], $0x5FFFF  }
0xac: {  	[dreg:$0x1] =	wrdreg $0xFFFFFFFF  }
0xad: {  	[dreg:$0x0] =	wrdreg $0x60  }
0xae: {  	[dreg:$0x2] =	wrdreg s24  }
0xaf: {  	[dreg:$0x3] =	wrdreg $0xA0000  }
0xb0: {  	[dreg:$0x4] =	wrdreg $0x9  }
0xb1: {  	_ =	task.clear_ibuf [dreg:s6], $0x5FFFF;
	_ =	strace $0x9000004F  }
0xb2: {  	s29 =	simm.s32 $0x9;
	_ =	strace $0x80000051  }
0xb3: {  	_ =	swait.ge [sflag:s29], $0x1  }
0xb4: {  	[sflag:s29] =	ssyncadd.s32 $0xFFFFFFFF  }
0xb5: {  	_ =	strace $0x90000051  }
0xb6: {  	_ =	sfence  }
0xb7: {  	s30 =	sld [smem:$0x0];
	_ =	sdelay $0x2  }
0xb8: {  	s31 =	sshll.u32 s1, $0xD;
	s1 =	sshrl.u32 s1, $0x2  }
0xb9: {  	s3 =	sand.u32 $0x4000, s31;
	s1 =	sadd.s32 s1, s30  }
0xba: {  	s0 =	sor.u32 s3, s0;
	s1 =	sshll.u32 s1, $0x11  }
0xbb: {  	s0 =	sor.u32 s1, s0  }
0xbc: {  	s0 =	sadd.s32 $0x8F2B, s0  }
0xbd: {  	[sflag:s0] =	ssyncadd.remote.s32 $0x1  }
0xbe: {  	_ =	sfence.sel $0xFFFF  }
0xbf: {  	[dreg:$0x0] =	wrdreg $0xFFFFFFFF;
	(pc) =	sbr.abs _section_cstart, $3  }
0xc0: {  	[dreg:$0x1] =	wrdreg $0xFFFFFFFF  }
0xc1: {  	_ =	task.clear_ibuf [dreg:s6], $0x2FFFF;
	_ =	strace $0x9FFFFFFF  }
0xc2: {  	(tm) =	ssettm $0x7FFFFFFF  }
0xc3: {  	_ =	shalt  }
tec
execute0_lowered:
.L_overlay_start_1:
0x0: {  	(tag) =	ssettag $0x1  }
0x1: {  	s0 =	rddreg [dreg:$0x0]  }
0x2: {  	s1 =	rddreg [dreg:$0x1];
	s2 =	simm.s32 $0x0  }
0x3: {  	s5 =	srdreg.scid;
	s3 =	stileid.u32;
	s19 =	simm.s32 $0x1C00  }
0x4: {  	s20 =	simm.s32 $0x64;
	s21 =	simm.s32 $0x3800;
	s22 =	simm.s32 $0x80  }
0x5: {  	s28 =	simm.s32 $0x3400;
	s29 =	simm.s32 $0x3480;
	s30 =	simm.s32 $0x0  }
0x6: {  	[smem:$0x7FF] =	sst s2;
	s4 =	sadd.s32 $0x21600, s0;
	s9 =	sand.u32 $0x1, s5  }
0x7: {  	s11 =	sadd.s32 $0x5600, s0;
	s6 =	smul.u32 $0x4E000, s3;
	s12 =	sadd.s32 $0x13600, s0  }
0x8: {  	s13 =	sadd.s32 $0x48800, s0;
	s8 =	sshll.u32 s3, $0x1;
	s14 =	smul.u32 $0x13800, s3  }
0x9: {  	s17 =	sadd.s32 $0x138000, s1;
	p0 =	sne.s32 s3, $0xF;
	_ =	strace $0x80000050  }
0xa: {  	s5 =	ssub.s32 $0x2, s9;
	s23 =	sor.u32 s9, s8;
	s8 =	sadd.s32 $0x48600, s0  }
0xb: {  	s18 =	smul.u32 $0x138800, s9;
	s17 =	sshrl.u32 @!p0 s17, $0x3;
	s7 =	sshrl.u32 s5, $0x1  }
0xc: {  	s6 =	sshrl.u32 s6, $0x2;
	s24 =	sshrl.u32 s14, $0x3;
	s10 =	smul.u32 $0x3800, s23  }
0xd: {  	s23 =	simm.s32 $0x6C00;
	s15 =	ssub.s32 s5, s7;
	s16 =	sadd.s32 s6, s1  }
0xe: {  	s5 =	sshll.u32 s3, $0x6;
	s6 =	sadd.s32 s4, s24;
	s14 =	sadd.s32 s14, s18  }
0xf: {  	s18 =	sshrl.u32 s18, $0x3;
	s24 =	simm.s32 $0x3;
	s7 =	sor.u32 $0x1C03, s5  }
0x10: {  	s25 =	sshrl.u32 s10, $0x3;
	s26 =	sshrl.u32 s14, $0x3;
	s31 =	sadd.s32 s13, s18  }
0x11: {  	s15 =	smax.u32 s15, $0x1;
	s16 =	sshrl.u32 s16, $0x3;
	s18 =	simm.s32 $0x4  }
0x12: {  	s9 =	sadd.s32 s11, s25;
	s10 =	sadd.s32 s12, s25;
	s0 =	sadd.s32 $0x380, s25  }
0x13: {  	s13 =	sadd.s32 s13, s26;
	s14 =	sadd.s32 $0x27000, s31;
	s25 =	simm.s32 $0x1  }
0x14: {  	s26 =	simm.s32 $0x2;
	s11 =	sadd.s32 s11, s0;
	s12 =	sadd.s32 s12, s0  }
.LBB2_1:
0x15: {  	[spmem:s16], [sflag:s7] =	dma.local [hbm:s6], $0x2700  }
0x16: {  	[spmem:s17], [sflag:s7] =	dma.local @!p0 [hbm:s8], $0x100  }
0x17: {  	[tilespmem:s2], [sflag:$0x4] =	stream.linear.gather [hbm4b:s9+s2], $0x1900, $0x38;
	[tilespmem:$0x1D880] =	vst v63  }
0x18: {  	_ =	swait.ge [sflag:s18], $0x1900  }
0x19: {  	[sflag:s18] =	ssyncset.done $0x0  }
0x1a: {  	[sflag:s18] =	ssyncadd.s32 $0xFFFFE700  }
0x1b: {  	[tilespmem:s19], [sflag:$0x4] =	stream.linear.gather [hbm4b:s10+s2], $0x1900, $0x38;
	[tilespmem:$0x1D880] =	vst v63  }
0x1c: {  	_ =	swait.ge [sflag:s18], $0x1900  }
0x1d: {  	[sflag:s18] =	ssyncset.done $0x0  }
0x1e: {  	[sflag:s18] =	ssyncadd.s32 $0xFFFFE700  }
0x1f: {  	[tilespmem:s21], [sflag:$0x1] =	stream.indirect.gather [hbm4b:s4+s20], $0x80, s2, s20, $0xb8;
	[tilespmem:$0x1D880] =	vst v63  }
0x20: {  	_ = 	snop  }
0x21: {  	[tilespmem:s23], [sflag:$0x2] =	stream.indirect.gather [hbm4b:s4+s20], $0x80, s22, s20, $0xb8;
	[tilespmem:$0x1D880] =	vst v63  }
0x22: {  	_ =	swait.ge [sflag:s24], $0x2700  }
0x23: {  	[sflag:s24] =	ssyncset.done $0x0  }
0x24: {  	s0 =	simm.s32 @!p0 $0x3;
	[sflag:s24] =	ssyncadd.s32 $0xFFFFD900  }
0x25: {  	_ =	swait.ge @!p0 [sflag:s0], $0x100  }
0x26: {  	[sflag:s0] =	ssyncset.done @!p0 $0x0  }
0x27: {  	[sflag:s0] =	ssyncadd.s32 @!p0 $0xFFFFFF00  }
0x28: {  	[bflag:$0x0] =	sbarrier.arrive $0xFFFF  }
0x29: {  	_ =	swait.ge [sflag:s25], $0x3200  }
0x2a: {  	[sflag:s25] =	ssyncset.done $0x0  }
0x2b: {  	s3 =	simm.s32 $0x1C00;
	[sflag:s25] =	ssyncadd.s32 $0xFFFFCE00  }
0x2c: {  	[spmem:s1] =	stream.indirect.scatter.add.f32 [tilespmem:s21], [sflag:$0x4], $0x80, s3, s20, $0xb8;
	[tilespmem:$0x1D880] =	vst v63  }
0x2d: {  	_ =	swait.ge [sflag:s18], $0x3200  }
0x2e: {  	[sflag:s18] =	ssyncset.done $0x0  }
0x2f: {  	s3 =	simm.s32 $0x100;
	[sflag:s18] =	ssyncadd.s32 $0xFFFFCE00  }
0x30: {  	[tilespmem:s21], [sflag:$0x1] =	stream.indirect.gather [hbm4b:s4+s20], $0x80, s3, s20, $0xb8;
	[tilespmem:$0x1D880] =	vst v63  }
0x31: {  	_ =	swait.ge [sflag:s26], $0x3200  }
0x32: {  	[sflag:s26] =	ssyncset.done $0x0  }
0x33: {  	s3 =	simm.s32 $0x1C80;
	[sflag:s26] =	ssyncadd.s32 $0xFFFFCE00  }
0x34: {  	[spmem:s1] =	stream.indirect.scatter.add.f32 [tilespmem:s23], [sflag:$0x4], $0x80, s3, s20, $0xb8;
	[tilespmem:$0x1D880] =	vst v63  }
0x35: {  	_ =	swait.ge [sflag:s18], $0x3200  }
0x36: {  	[sflag:s18] =	ssyncset.done $0x0  }
0x37: {  	s31 =	simm.s32 $0x400;
	s0 =	simm.s32 $0x180;
	[sflag:s18] =	ssyncadd.s32 $0xFFFFCE00  }
.LBB2_2:
0x38: {  	[tilespmem:s23], [sflag:$0x2] =	stream.indirect.gather [hbm4b:s4+s20], $0x80, s0, s20, $0xb8;
	[tilespmem:$0x1D880] =	vst v63  }
0x39: {  	s0 =	smov.u32 s31  }
0x3a: {  	p1 =	sne.s32 s31, $0x5C00;
	s31 =	sadd.s32 $0x400, s31;
	_ =	swait.ge [sflag:s25], $0x3200  }
0x3b: {  	s0 =	sshra.s32 s0, $0x2;
	[sflag:s25] =	ssyncset.done $0x0  }
0x3c: {  	s3 =	sadd.s32 $0x1C00, s0;
	[sflag:s25] =	ssyncadd.s32 $0xFFFFCE00  }
0x3d: {  	[spmem:s1] =	stream.indirect.scatter.add.f32 [tilespmem:s21], [sflag:$0x4], $0x80, s3, s20, $0xb8;
	[tilespmem:$0x1D880] =	vst v63  }
0x3e: {  	_ =	swait.ge [sflag:s18], $0x3200  }
0x3f: {  	[sflag:s18] =	ssyncset.done $0x0  }
0x40: {  	s3 =	sadd.s32 $0x100, s0;
	[sflag:s18] =	ssyncadd.s32 $0xFFFFCE00  }
0x41: {  	[tilespmem:s21], [sflag:$0x1] =	stream.indirect.gather [hbm4b:s4+s20], $0x80, s3, s20, $0xb8;
	[tilespmem:$0x1D880] =	vst v63  }
0x42: {  	_ =	swait.ge [sflag:s26], $0x3200  }
0x43: {  	[sflag:s26] =	ssyncset.done $0x0  }
.Ltmp0:
0x44: {  	s3 =	sadd.s32 $0x1C80, s0;
	[sflag:s26] =	ssyncadd.s32 $0xFFFFCE00;
	(pc) =	sbr.rel @p1 .LBB2_2-.Ltmp0, $4  }
0x45: {  	[spmem:s1] =	stream.indirect.scatter.add.f32 [tilespmem:s23], [sflag:$0x4], $0x80, s3, s20, $0xb8;
	[tilespmem:$0x1D880] =	vst v63  }
0x46: {  	_ =	swait.ge [sflag:s18], $0x3200  }
0x47: {  	[sflag:s18] =	ssyncset.done $0x0  }
0x48: {  	s0 =	sadd.s32 $0x180, s0;
	[sflag:s18] =	ssyncadd.s32 $0xFFFFCE00  }
0x49: {  	[tilespmem:s23], [sflag:$0x2] =	stream.indirect.gather [hbm4b:s4+s20], $0x80, s0, s20, $0xb8;
	[tilespmem:$0x1D880] =	vst v63  }
0x4a: {  	_ =	swait.ge [sflag:s25], $0x3200  }
0x4b: {  	[sflag:s25] =	ssyncset.done $0x0  }
0x4c: {  	[sflag:s25] =	ssyncadd.s32 $0xFFFFCE00  }
0x4d: {  	[spmem:s1] =	stream.indirect.scatter.add.f32 [tilespmem:s21], [sflag:$0x4], $0x80, s28, s20, $0xb8;
	[tilespmem:$0x1D880] =	vst v63  }
0x4e: {  	_ =	swait.ge [sflag:s18], $0x3200  }
0x4f: {  	[sflag:s18] =	ssyncset.done $0x0  }
0x50: {  	[sflag:s18] =	ssyncadd.s32 $0xFFFFCE00  }
0x51: {  	_ =	swait.ge [sflag:s26], $0x3200  }
0x52: {  	[sflag:s26] =	ssyncset.done $0x0  }
0x53: {  	[sflag:s26] =	ssyncadd.s32 $0xFFFFCE00  }
0x54: {  	[spmem:s1] =	stream.indirect.scatter.add.f32 [tilespmem:s23], [sflag:$0x4], $0x80, s29, s20, $0xb8;
	[tilespmem:$0x1D880] =	vst v63  }
0x55: {  	_ =	swait.ge [sflag:s18], $0x3200  }
0x56: {  	[sflag:s18] =	ssyncset.done $0x0  }
0x57: {  	s3 =	simm.s32 $0x0;
	[sflag:s18] =	ssyncadd.s32 $0xFFFFCE00  }
0x58: {  	[tilespmem:s3], [sflag:$0x4] =	stream.linear.gather [hbm4b:s11+s3], $0x1900, $0x38;
	[tilespmem:$0x1D880] =	vst v63  }
0x59: {  	_ =	swait.ge [sflag:s18], $0x1900  }
0x5a: {  	[sflag:s18] =	ssyncset.done $0x0  }
0x5b: {  	[sflag:s18] =	ssyncadd.s32 $0xFFFFE700  }
0x5c: {  	[tilespmem:s19], [sflag:$0x4] =	stream.linear.gather [hbm4b:s12+s3], $0x1900, $0x38;
	[tilespmem:$0x1D880] =	vst v63  }
0x5d: {  	_ =	swait.ge [sflag:s18], $0x1900  }
0x5e: {  	[sflag:s18] =	ssyncset.done $0x0  }
0x5f: {  	[sflag:s18] =	ssyncadd.s32 $0xFFFFE700  }
0x60: {  	[tilespmem:s21], [sflag:$0x1] =	stream.indirect.gather [hbm4b:s4+s20], $0x80, s3, s20, $0xb8;
	[tilespmem:$0x1D880] =	vst v63  }
0x61: {  	_ = 	snop  }
0x62: {  	[tilespmem:s23], [sflag:$0x2] =	stream.indirect.gather [hbm4b:s4+s20], $0x80, s22, s20, $0xb8;
	[tilespmem:$0x1D880] =	vst v63  }
0x63: {  	_ =	swait.ge [sflag:s25], $0x3200  }
0x64: {  	[sflag:s25] =	ssyncset.done $0x0  }
0x65: {  	s3 =	simm.s32 $0x1C00;
	[sflag:s25] =	ssyncadd.s32 $0xFFFFCE00  }
0x66: {  	[spmem:s1] =	stream.indirect.scatter.add.f32 [tilespmem:s21], [sflag:$0x4], $0x80, s3, s20, $0xb8;
	[tilespmem:$0x1D880] =	vst v63  }
0x67: {  	_ =	swait.ge [sflag:s18], $0x3200  }
0x68: {  	[sflag:s18] =	ssyncset.done $0x0  }
0x69: {  	s3 =	simm.s32 $0x100;
	[sflag:s18] =	ssyncadd.s32 $0xFFFFCE00  }
0x6a: {  	[tilespmem:s21], [sflag:$0x1] =	stream.indirect.gather [hbm4b:s4+s20], $0x80, s3, s20, $0xb8;
	[tilespmem:$0x1D880] =	vst v63  }
0x6b: {  	_ =	swait.ge [sflag:s26], $0x3200  }
0x6c: {  	[sflag:s26] =	ssyncset.done $0x0  }
0x6d: {  	s3 =	simm.s32 $0x1C80;
	[sflag:s26] =	ssyncadd.s32 $0xFFFFCE00  }
0x6e: {  	[spmem:s1] =	stream.indirect.scatter.add.f32 [tilespmem:s23], [sflag:$0x4], $0x80, s3, s20, $0xb8;
	[tilespmem:$0x1D880] =	vst v63  }
0x6f: {  	_ =	swait.ge [sflag:s18], $0x3200  }
0x70: {  	[sflag:s18] =	ssyncset.done $0x0  }
0x71: {  	s31 =	simm.s32 $0x400;
	s0 =	simm.s32 $0x180;
	[sflag:s18] =	ssyncadd.s32 $0xFFFFCE00  }
.LBB2_4:
0x72: {  	[tilespmem:s23], [sflag:$0x2] =	stream.indirect.gather [hbm4b:s4+s20], $0x80, s0, s20, $0xb8;
	[tilespmem:$0x1D880] =	vst v63  }
0x73: {  	s0 =	smov.u32 s31  }
0x74: {  	p1 =	sne.s32 s31, $0x5C00;
	s31 =	sadd.s32 $0x400, s31;
	_ =	swait.ge [sflag:s25], $0x3200  }
0x75: {  	s0 =	sshra.s32 s0, $0x2;
	[sflag:s25] =	ssyncset.done $0x0  }
0x76: {  	s3 =	sadd.s32 $0x1C00, s0;
	[sflag:s25] =	ssyncadd.s32 $0xFFFFCE00  }
0x77: {  	[spmem:s1] =	stream.indirect.scatter.add.f32 [tilespmem:s21], [sflag:$0x4], $0x80, s3, s20, $0xb8;
	[tilespmem:$0x1D880] =	vst v63  }
0x78: {  	_ =	swait.ge [sflag:s18], $0x3200  }
0x79: {  	[sflag:s18] =	ssyncset.done $0x0  }
0x7a: {  	s3 =	sadd.s32 $0x100, s0;
	[sflag:s18] =	ssyncadd.s32 $0xFFFFCE00  }
0x7b: {  	[tilespmem:s21], [sflag:$0x1] =	stream.indirect.gather [hbm4b:s4+s20], $0x80, s3, s20, $0xb8;
	[tilespmem:$0x1D880] =	vst v63  }
0x7c: {  	_ =	swait.ge [sflag:s26], $0x3200  }
0x7d: {  	[sflag:s26] =	ssyncset.done $0x0  }
.Ltmp1:
0x7e: {  	s3 =	sadd.s32 $0x1C80, s0;
	[sflag:s26] =	ssyncadd.s32 $0xFFFFCE00;
	(pc) =	sbr.rel @p1 .LBB2_4-.Ltmp1, $4  }
0x7f: {  	[spmem:s1] =	stream.indirect.scatter.add.f32 [tilespmem:s23], [sflag:$0x4], $0x80, s3, s20, $0xb8;
	[tilespmem:$0x1D880] =	vst v63  }
0x80: {  	_ =	swait.ge [sflag:s18], $0x3200  }
0x81: {  	[sflag:s18] =	ssyncset.done $0x0  }
0x82: {  	s0 =	sadd.s32 $0x180, s0;
	[sflag:s18] =	ssyncadd.s32 $0xFFFFCE00  }
0x83: {  	[tilespmem:s23], [sflag:$0x2] =	stream.indirect.gather [hbm4b:s4+s20], $0x80, s0, s20, $0xb8;
	[tilespmem:$0x1D880] =	vst v63  }
0x84: {  	_ =	swait.ge [sflag:s25], $0x3200  }
0x85: {  	[sflag:s25] =	ssyncset.done $0x0  }
0x86: {  	[sflag:s25] =	ssyncadd.s32 $0xFFFFCE00  }
0x87: {  	[spmem:s1] =	stream.indirect.scatter.add.f32 [tilespmem:s21], [sflag:$0x4], $0x80, s28, s20, $0xb8;
	[tilespmem:$0x1D880] =	vst v63  }
0x88: {  	_ =	swait.ge [sflag:s18], $0x3200  }
0x89: {  	[sflag:s18] =	ssyncset.done $0x0  }
0x8a: {  	[sflag:s18] =	ssyncadd.s32 $0xFFFFCE00  }
0x8b: {  	_ =	swait.ge [sflag:s26], $0x3200  }
0x8c: {  	[sflag:s26] =	ssyncset.done $0x0  }
0x8d: {  	[sflag:s26] =	ssyncadd.s32 $0xFFFFCE00  }
0x8e: {  	[spmem:s1] =	stream.indirect.scatter.add.f32 [tilespmem:s23], [sflag:$0x4], $0x80, s29, s20, $0xb8;
	[tilespmem:$0x1D880] =	vst v63  }
0x8f: {  	_ =	swait.ge [sflag:s18], $0x3200  }
0x90: {  	[sflag:s18] =	ssyncset.done $0x0  }
0x91: {  	[sflag:s18] =	ssyncadd.s32 $0xFFFFCE00  }
0x92: {  	s0 =	sor.u32 $0x1C04, s5;
	[bflag:$0x0] =	sbarrier.arrive $0xFFFF  }
0x93: {  	[hbm:s13], [sflag:s0] =	dma.local [spmem:s16], $0x2700  }
0x94: {  	_ =	swait.ge [sflag:s18], $0x2700  }
0x95: {  	s30 =	sadd.s32 $0x1, s30;
	[sflag:s18] =	ssyncset.done $0x0  }
0x96: {  	p1 =	sne.s32 s30, s15;
	[sflag:s18] =	ssyncadd.s32 $0xFFFFD900  }
0x97: {  	[hbm:s14], [sflag:s0] =	dma.local @!p0 [spmem:s17], $0x100  }
.Ltmp2:
0x98: {  	_ = 	snop;
	(pc) =	sbr.rel @p1 .LBB2_1-.Ltmp2, $4  }
0x99: {  	s0 =	simm.s32 @!p0 $0x4  }
0x9a: {  	_ =	swait.ge @!p0 [sflag:s0], $0x100  }
0x9b: {  	[sflag:s0] =	ssyncset.done @!p0 $0x0  }
0x9c: {  	[sflag:s0] =	ssyncadd.s32 @!p0 $0xFFFFFF00  }
0x9d: {  	_ =	sfence.sel $0x180000  }
0x9e: {  	[bflag:$0x0] =	sbarrier.arrive $0xFFFF  }
0x9f: {  	_ =	strace $0x90000050  }
0xa0: {  	s0 =	stileid.u32;
	[bflag:$0x2] =	sbarrier.arrive $0xFFFF  }
0xa1: {  	p0 =	sne.s32 s0, $0x0;
	s0 =	rddreg [dreg:$0x2]  }
0xa2: {  	s0 =	sadd.s32 @!p0 $0x100000, s0  }
0xa3: {  	[sflag:s0] =	ssyncadd.tile.s32 @!p0 $0x1;
	_ =	shalt  }
.Lfunc_end2:
_tile_overlayer_lowered:
.L_overlay_start_2:
0xa4: {  	(tag) =	ssettag $0x2  }
0xa5: {  	s0 =	rddreg [dreg:$0x0];
	s2 =	stileid.u32  }
0xa6: {  	s1 =	rddreg [dreg:$0x1];
	p0 =	sne.s32 s2, $0x0  }
0xa7: {  	s3 =	rddreg [dreg:$0x2];
	[bflag:$0x3] =	sbarrier.arrive $0xFFFF;
	s2 =	simm.s32 @!p0 $0x1C04  }
0xa8: {  	[timem:s3], [sflag:s2] =	dma.local @!p0 [hbm:s0], s1  }
0xa9: {  	s0 =	simm.s32 @!p0 $0x4  }
0xaa: {  	_ =	swait.ge @!p0 [sflag:s0], s1  }
0xab: {  	s1 =	ssub.s32 @!p0 $0x0, s1;
	[sflag:s0] =	ssyncset.done @!p0 $0x0  }
0xac: {  	[sflag:s0] =	ssyncadd.s32 @!p0 s1  }
0xad: {  	[bflag:$0x3] =	sbarrier.arrive $0xFFFF  }
0xae: {  	_ =	shalt  }

</sc_bundles>
